<compile_context>
chip_gen: v7x
topology: tpu7x:2x2x1
jax: 0.10.2.dev20260603
libtpu: 0.0.44.dev20260713+nightly
codegen_flags: <defaults>
</compile_context>

<pallas_src>
import functools

import jax
import jax.numpy as jnp
from jax import lax
from jax.experimental import pallas as pl
from jax.experimental.pallas import tpu as pltpu
from jax.experimental.pallas import tpu_sc as plsc

B, N, D = 256, 4096, 32
L = 16
NW = 32
BPW = B // NW
VPB = N // L
NR = N // 128
HP = 1024
Q = N // HP
U = BPW * Q
KQ = HP // 128


def _resample_body(st_hbm, c_hbm, w_hbm, mask_hbm,
                   outs_hbm, outw_hbm,
                   c_v, idx_v, rw_v, wst_v, mask_v, buf0, buf1,
                   semf0, semf1, semo0, semo1):
    wid = lax.axis_index("s") * 2 + lax.axis_index("c")
    iota = lax.iota(jnp.int32, L)

    pltpu.sync_copy(mask_hbm, mask_v)
    rw = jnp.full((L,), 1.0 / N, jnp.float32)

    def rwfill(j, carry):
        rw_v[j // 8, pl.ds((j % 8) * L, L)] = rw
        return carry
    lax.fori_loop(0, VPB, rwfill, 0, unroll=8)

    def count(t):
        i0 = ((t - 1.0) * 0.5).astype(jnp.int32)
        for _ in range(2):
            i0 -= ((2.0 * i0.astype(jnp.float32) + 1.0) > t).astype(jnp.int32)
        for _ in range(2):
            i0 += ((2.0 * (i0 + 1).astype(jnp.float32) + 1.0) <= t).astype(jnp.int32)
        return jnp.clip(i0 + 1, 0, N)

    def is_masked(b):
        mvec = plsc.load_gather(mask_v, [jnp.full((L,), b, jnp.int32)])
        return jnp.max(mvec) != 0

    def drain(sem, buf):
        pltpu.make_async_copy(st_hbm.at[pl.ds(0, HP)], buf, sem).wait()

    def prep_idx(b):
        pltpu.sync_copy(c_hbm.at[b], c_v)

        def zero_body(j, carry):
            idx_v[j // 8, pl.ds((j % 8) * L, L)] = jnp.zeros((L,), jnp.int32)
            return carry
        lax.fori_loop(0, VPB, zero_body, 0, unroll=8)

        def scat_body(j, carry):
            cur = c_v[j // 8, pl.ds((j % 8) * L, L)] * 8192.0
            nm1 = jnp.full((L,), j * L - 1, jnp.int32) + iota
            valid = nm1 >= 0
            nm1c = jnp.maximum(nm1, 0)
            prevc = plsc.load_gather(c_v, [nm1c >> 7, nm1c & 127])
            prev = jnp.where(valid, prevc * 8192.0, 0.0)
            ccur = count(cur)
            cprev = count(prev)
            ivec = jnp.full((L,), b * N + j * L, jnp.int32) + iota
            pos = jnp.minimum(cprev, N - 1)
            plsc.store_scatter(idx_v, [pos >> 7, pos & 127], ivec,
                               mask=ccur > cprev)
            return carry
        lax.fori_loop(0, VPB, scat_body, 0, unroll=4)

        def cm_body(j, carry):
            v = idx_v[j // 8, pl.ds((j % 8) * L, L)]
            s = jnp.maximum(plsc.cummax(v), jnp.full((L,), carry, jnp.int32))
            idx_v[j // 8, pl.ds((j % 8) * L, L)] = s
            return jnp.max(s)
        lax.fori_loop(0, VPB, cm_body, jnp.int32(0))

    def do_fill(u, buf, semf):
        b = wid * BPW + u // Q
        q = u % Q
        masked = is_masked(b)

        @pl.when(jnp.logical_and(masked, q == 0))
        def _prep():
            prep_idx(b)

        @pl.when(masked)
        def _gfill():
            def fire(k, c2):
                pltpu.async_copy(st_hbm.at[idx_v.at[q * KQ + k]],
                                 buf.at[pl.ds(k * 128, 128)], semf)
                return c2
            lax.fori_loop(0, KQ, fire, 0)

        @pl.when(jnp.logical_not(masked))
        def _lfill():
            pltpu.async_copy(st_hbm.at[pl.ds(b * N + q * HP, HP)], buf, semf)

        @pl.when(jnp.logical_and(masked, q == Q - 1))
        def _wm():
            pltpu.sync_copy(rw_v, outw_hbm.at[b])

        @pl.when(jnp.logical_and(jnp.logical_not(masked), q == Q - 1))
        def _wp():
            pltpu.sync_copy(w_hbm.at[b], wst_v)
            pltpu.sync_copy(wst_v, outw_hbm.at[b])

    def start_out(u, buf, semo):
        b = wid * BPW + u // Q
        q = u % Q
        pltpu.async_copy(buf, outs_hbm.at[pl.ds(b * N + q * HP, HP)], semo)

    def pair(i, carry):
        u0 = 2 * i
        u1 = 2 * i + 1

        @pl.when(i > 0)
        def _d0():
            drain(semo0, buf0)
            drain(semf1, buf1)
            start_out(u0 - 1, buf1, semo1)
        do_fill(u0, buf0, semf0)

        @pl.when(i > 0)
        def _d1():
            drain(semo1, buf1)
        do_fill(u1, buf1, semf1)
        drain(semf0, buf0)
        start_out(u0, buf0, semo0)
        return carry

    lax.fori_loop(0, U // 2, pair, 0)

    drain(semf1, buf1)
    start_out(U - 1, buf1, semo1)
    drain(semo0, buf0)
    drain(semo1, buf1)


@functools.partial(
    pl.kernel,
    out_type=[
        jax.ShapeDtypeStruct((B * N, D), jnp.float32),
        jax.ShapeDtypeStruct((B, NR, 128), jnp.float32),
    ],
    mesh=plsc.VectorSubcoreMesh(core_axis_name="c", subcore_axis_name="s"),
    compiler_params=pltpu.CompilerParams(
        needs_layout_passes=False, use_tc_tiling_on_sc=False
    ),
    scratch_types=[
        pltpu.VMEM((NR, 128), jnp.float32),
        pltpu.VMEM((NR, 128), jnp.int32),
        pltpu.VMEM((NR, 128), jnp.float32),
        pltpu.VMEM((NR, 128), jnp.float32),
        pltpu.VMEM((B,), jnp.int32),
        pltpu.VMEM((HP, D), jnp.float32),
        pltpu.VMEM((HP, D), jnp.float32),
        pltpu.SemaphoreType.DMA,
        pltpu.SemaphoreType.DMA,
        pltpu.SemaphoreType.DMA,
        pltpu.SemaphoreType.DMA,
    ],
)
def _sc_resample(st_hbm, c_hbm, w_hbm, mask_hbm, outs_hbm, outw_hbm,
                 c_v, idx_v, rw_v, wst_v, mask_v, buf0, buf1,
                 semf0, semf1, semo0, semo1):
    _resample_body(st_hbm, c_hbm, w_hbm, mask_hbm, outs_hbm, outw_hbm,
                   c_v, idx_v, rw_v, wst_v, mask_v, buf0, buf1,
                   semf0, semf1, semo0, semo1)


def kernel(state, weight):
    ess = 1.0 / jnp.sum(weight * weight, axis=1)
    mask = (ess < (N / 2.0)).astype(jnp.int32)
    cdf = jnp.cumsum(weight, axis=1)
    c = cdf / cdf[:, -1:]
    st = state.reshape(B * N, D)
    c3 = c.reshape(B, NR, 128)
    w3 = weight.reshape(B, NR, 128)
    outs2, outw3 = _sc_resample(st, c3, w3, mask)
    out_state = outs2.reshape(B, N, D)
    out_weight = outw3.reshape(B, N)
    return out_state, out_weight

# --- scband reference (transcript-rebuilt; emitter-appended) ---
"""Pipeline reference for scband-conditional-resampler-84327387890377 (READ-ONLY COPY).

The authoritative reference and input builder live on the scoring server;
editing this copy changes nothing except your own understanding.
"""

import jax, jax.numpy as jnp
import numpy as np

B, N, D = 256, 4096, 32


def setup_inputs(seed: int = 0) -> dict:
    key = jax.random.key(seed)
    k1, k2 = jax.random.split(key)
    state = jax.random.normal(k1, (B, N, D), dtype=jnp.float32)
    u = jax.random.uniform(k2, (B, N), dtype=jnp.float32, minval=1e-6, maxval=1.0)
    # exponential-like raw weights -> ESS/N concentrates near 0.5, so the
    # ESS < N/2 condition fires for roughly half the batches (mixed mask,
    # matching the conditional-resampling use case)
    weight = -jnp.log(u)
    weight = weight / jnp.sum(weight, axis=1, keepdims=True)
    return {"state": state, "weight": weight}


def _condition(state, weight):
    # effective sample size condition: resample batch b iff ESS_b < N/2
    ess = 1.0 / jnp.sum(weight * weight, axis=1)
    n = weight.shape[1]
    return ess < (n / 2.0)


def _systematic_resample(state, weight):
    # deterministic systematic resampler (base `resampler` module)
    n = weight.shape[1]
    cdf = jnp.cumsum(weight, axis=1)
    cdf = cdf / cdf[:, -1:]
    u = (jnp.arange(n, dtype=jnp.float32) + 0.5) / n
    idx = jax.vmap(lambda c: jnp.searchsorted(c, u))(cdf)  # int32[B, N]
    rs = jnp.take_along_axis(state, idx[:, :, None], axis=1)  # gather particles
    rw = jnp.full_like(weight, 1.0 / n)
    return rs, rw


def reference(state, weight):
    # condition computed under no_grad in the torch module
    mask = jax.lax.stop_gradient(_condition(state, weight))  # bool[B]
    # torch code slices masked batches, resamples them, and scatters results
    # back into clones of state/weight. Resampling every batch and selecting
    # with the mask is mathematically identical.
    rs, rw = _systematic_resample(state, weight)
    out_state = jnp.where(mask[:, None, None], rs, state)
    out_weight = jnp.where(mask[:, None], rw, weight)
    return out_state, out_weight

if __name__ == "__main__":
    import jax
    _d = setup_inputs()
    print(jax.jit(kernel)(*tuple(_d.values())))

</pallas_src>

<mosaic_0001>
#map = affine_map<(d0, d1) -> (0, 0)>
#map1 = affine_map<(d0, d1) -> (0, 0, 0)>
#map2 = affine_map<(d0, d1) -> (0)>
module attributes {stable_mosaic.version = 14 : i64} {
  func.func @_sc_resample(%arg0: i32, %arg1: i32, %arg2: memref<1048576x32xf32, #tpu.memory_space<hbm>>, %arg3: memref<256x32x128xf32, #tpu.memory_space<hbm>>, %arg4: memref<256x32x128xf32, #tpu.memory_space<hbm>>, %arg5: memref<256xi32, #tpu.memory_space<hbm>>, %arg6: memref<1048576x32xf32, #tpu.memory_space<hbm>>, %arg7: memref<256x32x128xf32, #tpu.memory_space<hbm>>, %arg8: memref<32x128xf32, #tpu.memory_space<vmem>>, %arg9: memref<32x128xi32, #tpu.memory_space<vmem>>, %arg10: memref<32x128xf32, #tpu.memory_space<vmem>>, %arg11: memref<32x128xf32, #tpu.memory_space<vmem>>, %arg12: memref<256xi32, #tpu.memory_space<vmem>>, %arg13: memref<1024x32xf32, #tpu.memory_space<vmem>>, %arg14: memref<1024x32xf32, #tpu.memory_space<vmem>>, %arg15: memref<!tpu.dma_semaphore, #tpu.memory_space<semaphore_mem>>, %arg16: memref<!tpu.dma_semaphore, #tpu.memory_space<semaphore_mem>>, %arg17: memref<!tpu.dma_semaphore, #tpu.memory_space<semaphore_mem>>, %arg18: memref<!tpu.dma_semaphore, #tpu.memory_space<semaphore_mem>>) attributes {dimension_semantics = [#tpu.dimension_semantics<core_parallel>, #tpu.dimension_semantics<subcore_parallel>], iteration_bounds = array<i64: 2, 16>, scalar_prefetch = 0 : i64, scratch_operands = 11 : i64, tpu.core_type = #tpu.core_type<sc_vector_subcore>, window_params = [{transform_indices = #map}, {transform_indices = #map1}, {transform_indices = #map1}, {transform_indices = #map2}, {transform_indices = #map}, {transform_indices = #map1}]} {
    %mul3A = arith.constant 2 : i32
    %mul3A_0 = arith.muli %arg1, %mul3A : i32
    %add3A = arith.addi %mul3A_0, %arg0 : i32
    %iota3A = tpu.iota {dimensions = array<i32: 0>} : vector<16xi32>
    "tpu.region"() ({
      %run_scoped3A = tpu.sem_alloc : memref<!tpu.dma_semaphore, #tpu.memory_space<semaphore_mem>>
      tpu.enqueue_dma source(%arg5 : memref<256xi32, #tpu.memory_space<hbm>>) target(%arg12 : memref<256xi32, #tpu.memory_space<vmem>>) target_semaphore(%run_scoped3A : memref<!tpu.dma_semaphore, #tpu.memory_space<semaphore_mem>>)
      tpu.wait_dma2 semaphore(%run_scoped3A : memref<!tpu.dma_semaphore, #tpu.memory_space<semaphore_mem>>) src(%arg5 : memref<256xi32, #tpu.memory_space<hbm>>) dst(%arg12 : memref<256xi32, #tpu.memory_space<vmem>>)
      tpu.yield
    }) : () -> ()
    %broadcast_in_dim3A = arith.constant 2.44140625E-4 : f32
    %broadcast_in_dim3A_1 = vector.broadcast %broadcast_in_dim3A : f32 to vector<16xf32>
    %scan3A = arith.constant 0 : i32
    %scan3A_2 = arith.constant 0 : i32
    %scan3A_3 = arith.constant 256 : i32
    %scan3A_4 = arith.addi %scan3A_2, %scan3A_3 : i32
    %scan3A_5 = arith.constant 8 : i32
    scf.for %scan3A_41 = %scan3A_2 to %scan3A_4 step %scan3A_5  : i32 {
      %jit3A = arith.constant 8 : i32
      %div3A = arith.divsi %scan3A_41, %jit3A : i32
      %sign3A = arith.constant 0 : i32
      %sign3A_42 = arith.cmpi sgt, %scan3A_41, %sign3A : i32
      %sign3A_43 = arith.extui %sign3A_42 : i1 to i32
      %sign3A_44 = arith.constant 0 : i32
      %sign3A_45 = arith.cmpi slt, %scan3A_41, %sign3A_44 : i32
      %sign3A_46 = arith.extui %sign3A_45 : i1 to i32
      %sign3A_47 = arith.subi %sign3A_43, %sign3A_46 : i32
      %sign3A_48 = arith.constant 0 : i32
      %sign3A_49 = arith.cmpi sgt, %jit3A, %sign3A_48 : i32
      %sign3A_50 = arith.extui %sign3A_49 : i1 to i32
      %sign3A_51 = arith.constant 0 : i32
      %sign3A_52 = arith.cmpi slt, %jit3A, %sign3A_51 : i32
      %sign3A_53 = arith.extui %sign3A_52 : i1 to i32
      %sign3A_54 = arith.subi %sign3A_50, %sign3A_53 : i32
      %ne3A = arith.cmpi ne, %sign3A_47, %sign3A_54 : i32
      %rem3A = arith.remsi %scan3A_41, %jit3A : i32
      %ne3A_55 = arith.constant 0 : i32
      %ne3A_56 = arith.cmpi ne, %rem3A, %ne3A_55 : i32
      %and3A = arith.andi %ne3A, %ne3A_56 : i1
      %sub3A = arith.constant 1 : i32
      %sub3A_57 = arith.subi %div3A, %sub3A : i32
      %select_n3A = arith.select %and3A, %sub3A_57, %div3A : i32
      %jit3A_58 = arith.constant 8 : i32
      %eq3A = arith.constant 0 : i32
      %eq3A_59 = arith.cmpi eq, %jit3A_58, %eq3A : i32
      %jit3A_60 = arith.constant 1 : i32
      %select_n3A_61 = arith.select %eq3A_59, %jit3A_60, %jit3A_58 : i32
      %rem3A_62 = arith.remsi %scan3A_41, %select_n3A_61 : i32
      %ne3A_63 = arith.constant 0 : i32
      %ne3A_64 = arith.cmpi ne, %rem3A_62, %ne3A_63 : i32
      %lt3A = arith.constant 0 : i32
      %lt3A_65 = arith.cmpi slt, %rem3A_62, %lt3A : i32
      %lt3A_66 = arith.constant 0 : i32
      %lt3A_67 = arith.cmpi slt, %select_n3A_61, %lt3A_66 : i32
      %ne3A_68 = arith.xori %lt3A_65, %lt3A_67 : i1
      %and3A_69 = arith.andi %ne3A_68, %ne3A_64 : i1
      %add3A_70 = arith.addi %rem3A_62, %select_n3A_61 : i32
      %select_n3A_71 = arith.select %and3A_69, %add3A_70, %rem3A_62 : i32
      %mul3A_72 = arith.constant 16 : i32
      %mul3A_73 = arith.muli %select_n3A_71, %mul3A_72 : i32
      %swap3A = arith.index_cast %select_n3A : i32 to index
      %swap3A_74 = arith.index_cast %mul3A_73 : i32 to index
      %swap3A_75 = tpu.vector_load %arg10[%swap3A, %swap3A_74] {strides = array<i32>} : memref<32x128xf32, #tpu.memory_space<vmem>>, vector<16xf32>,
      tpu.vector_store %arg10[%swap3A, %swap3A_74], %broadcast_in_dim3A_1 {strides = array<i32>} : memref<32x128xf32, #tpu.memory_space<vmem>>, vector<16xf32>,
      %scan3A_76 = arith.constant 1 : i32
      %scan3A_77 = arith.addi %scan3A_41, %scan3A_76 : i32
      %jit3A_78 = arith.constant 8 : i32
      %div3A_79 = arith.divsi %scan3A_77, %jit3A_78 : i32
      %sign3A_80 = arith.constant 0 : i32
      %sign3A_81 = arith.cmpi sgt, %scan3A_77, %sign3A_80 : i32
      %sign3A_82 = arith.extui %sign3A_81 : i1 to i32
      %sign3A_83 = arith.constant 0 : i32
      %sign3A_84 = arith.cmpi slt, %scan3A_77, %sign3A_83 : i32
      %sign3A_85 = arith.extui %sign3A_84 : i1 to i32
      %sign3A_86 = arith.subi %sign3A_82, %sign3A_85 : i32
      %sign3A_87 = arith.constant 0 : i32
      %sign3A_88 = arith.cmpi sgt, %jit3A_78, %sign3A_87 : i32
      %sign3A_89 = arith.extui %sign3A_88 : i1 to i32
      %sign3A_90 = arith.constant 0 : i32
      %sign3A_91 = arith.cmpi slt, %jit3A_78, %sign3A_90 : i32
      %sign3A_92 = arith.extui %sign3A_91 : i1 to i32
      %sign3A_93 = arith.subi %sign3A_89, %sign3A_92 : i32
      %ne3A_94 = arith.cmpi ne, %sign3A_86, %sign3A_93 : i32
      %rem3A_95 = arith.remsi %scan3A_77, %jit3A_78 : i32
      %ne3A_96 = arith.constant 0 : i32
      %ne3A_97 = arith.cmpi ne, %rem3A_95, %ne3A_96 : i32
      %and3A_98 = arith.andi %ne3A_94, %ne3A_97 : i1
      %sub3A_99 = arith.constant 1 : i32
      %sub3A_100 = arith.subi %div3A_79, %sub3A_99 : i32
      %select_n3A_101 = arith.select %and3A_98, %sub3A_100, %div3A_79 : i32
      %jit3A_102 = arith.constant 8 : i32
      %eq3A_103 = arith.constant 0 : i32
      %eq3A_104 = arith.cmpi eq, %jit3A_102, %eq3A_103 : i32
      %jit3A_105 = arith.constant 1 : i32
      %select_n3A_106 = arith.select %eq3A_104, %jit3A_105, %jit3A_102 : i32
      %rem3A_107 = arith.remsi %scan3A_77, %select_n3A_106 : i32
      %ne3A_108 = arith.constant 0 : i32
      %ne3A_109 = arith.cmpi ne, %rem3A_107, %ne3A_108 : i32
      %lt3A_110 = arith.constant 0 : i32
      %lt3A_111 = arith.cmpi slt, %rem3A_107, %lt3A_110 : i32
      %lt3A_112 = arith.constant 0 : i32
      %lt3A_113 = arith.cmpi slt, %select_n3A_106, %lt3A_112 : i32
      %ne3A_114 = arith.xori %lt3A_111, %lt3A_113 : i1
      %and3A_115 = arith.andi %ne3A_114, %ne3A_109 : i1
      %add3A_116 = arith.addi %rem3A_107, %select_n3A_106 : i32
      %select_n3A_117 = arith.select %and3A_115, %add3A_116, %rem3A_107 : i32
      %mul3A_118 = arith.constant 16 : i32
      %mul3A_119 = arith.muli %select_n3A_117, %mul3A_118 : i32
      %swap3A_120 = arith.index_cast %select_n3A_101 : i32 to index
      %swap3A_121 = arith.index_cast %mul3A_119 : i32 to index
      %swap3A_122 = tpu.vector_load %arg10[%swap3A_120, %swap3A_121] {strides = array<i32>} : memref<32x128xf32, #tpu.memory_space<vmem>>, vector<16xf32>,
      tpu.vector_store %arg10[%swap3A_120, %swap3A_121], %broadcast_in_dim3A_1 {strides = array<i32>} : memref<32x128xf32, #tpu.memory_space<vmem>>, vector<16xf32>,
      %scan3A_123 = arith.constant 2 : i32
      %scan3A_124 = arith.addi %scan3A_41, %scan3A_123 : i32
      %jit3A_125 = arith.constant 8 : i32
      %div3A_126 = arith.divsi %scan3A_124, %jit3A_125 : i32
      %sign3A_127 = arith.constant 0 : i32
      %sign3A_128 = arith.cmpi sgt, %scan3A_124, %sign3A_127 : i32
      %sign3A_129 = arith.extui %sign3A_128 : i1 to i32
      %sign3A_130 = arith.constant 0 : i32
      %sign3A_131 = arith.cmpi slt, %scan3A_124, %sign3A_130 : i32
      %sign3A_132 = arith.extui %sign3A_131 : i1 to i32
      %sign3A_133 = arith.subi %sign3A_129, %sign3A_132 : i32
      %sign3A_134 = arith.constant 0 : i32
      %sign3A_135 = arith.cmpi sgt, %jit3A_125, %sign3A_134 : i32
      %sign3A_136 = arith.extui %sign3A_135 : i1 to i32
      %sign3A_137 = arith.constant 0 : i32
      %sign3A_138 = arith.cmpi slt, %jit3A_125, %sign3A_137 : i32
      %sign3A_139 = arith.extui %sign3A_138 : i1 to i32
      %sign3A_140 = arith.subi %sign3A_136, %sign3A_139 : i32
      %ne3A_141 = arith.cmpi ne, %sign3A_133, %sign3A_140 : i32
      %rem3A_142 = arith.remsi %scan3A_124, %jit3A_125 : i32
      %ne3A_143 = arith.constant 0 : i32
      %ne3A_144 = arith.cmpi ne, %rem3A_142, %ne3A_143 : i32
      %and3A_145 = arith.andi %ne3A_141, %ne3A_144 : i1
      %sub3A_146 = arith.constant 1 : i32
      %sub3A_147 = arith.subi %div3A_126, %sub3A_146 : i32
      %select_n3A_148 = arith.select %and3A_145, %sub3A_147, %div3A_126 : i32
      %jit3A_149 = arith.constant 8 : i32
      %eq3A_150 = arith.constant 0 : i32
      %eq3A_151 = arith.cmpi eq, %jit3A_149, %eq3A_150 : i32
      %jit3A_152 = arith.constant 1 : i32
      %select_n3A_153 = arith.select %eq3A_151, %jit3A_152, %jit3A_149 : i32
      %rem3A_154 = arith.remsi %scan3A_124, %select_n3A_153 : i32
      %ne3A_155 = arith.constant 0 : i32
      %ne3A_156 = arith.cmpi ne, %rem3A_154, %ne3A_155 : i32
      %lt3A_157 = arith.constant 0 : i32
      %lt3A_158 = arith.cmpi slt, %rem3A_154, %lt3A_157 : i32
      %lt3A_159 = arith.constant 0 : i32
      %lt3A_160 = arith.cmpi slt, %select_n3A_153, %lt3A_159 : i32
      %ne3A_161 = arith.xori %lt3A_158, %lt3A_160 : i1
      %and3A_162 = arith.andi %ne3A_161, %ne3A_156 : i1
      %add3A_163 = arith.addi %rem3A_154, %select_n3A_153 : i32
      %select_n3A_164 = arith.select %and3A_162, %add3A_163, %rem3A_154 : i32
      %mul3A_165 = arith.constant 16 : i32
      %mul3A_166 = arith.muli %select_n3A_164, %mul3A_165 : i32
      %swap3A_167 = arith.index_cast %select_n3A_148 : i32 to index
      %swap3A_168 = arith.index_cast %mul3A_166 : i32 to index
      %swap3A_169 = tpu.vector_load %arg10[%swap3A_167, %swap3A_168] {strides = array<i32>} : memref<32x128xf32, #tpu.memory_space<vmem>>, vector<16xf32>,
      tpu.vector_store %arg10[%swap3A_167, %swap3A_168], %broadcast_in_dim3A_1 {strides = array<i32>} : memref<32x128xf32, #tpu.memory_space<vmem>>, vector<16xf32>,
      %scan3A_170 = arith.constant 3 : i32
      %scan3A_171 = arith.addi %scan3A_41, %scan3A_170 : i32
      %jit3A_172 = arith.constant 8 : i32
      %div3A_173 = arith.divsi %scan3A_171, %jit3A_172 : i32
      %sign3A_174 = arith.constant 0 : i32
      %sign3A_175 = arith.cmpi sgt, %scan3A_171, %sign3A_174 : i32
      %sign3A_176 = arith.extui %sign3A_175 : i1 to i32
      %sign3A_177 = arith.constant 0 : i32
      %sign3A_178 = arith.cmpi slt, %scan3A_171, %sign3A_177 : i32
      %sign3A_179 = arith.extui %sign3A_178 : i1 to i32
      %sign3A_180 = arith.subi %sign3A_176, %sign3A_179 : i32
      %sign3A_181 = arith.constant 0 : i32
      %sign3A_182 = arith.cmpi sgt, %jit3A_172, %sign3A_181 : i32
      %sign3A_183 = arith.extui %sign3A_182 : i1 to i32
      %sign3A_184 = arith.constant 0 : i32
      %sign3A_185 = arith.cmpi slt, %jit3A_172, %sign3A_184 : i32
      %sign3A_186 = arith.extui %sign3A_185 : i1 to i32
      %sign3A_187 = arith.subi %sign3A_183, %sign3A_186 : i32
      %ne3A_188 = arith.cmpi ne, %sign3A_180, %sign3A_187 : i32
      %rem3A_189 = arith.remsi %scan3A_171, %jit3A_172 : i32
      %ne3A_190 = arith.constant 0 : i32
      %ne3A_191 = arith.cmpi ne, %rem3A_189, %ne3A_190 : i32
      %and3A_192 = arith.andi %ne3A_188, %ne3A_191 : i1
      %sub3A_193 = arith.constant 1 : i32
      %sub3A_194 = arith.subi %div3A_173, %sub3A_193 : i32
      %select_n3A_195 = arith.select %and3A_192, %sub3A_194, %div3A_173 : i32
      %jit3A_196 = arith.constant 8 : i32
      %eq3A_197 = arith.constant 0 : i32
      %eq3A_198 = arith.cmpi eq, %jit3A_196, %eq3A_197 : i32
      %jit3A_199 = arith.constant 1 : i32
      %select_n3A_200 = arith.select %eq3A_198, %jit3A_199, %jit3A_196 : i32
      %rem3A_201 = arith.remsi %scan3A_171, %select_n3A_200 : i32
      %ne3A_202 = arith.constant 0 : i32
      %ne3A_203 = arith.cmpi ne, %rem3A_201, %ne3A_202 : i32
      %lt3A_204 = arith.constant 0 : i32
      %lt3A_205 = arith.cmpi slt, %rem3A_201, %lt3A_204 : i32
      %lt3A_206 = arith.constant 0 : i32
      %lt3A_207 = arith.cmpi slt, %select_n3A_200, %lt3A_206 : i32
      %ne3A_208 = arith.xori %lt3A_205, %lt3A_207 : i1
      %and3A_209 = arith.andi %ne3A_208, %ne3A_203 : i1
      %add3A_210 = arith.addi %rem3A_201, %select_n3A_200 : i32
      %select_n3A_211 = arith.select %and3A_209, %add3A_210, %rem3A_201 : i32
      %mul3A_212 = arith.constant 16 : i32
      %mul3A_213 = arith.muli %select_n3A_211, %mul3A_212 : i32
      %swap3A_214 = arith.index_cast %select_n3A_195 : i32 to index
      %swap3A_215 = arith.index_cast %mul3A_213 : i32 to index
      %swap3A_216 = tpu.vector_load %arg10[%swap3A_214, %swap3A_215] {strides = array<i32>} : memref<32x128xf32, #tpu.memory_space<vmem>>, vector<16xf32>,
      tpu.vector_store %arg10[%swap3A_214, %swap3A_215], %broadcast_in_dim3A_1 {strides = array<i32>} : memref<32x128xf32, #tpu.memory_space<vmem>>, vector<16xf32>,
      %scan3A_217 = arith.constant 4 : i32
      %scan3A_218 = arith.addi %scan3A_41, %scan3A_217 : i32
      %jit3A_219 = arith.constant 8 : i32
      %div3A_220 = arith.divsi %scan3A_218, %jit3A_219 : i32
      %sign3A_221 = arith.constant 0 : i32
      %sign3A_222 = arith.cmpi sgt, %scan3A_218, %sign3A_221 : i32
      %sign3A_223 = arith.extui %sign3A_222 : i1 to i32
      %sign3A_224 = arith.constant 0 : i32
      %sign3A_225 = arith.cmpi slt, %scan3A_218, %sign3A_224 : i32
      %sign3A_226 = arith.extui %sign3A_225 : i1 to i32
      %sign3A_227 = arith.subi %sign3A_223, %sign3A_226 : i32
      %sign3A_228 = arith.constant 0 : i32
      %sign3A_229 = arith.cmpi sgt, %jit3A_219, %sign3A_228 : i32
      %sign3A_230 = arith.extui %sign3A_229 : i1 to i32
      %sign3A_231 = arith.constant 0 : i32
      %sign3A_232 = arith.cmpi slt, %jit3A_219, %sign3A_231 : i32
      %sign3A_233 = arith.extui %sign3A_232 : i1 to i32
      %sign3A_234 = arith.subi %sign3A_230, %sign3A_233 : i32
      %ne3A_235 = arith.cmpi ne, %sign3A_227, %sign3A_234 : i32
      %rem3A_236 = arith.remsi %scan3A_218, %jit3A_219 : i32
      %ne3A_237 = arith.constant 0 : i32
      %ne3A_238 = arith.cmpi ne, %rem3A_236, %ne3A_237 : i32
      %and3A_239 = arith.andi %ne3A_235, %ne3A_238 : i1
      %sub3A_240 = arith.constant 1 : i32
      %sub3A_241 = arith.subi %div3A_220, %sub3A_240 : i32
      %select_n3A_242 = arith.select %and3A_239, %sub3A_241, %div3A_220 : i32
      %jit3A_243 = arith.constant 8 : i32
      %eq3A_244 = arith.constant 0 : i32
      %eq3A_245 = arith.cmpi eq, %jit3A_243, %eq3A_244 : i32
      %jit3A_246 = arith.constant 1 : i32
      %select_n3A_247 = arith.select %eq3A_245, %jit3A_246, %jit3A_243 : i32
      %rem3A_248 = arith.remsi %scan3A_218, %select_n3A_247 : i32
      %ne3A_249 = arith.constant 0 : i32
      %ne3A_250 = arith.cmpi ne, %rem3A_248, %ne3A_249 : i32
      %lt3A_251 = arith.constant 0 : i32
      %lt3A_252 = arith.cmpi slt, %rem3A_248, %lt3A_251 : i32
      %lt3A_253 = arith.constant 0 : i32
      %lt3A_254 = arith.cmpi slt, %select_n3A_247, %lt3A_253 : i32
      %ne3A_255 = arith.xori %lt3A_252, %lt3A_254 : i1
      %and3A_256 = arith.andi %ne3A_255, %ne3A_250 : i1
      %add3A_257 = arith.addi %rem3A_248, %select_n3A_247 : i32
      %select_n3A_258 = arith.select %and3A_256, %add3A_257, %rem3A_248 : i32
      %mul3A_259 = arith.constant 16 : i32
      %mul3A_260 = arith.muli %select_n3A_258, %mul3A_259 : i32
      %swap3A_261 = arith.index_cast %select_n3A_242 : i32 to index
      %swap3A_262 = arith.index_cast %mul3A_260 : i32 to index
      %swap3A_263 = tpu.vector_load %arg10[%swap3A_261, %swap3A_262] {strides = array<i32>} : memref<32x128xf32, #tpu.memory_space<vmem>>, vector<16xf32>,
      tpu.vector_store %arg10[%swap3A_261, %swap3A_262], %broadcast_in_dim3A_1 {strides = array<i32>} : memref<32x128xf32, #tpu.memory_space<vmem>>, vector<16xf32>,
      %scan3A_264 = arith.constant 5 : i32
      %scan3A_265 = arith.addi %scan3A_41, %scan3A_264 : i32
      %jit3A_266 = arith.constant 8 : i32
      %div3A_267 = arith.divsi %scan3A_265, %jit3A_266 : i32
      %sign3A_268 = arith.constant 0 : i32
      %sign3A_269 = arith.cmpi sgt, %scan3A_265, %sign3A_268 : i32
      %sign3A_270 = arith.extui %sign3A_269 : i1 to i32
      %sign3A_271 = arith.constant 0 : i32
      %sign3A_272 = arith.cmpi slt, %scan3A_265, %sign3A_271 : i32
      %sign3A_273 = arith.extui %sign3A_272 : i1 to i32
      %sign3A_274 = arith.subi %sign3A_270, %sign3A_273 : i32
      %sign3A_275 = arith.constant 0 : i32
      %sign3A_276 = arith.cmpi sgt, %jit3A_266, %sign3A_275 : i32
      %sign3A_277 = arith.extui %sign3A_276 : i1 to i32
      %sign3A_278 = arith.constant 0 : i32
      %sign3A_279 = arith.cmpi slt, %jit3A_266, %sign3A_278 : i32
      %sign3A_280 = arith.extui %sign3A_279 : i1 to i32
      %sign3A_281 = arith.subi %sign3A_277, %sign3A_280 : i32
      %ne3A_282 = arith.cmpi ne, %sign3A_274, %sign3A_281 : i32
      %rem3A_283 = arith.remsi %scan3A_265, %jit3A_266 : i32
      %ne3A_284 = arith.constant 0 : i32
      %ne3A_285 = arith.cmpi ne, %rem3A_283, %ne3A_284 : i32
      %and3A_286 = arith.andi %ne3A_282, %ne3A_285 : i1
      %sub3A_287 = arith.constant 1 : i32
      %sub3A_288 = arith.subi %div3A_267, %sub3A_287 : i32
      %select_n3A_289 = arith.select %and3A_286, %sub3A_288, %div3A_267 : i32
      %jit3A_290 = arith.constant 8 : i32
      %eq3A_291 = arith.constant 0 : i32
      %eq3A_292 = arith.cmpi eq, %jit3A_290, %eq3A_291 : i32
      %jit3A_293 = arith.constant 1 : i32
      %select_n3A_294 = arith.select %eq3A_292, %jit3A_293, %jit3A_290 : i32
      %rem3A_295 = arith.remsi %scan3A_265, %select_n3A_294 : i32
      %ne3A_296 = arith.constant 0 : i32
      %ne3A_297 = arith.cmpi ne, %rem3A_295, %ne3A_296 : i32
      %lt3A_298 = arith.constant 0 : i32
      %lt3A_299 = arith.cmpi slt, %rem3A_295, %lt3A_298 : i32
      %lt3A_300 = arith.constant 0 : i32
      %lt3A_301 = arith.cmpi slt, %select_n3A_294, %lt3A_300 : i32
      %ne3A_302 = arith.xori %lt3A_299, %lt3A_301 : i1
      %and3A_303 = arith.andi %ne3A_302, %ne3A_297 : i1
      %add3A_304 = arith.addi %rem3A_295, %select_n3A_294 : i32
      %select_n3A_305 = arith.select %and3A_303, %add3A_304, %rem3A_295 : i32
      %mul3A_306 = arith.constant 16 : i32
      %mul3A_307 = arith.muli %select_n3A_305, %mul3A_306 : i32
      %swap3A_308 = arith.index_cast %select_n3A_289 : i32 to index
      %swap3A_309 = arith.index_cast %mul3A_307 : i32 to index
      %swap3A_310 = tpu.vector_load %arg10[%swap3A_308, %swap3A_309] {strides = array<i32>} : memref<32x128xf32, #tpu.memory_space<vmem>>, vector<16xf32>,
      tpu.vector_store %arg10[%swap3A_308, %swap3A_309], %broadcast_in_dim3A_1 {strides = array<i32>} : memref<32x128xf32, #tpu.memory_space<vmem>>, vector<16xf32>,
      %scan3A_311 = arith.constant 6 : i32
      %scan3A_312 = arith.addi %scan3A_41, %scan3A_311 : i32
      %jit3A_313 = arith.constant 8 : i32
      %div3A_314 = arith.divsi %scan3A_312, %jit3A_313 : i32
      %sign3A_315 = arith.constant 0 : i32
      %sign3A_316 = arith.cmpi sgt, %scan3A_312, %sign3A_315 : i32
      %sign3A_317 = arith.extui %sign3A_316 : i1 to i32
      %sign3A_318 = arith.constant 0 : i32
      %sign3A_319 = arith.cmpi slt, %scan3A_312, %sign3A_318 : i32
      %sign3A_320 = arith.extui %sign3A_319 : i1 to i32
      %sign3A_321 = arith.subi %sign3A_317, %sign3A_320 : i32
      %sign3A_322 = arith.constant 0 : i32
      %sign3A_323 = arith.cmpi sgt, %jit3A_313, %sign3A_322 : i32
      %sign3A_324 = arith.extui %sign3A_323 : i1 to i32
      %sign3A_325 = arith.constant 0 : i32
      %sign3A_326 = arith.cmpi slt, %jit3A_313, %sign3A_325 : i32
      %sign3A_327 = arith.extui %sign3A_326 : i1 to i32
      %sign3A_328 = arith.subi %sign3A_324, %sign3A_327 : i32
      %ne3A_329 = arith.cmpi ne, %sign3A_321, %sign3A_328 : i32
      %rem3A_330 = arith.remsi %scan3A_312, %jit3A_313 : i32
      %ne3A_331 = arith.constant 0 : i32
      %ne3A_332 = arith.cmpi ne, %rem3A_330, %ne3A_331 : i32
      %and3A_333 = arith.andi %ne3A_329, %ne3A_332 : i1
      %sub3A_334 = arith.constant 1 : i32
      %sub3A_335 = arith.subi %div3A_314, %sub3A_334 : i32
      %select_n3A_336 = arith.select %and3A_333, %sub3A_335, %div3A_314 : i32
      %jit3A_337 = arith.constant 8 : i32
      %eq3A_338 = arith.constant 0 : i32
      %eq3A_339 = arith.cmpi eq, %jit3A_337, %eq3A_338 : i32
      %jit3A_340 = arith.constant 1 : i32
      %select_n3A_341 = arith.select %eq3A_339, %jit3A_340, %jit3A_337 : i32
      %rem3A_342 = arith.remsi %scan3A_312, %select_n3A_341 : i32
      %ne3A_343 = arith.constant 0 : i32
      %ne3A_344 = arith.cmpi ne, %rem3A_342, %ne3A_343 : i32
      %lt3A_345 = arith.constant 0 : i32
      %lt3A_346 = arith.cmpi slt, %rem3A_342, %lt3A_345 : i32
      %lt3A_347 = arith.constant 0 : i32
      %lt3A_348 = arith.cmpi slt, %select_n3A_341, %lt3A_347 : i32
      %ne3A_349 = arith.xori %lt3A_346, %lt3A_348 : i1
      %and3A_350 = arith.andi %ne3A_349, %ne3A_344 : i1
      %add3A_351 = arith.addi %rem3A_342, %select_n3A_341 : i32
      %select_n3A_352 = arith.select %and3A_350, %add3A_351, %rem3A_342 : i32
      %mul3A_353 = arith.constant 16 : i32
      %mul3A_354 = arith.muli %select_n3A_352, %mul3A_353 : i32
      %swap3A_355 = arith.index_cast %select_n3A_336 : i32 to index
      %swap3A_356 = arith.index_cast %mul3A_354 : i32 to index
      %swap3A_357 = tpu.vector_load %arg10[%swap3A_355, %swap3A_356] {strides = array<i32>} : memref<32x128xf32, #tpu.memory_space<vmem>>, vector<16xf32>,
      tpu.vector_store %arg10[%swap3A_355, %swap3A_356], %broadcast_in_dim3A_1 {strides = array<i32>} : memref<32x128xf32, #tpu.memory_space<vmem>>, vector<16xf32>,
      %scan3A_358 = arith.constant 7 : i32
      %scan3A_359 = arith.addi %scan3A_41, %scan3A_358 : i32
      %jit3A_360 = arith.constant 8 : i32
      %div3A_361 = arith.divsi %scan3A_359, %jit3A_360 : i32
      %sign3A_362 = arith.constant 0 : i32
      %sign3A_363 = arith.cmpi sgt, %scan3A_359, %sign3A_362 : i32
      %sign3A_364 = arith.extui %sign3A_363 : i1 to i32
      %sign3A_365 = arith.constant 0 : i32
      %sign3A_366 = arith.cmpi slt, %scan3A_359, %sign3A_365 : i32
      %sign3A_367 = arith.extui %sign3A_366 : i1 to i32
      %sign3A_368 = arith.subi %sign3A_364, %sign3A_367 : i32
      %sign3A_369 = arith.constant 0 : i32
      %sign3A_370 = arith.cmpi sgt, %jit3A_360, %sign3A_369 : i32
      %sign3A_371 = arith.extui %sign3A_370 : i1 to i32
      %sign3A_372 = arith.constant 0 : i32
      %sign3A_373 = arith.cmpi slt, %jit3A_360, %sign3A_372 : i32
      %sign3A_374 = arith.extui %sign3A_373 : i1 to i32
      %sign3A_375 = arith.subi %sign3A_371, %sign3A_374 : i32
      %ne3A_376 = arith.cmpi ne, %sign3A_368, %sign3A_375 : i32
      %rem3A_377 = arith.remsi %scan3A_359, %jit3A_360 : i32
      %ne3A_378 = arith.constant 0 : i32
      %ne3A_379 = arith.cmpi ne, %rem3A_377, %ne3A_378 : i32
      %and3A_380 = arith.andi %ne3A_376, %ne3A_379 : i1
      %sub3A_381 = arith.constant 1 : i32
      %sub3A_382 = arith.subi %div3A_361, %sub3A_381 : i32
      %select_n3A_383 = arith.select %and3A_380, %sub3A_382, %div3A_361 : i32
      %jit3A_384 = arith.constant 8 : i32
      %eq3A_385 = arith.constant 0 : i32
      %eq3A_386 = arith.cmpi eq, %jit3A_384, %eq3A_385 : i32
      %jit3A_387 = arith.constant 1 : i32
      %select_n3A_388 = arith.select %eq3A_386, %jit3A_387, %jit3A_384 : i32
      %rem3A_389 = arith.remsi %scan3A_359, %select_n3A_388 : i32
      %ne3A_390 = arith.constant 0 : i32
      %ne3A_391 = arith.cmpi ne, %rem3A_389, %ne3A_390 : i32
      %lt3A_392 = arith.constant 0 : i32
      %lt3A_393 = arith.cmpi slt, %rem3A_389, %lt3A_392 : i32
      %lt3A_394 = arith.constant 0 : i32
      %lt3A_395 = arith.cmpi slt, %select_n3A_388, %lt3A_394 : i32
      %ne3A_396 = arith.xori %lt3A_393, %lt3A_395 : i1
      %and3A_397 = arith.andi %ne3A_396, %ne3A_391 : i1
      %add3A_398 = arith.addi %rem3A_389, %select_n3A_388 : i32
      %select_n3A_399 = arith.select %and3A_397, %add3A_398, %rem3A_389 : i32
      %mul3A_400 = arith.constant 16 : i32
      %mul3A_401 = arith.muli %select_n3A_399, %mul3A_400 : i32
      %swap3A_402 = arith.index_cast %select_n3A_383 : i32 to index
      %swap3A_403 = arith.index_cast %mul3A_401 : i32 to index
      %swap3A_404 = tpu.vector_load %arg10[%swap3A_402, %swap3A_403] {strides = array<i32>} : memref<32x128xf32, #tpu.memory_space<vmem>>, vector<16xf32>,
      tpu.vector_store %arg10[%swap3A_402, %swap3A_403], %broadcast_in_dim3A_1 {strides = array<i32>} : memref<32x128xf32, #tpu.memory_space<vmem>>, vector<16xf32>,
    }
    %scan3A_6 = arith.constant 256 : i32
    %scan3A_7 = arith.constant 0 : i32
    %scan3A_8 = arith.constant 0 : i32
    %scan3A_9 = arith.constant 16 : i32
    %scan3A_10 = arith.addi %scan3A_8, %scan3A_9 : i32
    %scan3A_11 = arith.constant 1 : i32
    scf.for %scan3A_41 = %scan3A_8 to %scan3A_10 step %scan3A_11  : i32 {
      %mul3A_42 = arith.constant 2 : i32
      %mul3A_43 = arith.muli %mul3A_42, %scan3A_41 : i32
      %mul3A_44 = arith.constant 2 : i32
      %mul3A_45 = arith.muli %mul3A_44, %scan3A_41 : i32
      %add3A_46 = arith.constant 1 : i32
      %add3A_47 = arith.addi %mul3A_45, %add3A_46 : i32
      %gt3A = arith.constant 0 : i32
      %gt3A_48 = arith.cmpi sgt, %scan3A_41, %gt3A : i32
      %convert_element_type3A = arith.extui %gt3A_48 : i1 to i32
      %cond3A = arith.constant 0 : i32
      %cond3A_49 = arith.cmpi ne, %convert_element_type3A, %cond3A : i32
      scf.if %cond3A_49 {
        %dma_wait3A_266 = arith.constant 0 : i32
        %dma_wait3A_267 = arith.constant 0 : i32
        %dma_wait3A_268 = tpu.memref_slice %arg2[%dma_wait3A_266, %dma_wait3A_267] : memref<1048576x32xf32, #tpu.memory_space<hbm>> -> memref<1024x32xf32, #tpu.memory_space<hbm>>
        %dma_wait3A_269 = arith.constant 0 : i32
        %dma_wait3A_270 = arith.constant 0 : i32
        %dma_wait3A_271 = tpu.memref_slice %arg2[%dma_wait3A_269, %dma_wait3A_270] : memref<1048576x32xf32, #tpu.memory_space<hbm>> -> memref<1024x32xf32, #tpu.memory_space<hbm>>
        tpu.wait_dma2 semaphore(%arg17 : memref<!tpu.dma_semaphore, #tpu.memory_space<semaphore_mem>>) src(%dma_wait3A_271 : memref<1024x32xf32, #tpu.memory_space<hbm>>) dst(%arg13 : memref<1024x32xf32, #tpu.memory_space<vmem>>)
        %dma_wait3A_272 = arith.constant 0 : i32
        %dma_wait3A_273 = arith.constant 0 : i32
        %dma_wait3A_274 = tpu.memref_slice %arg2[%dma_wait3A_272, %dma_wait3A_273] : memref<1048576x32xf32, #tpu.memory_space<hbm>> -> memref<1024x32xf32, #tpu.memory_space<hbm>>
        %dma_wait3A_275 = arith.constant 0 : i32
        %dma_wait3A_276 = arith.constant 0 : i32
        %dma_wait3A_277 = tpu.memref_slice %arg2[%dma_wait3A_275, %dma_wait3A_276] : memref<1048576x32xf32, #tpu.memory_space<hbm>> -> memref<1024x32xf32, #tpu.memory_space<hbm>>
        tpu.wait_dma2 semaphore(%arg16 : memref<!tpu.dma_semaphore, #tpu.memory_space<semaphore_mem>>) src(%dma_wait3A_277 : memref<1024x32xf32, #tpu.memory_space<hbm>>) dst(%arg14 : memref<1024x32xf32, #tpu.memory_space<vmem>>)
        %sub3A_278 = arith.constant 1 : i32
        %sub3A_279 = arith.subi %mul3A_43, %sub3A_278 : i32
        %mul3A_280 = arith.constant 8 : i32
        %mul3A_281 = arith.muli %add3A, %mul3A_280 : i32
        %jit3A_282 = arith.constant 4 : i32
        %div3A_283 = arith.divsi %sub3A_279, %jit3A_282 : i32
        %sign3A_284 = arith.constant 0 : i32
        %sign3A_285 = arith.cmpi sgt, %sub3A_279, %sign3A_284 : i32
        %sign3A_286 = arith.extui %sign3A_285 : i1 to i32
        %sign3A_287 = arith.constant 0 : i32
        %sign3A_288 = arith.cmpi slt, %sub3A_279, %sign3A_287 : i32
        %sign3A_289 = arith.extui %sign3A_288 : i1 to i32
        %sign3A_290 = arith.subi %sign3A_286, %sign3A_289 : i32
        %sign3A_291 = arith.constant 0 : i32
        %sign3A_292 = arith.cmpi sgt, %jit3A_282, %sign3A_291 : i32
        %sign3A_293 = arith.extui %sign3A_292 : i1 to i32
        %sign3A_294 = arith.constant 0 : i32
        %sign3A_295 = arith.cmpi slt, %jit3A_282, %sign3A_294 : i32
        %sign3A_296 = arith.extui %sign3A_295 : i1 to i32
        %sign3A_297 = arith.subi %sign3A_293, %sign3A_296 : i32
        %ne3A_298 = arith.cmpi ne, %sign3A_290, %sign3A_297 : i32
        %rem3A_299 = arith.remsi %sub3A_279, %jit3A_282 : i32
        %ne3A_300 = arith.constant 0 : i32
        %ne3A_301 = arith.cmpi ne, %rem3A_299, %ne3A_300 : i32
        %and3A_302 = arith.andi %ne3A_298, %ne3A_301 : i1
        %sub3A_303 = arith.constant 1 : i32
        %sub3A_304 = arith.subi %div3A_283, %sub3A_303 : i32
        %select_n3A_305 = arith.select %and3A_302, %sub3A_304, %div3A_283 : i32
        %add3A_306 = arith.addi %mul3A_281, %select_n3A_305 : i32
        %jit3A_307 = arith.constant 4 : i32
        %eq3A_308 = arith.constant 0 : i32
        %eq3A_309 = arith.cmpi eq, %jit3A_307, %eq3A_308 : i32
        %jit3A_310 = arith.constant 1 : i32
        %select_n3A_311 = arith.select %eq3A_309, %jit3A_310, %jit3A_307 : i32
        %rem3A_312 = arith.remsi %sub3A_279, %select_n3A_311 : i32
        %ne3A_313 = arith.constant 0 : i32
        %ne3A_314 = arith.cmpi ne, %rem3A_312, %ne3A_313 : i32
        %lt3A_315 = arith.constant 0 : i32
        %lt3A_316 = arith.cmpi slt, %rem3A_312, %lt3A_315 : i32
        %lt3A_317 = arith.constant 0 : i32
        %lt3A_318 = arith.cmpi slt, %select_n3A_311, %lt3A_317 : i32
        %ne3A_319 = arith.xori %lt3A_316, %lt3A_318 : i1
        %and3A_320 = arith.andi %ne3A_319, %ne3A_314 : i1
        %add3A_321 = arith.addi %rem3A_312, %select_n3A_311 : i32
        %select_n3A_322 = arith.select %and3A_320, %add3A_321, %rem3A_312 : i32
        %mul3A_323 = arith.constant 4096 : i32
        %mul3A_324 = arith.muli %add3A_306, %mul3A_323 : i32
        %mul3A_325 = arith.constant 1024 : i32
        %mul3A_326 = arith.muli %select_n3A_322, %mul3A_325 : i32
        %add3A_327 = arith.addi %mul3A_324, %mul3A_326 : i32
        %dma_start3A_328 = arith.constant 0 : i32
        %dma_start3A_329 = tpu.memref_slice %arg6[%add3A_327, %dma_start3A_328] : memref<1048576x32xf32, #tpu.memory_space<hbm>> -> memref<1024x32xf32, #tpu.memory_space<hbm>>
        %dma_start3A_330 = arith.constant 0 : i32
        %dma_start3A_331 = tpu.memref_slice %arg6[%add3A_327, %dma_start3A_330] : memref<1048576x32xf32, #tpu.memory_space<hbm>> -> memref<1024x32xf32, #tpu.memory_space<hbm>>
        tpu.enqueue_dma source(%arg14 : memref<1024x32xf32, #tpu.memory_space<vmem>>) target(%dma_start3A_331 : memref<1024x32xf32, #tpu.memory_space<hbm>>) target_semaphore(%arg18 : memref<!tpu.dma_semaphore, #tpu.memory_space<semaphore_mem>>)
      } else {
      }
      %mul3A_50 = arith.constant 8 : i32
      %mul3A_51 = arith.muli %add3A, %mul3A_50 : i32
      %jit3A = arith.constant 4 : i32
      %div3A = arith.divsi %mul3A_43, %jit3A : i32
      %sign3A = arith.constant 0 : i32
      %sign3A_52 = arith.cmpi sgt, %mul3A_43, %sign3A : i32
      %sign3A_53 = arith.extui %sign3A_52 : i1 to i32
      %sign3A_54 = arith.constant 0 : i32
      %sign3A_55 = arith.cmpi slt, %mul3A_43, %sign3A_54 : i32
      %sign3A_56 = arith.extui %sign3A_55 : i1 to i32
      %sign3A_57 = arith.subi %sign3A_53, %sign3A_56 : i32
      %sign3A_58 = arith.constant 0 : i32
      %sign3A_59 = arith.cmpi sgt, %jit3A, %sign3A_58 : i32
      %sign3A_60 = arith.extui %sign3A_59 : i1 to i32
      %sign3A_61 = arith.constant 0 : i32
      %sign3A_62 = arith.cmpi slt, %jit3A, %sign3A_61 : i32
      %sign3A_63 = arith.extui %sign3A_62 : i1 to i32
      %sign3A_64 = arith.subi %sign3A_60, %sign3A_63 : i32
      %ne3A = arith.cmpi ne, %sign3A_57, %sign3A_64 : i32
      %rem3A = arith.remsi %mul3A_43, %jit3A : i32
      %ne3A_65 = arith.constant 0 : i32
      %ne3A_66 = arith.cmpi ne, %rem3A, %ne3A_65 : i32
      %and3A = arith.andi %ne3A, %ne3A_66 : i1
      %sub3A = arith.constant 1 : i32
      %sub3A_67 = arith.subi %div3A, %sub3A : i32
      %select_n3A = arith.select %and3A, %sub3A_67, %div3A : i32
      %add3A_68 = arith.addi %mul3A_51, %select_n3A : i32
      %jit3A_69 = arith.constant 4 : i32
      %eq3A = arith.constant 0 : i32
      %eq3A_70 = arith.cmpi eq, %jit3A_69, %eq3A : i32
      %jit3A_71 = arith.constant 1 : i32
      %select_n3A_72 = arith.select %eq3A_70, %jit3A_71, %jit3A_69 : i32
      %rem3A_73 = arith.remsi %mul3A_43, %select_n3A_72 : i32
      %ne3A_74 = arith.constant 0 : i32
      %ne3A_75 = arith.cmpi ne, %rem3A_73, %ne3A_74 : i32
      %lt3A = arith.constant 0 : i32
      %lt3A_76 = arith.cmpi slt, %rem3A_73, %lt3A : i32
      %lt3A_77 = arith.constant 0 : i32
      %lt3A_78 = arith.cmpi slt, %select_n3A_72, %lt3A_77 : i32
      %ne3A_79 = arith.xori %lt3A_76, %lt3A_78 : i1
      %and3A_80 = arith.andi %ne3A_79, %ne3A_75 : i1
      %add3A_81 = arith.addi %rem3A_73, %select_n3A_72 : i32
      %select_n3A_82 = arith.select %and3A_80, %add3A_81, %rem3A_73 : i32
      %broadcast_in_dim3A_83 = vector.broadcast %add3A_68 : i32 to vector<16xi32>
      %gather3A = tpu.vector_load_idx %arg12[%broadcast_in_dim3A_83] : memref<256xi32, #tpu.memory_space<vmem>>[vector<16xi32>], vector<16xi32>,
      %reduce_max3A = arith.constant true
      %reduce_max3A_84 = vector.broadcast %reduce_max3A : i1 to vector<16xi1>
      %reduce_max3A_85 = arith.constant -2147483648 : i32
      %reduce_max3A_86 = vector.broadcast %reduce_max3A_85 : i32 to vector<16xi32>
      %reduce_max3A_87 = arith.xori %gather3A, %reduce_max3A_86 : vector<16xi32>
      %reduce_max3A_88 = tpu.scan <max>, %reduce_max3A_87 masked %reduce_max3A_84 : vector<16xi32>, vector<16xi1> -> vector<16xi32>
      %reduce_max3A_89 = arith.xori %reduce_max3A_88, %reduce_max3A_86 : vector<16xi32>
      %reduce_max3A_90 = vector.extract %reduce_max3A_89[15] : i32 from vector<16xi32>
      %ne3A_91 = arith.constant 0 : i32
      %ne3A_92 = arith.cmpi ne, %reduce_max3A_90, %ne3A_91 : i32
      %eq3A_93 = arith.constant 0 : i32
      %eq3A_94 = arith.cmpi eq, %select_n3A_82, %eq3A_93 : i32
      %and3A_95 = arith.andi %ne3A_92, %eq3A_94 : i1
      %convert_element_type3A_96 = arith.extui %and3A_95 : i1 to i32
      %cond3A_97 = arith.constant 0 : i32
      %cond3A_98 = arith.cmpi ne, %convert_element_type3A_96, %cond3A_97 : i32
      scf.if %cond3A_98 {
        "tpu.region"() ({
          %run_scoped3A = tpu.sem_alloc : memref<!tpu.dma_semaphore, #tpu.memory_space<semaphore_mem>>
          %dma_start3A_285 = arith.constant 0 : i32
          %dma_start3A_286 = arith.constant 0 : i32
          %dma_start3A_287 = tpu.memref_slice %arg3[%add3A_68, %dma_start3A_285, %dma_start3A_286] : memref<256x32x128xf32, #tpu.memory_space<hbm>> -> memref<1x32x128xf32, #tpu.memory_space<hbm>>
          %dma_start3A_288 = tpu.memref_squeeze %dma_start3A_287 : memref<1x32x128xf32, #tpu.memory_space<hbm>> -> memref<32x128xf32, #tpu.memory_space<hbm>>
          %dma_start3A_289 = arith.constant 0 : i32
          %dma_start3A_290 = arith.constant 0 : i32
          %dma_start3A_291 = tpu.memref_slice %arg3[%add3A_68, %dma_start3A_289, %dma_start3A_290] : memref<256x32x128xf32, #tpu.memory_space<hbm>> -> memref<1x32x128xf32, #tpu.memory_space<hbm>>
          %dma_start3A_292 = tpu.memref_squeeze %dma_start3A_291 : memref<1x32x128xf32, #tpu.memory_space<hbm>> -> memref<32x128xf32, #tpu.memory_space<hbm>>
          tpu.enqueue_dma source(%dma_start3A_292 : memref<32x128xf32, #tpu.memory_space<hbm>>) target(%arg8 : memref<32x128xf32, #tpu.memory_space<vmem>>) target_semaphore(%run_scoped3A : memref<!tpu.dma_semaphore, #tpu.memory_space<semaphore_mem>>)
          %dma_wait3A_293 = arith.constant 0 : i32
          %dma_wait3A_294 = arith.constant 0 : i32
          %dma_wait3A_295 = tpu.memref_slice %arg3[%add3A_68, %dma_wait3A_293, %dma_wait3A_294] : memref<256x32x128xf32, #tpu.memory_space<hbm>> -> memref<1x32x128xf32, #tpu.memory_space<hbm>>
          %dma_wait3A_296 = tpu.memref_squeeze %dma_wait3A_295 : memref<1x32x128xf32, #tpu.memory_space<hbm>> -> memref<32x128xf32, #tpu.memory_space<hbm>>
          %dma_wait3A_297 = arith.constant 0 : i32
          %dma_wait3A_298 = arith.constant 0 : i32
          %dma_wait3A_299 = tpu.memref_slice %arg3[%add3A_68, %dma_wait3A_297, %dma_wait3A_298] : memref<256x32x128xf32, #tpu.memory_space<hbm>> -> memref<1x32x128xf32, #tpu.memory_space<hbm>>
          %dma_wait3A_300 = tpu.memref_squeeze %dma_wait3A_299 : memref<1x32x128xf32, #tpu.memory_space<hbm>> -> memref<32x128xf32, #tpu.memory_space<hbm>>
          tpu.wait_dma2 semaphore(%run_scoped3A : memref<!tpu.dma_semaphore, #tpu.memory_space<semaphore_mem>>) src(%dma_wait3A_300 : memref<32x128xf32, #tpu.memory_space<hbm>>) dst(%arg8 : memref<32x128xf32, #tpu.memory_space<vmem>>)
          tpu.yield
        }) : () -> ()
        %scan3A_266 = arith.constant 0 : i32
        %scan3A_267 = arith.constant 0 : i32
        %scan3A_268 = arith.constant 256 : i32
        %scan3A_269 = arith.addi %scan3A_267, %scan3A_268 : i32
        %scan3A_270 = arith.constant 8 : i32
        scf.for %scan3A_285 = %scan3A_267 to %scan3A_269 step %scan3A_270  : i32 {
          %broadcast_in_dim3A_286 = arith.constant 0 : i32
          %broadcast_in_dim3A_287 = vector.broadcast %broadcast_in_dim3A_286 : i32 to vector<16xi32>
          %jit3A_288 = arith.constant 8 : i32
          %div3A_289 = arith.divsi %scan3A_285, %jit3A_288 : i32
          %sign3A_290 = arith.constant 0 : i32
          %sign3A_291 = arith.cmpi sgt, %scan3A_285, %sign3A_290 : i32
          %sign3A_292 = arith.extui %sign3A_291 : i1 to i32
          %sign3A_293 = arith.constant 0 : i32
          %sign3A_294 = arith.cmpi slt, %scan3A_285, %sign3A_293 : i32
          %sign3A_295 = arith.extui %sign3A_294 : i1 to i32
          %sign3A_296 = arith.subi %sign3A_292, %sign3A_295 : i32
          %sign3A_297 = arith.constant 0 : i32
          %sign3A_298 = arith.cmpi sgt, %jit3A_288, %sign3A_297 : i32
          %sign3A_299 = arith.extui %sign3A_298 : i1 to i32
          %sign3A_300 = arith.constant 0 : i32
          %sign3A_301 = arith.cmpi slt, %jit3A_288, %sign3A_300 : i32
          %sign3A_302 = arith.extui %sign3A_301 : i1 to i32
          %sign3A_303 = arith.subi %sign3A_299, %sign3A_302 : i32
          %ne3A_304 = arith.cmpi ne, %sign3A_296, %sign3A_303 : i32
          %rem3A_305 = arith.remsi %scan3A_285, %jit3A_288 : i32
          %ne3A_306 = arith.constant 0 : i32
          %ne3A_307 = arith.cmpi ne, %rem3A_305, %ne3A_306 : i32
          %and3A_308 = arith.andi %ne3A_304, %ne3A_307 : i1
          %sub3A_309 = arith.constant 1 : i32
          %sub3A_310 = arith.subi %div3A_289, %sub3A_309 : i32
          %select_n3A_311 = arith.select %and3A_308, %sub3A_310, %div3A_289 : i32
          %jit3A_312 = arith.constant 8 : i32
          %eq3A_313 = arith.constant 0 : i32
          %eq3A_314 = arith.cmpi eq, %jit3A_312, %eq3A_313 : i32
          %jit3A_315 = arith.constant 1 : i32
          %select_n3A_316 = arith.select %eq3A_314, %jit3A_315, %jit3A_312 : i32
          %rem3A_317 = arith.remsi %scan3A_285, %select_n3A_316 : i32
          %ne3A_318 = arith.constant 0 : i32
          %ne3A_319 = arith.cmpi ne, %rem3A_317, %ne3A_318 : i32
          %lt3A_320 = arith.constant 0 : i32
          %lt3A_321 = arith.cmpi slt, %rem3A_317, %lt3A_320 : i32
          %lt3A_322 = arith.constant 0 : i32
          %lt3A_323 = arith.cmpi slt, %select_n3A_316, %lt3A_322 : i32
          %ne3A_324 = arith.xori %lt3A_321, %lt3A_323 : i1
          %and3A_325 = arith.andi %ne3A_324, %ne3A_319 : i1
          %add3A_326 = arith.addi %rem3A_317, %select_n3A_316 : i32
          %select_n3A_327 = arith.select %and3A_325, %add3A_326, %rem3A_317 : i32
          %mul3A_328 = arith.constant 16 : i32
          %mul3A_329 = arith.muli %select_n3A_327, %mul3A_328 : i32
          %swap3A = arith.index_cast %select_n3A_311 : i32 to index
          %swap3A_330 = arith.index_cast %mul3A_329 : i32 to index
          %swap3A_331 = tpu.vector_load %arg9[%swap3A, %swap3A_330] {strides = array<i32>} : memref<32x128xi32, #tpu.memory_space<vmem>>, vector<16xi32>,
          tpu.vector_store %arg9[%swap3A, %swap3A_330], %broadcast_in_dim3A_287 {strides = array<i32>} : memref<32x128xi32, #tpu.memory_space<vmem>>, vector<16xi32>,
          %scan3A_332 = arith.constant 1 : i32
          %scan3A_333 = arith.addi %scan3A_285, %scan3A_332 : i32
          %broadcast_in_dim3A_334 = arith.constant 0 : i32
          %broadcast_in_dim3A_335 = vector.broadcast %broadcast_in_dim3A_334 : i32 to vector<16xi32>
          %jit3A_336 = arith.constant 8 : i32
          %div3A_337 = arith.divsi %scan3A_333, %jit3A_336 : i32
          %sign3A_338 = arith.constant 0 : i32
          %sign3A_339 = arith.cmpi sgt, %scan3A_333, %sign3A_338 : i32
          %sign3A_340 = arith.extui %sign3A_339 : i1 to i32
          %sign3A_341 = arith.constant 0 : i32
          %sign3A_342 = arith.cmpi slt, %scan3A_333, %sign3A_341 : i32
          %sign3A_343 = arith.extui %sign3A_342 : i1 to i32
          %sign3A_344 = arith.subi %sign3A_340, %sign3A_343 : i32
          %sign3A_345 = arith.constant 0 : i32
          %sign3A_346 = arith.cmpi sgt, %jit3A_336, %sign3A_345 : i32
          %sign3A_347 = arith.extui %sign3A_346 : i1 to i32
          %sign3A_348 = arith.constant 0 : i32
          %sign3A_349 = arith.cmpi slt, %jit3A_336, %sign3A_348 : i32
          %sign3A_350 = arith.extui %sign3A_349 : i1 to i32
          %sign3A_351 = arith.subi %sign3A_347, %sign3A_350 : i32
          %ne3A_352 = arith.cmpi ne, %sign3A_344, %sign3A_351 : i32
          %rem3A_353 = arith.remsi %scan3A_333, %jit3A_336 : i32
          %ne3A_354 = arith.constant 0 : i32
          %ne3A_355 = arith.cmpi ne, %rem3A_353, %ne3A_354 : i32
          %and3A_356 = arith.andi %ne3A_352, %ne3A_355 : i1
          %sub3A_357 = arith.constant 1 : i32
          %sub3A_358 = arith.subi %div3A_337, %sub3A_357 : i32
          %select_n3A_359 = arith.select %and3A_356, %sub3A_358, %div3A_337 : i32
          %jit3A_360 = arith.constant 8 : i32
          %eq3A_361 = arith.constant 0 : i32
          %eq3A_362 = arith.cmpi eq, %jit3A_360, %eq3A_361 : i32
          %jit3A_363 = arith.constant 1 : i32
          %select_n3A_364 = arith.select %eq3A_362, %jit3A_363, %jit3A_360 : i32
          %rem3A_365 = arith.remsi %scan3A_333, %select_n3A_364 : i32
          %ne3A_366 = arith.constant 0 : i32
          %ne3A_367 = arith.cmpi ne, %rem3A_365, %ne3A_366 : i32
          %lt3A_368 = arith.constant 0 : i32
          %lt3A_369 = arith.cmpi slt, %rem3A_365, %lt3A_368 : i32
          %lt3A_370 = arith.constant 0 : i32
          %lt3A_371 = arith.cmpi slt, %select_n3A_364, %lt3A_370 : i32
          %ne3A_372 = arith.xori %lt3A_369, %lt3A_371 : i1
          %and3A_373 = arith.andi %ne3A_372, %ne3A_367 : i1
          %add3A_374 = arith.addi %rem3A_365, %select_n3A_364 : i32
          %select_n3A_375 = arith.select %and3A_373, %add3A_374, %rem3A_365 : i32
          %mul3A_376 = arith.constant 16 : i32
          %mul3A_377 = arith.muli %select_n3A_375, %mul3A_376 : i32
          %swap3A_378 = arith.index_cast %select_n3A_359 : i32 to index
          %swap3A_379 = arith.index_cast %mul3A_377 : i32 to index
          %swap3A_380 = tpu.vector_load %arg9[%swap3A_378, %swap3A_379] {strides = array<i32>} : memref<32x128xi32, #tpu.memory_space<vmem>>, vector<16xi32>,
          tpu.vector_store %arg9[%swap3A_378, %swap3A_379], %broadcast_in_dim3A_335 {strides = array<i32>} : memref<32x128xi32, #tpu.memory_space<vmem>>, vector<16xi32>,
          %scan3A_381 = arith.constant 2 : i32
          %scan3A_382 = arith.addi %scan3A_285, %scan3A_381 : i32
          %broadcast_in_dim3A_383 = arith.constant 0 : i32
          %broadcast_in_dim3A_384 = vector.broadcast %broadcast_in_dim3A_383 : i32 to vector<16xi32>
          %jit3A_385 = arith.constant 8 : i32
          %div3A_386 = arith.divsi %scan3A_382, %jit3A_385 : i32
          %sign3A_387 = arith.constant 0 : i32
          %sign3A_388 = arith.cmpi sgt, %scan3A_382, %sign3A_387 : i32
          %sign3A_389 = arith.extui %sign3A_388 : i1 to i32
          %sign3A_390 = arith.constant 0 : i32
          %sign3A_391 = arith.cmpi slt, %scan3A_382, %sign3A_390 : i32
          %sign3A_392 = arith.extui %sign3A_391 : i1 to i32
          %sign3A_393 = arith.subi %sign3A_389, %sign3A_392 : i32
          %sign3A_394 = arith.constant 0 : i32
          %sign3A_395 = arith.cmpi sgt, %jit3A_385, %sign3A_394 : i32
          %sign3A_396 = arith.extui %sign3A_395 : i1 to i32
          %sign3A_397 = arith.constant 0 : i32
          %sign3A_398 = arith.cmpi slt, %jit3A_385, %sign3A_397 : i32
          %sign3A_399 = arith.extui %sign3A_398 : i1 to i32
          %sign3A_400 = arith.subi %sign3A_396, %sign3A_399 : i32
          %ne3A_401 = arith.cmpi ne, %sign3A_393, %sign3A_400 : i32
          %rem3A_402 = arith.remsi %scan3A_382, %jit3A_385 : i32
          %ne3A_403 = arith.constant 0 : i32
          %ne3A_404 = arith.cmpi ne, %rem3A_402, %ne3A_403 : i32
          %and3A_405 = arith.andi %ne3A_401, %ne3A_404 : i1
          %sub3A_406 = arith.constant 1 : i32
          %sub3A_407 = arith.subi %div3A_386, %sub3A_406 : i32
          %select_n3A_408 = arith.select %and3A_405, %sub3A_407, %div3A_386 : i32
          %jit3A_409 = arith.constant 8 : i32
          %eq3A_410 = arith.constant 0 : i32
          %eq3A_411 = arith.cmpi eq, %jit3A_409, %eq3A_410 : i32
          %jit3A_412 = arith.constant 1 : i32
          %select_n3A_413 = arith.select %eq3A_411, %jit3A_412, %jit3A_409 : i32
          %rem3A_414 = arith.remsi %scan3A_382, %select_n3A_413 : i32
          %ne3A_415 = arith.constant 0 : i32
          %ne3A_416 = arith.cmpi ne, %rem3A_414, %ne3A_415 : i32
          %lt3A_417 = arith.constant 0 : i32
          %lt3A_418 = arith.cmpi slt, %rem3A_414, %lt3A_417 : i32
          %lt3A_419 = arith.constant 0 : i32
          %lt3A_420 = arith.cmpi slt, %select_n3A_413, %lt3A_419 : i32
          %ne3A_421 = arith.xori %lt3A_418, %lt3A_420 : i1
          %and3A_422 = arith.andi %ne3A_421, %ne3A_416 : i1
          %add3A_423 = arith.addi %rem3A_414, %select_n3A_413 : i32
          %select_n3A_424 = arith.select %and3A_422, %add3A_423, %rem3A_414 : i32
          %mul3A_425 = arith.constant 16 : i32
          %mul3A_426 = arith.muli %select_n3A_424, %mul3A_425 : i32
          %swap3A_427 = arith.index_cast %select_n3A_408 : i32 to index
          %swap3A_428 = arith.index_cast %mul3A_426 : i32 to index
          %swap3A_429 = tpu.vector_load %arg9[%swap3A_427, %swap3A_428] {strides = array<i32>} : memref<32x128xi32, #tpu.memory_space<vmem>>, vector<16xi32>,
          tpu.vector_store %arg9[%swap3A_427, %swap3A_428], %broadcast_in_dim3A_384 {strides = array<i32>} : memref<32x128xi32, #tpu.memory_space<vmem>>, vector<16xi32>,
          %scan3A_430 = arith.constant 3 : i32
          %scan3A_431 = arith.addi %scan3A_285, %scan3A_430 : i32
          %broadcast_in_dim3A_432 = arith.constant 0 : i32
          %broadcast_in_dim3A_433 = vector.broadcast %broadcast_in_dim3A_432 : i32 to vector<16xi32>
          %jit3A_434 = arith.constant 8 : i32
          %div3A_435 = arith.divsi %scan3A_431, %jit3A_434 : i32
          %sign3A_436 = arith.constant 0 : i32
          %sign3A_437 = arith.cmpi sgt, %scan3A_431, %sign3A_436 : i32
          %sign3A_438 = arith.extui %sign3A_437 : i1 to i32
          %sign3A_439 = arith.constant 0 : i32
          %sign3A_440 = arith.cmpi slt, %scan3A_431, %sign3A_439 : i32
          %sign3A_441 = arith.extui %sign3A_440 : i1 to i32
          %sign3A_442 = arith.subi %sign3A_438, %sign3A_441 : i32
          %sign3A_443 = arith.constant 0 : i32
          %sign3A_444 = arith.cmpi sgt, %jit3A_434, %sign3A_443 : i32
          %sign3A_445 = arith.extui %sign3A_444 : i1 to i32
          %sign3A_446 = arith.constant 0 : i32
          %sign3A_447 = arith.cmpi slt, %jit3A_434, %sign3A_446 : i32
          %sign3A_448 = arith.extui %sign3A_447 : i1 to i32
          %sign3A_449 = arith.subi %sign3A_445, %sign3A_448 : i32
          %ne3A_450 = arith.cmpi ne, %sign3A_442, %sign3A_449 : i32
          %rem3A_451 = arith.remsi %scan3A_431, %jit3A_434 : i32
          %ne3A_452 = arith.constant 0 : i32
          %ne3A_453 = arith.cmpi ne, %rem3A_451, %ne3A_452 : i32
          %and3A_454 = arith.andi %ne3A_450, %ne3A_453 : i1
          %sub3A_455 = arith.constant 1 : i32
          %sub3A_456 = arith.subi %div3A_435, %sub3A_455 : i32
          %select_n3A_457 = arith.select %and3A_454, %sub3A_456, %div3A_435 : i32
          %jit3A_458 = arith.constant 8 : i32
          %eq3A_459 = arith.constant 0 : i32
          %eq3A_460 = arith.cmpi eq, %jit3A_458, %eq3A_459 : i32
          %jit3A_461 = arith.constant 1 : i32
          %select_n3A_462 = arith.select %eq3A_460, %jit3A_461, %jit3A_458 : i32
          %rem3A_463 = arith.remsi %scan3A_431, %select_n3A_462 : i32
          %ne3A_464 = arith.constant 0 : i32
          %ne3A_465 = arith.cmpi ne, %rem3A_463, %ne3A_464 : i32
          %lt3A_466 = arith.constant 0 : i32
          %lt3A_467 = arith.cmpi slt, %rem3A_463, %lt3A_466 : i32
          %lt3A_468 = arith.constant 0 : i32
          %lt3A_469 = arith.cmpi slt, %select_n3A_462, %lt3A_468 : i32
          %ne3A_470 = arith.xori %lt3A_467, %lt3A_469 : i1
          %and3A_471 = arith.andi %ne3A_470, %ne3A_465 : i1
          %add3A_472 = arith.addi %rem3A_463, %select_n3A_462 : i32
          %select_n3A_473 = arith.select %and3A_471, %add3A_472, %rem3A_463 : i32
          %mul3A_474 = arith.constant 16 : i32
          %mul3A_475 = arith.muli %select_n3A_473, %mul3A_474 : i32
          %swap3A_476 = arith.index_cast %select_n3A_457 : i32 to index
          %swap3A_477 = arith.index_cast %mul3A_475 : i32 to index
          %swap3A_478 = tpu.vector_load %arg9[%swap3A_476, %swap3A_477] {strides = array<i32>} : memref<32x128xi32, #tpu.memory_space<vmem>>, vector<16xi32>,
          tpu.vector_store %arg9[%swap3A_476, %swap3A_477], %broadcast_in_dim3A_433 {strides = array<i32>} : memref<32x128xi32, #tpu.memory_space<vmem>>, vector<16xi32>,
          %scan3A_479 = arith.constant 4 : i32
          %scan3A_480 = arith.addi %scan3A_285, %scan3A_479 : i32
          %broadcast_in_dim3A_481 = arith.constant 0 : i32
          %broadcast_in_dim3A_482 = vector.broadcast %broadcast_in_dim3A_481 : i32 to vector<16xi32>
          %jit3A_483 = arith.constant 8 : i32
          %div3A_484 = arith.divsi %scan3A_480, %jit3A_483 : i32
          %sign3A_485 = arith.constant 0 : i32
          %sign3A_486 = arith.cmpi sgt, %scan3A_480, %sign3A_485 : i32
          %sign3A_487 = arith.extui %sign3A_486 : i1 to i32
          %sign3A_488 = arith.constant 0 : i32
          %sign3A_489 = arith.cmpi slt, %scan3A_480, %sign3A_488 : i32
          %sign3A_490 = arith.extui %sign3A_489 : i1 to i32
          %sign3A_491 = arith.subi %sign3A_487, %sign3A_490 : i32
          %sign3A_492 = arith.constant 0 : i32
          %sign3A_493 = arith.cmpi sgt, %jit3A_483, %sign3A_492 : i32
          %sign3A_494 = arith.extui %sign3A_493 : i1 to i32
          %sign3A_495 = arith.constant 0 : i32
          %sign3A_496 = arith.cmpi slt, %jit3A_483, %sign3A_495 : i32
          %sign3A_497 = arith.extui %sign3A_496 : i1 to i32
          %sign3A_498 = arith.subi %sign3A_494, %sign3A_497 : i32
          %ne3A_499 = arith.cmpi ne, %sign3A_491, %sign3A_498 : i32
          %rem3A_500 = arith.remsi %scan3A_480, %jit3A_483 : i32
          %ne3A_501 = arith.constant 0 : i32
          %ne3A_502 = arith.cmpi ne, %rem3A_500, %ne3A_501 : i32
          %and3A_503 = arith.andi %ne3A_499, %ne3A_502 : i1
          %sub3A_504 = arith.constant 1 : i32
          %sub3A_505 = arith.subi %div3A_484, %sub3A_504 : i32
          %select_n3A_506 = arith.select %and3A_503, %sub3A_505, %div3A_484 : i32
          %jit3A_507 = arith.constant 8 : i32
          %eq3A_508 = arith.constant 0 : i32
          %eq3A_509 = arith.cmpi eq, %jit3A_507, %eq3A_508 : i32
          %jit3A_510 = arith.constant 1 : i32
          %select_n3A_511 = arith.select %eq3A_509, %jit3A_510, %jit3A_507 : i32
          %rem3A_512 = arith.remsi %scan3A_480, %select_n3A_511 : i32
          %ne3A_513 = arith.constant 0 : i32
          %ne3A_514 = arith.cmpi ne, %rem3A_512, %ne3A_513 : i32
          %lt3A_515 = arith.constant 0 : i32
          %lt3A_516 = arith.cmpi slt, %rem3A_512, %lt3A_515 : i32
          %lt3A_517 = arith.constant 0 : i32
          %lt3A_518 = arith.cmpi slt, %select_n3A_511, %lt3A_517 : i32
          %ne3A_519 = arith.xori %lt3A_516, %lt3A_518 : i1
          %and3A_520 = arith.andi %ne3A_519, %ne3A_514 : i1
          %add3A_521 = arith.addi %rem3A_512, %select_n3A_511 : i32
          %select_n3A_522 = arith.select %and3A_520, %add3A_521, %rem3A_512 : i32
          %mul3A_523 = arith.constant 16 : i32
          %mul3A_524 = arith.muli %select_n3A_522, %mul3A_523 : i32
          %swap3A_525 = arith.index_cast %select_n3A_506 : i32 to index
          %swap3A_526 = arith.index_cast %mul3A_524 : i32 to index
          %swap3A_527 = tpu.vector_load %arg9[%swap3A_525, %swap3A_526] {strides = array<i32>} : memref<32x128xi32, #tpu.memory_space<vmem>>, vector<16xi32>,
          tpu.vector_store %arg9[%swap3A_525, %swap3A_526], %broadcast_in_dim3A_482 {strides = array<i32>} : memref<32x128xi32, #tpu.memory_space<vmem>>, vector<16xi32>,
          %scan3A_528 = arith.constant 5 : i32
          %scan3A_529 = arith.addi %scan3A_285, %scan3A_528 : i32
          %broadcast_in_dim3A_530 = arith.constant 0 : i32
          %broadcast_in_dim3A_531 = vector.broadcast %broadcast_in_dim3A_530 : i32 to vector<16xi32>
          %jit3A_532 = arith.constant 8 : i32
          %div3A_533 = arith.divsi %scan3A_529, %jit3A_532 : i32
          %sign3A_534 = arith.constant 0 : i32
          %sign3A_535 = arith.cmpi sgt, %scan3A_529, %sign3A_534 : i32
          %sign3A_536 = arith.extui %sign3A_535 : i1 to i32
          %sign3A_537 = arith.constant 0 : i32
          %sign3A_538 = arith.cmpi slt, %scan3A_529, %sign3A_537 : i32
          %sign3A_539 = arith.extui %sign3A_538 : i1 to i32
          %sign3A_540 = arith.subi %sign3A_536, %sign3A_539 : i32
          %sign3A_541 = arith.constant 0 : i32
          %sign3A_542 = arith.cmpi sgt, %jit3A_532, %sign3A_541 : i32
          %sign3A_543 = arith.extui %sign3A_542 : i1 to i32
          %sign3A_544 = arith.constant 0 : i32
          %sign3A_545 = arith.cmpi slt, %jit3A_532, %sign3A_544 : i32
          %sign3A_546 = arith.extui %sign3A_545 : i1 to i32
          %sign3A_547 = arith.subi %sign3A_543, %sign3A_546 : i32
          %ne3A_548 = arith.cmpi ne, %sign3A_540, %sign3A_547 : i32
          %rem3A_549 = arith.remsi %scan3A_529, %jit3A_532 : i32
          %ne3A_550 = arith.constant 0 : i32
          %ne3A_551 = arith.cmpi ne, %rem3A_549, %ne3A_550 : i32
          %and3A_552 = arith.andi %ne3A_548, %ne3A_551 : i1
          %sub3A_553 = arith.constant 1 : i32
          %sub3A_554 = arith.subi %div3A_533, %sub3A_553 : i32
          %select_n3A_555 = arith.select %and3A_552, %sub3A_554, %div3A_533 : i32
          %jit3A_556 = arith.constant 8 : i32
          %eq3A_557 = arith.constant 0 : i32
          %eq3A_558 = arith.cmpi eq, %jit3A_556, %eq3A_557 : i32
          %jit3A_559 = arith.constant 1 : i32
          %select_n3A_560 = arith.select %eq3A_558, %jit3A_559, %jit3A_556 : i32
          %rem3A_561 = arith.remsi %scan3A_529, %select_n3A_560 : i32
          %ne3A_562 = arith.constant 0 : i32
          %ne3A_563 = arith.cmpi ne, %rem3A_561, %ne3A_562 : i32
          %lt3A_564 = arith.constant 0 : i32
          %lt3A_565 = arith.cmpi slt, %rem3A_561, %lt3A_564 : i32
          %lt3A_566 = arith.constant 0 : i32
          %lt3A_567 = arith.cmpi slt, %select_n3A_560, %lt3A_566 : i32
          %ne3A_568 = arith.xori %lt3A_565, %lt3A_567 : i1
          %and3A_569 = arith.andi %ne3A_568, %ne3A_563 : i1
          %add3A_570 = arith.addi %rem3A_561, %select_n3A_560 : i32
          %select_n3A_571 = arith.select %and3A_569, %add3A_570, %rem3A_561 : i32
          %mul3A_572 = arith.constant 16 : i32
          %mul3A_573 = arith.muli %select_n3A_571, %mul3A_572 : i32
          %swap3A_574 = arith.index_cast %select_n3A_555 : i32 to index
          %swap3A_575 = arith.index_cast %mul3A_573 : i32 to index
          %swap3A_576 = tpu.vector_load %arg9[%swap3A_574, %swap3A_575] {strides = array<i32>} : memref<32x128xi32, #tpu.memory_space<vmem>>, vector<16xi32>,
          tpu.vector_store %arg9[%swap3A_574, %swap3A_575], %broadcast_in_dim3A_531 {strides = array<i32>} : memref<32x128xi32, #tpu.memory_space<vmem>>, vector<16xi32>,
          %scan3A_577 = arith.constant 6 : i32
          %scan3A_578 = arith.addi %scan3A_285, %scan3A_577 : i32
          %broadcast_in_dim3A_579 = arith.constant 0 : i32
          %broadcast_in_dim3A_580 = vector.broadcast %broadcast_in_dim3A_579 : i32 to vector<16xi32>
          %jit3A_581 = arith.constant 8 : i32
          %div3A_582 = arith.divsi %scan3A_578, %jit3A_581 : i32
          %sign3A_583 = arith.constant 0 : i32
          %sign3A_584 = arith.cmpi sgt, %scan3A_578, %sign3A_583 : i32
          %sign3A_585 = arith.extui %sign3A_584 : i1 to i32
          %sign3A_586 = arith.constant 0 : i32
          %sign3A_587 = arith.cmpi slt, %scan3A_578, %sign3A_586 : i32
          %sign3A_588 = arith.extui %sign3A_587 : i1 to i32
          %sign3A_589 = arith.subi %sign3A_585, %sign3A_588 : i32
          %sign3A_590 = arith.constant 0 : i32
          %sign3A_591 = arith.cmpi sgt, %jit3A_581, %sign3A_590 : i32
          %sign3A_592 = arith.extui %sign3A_591 : i1 to i32
          %sign3A_593 = arith.constant 0 : i32
          %sign3A_594 = arith.cmpi slt, %jit3A_581, %sign3A_593 : i32
          %sign3A_595 = arith.extui %sign3A_594 : i1 to i32
          %sign3A_596 = arith.subi %sign3A_592, %sign3A_595 : i32
          %ne3A_597 = arith.cmpi ne, %sign3A_589, %sign3A_596 : i32
          %rem3A_598 = arith.remsi %scan3A_578, %jit3A_581 : i32
          %ne3A_599 = arith.constant 0 : i32
          %ne3A_600 = arith.cmpi ne, %rem3A_598, %ne3A_599 : i32
          %and3A_601 = arith.andi %ne3A_597, %ne3A_600 : i1
          %sub3A_602 = arith.constant 1 : i32
          %sub3A_603 = arith.subi %div3A_582, %sub3A_602 : i32
          %select_n3A_604 = arith.select %and3A_601, %sub3A_603, %div3A_582 : i32
          %jit3A_605 = arith.constant 8 : i32
          %eq3A_606 = arith.constant 0 : i32
          %eq3A_607 = arith.cmpi eq, %jit3A_605, %eq3A_606 : i32
          %jit3A_608 = arith.constant 1 : i32
          %select_n3A_609 = arith.select %eq3A_607, %jit3A_608, %jit3A_605 : i32
          %rem3A_610 = arith.remsi %scan3A_578, %select_n3A_609 : i32
          %ne3A_611 = arith.constant 0 : i32
          %ne3A_612 = arith.cmpi ne, %rem3A_610, %ne3A_611 : i32
          %lt3A_613 = arith.constant 0 : i32
          %lt3A_614 = arith.cmpi slt, %rem3A_610, %lt3A_613 : i32
          %lt3A_615 = arith.constant 0 : i32
          %lt3A_616 = arith.cmpi slt, %select_n3A_609, %lt3A_615 : i32
          %ne3A_617 = arith.xori %lt3A_614, %lt3A_616 : i1
          %and3A_618 = arith.andi %ne3A_617, %ne3A_612 : i1
          %add3A_619 = arith.addi %rem3A_610, %select_n3A_609 : i32
          %select_n3A_620 = arith.select %and3A_618, %add3A_619, %rem3A_610 : i32
          %mul3A_621 = arith.constant 16 : i32
          %mul3A_622 = arith.muli %select_n3A_620, %mul3A_621 : i32
          %swap3A_623 = arith.index_cast %select_n3A_604 : i32 to index
          %swap3A_624 = arith.index_cast %mul3A_622 : i32 to index
          %swap3A_625 = tpu.vector_load %arg9[%swap3A_623, %swap3A_624] {strides = array<i32>} : memref<32x128xi32, #tpu.memory_space<vmem>>, vector<16xi32>,
          tpu.vector_store %arg9[%swap3A_623, %swap3A_624], %broadcast_in_dim3A_580 {strides = array<i32>} : memref<32x128xi32, #tpu.memory_space<vmem>>, vector<16xi32>,
          %scan3A_626 = arith.constant 7 : i32
          %scan3A_627 = arith.addi %scan3A_285, %scan3A_626 : i32
          %broadcast_in_dim3A_628 = arith.constant 0 : i32
          %broadcast_in_dim3A_629 = vector.broadcast %broadcast_in_dim3A_628 : i32 to vector<16xi32>
          %jit3A_630 = arith.constant 8 : i32
          %div3A_631 = arith.divsi %scan3A_627, %jit3A_630 : i32
          %sign3A_632 = arith.constant 0 : i32
          %sign3A_633 = arith.cmpi sgt, %scan3A_627, %sign3A_632 : i32
          %sign3A_634 = arith.extui %sign3A_633 : i1 to i32
          %sign3A_635 = arith.constant 0 : i32
          %sign3A_636 = arith.cmpi slt, %scan3A_627, %sign3A_635 : i32
          %sign3A_637 = arith.extui %sign3A_636 : i1 to i32
          %sign3A_638 = arith.subi %sign3A_634, %sign3A_637 : i32
          %sign3A_639 = arith.constant 0 : i32
          %sign3A_640 = arith.cmpi sgt, %jit3A_630, %sign3A_639 : i32
          %sign3A_641 = arith.extui %sign3A_640 : i1 to i32
          %sign3A_642 = arith.constant 0 : i32
          %sign3A_643 = arith.cmpi slt, %jit3A_630, %sign3A_642 : i32
          %sign3A_644 = arith.extui %sign3A_643 : i1 to i32
          %sign3A_645 = arith.subi %sign3A_641, %sign3A_644 : i32
          %ne3A_646 = arith.cmpi ne, %sign3A_638, %sign3A_645 : i32
          %rem3A_647 = arith.remsi %scan3A_627, %jit3A_630 : i32
          %ne3A_648 = arith.constant 0 : i32
          %ne3A_649 = arith.cmpi ne, %rem3A_647, %ne3A_648 : i32
          %and3A_650 = arith.andi %ne3A_646, %ne3A_649 : i1
          %sub3A_651 = arith.constant 1 : i32
          %sub3A_652 = arith.subi %div3A_631, %sub3A_651 : i32
          %select_n3A_653 = arith.select %and3A_650, %sub3A_652, %div3A_631 : i32
          %jit3A_654 = arith.constant 8 : i32
          %eq3A_655 = arith.constant 0 : i32
          %eq3A_656 = arith.cmpi eq, %jit3A_654, %eq3A_655 : i32
          %jit3A_657 = arith.constant 1 : i32
          %select_n3A_658 = arith.select %eq3A_656, %jit3A_657, %jit3A_654 : i32
          %rem3A_659 = arith.remsi %scan3A_627, %select_n3A_658 : i32
          %ne3A_660 = arith.constant 0 : i32
          %ne3A_661 = arith.cmpi ne, %rem3A_659, %ne3A_660 : i32
          %lt3A_662 = arith.constant 0 : i32
          %lt3A_663 = arith.cmpi slt, %rem3A_659, %lt3A_662 : i32
          %lt3A_664 = arith.constant 0 : i32
          %lt3A_665 = arith.cmpi slt, %select_n3A_658, %lt3A_664 : i32
          %ne3A_666 = arith.xori %lt3A_663, %lt3A_665 : i1
          %and3A_667 = arith.andi %ne3A_666, %ne3A_661 : i1
          %add3A_668 = arith.addi %rem3A_659, %select_n3A_658 : i32
          %select_n3A_669 = arith.select %and3A_667, %add3A_668, %rem3A_659 : i32
          %mul3A_670 = arith.constant 16 : i32
          %mul3A_671 = arith.muli %select_n3A_669, %mul3A_670 : i32
          %swap3A_672 = arith.index_cast %select_n3A_653 : i32 to index
          %swap3A_673 = arith.index_cast %mul3A_671 : i32 to index
          %swap3A_674 = tpu.vector_load %arg9[%swap3A_672, %swap3A_673] {strides = array<i32>} : memref<32x128xi32, #tpu.memory_space<vmem>>, vector<16xi32>,
          tpu.vector_store %arg9[%swap3A_672, %swap3A_673], %broadcast_in_dim3A_629 {strides = array<i32>} : memref<32x128xi32, #tpu.memory_space<vmem>>, vector<16xi32>,
        }
        %scan3A_271 = arith.constant 256 : i32
        %scan3A_272 = arith.constant 0 : i32
        %scan3A_273 = arith.constant 0 : i32
        %scan3A_274 = arith.constant 256 : i32
        %scan3A_275 = arith.addi %scan3A_273, %scan3A_274 : i32
        %scan3A_276 = arith.constant 4 : i32
        scf.for %scan3A_285 = %scan3A_273 to %scan3A_275 step %scan3A_276  : i32 {
          %jit3A_286 = arith.constant 8 : i32
          %div3A_287 = arith.divsi %scan3A_285, %jit3A_286 : i32
          %sign3A_288 = arith.constant 0 : i32
          %sign3A_289 = arith.cmpi sgt, %scan3A_285, %sign3A_288 : i32
          %sign3A_290 = arith.extui %sign3A_289 : i1 to i32
          %sign3A_291 = arith.constant 0 : i32
          %sign3A_292 = arith.cmpi slt, %scan3A_285, %sign3A_291 : i32
          %sign3A_293 = arith.extui %sign3A_292 : i1 to i32
          %sign3A_294 = arith.subi %sign3A_290, %sign3A_293 : i32
          %sign3A_295 = arith.constant 0 : i32
          %sign3A_296 = arith.cmpi sgt, %jit3A_286, %sign3A_295 : i32
          %sign3A_297 = arith.extui %sign3A_296 : i1 to i32
          %sign3A_298 = arith.constant 0 : i32
          %sign3A_299 = arith.cmpi slt, %jit3A_286, %sign3A_298 : i32
          %sign3A_300 = arith.extui %sign3A_299 : i1 to i32
          %sign3A_301 = arith.subi %sign3A_297, %sign3A_300 : i32
          %ne3A_302 = arith.cmpi ne, %sign3A_294, %sign3A_301 : i32
          %rem3A_303 = arith.remsi %scan3A_285, %jit3A_286 : i32
          %ne3A_304 = arith.constant 0 : i32
          %ne3A_305 = arith.cmpi ne, %rem3A_303, %ne3A_304 : i32
          %and3A_306 = arith.andi %ne3A_302, %ne3A_305 : i1
          %sub3A_307 = arith.constant 1 : i32
          %sub3A_308 = arith.subi %div3A_287, %sub3A_307 : i32
          %select_n3A_309 = arith.select %and3A_306, %sub3A_308, %div3A_287 : i32
          %jit3A_310 = arith.constant 8 : i32
          %eq3A_311 = arith.constant 0 : i32
          %eq3A_312 = arith.cmpi eq, %jit3A_310, %eq3A_311 : i32
          %jit3A_313 = arith.constant 1 : i32
          %select_n3A_314 = arith.select %eq3A_312, %jit3A_313, %jit3A_310 : i32
          %rem3A_315 = arith.remsi %scan3A_285, %select_n3A_314 : i32
          %ne3A_316 = arith.constant 0 : i32
          %ne3A_317 = arith.cmpi ne, %rem3A_315, %ne3A_316 : i32
          %lt3A_318 = arith.constant 0 : i32
          %lt3A_319 = arith.cmpi slt, %rem3A_315, %lt3A_318 : i32
          %lt3A_320 = arith.constant 0 : i32
          %lt3A_321 = arith.cmpi slt, %select_n3A_314, %lt3A_320 : i32
          %ne3A_322 = arith.xori %lt3A_319, %lt3A_321 : i1
          %and3A_323 = arith.andi %ne3A_322, %ne3A_317 : i1
          %add3A_324 = arith.addi %rem3A_315, %select_n3A_314 : i32
          %select_n3A_325 = arith.select %and3A_323, %add3A_324, %rem3A_315 : i32
          %mul3A_326 = arith.constant 16 : i32
          %mul3A_327 = arith.muli %select_n3A_325, %mul3A_326 : i32
          %get3A = arith.index_cast %select_n3A_309 : i32 to index
          %get3A_328 = arith.index_cast %mul3A_327 : i32 to index
          %get3A_329 = tpu.vector_load %arg8[%get3A, %get3A_328] {strides = array<i32>} : memref<32x128xf32, #tpu.memory_space<vmem>>, vector<16xf32>,
          %mul3A_330 = arith.constant 8.192000e+03 : f32
          %mul3A_331 = vector.broadcast %mul3A_330 : f32 to vector<16xf32>
          %mul3A_332 = arith.mulf %get3A_329, %mul3A_331 : vector<16xf32>
          %mul3A_333 = arith.constant 16 : i32
          %mul3A_334 = arith.muli %scan3A_285, %mul3A_333 : i32
          %sub3A_335 = arith.constant 1 : i32
          %sub3A_336 = arith.subi %mul3A_334, %sub3A_335 : i32
          %broadcast_in_dim3A_337 = vector.broadcast %sub3A_336 : i32 to vector<16xi32>
          %add3A_338 = arith.addi %broadcast_in_dim3A_337, %iota3A : vector<16xi32>
          %ge3A = arith.constant 0 : i32
          %ge3A_339 = vector.broadcast %ge3A : i32 to vector<16xi32>
          %ge3A_340 = arith.cmpi sge, %add3A_338, %ge3A_339 : vector<16xi32>
          %max3A = arith.constant 0 : i32
          %max3A_341 = vector.broadcast %max3A : i32 to vector<16xi32>
          %max3A_342 = arith.maxsi %add3A_338, %max3A_341 : vector<16xi32>
          %shift_right_arithmetic3A = arith.constant 7 : i32
          %shift_right_arithmetic3A_343 = vector.broadcast %shift_right_arithmetic3A : i32 to vector<16xi32>
          %shift_right_arithmetic3A_344 = arith.shrsi %max3A_342, %shift_right_arithmetic3A_343 : vector<16xi32>
          %and3A_345 = arith.constant 127 : i32
          %and3A_346 = vector.broadcast %and3A_345 : i32 to vector<16xi32>
          %and3A_347 = arith.andi %max3A_342, %and3A_346 : vector<16xi32>
          %gather3A_348 = tpu.vector_load_idx %arg8[%shift_right_arithmetic3A_344, %and3A_347] : memref<32x128xf32, #tpu.memory_space<vmem>>[vector<16xi32>, vector<16xi32>], vector<16xf32>,
          %mul3A_349 = arith.constant 8.192000e+03 : f32
          %mul3A_350 = vector.broadcast %mul3A_349 : f32 to vector<16xf32>
          %mul3A_351 = arith.mulf %gather3A_348, %mul3A_350 : vector<16xf32>
          %jit3A_352 = arith.constant 0.000000e+00 : f32
          %broadcast_in_dim3A_353 = vector.broadcast %jit3A_352 : f32 to vector<16xf32>
          %select_n3A_354 = arith.select %ge3A_340, %mul3A_351, %broadcast_in_dim3A_353 : vector<16xi1>, vector<16xf32>
          %sub3A_355 = arith.constant 1.000000e+00 : f32
          %sub3A_356 = vector.broadcast %sub3A_355 : f32 to vector<16xf32>
          %sub3A_357 = arith.subf %mul3A_332, %sub3A_356 : vector<16xf32>
          %mul3A_358 = arith.constant 5.000000e-01 : f32
          %mul3A_359 = vector.broadcast %mul3A_358 : f32 to vector<16xf32>
          %mul3A_360 = arith.mulf %sub3A_357, %mul3A_359 : vector<16xf32>
          %convert_element_type3A_361 = arith.fptosi %mul3A_360 : vector<16xf32> to vector<16xi32>
          %convert_element_type3A_362 = arith.sitofp %convert_element_type3A_361 : vector<16xi32> to vector<16xf32>
          %mul3A_363 = arith.constant 2.000000e+00 : f32
          %mul3A_364 = vector.broadcast %mul3A_363 : f32 to vector<16xf32>
          %mul3A_365 = arith.mulf %mul3A_364, %convert_element_type3A_362 : vector<16xf32>
          %add3A_366 = arith.constant 1.000000e+00 : f32
          %add3A_367 = vector.broadcast %add3A_366 : f32 to vector<16xf32>
          %add3A_368 = arith.addf %mul3A_365, %add3A_367 : vector<16xf32>
          %gt3A_369 = arith.cmpf ogt, %add3A_368, %mul3A_332 : vector<16xf32>
          %convert_element_type3A_370 = arith.extui %gt3A_369 : vector<16xi1> to vector<16xi32>
          %sub3A_371 = arith.subi %convert_element_type3A_361, %convert_element_type3A_370 : vector<16xi32>
          %convert_element_type3A_372 = arith.sitofp %sub3A_371 : vector<16xi32> to vector<16xf32>
          %mul3A_373 = arith.constant 2.000000e+00 : f32
          %mul3A_374 = vector.broadcast %mul3A_373 : f32 to vector<16xf32>
          %mul3A_375 = arith.mulf %mul3A_374, %convert_element_type3A_372 : vector<16xf32>
          %add3A_376 = arith.constant 1.000000e+00 : f32
          %add3A_377 = vector.broadcast %add3A_376 : f32 to vector<16xf32>
          %add3A_378 = arith.addf %mul3A_375, %add3A_377 : vector<16xf32>
          %gt3A_379 = arith.cmpf ogt, %add3A_378, %mul3A_332 : vector<16xf32>
          %convert_element_type3A_380 = arith.extui %gt3A_379 : vector<16xi1> to vector<16xi32>
          %sub3A_381 = arith.subi %sub3A_371, %convert_element_type3A_380 : vector<16xi32>
          %add3A_382 = arith.constant 1 : i32
          %add3A_383 = vector.broadcast %add3A_382 : i32 to vector<16xi32>
          %add3A_384 = arith.addi %sub3A_381, %add3A_383 : vector<16xi32>
          %convert_element_type3A_385 = arith.sitofp %add3A_384 : vector<16xi32> to vector<16xf32>
          %mul3A_386 = arith.constant 2.000000e+00 : f32
          %mul3A_387 = vector.broadcast %mul3A_386 : f32 to vector<16xf32>
          %mul3A_388 = arith.mulf %mul3A_387, %convert_element_type3A_385 : vector<16xf32>
          %add3A_389 = arith.constant 1.000000e+00 : f32
          %add3A_390 = vector.broadcast %add3A_389 : f32 to vector<16xf32>
          %add3A_391 = arith.addf %mul3A_388, %add3A_390 : vector<16xf32>
          %le3A = arith.cmpf ole, %add3A_391, %mul3A_332 : vector<16xf32>
          %convert_element_type3A_392 = arith.extui %le3A : vector<16xi1> to vector<16xi32>
          %add3A_393 = arith.addi %sub3A_381, %convert_element_type3A_392 : vector<16xi32>
          %add3A_394 = arith.constant 1 : i32
          %add3A_395 = vector.broadcast %add3A_394 : i32 to vector<16xi32>
          %add3A_396 = arith.addi %add3A_393, %add3A_395 : vector<16xi32>
          %convert_element_type3A_397 = arith.sitofp %add3A_396 : vector<16xi32> to vector<16xf32>
          %mul3A_398 = arith.constant 2.000000e+00 : f32
          %mul3A_399 = vector.broadcast %mul3A_398 : f32 to vector<16xf32>
          %mul3A_400 = arith.mulf %mul3A_399, %convert_element_type3A_397 : vector<16xf32>
          %add3A_401 = arith.constant 1.000000e+00 : f32
          %add3A_402 = vector.broadcast %add3A_401 : f32 to vector<16xf32>
          %add3A_403 = arith.addf %mul3A_400, %add3A_402 : vector<16xf32>
          %le3A_404 = arith.cmpf ole, %add3A_403, %mul3A_332 : vector<16xf32>
          %convert_element_type3A_405 = arith.extui %le3A_404 : vector<16xi1> to vector<16xi32>
          %add3A_406 = arith.addi %add3A_393, %convert_element_type3A_405 : vector<16xi32>
          %add3A_407 = arith.constant 1 : i32
          %add3A_408 = vector.broadcast %add3A_407 : i32 to vector<16xi32>
          %add3A_409 = arith.addi %add3A_406, %add3A_408 : vector<16xi32>
          %jit3A_410 = arith.constant 0 : i32
          %jit3A_411 = arith.constant 4096 : i32
          %max3A_412 = vector.broadcast %jit3A_410 : i32 to vector<16xi32>
          %max3A_413 = arith.maxsi %max3A_412, %add3A_409 : vector<16xi32>
          %min3A = vector.broadcast %jit3A_411 : i32 to vector<16xi32>
          %min3A_414 = arith.minsi %min3A, %max3A_413 : vector<16xi32>
          %sub3A_415 = arith.constant 1.000000e+00 : f32
          %sub3A_416 = vector.broadcast %sub3A_415 : f32 to vector<16xf32>
          %sub3A_417 = arith.subf %select_n3A_354, %sub3A_416 : vector<16xf32>
          %mul3A_418 = arith.constant 5.000000e-01 : f32
          %mul3A_419 = vector.broadcast %mul3A_418 : f32 to vector<16xf32>
          %mul3A_420 = arith.mulf %sub3A_417, %mul3A_419 : vector<16xf32>
          %convert_element_type3A_421 = arith.fptosi %mul3A_420 : vector<16xf32> to vector<16xi32>
          %convert_element_type3A_422 = arith.sitofp %convert_element_type3A_421 : vector<16xi32> to vector<16xf32>
          %mul3A_423 = arith.constant 2.000000e+00 : f32
          %mul3A_424 = vector.broadcast %mul3A_423 : f32 to vector<16xf32>
          %mul3A_425 = arith.mulf %mul3A_424, %convert_element_type3A_422 : vector<16xf32>
          %add3A_426 = arith.constant 1.000000e+00 : f32
          %add3A_427 = vector.broadcast %add3A_426 : f32 to vector<16xf32>
          %add3A_428 = arith.addf %mul3A_425, %add3A_427 : vector<16xf32>
          %gt3A_429 = arith.cmpf ogt, %add3A_428, %select_n3A_354 : vector<16xf32>
          %convert_element_type3A_430 = arith.extui %gt3A_429 : vector<16xi1> to vector<16xi32>
          %sub3A_431 = arith.subi %convert_element_type3A_421, %convert_element_type3A_430 : vector<16xi32>
          %convert_element_type3A_432 = arith.sitofp %sub3A_431 : vector<16xi32> to vector<16xf32>
          %mul3A_433 = arith.constant 2.000000e+00 : f32
          %mul3A_434 = vector.broadcast %mul3A_433 : f32 to vector<16xf32>
          %mul3A_435 = arith.mulf %mul3A_434, %convert_element_type3A_432 : vector<16xf32>
          %add3A_436 = arith.constant 1.000000e+00 : f32
          %add3A_437 = vector.broadcast %add3A_436 : f32 to vector<16xf32>
          %add3A_438 = arith.addf %mul3A_435, %add3A_437 : vector<16xf32>
          %gt3A_439 = arith.cmpf ogt, %add3A_438, %select_n3A_354 : vector<16xf32>
          %convert_element_type3A_440 = arith.extui %gt3A_439 : vector<16xi1> to vector<16xi32>
          %sub3A_441 = arith.subi %sub3A_431, %convert_element_type3A_440 : vector<16xi32>
          %add3A_442 = arith.constant 1 : i32
          %add3A_443 = vector.broadcast %add3A_442 : i32 to vector<16xi32>
          %add3A_444 = arith.addi %sub3A_441, %add3A_443 : vector<16xi32>
          %convert_element_type3A_445 = arith.sitofp %add3A_444 : vector<16xi32> to vector<16xf32>
          %mul3A_446 = arith.constant 2.000000e+00 : f32
          %mul3A_447 = vector.broadcast %mul3A_446 : f32 to vector<16xf32>
          %mul3A_448 = arith.mulf %mul3A_447, %convert_element_type3A_445 : vector<16xf32>
          %add3A_449 = arith.constant 1.000000e+00 : f32
          %add3A_450 = vector.broadcast %add3A_449 : f32 to vector<16xf32>
          %add3A_451 = arith.addf %mul3A_448, %add3A_450 : vector<16xf32>
          %le3A_452 = arith.cmpf ole, %add3A_451, %select_n3A_354 : vector<16xf32>
          %convert_element_type3A_453 = arith.extui %le3A_452 : vector<16xi1> to vector<16xi32>
          %add3A_454 = arith.addi %sub3A_441, %convert_element_type3A_453 : vector<16xi32>
          %add3A_455 = arith.constant 1 : i32
          %add3A_456 = vector.broadcast %add3A_455 : i32 to vector<16xi32>
          %add3A_457 = arith.addi %add3A_454, %add3A_456 : vector<16xi32>
          %convert_element_type3A_458 = arith.sitofp %add3A_457 : vector<16xi32> to vector<16xf32>
          %mul3A_459 = arith.constant 2.000000e+00 : f32
          %mul3A_460 = vector.broadcast %mul3A_459 : f32 to vector<16xf32>
          %mul3A_461 = arith.mulf %mul3A_460, %convert_element_type3A_458 : vector<16xf32>
          %add3A_462 = arith.constant 1.000000e+00 : f32
          %add3A_463 = vector.broadcast %add3A_462 : f32 to vector<16xf32>
          %add3A_464 = arith.addf %mul3A_461, %add3A_463 : vector<16xf32>
          %le3A_465 = arith.cmpf ole, %add3A_464, %select_n3A_354 : vector<16xf32>
          %convert_element_type3A_466 = arith.extui %le3A_465 : vector<16xi1> to vector<16xi32>
          %add3A_467 = arith.addi %add3A_454, %convert_element_type3A_466 : vector<16xi32>
          %add3A_468 = arith.constant 1 : i32
          %add3A_469 = vector.broadcast %add3A_468 : i32 to vector<16xi32>
          %add3A_470 = arith.addi %add3A_467, %add3A_469 : vector<16xi32>
          %jit3A_471 = arith.constant 0 : i32
          %jit3A_472 = arith.constant 4096 : i32
          %max3A_473 = vector.broadcast %jit3A_471 : i32 to vector<16xi32>
          %max3A_474 = arith.maxsi %max3A_473, %add3A_470 : vector<16xi32>
          %min3A_475 = vector.broadcast %jit3A_472 : i32 to vector<16xi32>
          %min3A_476 = arith.minsi %min3A_475, %max3A_474 : vector<16xi32>
          %mul3A_477 = arith.constant 4096 : i32
          %mul3A_478 = arith.muli %add3A_68, %mul3A_477 : i32
          %mul3A_479 = arith.constant 16 : i32
          %mul3A_480 = arith.muli %scan3A_285, %mul3A_479 : i32
          %add3A_481 = arith.addi %mul3A_478, %mul3A_480 : i32
          %broadcast_in_dim3A_482 = vector.broadcast %add3A_481 : i32 to vector<16xi32>
          %add3A_483 = arith.addi %broadcast_in_dim3A_482, %iota3A : vector<16xi32>
          %min3A_484 = arith.constant 4095 : i32
          %min3A_485 = vector.broadcast %min3A_484 : i32 to vector<16xi32>
          %min3A_486 = arith.minsi %min3A_476, %min3A_485 : vector<16xi32>
          %shift_right_arithmetic3A_487 = arith.constant 7 : i32
          %shift_right_arithmetic3A_488 = vector.broadcast %shift_right_arithmetic3A_487 : i32 to vector<16xi32>
          %shift_right_arithmetic3A_489 = arith.shrsi %min3A_486, %shift_right_arithmetic3A_488 : vector<16xi32>
          %and3A_490 = arith.constant 127 : i32
          %and3A_491 = vector.broadcast %and3A_490 : i32 to vector<16xi32>
          %and3A_492 = arith.andi %min3A_486, %and3A_491 : vector<16xi32>
          %gt3A_493 = arith.cmpi sgt, %min3A_414, %min3A_476 : vector<16xi32>
          tpu.vector_store_idx %arg9[%shift_right_arithmetic3A_489, %and3A_492], %add3A_483 masked %gt3A_493 : memref<32x128xi32, #tpu.memory_space<vmem>>[vector<16xi32>, vector<16xi32>], vector<16xi32>, vector<16xi1>
          %scan3A_494 = arith.constant 1 : i32
          %scan3A_495 = arith.addi %scan3A_285, %scan3A_494 : i32
          %jit3A_496 = arith.constant 8 : i32
          %div3A_497 = arith.divsi %scan3A_495, %jit3A_496 : i32
          %sign3A_498 = arith.constant 0 : i32
          %sign3A_499 = arith.cmpi sgt, %scan3A_495, %sign3A_498 : i32
          %sign3A_500 = arith.extui %sign3A_499 : i1 to i32
          %sign3A_501 = arith.constant 0 : i32
          %sign3A_502 = arith.cmpi slt, %scan3A_495, %sign3A_501 : i32
          %sign3A_503 = arith.extui %sign3A_502 : i1 to i32
          %sign3A_504 = arith.subi %sign3A_500, %sign3A_503 : i32
          %sign3A_505 = arith.constant 0 : i32
          %sign3A_506 = arith.cmpi sgt, %jit3A_496, %sign3A_505 : i32
          %sign3A_507 = arith.extui %sign3A_506 : i1 to i32
          %sign3A_508 = arith.constant 0 : i32
          %sign3A_509 = arith.cmpi slt, %jit3A_496, %sign3A_508 : i32
          %sign3A_510 = arith.extui %sign3A_509 : i1 to i32
          %sign3A_511 = arith.subi %sign3A_507, %sign3A_510 : i32
          %ne3A_512 = arith.cmpi ne, %sign3A_504, %sign3A_511 : i32
          %rem3A_513 = arith.remsi %scan3A_495, %jit3A_496 : i32
          %ne3A_514 = arith.constant 0 : i32
          %ne3A_515 = arith.cmpi ne, %rem3A_513, %ne3A_514 : i32
          %and3A_516 = arith.andi %ne3A_512, %ne3A_515 : i1
          %sub3A_517 = arith.constant 1 : i32
          %sub3A_518 = arith.subi %div3A_497, %sub3A_517 : i32
          %select_n3A_519 = arith.select %and3A_516, %sub3A_518, %div3A_497 : i32
          %jit3A_520 = arith.constant 8 : i32
          %eq3A_521 = arith.constant 0 : i32
          %eq3A_522 = arith.cmpi eq, %jit3A_520, %eq3A_521 : i32
          %jit3A_523 = arith.constant 1 : i32
          %select_n3A_524 = arith.select %eq3A_522, %jit3A_523, %jit3A_520 : i32
          %rem3A_525 = arith.remsi %scan3A_495, %select_n3A_524 : i32
          %ne3A_526 = arith.constant 0 : i32
          %ne3A_527 = arith.cmpi ne, %rem3A_525, %ne3A_526 : i32
          %lt3A_528 = arith.constant 0 : i32
          %lt3A_529 = arith.cmpi slt, %rem3A_525, %lt3A_528 : i32
          %lt3A_530 = arith.constant 0 : i32
          %lt3A_531 = arith.cmpi slt, %select_n3A_524, %lt3A_530 : i32
          %ne3A_532 = arith.xori %lt3A_529, %lt3A_531 : i1
          %and3A_533 = arith.andi %ne3A_532, %ne3A_527 : i1
          %add3A_534 = arith.addi %rem3A_525, %select_n3A_524 : i32
          %select_n3A_535 = arith.select %and3A_533, %add3A_534, %rem3A_525 : i32
          %mul3A_536 = arith.constant 16 : i32
          %mul3A_537 = arith.muli %select_n3A_535, %mul3A_536 : i32
          %get3A_538 = arith.index_cast %select_n3A_519 : i32 to index
          %get3A_539 = arith.index_cast %mul3A_537 : i32 to index
          %get3A_540 = tpu.vector_load %arg8[%get3A_538, %get3A_539] {strides = array<i32>} : memref<32x128xf32, #tpu.memory_space<vmem>>, vector<16xf32>,
          %mul3A_541 = arith.constant 8.192000e+03 : f32
          %mul3A_542 = vector.broadcast %mul3A_541 : f32 to vector<16xf32>
          %mul3A_543 = arith.mulf %get3A_540, %mul3A_542 : vector<16xf32>
          %mul3A_544 = arith.constant 16 : i32
          %mul3A_545 = arith.muli %scan3A_495, %mul3A_544 : i32
          %sub3A_546 = arith.constant 1 : i32
          %sub3A_547 = arith.subi %mul3A_545, %sub3A_546 : i32
          %broadcast_in_dim3A_548 = vector.broadcast %sub3A_547 : i32 to vector<16xi32>
          %add3A_549 = arith.addi %broadcast_in_dim3A_548, %iota3A : vector<16xi32>
          %ge3A_550 = arith.constant 0 : i32
          %ge3A_551 = vector.broadcast %ge3A_550 : i32 to vector<16xi32>
          %ge3A_552 = arith.cmpi sge, %add3A_549, %ge3A_551 : vector<16xi32>
          %max3A_553 = arith.constant 0 : i32
          %max3A_554 = vector.broadcast %max3A_553 : i32 to vector<16xi32>
          %max3A_555 = arith.maxsi %add3A_549, %max3A_554 : vector<16xi32>
          %shift_right_arithmetic3A_556 = arith.constant 7 : i32
          %shift_right_arithmetic3A_557 = vector.broadcast %shift_right_arithmetic3A_556 : i32 to vector<16xi32>
          %shift_right_arithmetic3A_558 = arith.shrsi %max3A_555, %shift_right_arithmetic3A_557 : vector<16xi32>
          %and3A_559 = arith.constant 127 : i32
          %and3A_560 = vector.broadcast %and3A_559 : i32 to vector<16xi32>
          %and3A_561 = arith.andi %max3A_555, %and3A_560 : vector<16xi32>
          %gather3A_562 = tpu.vector_load_idx %arg8[%shift_right_arithmetic3A_558, %and3A_561] : memref<32x128xf32, #tpu.memory_space<vmem>>[vector<16xi32>, vector<16xi32>], vector<16xf32>,
          %mul3A_563 = arith.constant 8.192000e+03 : f32
          %mul3A_564 = vector.broadcast %mul3A_563 : f32 to vector<16xf32>
          %mul3A_565 = arith.mulf %gather3A_562, %mul3A_564 : vector<16xf32>
          %jit3A_566 = arith.constant 0.000000e+00 : f32
          %broadcast_in_dim3A_567 = vector.broadcast %jit3A_566 : f32 to vector<16xf32>
          %select_n3A_568 = arith.select %ge3A_552, %mul3A_565, %broadcast_in_dim3A_567 : vector<16xi1>, vector<16xf32>
          %sub3A_569 = arith.constant 1.000000e+00 : f32
          %sub3A_570 = vector.broadcast %sub3A_569 : f32 to vector<16xf32>
          %sub3A_571 = arith.subf %mul3A_543, %sub3A_570 : vector<16xf32>
          %mul3A_572 = arith.constant 5.000000e-01 : f32
          %mul3A_573 = vector.broadcast %mul3A_572 : f32 to vector<16xf32>
          %mul3A_574 = arith.mulf %sub3A_571, %mul3A_573 : vector<16xf32>
          %convert_element_type3A_575 = arith.fptosi %mul3A_574 : vector<16xf32> to vector<16xi32>
          %convert_element_type3A_576 = arith.sitofp %convert_element_type3A_575 : vector<16xi32> to vector<16xf32>
          %mul3A_577 = arith.constant 2.000000e+00 : f32
          %mul3A_578 = vector.broadcast %mul3A_577 : f32 to vector<16xf32>
          %mul3A_579 = arith.mulf %mul3A_578, %convert_element_type3A_576 : vector<16xf32>
          %add3A_580 = arith.constant 1.000000e+00 : f32
          %add3A_581 = vector.broadcast %add3A_580 : f32 to vector<16xf32>
          %add3A_582 = arith.addf %mul3A_579, %add3A_581 : vector<16xf32>
          %gt3A_583 = arith.cmpf ogt, %add3A_582, %mul3A_543 : vector<16xf32>
          %convert_element_type3A_584 = arith.extui %gt3A_583 : vector<16xi1> to vector<16xi32>
          %sub3A_585 = arith.subi %convert_element_type3A_575, %convert_element_type3A_584 : vector<16xi32>
          %convert_element_type3A_586 = arith.sitofp %sub3A_585 : vector<16xi32> to vector<16xf32>
          %mul3A_587 = arith.constant 2.000000e+00 : f32
          %mul3A_588 = vector.broadcast %mul3A_587 : f32 to vector<16xf32>
          %mul3A_589 = arith.mulf %mul3A_588, %convert_element_type3A_586 : vector<16xf32>
          %add3A_590 = arith.constant 1.000000e+00 : f32
          %add3A_591 = vector.broadcast %add3A_590 : f32 to vector<16xf32>
          %add3A_592 = arith.addf %mul3A_589, %add3A_591 : vector<16xf32>
          %gt3A_593 = arith.cmpf ogt, %add3A_592, %mul3A_543 : vector<16xf32>
          %convert_element_type3A_594 = arith.extui %gt3A_593 : vector<16xi1> to vector<16xi32>
          %sub3A_595 = arith.subi %sub3A_585, %convert_element_type3A_594 : vector<16xi32>
          %add3A_596 = arith.constant 1 : i32
          %add3A_597 = vector.broadcast %add3A_596 : i32 to vector<16xi32>
          %add3A_598 = arith.addi %sub3A_595, %add3A_597 : vector<16xi32>
          %convert_element_type3A_599 = arith.sitofp %add3A_598 : vector<16xi32> to vector<16xf32>
          %mul3A_600 = arith.constant 2.000000e+00 : f32
          %mul3A_601 = vector.broadcast %mul3A_600 : f32 to vector<16xf32>
          %mul3A_602 = arith.mulf %mul3A_601, %convert_element_type3A_599 : vector<16xf32>
          %add3A_603 = arith.constant 1.000000e+00 : f32
          %add3A_604 = vector.broadcast %add3A_603 : f32 to vector<16xf32>
          %add3A_605 = arith.addf %mul3A_602, %add3A_604 : vector<16xf32>
          %le3A_606 = arith.cmpf ole, %add3A_605, %mul3A_543 : vector<16xf32>
          %convert_element_type3A_607 = arith.extui %le3A_606 : vector<16xi1> to vector<16xi32>
          %add3A_608 = arith.addi %sub3A_595, %convert_element_type3A_607 : vector<16xi32>
          %add3A_609 = arith.constant 1 : i32
          %add3A_610 = vector.broadcast %add3A_609 : i32 to vector<16xi32>
          %add3A_611 = arith.addi %add3A_608, %add3A_610 : vector<16xi32>
          %convert_element_type3A_612 = arith.sitofp %add3A_611 : vector<16xi32> to vector<16xf32>
          %mul3A_613 = arith.constant 2.000000e+00 : f32
          %mul3A_614 = vector.broadcast %mul3A_613 : f32 to vector<16xf32>
          %mul3A_615 = arith.mulf %mul3A_614, %convert_element_type3A_612 : vector<16xf32>
          %add3A_616 = arith.constant 1.000000e+00 : f32
          %add3A_617 = vector.broadcast %add3A_616 : f32 to vector<16xf32>
          %add3A_618 = arith.addf %mul3A_615, %add3A_617 : vector<16xf32>
          %le3A_619 = arith.cmpf ole, %add3A_618, %mul3A_543 : vector<16xf32>
          %convert_element_type3A_620 = arith.extui %le3A_619 : vector<16xi1> to vector<16xi32>
          %add3A_621 = arith.addi %add3A_608, %convert_element_type3A_620 : vector<16xi32>
          %add3A_622 = arith.constant 1 : i32
          %add3A_623 = vector.broadcast %add3A_622 : i32 to vector<16xi32>
          %add3A_624 = arith.addi %add3A_621, %add3A_623 : vector<16xi32>
          %jit3A_625 = arith.constant 0 : i32
          %jit3A_626 = arith.constant 4096 : i32
          %max3A_627 = vector.broadcast %jit3A_625 : i32 to vector<16xi32>
          %max3A_628 = arith.maxsi %max3A_627, %add3A_624 : vector<16xi32>
          %min3A_629 = vector.broadcast %jit3A_626 : i32 to vector<16xi32>
          %min3A_630 = arith.minsi %min3A_629, %max3A_628 : vector<16xi32>
          %sub3A_631 = arith.constant 1.000000e+00 : f32
          %sub3A_632 = vector.broadcast %sub3A_631 : f32 to vector<16xf32>
          %sub3A_633 = arith.subf %select_n3A_568, %sub3A_632 : vector<16xf32>
          %mul3A_634 = arith.constant 5.000000e-01 : f32
          %mul3A_635 = vector.broadcast %mul3A_634 : f32 to vector<16xf32>
          %mul3A_636 = arith.mulf %sub3A_633, %mul3A_635 : vector<16xf32>
          %convert_element_type3A_637 = arith.fptosi %mul3A_636 : vector<16xf32> to vector<16xi32>
          %convert_element_type3A_638 = arith.sitofp %convert_element_type3A_637 : vector<16xi32> to vector<16xf32>
          %mul3A_639 = arith.constant 2.000000e+00 : f32
          %mul3A_640 = vector.broadcast %mul3A_639 : f32 to vector<16xf32>
          %mul3A_641 = arith.mulf %mul3A_640, %convert_element_type3A_638 : vector<16xf32>
          %add3A_642 = arith.constant 1.000000e+00 : f32
          %add3A_643 = vector.broadcast %add3A_642 : f32 to vector<16xf32>
          %add3A_644 = arith.addf %mul3A_641, %add3A_643 : vector<16xf32>
          %gt3A_645 = arith.cmpf ogt, %add3A_644, %select_n3A_568 : vector<16xf32>
          %convert_element_type3A_646 = arith.extui %gt3A_645 : vector<16xi1> to vector<16xi32>
          %sub3A_647 = arith.subi %convert_element_type3A_637, %convert_element_type3A_646 : vector<16xi32>
          %convert_element_type3A_648 = arith.sitofp %sub3A_647 : vector<16xi32> to vector<16xf32>
          %mul3A_649 = arith.constant 2.000000e+00 : f32
          %mul3A_650 = vector.broadcast %mul3A_649 : f32 to vector<16xf32>
          %mul3A_651 = arith.mulf %mul3A_650, %convert_element_type3A_648 : vector<16xf32>
          %add3A_652 = arith.constant 1.000000e+00 : f32
          %add3A_653 = vector.broadcast %add3A_652 : f32 to vector<16xf32>
          %add3A_654 = arith.addf %mul3A_651, %add3A_653 : vector<16xf32>
          %gt3A_655 = arith.cmpf ogt, %add3A_654, %select_n3A_568 : vector<16xf32>
          %convert_element_type3A_656 = arith.extui %gt3A_655 : vector<16xi1> to vector<16xi32>
          %sub3A_657 = arith.subi %sub3A_647, %convert_element_type3A_656 : vector<16xi32>
          %add3A_658 = arith.constant 1 : i32
          %add3A_659 = vector.broadcast %add3A_658 : i32 to vector<16xi32>
          %add3A_660 = arith.addi %sub3A_657, %add3A_659 : vector<16xi32>
          %convert_element_type3A_661 = arith.sitofp %add3A_660 : vector<16xi32> to vector<16xf32>
          %mul3A_662 = arith.constant 2.000000e+00 : f32
          %mul3A_663 = vector.broadcast %mul3A_662 : f32 to vector<16xf32>
          %mul3A_664 = arith.mulf %mul3A_663, %convert_element_type3A_661 : vector<16xf32>
          %add3A_665 = arith.constant 1.000000e+00 : f32
          %add3A_666 = vector.broadcast %add3A_665 : f32 to vector<16xf32>
          %add3A_667 = arith.addf %mul3A_664, %add3A_666 : vector<16xf32>
          %le3A_668 = arith.cmpf ole, %add3A_667, %select_n3A_568 : vector<16xf32>
          %convert_element_type3A_669 = arith.extui %le3A_668 : vector<16xi1> to vector<16xi32>
          %add3A_670 = arith.addi %sub3A_657, %convert_element_type3A_669 : vector<16xi32>
          %add3A_671 = arith.constant 1 : i32
          %add3A_672 = vector.broadcast %add3A_671 : i32 to vector<16xi32>
          %add3A_673 = arith.addi %add3A_670, %add3A_672 : vector<16xi32>
          %convert_element_type3A_674 = arith.sitofp %add3A_673 : vector<16xi32> to vector<16xf32>
          %mul3A_675 = arith.constant 2.000000e+00 : f32
          %mul3A_676 = vector.broadcast %mul3A_675 : f32 to vector<16xf32>
          %mul3A_677 = arith.mulf %mul3A_676, %convert_element_type3A_674 : vector<16xf32>
          %add3A_678 = arith.constant 1.000000e+00 : f32
          %add3A_679 = vector.broadcast %add3A_678 : f32 to vector<16xf32>
          %add3A_680 = arith.addf %mul3A_677, %add3A_679 : vector<16xf32>
          %le3A_681 = arith.cmpf ole, %add3A_680, %select_n3A_568 : vector<16xf32>
          %convert_element_type3A_682 = arith.extui %le3A_681 : vector<16xi1> to vector<16xi32>
          %add3A_683 = arith.addi %add3A_670, %convert_element_type3A_682 : vector<16xi32>
          %add3A_684 = arith.constant 1 : i32
          %add3A_685 = vector.broadcast %add3A_684 : i32 to vector<16xi32>
          %add3A_686 = arith.addi %add3A_683, %add3A_685 : vector<16xi32>
          %jit3A_687 = arith.constant 0 : i32
          %jit3A_688 = arith.constant 4096 : i32
          %max3A_689 = vector.broadcast %jit3A_687 : i32 to vector<16xi32>
          %max3A_690 = arith.maxsi %max3A_689, %add3A_686 : vector<16xi32>
          %min3A_691 = vector.broadcast %jit3A_688 : i32 to vector<16xi32>
          %min3A_692 = arith.minsi %min3A_691, %max3A_690 : vector<16xi32>
          %mul3A_693 = arith.constant 4096 : i32
          %mul3A_694 = arith.muli %add3A_68, %mul3A_693 : i32
          %mul3A_695 = arith.constant 16 : i32
          %mul3A_696 = arith.muli %scan3A_495, %mul3A_695 : i32
          %add3A_697 = arith.addi %mul3A_694, %mul3A_696 : i32
          %broadcast_in_dim3A_698 = vector.broadcast %add3A_697 : i32 to vector<16xi32>
          %add3A_699 = arith.addi %broadcast_in_dim3A_698, %iota3A : vector<16xi32>
          %min3A_700 = arith.constant 4095 : i32
          %min3A_701 = vector.broadcast %min3A_700 : i32 to vector<16xi32>
          %min3A_702 = arith.minsi %min3A_692, %min3A_701 : vector<16xi32>
          %shift_right_arithmetic3A_703 = arith.constant 7 : i32
          %shift_right_arithmetic3A_704 = vector.broadcast %shift_right_arithmetic3A_703 : i32 to vector<16xi32>
          %shift_right_arithmetic3A_705 = arith.shrsi %min3A_702, %shift_right_arithmetic3A_704 : vector<16xi32>
          %and3A_706 = arith.constant 127 : i32
          %and3A_707 = vector.broadcast %and3A_706 : i32 to vector<16xi32>
          %and3A_708 = arith.andi %min3A_702, %and3A_707 : vector<16xi32>
          %gt3A_709 = arith.cmpi sgt, %min3A_630, %min3A_692 : vector<16xi32>
          tpu.vector_store_idx %arg9[%shift_right_arithmetic3A_705, %and3A_708], %add3A_699 masked %gt3A_709 : memref<32x128xi32, #tpu.memory_space<vmem>>[vector<16xi32>, vector<16xi32>], vector<16xi32>, vector<16xi1>
          %scan3A_710 = arith.constant 2 : i32
          %scan3A_711 = arith.addi %scan3A_285, %scan3A_710 : i32
          %jit3A_712 = arith.constant 8 : i32
          %div3A_713 = arith.divsi %scan3A_711, %jit3A_712 : i32
          %sign3A_714 = arith.constant 0 : i32
          %sign3A_715 = arith.cmpi sgt, %scan3A_711, %sign3A_714 : i32
          %sign3A_716 = arith.extui %sign3A_715 : i1 to i32
          %sign3A_717 = arith.constant 0 : i32
          %sign3A_718 = arith.cmpi slt, %scan3A_711, %sign3A_717 : i32
          %sign3A_719 = arith.extui %sign3A_718 : i1 to i32
          %sign3A_720 = arith.subi %sign3A_716, %sign3A_719 : i32
          %sign3A_721 = arith.constant 0 : i32
          %sign3A_722 = arith.cmpi sgt, %jit3A_712, %sign3A_721 : i32
          %sign3A_723 = arith.extui %sign3A_722 : i1 to i32
          %sign3A_724 = arith.constant 0 : i32
          %sign3A_725 = arith.cmpi slt, %jit3A_712, %sign3A_724 : i32
          %sign3A_726 = arith.extui %sign3A_725 : i1 to i32
          %sign3A_727 = arith.subi %sign3A_723, %sign3A_726 : i32
          %ne3A_728 = arith.cmpi ne, %sign3A_720, %sign3A_727 : i32
          %rem3A_729 = arith.remsi %scan3A_711, %jit3A_712 : i32
          %ne3A_730 = arith.constant 0 : i32
          %ne3A_731 = arith.cmpi ne, %rem3A_729, %ne3A_730 : i32
          %and3A_732 = arith.andi %ne3A_728, %ne3A_731 : i1
          %sub3A_733 = arith.constant 1 : i32
          %sub3A_734 = arith.subi %div3A_713, %sub3A_733 : i32
          %select_n3A_735 = arith.select %and3A_732, %sub3A_734, %div3A_713 : i32
          %jit3A_736 = arith.constant 8 : i32
          %eq3A_737 = arith.constant 0 : i32
          %eq3A_738 = arith.cmpi eq, %jit3A_736, %eq3A_737 : i32
          %jit3A_739 = arith.constant 1 : i32
          %select_n3A_740 = arith.select %eq3A_738, %jit3A_739, %jit3A_736 : i32
          %rem3A_741 = arith.remsi %scan3A_711, %select_n3A_740 : i32
          %ne3A_742 = arith.constant 0 : i32
          %ne3A_743 = arith.cmpi ne, %rem3A_741, %ne3A_742 : i32
          %lt3A_744 = arith.constant 0 : i32
          %lt3A_745 = arith.cmpi slt, %rem3A_741, %lt3A_744 : i32
          %lt3A_746 = arith.constant 0 : i32
          %lt3A_747 = arith.cmpi slt, %select_n3A_740, %lt3A_746 : i32
          %ne3A_748 = arith.xori %lt3A_745, %lt3A_747 : i1
          %and3A_749 = arith.andi %ne3A_748, %ne3A_743 : i1
          %add3A_750 = arith.addi %rem3A_741, %select_n3A_740 : i32
          %select_n3A_751 = arith.select %and3A_749, %add3A_750, %rem3A_741 : i32
          %mul3A_752 = arith.constant 16 : i32
          %mul3A_753 = arith.muli %select_n3A_751, %mul3A_752 : i32
          %get3A_754 = arith.index_cast %select_n3A_735 : i32 to index
          %get3A_755 = arith.index_cast %mul3A_753 : i32 to index
          %get3A_756 = tpu.vector_load %arg8[%get3A_754, %get3A_755] {strides = array<i32>} : memref<32x128xf32, #tpu.memory_space<vmem>>, vector<16xf32>,
          %mul3A_757 = arith.constant 8.192000e+03 : f32
          %mul3A_758 = vector.broadcast %mul3A_757 : f32 to vector<16xf32>
          %mul3A_759 = arith.mulf %get3A_756, %mul3A_758 : vector<16xf32>
          %mul3A_760 = arith.constant 16 : i32
          %mul3A_761 = arith.muli %scan3A_711, %mul3A_760 : i32
          %sub3A_762 = arith.constant 1 : i32
          %sub3A_763 = arith.subi %mul3A_761, %sub3A_762 : i32
          %broadcast_in_dim3A_764 = vector.broadcast %sub3A_763 : i32 to vector<16xi32>
          %add3A_765 = arith.addi %broadcast_in_dim3A_764, %iota3A : vector<16xi32>
          %ge3A_766 = arith.constant 0 : i32
          %ge3A_767 = vector.broadcast %ge3A_766 : i32 to vector<16xi32>
          %ge3A_768 = arith.cmpi sge, %add3A_765, %ge3A_767 : vector<16xi32>
          %max3A_769 = arith.constant 0 : i32
          %max3A_770 = vector.broadcast %max3A_769 : i32 to vector<16xi32>
          %max3A_771 = arith.maxsi %add3A_765, %max3A_770 : vector<16xi32>
          %shift_right_arithmetic3A_772 = arith.constant 7 : i32
          %shift_right_arithmetic3A_773 = vector.broadcast %shift_right_arithmetic3A_772 : i32 to vector<16xi32>
          %shift_right_arithmetic3A_774 = arith.shrsi %max3A_771, %shift_right_arithmetic3A_773 : vector<16xi32>
          %and3A_775 = arith.constant 127 : i32
          %and3A_776 = vector.broadcast %and3A_775 : i32 to vector<16xi32>
          %and3A_777 = arith.andi %max3A_771, %and3A_776 : vector<16xi32>
          %gather3A_778 = tpu.vector_load_idx %arg8[%shift_right_arithmetic3A_774, %and3A_777] : memref<32x128xf32, #tpu.memory_space<vmem>>[vector<16xi32>, vector<16xi32>], vector<16xf32>,
          %mul3A_779 = arith.constant 8.192000e+03 : f32
          %mul3A_780 = vector.broadcast %mul3A_779 : f32 to vector<16xf32>
          %mul3A_781 = arith.mulf %gather3A_778, %mul3A_780 : vector<16xf32>
          %jit3A_782 = arith.constant 0.000000e+00 : f32
          %broadcast_in_dim3A_783 = vector.broadcast %jit3A_782 : f32 to vector<16xf32>
          %select_n3A_784 = arith.select %ge3A_768, %mul3A_781, %broadcast_in_dim3A_783 : vector<16xi1>, vector<16xf32>
          %sub3A_785 = arith.constant 1.000000e+00 : f32
          %sub3A_786 = vector.broadcast %sub3A_785 : f32 to vector<16xf32>
          %sub3A_787 = arith.subf %mul3A_759, %sub3A_786 : vector<16xf32>
          %mul3A_788 = arith.constant 5.000000e-01 : f32
          %mul3A_789 = vector.broadcast %mul3A_788 : f32 to vector<16xf32>
          %mul3A_790 = arith.mulf %sub3A_787, %mul3A_789 : vector<16xf32>
          %convert_element_type3A_791 = arith.fptosi %mul3A_790 : vector<16xf32> to vector<16xi32>
          %convert_element_type3A_792 = arith.sitofp %convert_element_type3A_791 : vector<16xi32> to vector<16xf32>
          %mul3A_793 = arith.constant 2.000000e+00 : f32
          %mul3A_794 = vector.broadcast %mul3A_793 : f32 to vector<16xf32>
          %mul3A_795 = arith.mulf %mul3A_794, %convert_element_type3A_792 : vector<16xf32>
          %add3A_796 = arith.constant 1.000000e+00 : f32
          %add3A_797 = vector.broadcast %add3A_796 : f32 to vector<16xf32>
          %add3A_798 = arith.addf %mul3A_795, %add3A_797 : vector<16xf32>
          %gt3A_799 = arith.cmpf ogt, %add3A_798, %mul3A_759 : vector<16xf32>
          %convert_element_type3A_800 = arith.extui %gt3A_799 : vector<16xi1> to vector<16xi32>
          %sub3A_801 = arith.subi %convert_element_type3A_791, %convert_element_type3A_800 : vector<16xi32>
          %convert_element_type3A_802 = arith.sitofp %sub3A_801 : vector<16xi32> to vector<16xf32>
          %mul3A_803 = arith.constant 2.000000e+00 : f32
          %mul3A_804 = vector.broadcast %mul3A_803 : f32 to vector<16xf32>
          %mul3A_805 = arith.mulf %mul3A_804, %convert_element_type3A_802 : vector<16xf32>
          %add3A_806 = arith.constant 1.000000e+00 : f32
          %add3A_807 = vector.broadcast %add3A_806 : f32 to vector<16xf32>
          %add3A_808 = arith.addf %mul3A_805, %add3A_807 : vector<16xf32>
          %gt3A_809 = arith.cmpf ogt, %add3A_808, %mul3A_759 : vector<16xf32>
          %convert_element_type3A_810 = arith.extui %gt3A_809 : vector<16xi1> to vector<16xi32>
          %sub3A_811 = arith.subi %sub3A_801, %convert_element_type3A_810 : vector<16xi32>
          %add3A_812 = arith.constant 1 : i32
          %add3A_813 = vector.broadcast %add3A_812 : i32 to vector<16xi32>
          %add3A_814 = arith.addi %sub3A_811, %add3A_813 : vector<16xi32>
          %convert_element_type3A_815 = arith.sitofp %add3A_814 : vector<16xi32> to vector<16xf32>
          %mul3A_816 = arith.constant 2.000000e+00 : f32
          %mul3A_817 = vector.broadcast %mul3A_816 : f32 to vector<16xf32>
          %mul3A_818 = arith.mulf %mul3A_817, %convert_element_type3A_815 : vector<16xf32>
          %add3A_819 = arith.constant 1.000000e+00 : f32
          %add3A_820 = vector.broadcast %add3A_819 : f32 to vector<16xf32>
          %add3A_821 = arith.addf %mul3A_818, %add3A_820 : vector<16xf32>
          %le3A_822 = arith.cmpf ole, %add3A_821, %mul3A_759 : vector<16xf32>
          %convert_element_type3A_823 = arith.extui %le3A_822 : vector<16xi1> to vector<16xi32>
          %add3A_824 = arith.addi %sub3A_811, %convert_element_type3A_823 : vector<16xi32>
          %add3A_825 = arith.constant 1 : i32
          %add3A_826 = vector.broadcast %add3A_825 : i32 to vector<16xi32>
          %add3A_827 = arith.addi %add3A_824, %add3A_826 : vector<16xi32>
          %convert_element_type3A_828 = arith.sitofp %add3A_827 : vector<16xi32> to vector<16xf32>
          %mul3A_829 = arith.constant 2.000000e+00 : f32
          %mul3A_830 = vector.broadcast %mul3A_829 : f32 to vector<16xf32>
          %mul3A_831 = arith.mulf %mul3A_830, %convert_element_type3A_828 : vector<16xf32>
          %add3A_832 = arith.constant 1.000000e+00 : f32
          %add3A_833 = vector.broadcast %add3A_832 : f32 to vector<16xf32>
          %add3A_834 = arith.addf %mul3A_831, %add3A_833 : vector<16xf32>
          %le3A_835 = arith.cmpf ole, %add3A_834, %mul3A_759 : vector<16xf32>
          %convert_element_type3A_836 = arith.extui %le3A_835 : vector<16xi1> to vector<16xi32>
          %add3A_837 = arith.addi %add3A_824, %convert_element_type3A_836 : vector<16xi32>
          %add3A_838 = arith.constant 1 : i32
          %add3A_839 = vector.broadcast %add3A_838 : i32 to vector<16xi32>
          %add3A_840 = arith.addi %add3A_837, %add3A_839 : vector<16xi32>
          %jit3A_841 = arith.constant 0 : i32
          %jit3A_842 = arith.constant 4096 : i32
          %max3A_843 = vector.broadcast %jit3A_841 : i32 to vector<16xi32>
          %max3A_844 = arith.maxsi %max3A_843, %add3A_840 : vector<16xi32>
          %min3A_845 = vector.broadcast %jit3A_842 : i32 to vector<16xi32>
          %min3A_846 = arith.minsi %min3A_845, %max3A_844 : vector<16xi32>
          %sub3A_847 = arith.constant 1.000000e+00 : f32
          %sub3A_848 = vector.broadcast %sub3A_847 : f32 to vector<16xf32>
          %sub3A_849 = arith.subf %select_n3A_784, %sub3A_848 : vector<16xf32>
          %mul3A_850 = arith.constant 5.000000e-01 : f32
          %mul3A_851 = vector.broadcast %mul3A_850 : f32 to vector<16xf32>
          %mul3A_852 = arith.mulf %sub3A_849, %mul3A_851 : vector<16xf32>
          %convert_element_type3A_853 = arith.fptosi %mul3A_852 : vector<16xf32> to vector<16xi32>
          %convert_element_type3A_854 = arith.sitofp %convert_element_type3A_853 : vector<16xi32> to vector<16xf32>
          %mul3A_855 = arith.constant 2.000000e+00 : f32
          %mul3A_856 = vector.broadcast %mul3A_855 : f32 to vector<16xf32>
          %mul3A_857 = arith.mulf %mul3A_856, %convert_element_type3A_854 : vector<16xf32>
          %add3A_858 = arith.constant 1.000000e+00 : f32
          %add3A_859 = vector.broadcast %add3A_858 : f32 to vector<16xf32>
          %add3A_860 = arith.addf %mul3A_857, %add3A_859 : vector<16xf32>
          %gt3A_861 = arith.cmpf ogt, %add3A_860, %select_n3A_784 : vector<16xf32>
          %convert_element_type3A_862 = arith.extui %gt3A_861 : vector<16xi1> to vector<16xi32>
          %sub3A_863 = arith.subi %convert_element_type3A_853, %convert_element_type3A_862 : vector<16xi32>
          %convert_element_type3A_864 = arith.sitofp %sub3A_863 : vector<16xi32> to vector<16xf32>
          %mul3A_865 = arith.constant 2.000000e+00 : f32
          %mul3A_866 = vector.broadcast %mul3A_865 : f32 to vector<16xf32>
          %mul3A_867 = arith.mulf %mul3A_866, %convert_element_type3A_864 : vector<16xf32>
          %add3A_868 = arith.constant 1.000000e+00 : f32
          %add3A_869 = vector.broadcast %add3A_868 : f32 to vector<16xf32>
          %add3A_870 = arith.addf %mul3A_867, %add3A_869 : vector<16xf32>
          %gt3A_871 = arith.cmpf ogt, %add3A_870, %select_n3A_784 : vector<16xf32>
          %convert_element_type3A_872 = arith.extui %gt3A_871 : vector<16xi1> to vector<16xi32>
          %sub3A_873 = arith.subi %sub3A_863, %convert_element_type3A_872 : vector<16xi32>
          %add3A_874 = arith.constant 1 : i32
          %add3A_875 = vector.broadcast %add3A_874 : i32 to vector<16xi32>
          %add3A_876 = arith.addi %sub3A_873, %add3A_875 : vector<16xi32>
          %convert_element_type3A_877 = arith.sitofp %add3A_876 : vector<16xi32> to vector<16xf32>
          %mul3A_878 = arith.constant 2.000000e+00 : f32
          %mul3A_879 = vector.broadcast %mul3A_878 : f32 to vector<16xf32>
          %mul3A_880 = arith.mulf %mul3A_879, %convert_element_type3A_877 : vector<16xf32>
          %add3A_881 = arith.constant 1.000000e+00 : f32
          %add3A_882 = vector.broadcast %add3A_881 : f32 to vector<16xf32>
          %add3A_883 = arith.addf %mul3A_880, %add3A_882 : vector<16xf32>
          %le3A_884 = arith.cmpf ole, %add3A_883, %select_n3A_784 : vector<16xf32>
          %convert_element_type3A_885 = arith.extui %le3A_884 : vector<16xi1> to vector<16xi32>
          %add3A_886 = arith.addi %sub3A_873, %convert_element_type3A_885 : vector<16xi32>
          %add3A_887 = arith.constant 1 : i32
          %add3A_888 = vector.broadcast %add3A_887 : i32 to vector<16xi32>
          %add3A_889 = arith.addi %add3A_886, %add3A_888 : vector<16xi32>
          %convert_element_type3A_890 = arith.sitofp %add3A_889 : vector<16xi32> to vector<16xf32>
          %mul3A_891 = arith.constant 2.000000e+00 : f32
          %mul3A_892 = vector.broadcast %mul3A_891 : f32 to vector<16xf32>
          %mul3A_893 = arith.mulf %mul3A_892, %convert_element_type3A_890 : vector<16xf32>
          %add3A_894 = arith.constant 1.000000e+00 : f32
          %add3A_895 = vector.broadcast %add3A_894 : f32 to vector<16xf32>
          %add3A_896 = arith.addf %mul3A_893, %add3A_895 : vector<16xf32>
          %le3A_897 = arith.cmpf ole, %add3A_896, %select_n3A_784 : vector<16xf32>
          %convert_element_type3A_898 = arith.extui %le3A_897 : vector<16xi1> to vector<16xi32>
          %add3A_899 = arith.addi %add3A_886, %convert_element_type3A_898 : vector<16xi32>
          %add3A_900 = arith.constant 1 : i32
          %add3A_901 = vector.broadcast %add3A_900 : i32 to vector<16xi32>
          %add3A_902 = arith.addi %add3A_899, %add3A_901 : vector<16xi32>
          %jit3A_903 = arith.constant 0 : i32
          %jit3A_904 = arith.constant 4096 : i32
          %max3A_905 = vector.broadcast %jit3A_903 : i32 to vector<16xi32>
          %max3A_906 = arith.maxsi %max3A_905, %add3A_902 : vector<16xi32>
          %min3A_907 = vector.broadcast %jit3A_904 : i32 to vector<16xi32>
          %min3A_908 = arith.minsi %min3A_907, %max3A_906 : vector<16xi32>
          %mul3A_909 = arith.constant 4096 : i32
          %mul3A_910 = arith.muli %add3A_68, %mul3A_909 : i32
          %mul3A_911 = arith.constant 16 : i32
          %mul3A_912 = arith.muli %scan3A_711, %mul3A_911 : i32
          %add3A_913 = arith.addi %mul3A_910, %mul3A_912 : i32
          %broadcast_in_dim3A_914 = vector.broadcast %add3A_913 : i32 to vector<16xi32>
          %add3A_915 = arith.addi %broadcast_in_dim3A_914, %iota3A : vector<16xi32>
          %min3A_916 = arith.constant 4095 : i32
          %min3A_917 = vector.broadcast %min3A_916 : i32 to vector<16xi32>
          %min3A_918 = arith.minsi %min3A_908, %min3A_917 : vector<16xi32>
          %shift_right_arithmetic3A_919 = arith.constant 7 : i32
          %shift_right_arithmetic3A_920 = vector.broadcast %shift_right_arithmetic3A_919 : i32 to vector<16xi32>
          %shift_right_arithmetic3A_921 = arith.shrsi %min3A_918, %shift_right_arithmetic3A_920 : vector<16xi32>
          %and3A_922 = arith.constant 127 : i32
          %and3A_923 = vector.broadcast %and3A_922 : i32 to vector<16xi32>
          %and3A_924 = arith.andi %min3A_918, %and3A_923 : vector<16xi32>
          %gt3A_925 = arith.cmpi sgt, %min3A_846, %min3A_908 : vector<16xi32>
          tpu.vector_store_idx %arg9[%shift_right_arithmetic3A_921, %and3A_924], %add3A_915 masked %gt3A_925 : memref<32x128xi32, #tpu.memory_space<vmem>>[vector<16xi32>, vector<16xi32>], vector<16xi32>, vector<16xi1>
          %scan3A_926 = arith.constant 3 : i32
          %scan3A_927 = arith.addi %scan3A_285, %scan3A_926 : i32
          %jit3A_928 = arith.constant 8 : i32
          %div3A_929 = arith.divsi %scan3A_927, %jit3A_928 : i32
          %sign3A_930 = arith.constant 0 : i32
          %sign3A_931 = arith.cmpi sgt, %scan3A_927, %sign3A_930 : i32
          %sign3A_932 = arith.extui %sign3A_931 : i1 to i32
          %sign3A_933 = arith.constant 0 : i32
          %sign3A_934 = arith.cmpi slt, %scan3A_927, %sign3A_933 : i32
          %sign3A_935 = arith.extui %sign3A_934 : i1 to i32
          %sign3A_936 = arith.subi %sign3A_932, %sign3A_935 : i32
          %sign3A_937 = arith.constant 0 : i32
          %sign3A_938 = arith.cmpi sgt, %jit3A_928, %sign3A_937 : i32
          %sign3A_939 = arith.extui %sign3A_938 : i1 to i32
          %sign3A_940 = arith.constant 0 : i32
          %sign3A_941 = arith.cmpi slt, %jit3A_928, %sign3A_940 : i32
          %sign3A_942 = arith.extui %sign3A_941 : i1 to i32
          %sign3A_943 = arith.subi %sign3A_939, %sign3A_942 : i32
          %ne3A_944 = arith.cmpi ne, %sign3A_936, %sign3A_943 : i32
          %rem3A_945 = arith.remsi %scan3A_927, %jit3A_928 : i32
          %ne3A_946 = arith.constant 0 : i32
          %ne3A_947 = arith.cmpi ne, %rem3A_945, %ne3A_946 : i32
          %and3A_948 = arith.andi %ne3A_944, %ne3A_947 : i1
          %sub3A_949 = arith.constant 1 : i32
          %sub3A_950 = arith.subi %div3A_929, %sub3A_949 : i32
          %select_n3A_951 = arith.select %and3A_948, %sub3A_950, %div3A_929 : i32
          %jit3A_952 = arith.constant 8 : i32
          %eq3A_953 = arith.constant 0 : i32
          %eq3A_954 = arith.cmpi eq, %jit3A_952, %eq3A_953 : i32
          %jit3A_955 = arith.constant 1 : i32
          %select_n3A_956 = arith.select %eq3A_954, %jit3A_955, %jit3A_952 : i32
          %rem3A_957 = arith.remsi %scan3A_927, %select_n3A_956 : i32
          %ne3A_958 = arith.constant 0 : i32
          %ne3A_959 = arith.cmpi ne, %rem3A_957, %ne3A_958 : i32
          %lt3A_960 = arith.constant 0 : i32
          %lt3A_961 = arith.cmpi slt, %rem3A_957, %lt3A_960 : i32
          %lt3A_962 = arith.constant 0 : i32
          %lt3A_963 = arith.cmpi slt, %select_n3A_956, %lt3A_962 : i32
          %ne3A_964 = arith.xori %lt3A_961, %lt3A_963 : i1
          %and3A_965 = arith.andi %ne3A_964, %ne3A_959 : i1
          %add3A_966 = arith.addi %rem3A_957, %select_n3A_956 : i32
          %select_n3A_967 = arith.select %and3A_965, %add3A_966, %rem3A_957 : i32
          %mul3A_968 = arith.constant 16 : i32
          %mul3A_969 = arith.muli %select_n3A_967, %mul3A_968 : i32
          %get3A_970 = arith.index_cast %select_n3A_951 : i32 to index
          %get3A_971 = arith.index_cast %mul3A_969 : i32 to index
          %get3A_972 = tpu.vector_load %arg8[%get3A_970, %get3A_971] {strides = array<i32>} : memref<32x128xf32, #tpu.memory_space<vmem>>, vector<16xf32>,
          %mul3A_973 = arith.constant 8.192000e+03 : f32
          %mul3A_974 = vector.broadcast %mul3A_973 : f32 to vector<16xf32>
          %mul3A_975 = arith.mulf %get3A_972, %mul3A_974 : vector<16xf32>
          %mul3A_976 = arith.constant 16 : i32
          %mul3A_977 = arith.muli %scan3A_927, %mul3A_976 : i32
          %sub3A_978 = arith.constant 1 : i32
          %sub3A_979 = arith.subi %mul3A_977, %sub3A_978 : i32
          %broadcast_in_dim3A_980 = vector.broadcast %sub3A_979 : i32 to vector<16xi32>
          %add3A_981 = arith.addi %broadcast_in_dim3A_980, %iota3A : vector<16xi32>
          %ge3A_982 = arith.constant 0 : i32
          %ge3A_983 = vector.broadcast %ge3A_982 : i32 to vector<16xi32>
          %ge3A_984 = arith.cmpi sge, %add3A_981, %ge3A_983 : vector<16xi32>
          %max3A_985 = arith.constant 0 : i32
          %max3A_986 = vector.broadcast %max3A_985 : i32 to vector<16xi32>
          %max3A_987 = arith.maxsi %add3A_981, %max3A_986 : vector<16xi32>
          %shift_right_arithmetic3A_988 = arith.constant 7 : i32
          %shift_right_arithmetic3A_989 = vector.broadcast %shift_right_arithmetic3A_988 : i32 to vector<16xi32>
          %shift_right_arithmetic3A_990 = arith.shrsi %max3A_987, %shift_right_arithmetic3A_989 : vector<16xi32>
          %and3A_991 = arith.constant 127 : i32
          %and3A_992 = vector.broadcast %and3A_991 : i32 to vector<16xi32>
          %and3A_993 = arith.andi %max3A_987, %and3A_992 : vector<16xi32>
          %gather3A_994 = tpu.vector_load_idx %arg8[%shift_right_arithmetic3A_990, %and3A_993] : memref<32x128xf32, #tpu.memory_space<vmem>>[vector<16xi32>, vector<16xi32>], vector<16xf32>,
          %mul3A_995 = arith.constant 8.192000e+03 : f32
          %mul3A_996 = vector.broadcast %mul3A_995 : f32 to vector<16xf32>
          %mul3A_997 = arith.mulf %gather3A_994, %mul3A_996 : vector<16xf32>
          %jit3A_998 = arith.constant 0.000000e+00 : f32
          %broadcast_in_dim3A_999 = vector.broadcast %jit3A_998 : f32 to vector<16xf32>
          %select_n3A_1000 = arith.select %ge3A_984, %mul3A_997, %broadcast_in_dim3A_999 : vector<16xi1>, vector<16xf32>
          %sub3A_1001 = arith.constant 1.000000e+00 : f32
          %sub3A_1002 = vector.broadcast %sub3A_1001 : f32 to vector<16xf32>
          %sub3A_1003 = arith.subf %mul3A_975, %sub3A_1002 : vector<16xf32>
          %mul3A_1004 = arith.constant 5.000000e-01 : f32
          %mul3A_1005 = vector.broadcast %mul3A_1004 : f32 to vector<16xf32>
          %mul3A_1006 = arith.mulf %sub3A_1003, %mul3A_1005 : vector<16xf32>
          %convert_element_type3A_1007 = arith.fptosi %mul3A_1006 : vector<16xf32> to vector<16xi32>
          %convert_element_type3A_1008 = arith.sitofp %convert_element_type3A_1007 : vector<16xi32> to vector<16xf32>
          %mul3A_1009 = arith.constant 2.000000e+00 : f32
          %mul3A_1010 = vector.broadcast %mul3A_1009 : f32 to vector<16xf32>
          %mul3A_1011 = arith.mulf %mul3A_1010, %convert_element_type3A_1008 : vector<16xf32>
          %add3A_1012 = arith.constant 1.000000e+00 : f32
          %add3A_1013 = vector.broadcast %add3A_1012 : f32 to vector<16xf32>
          %add3A_1014 = arith.addf %mul3A_1011, %add3A_1013 : vector<16xf32>
          %gt3A_1015 = arith.cmpf ogt, %add3A_1014, %mul3A_975 : vector<16xf32>
          %convert_element_type3A_1016 = arith.extui %gt3A_1015 : vector<16xi1> to vector<16xi32>
          %sub3A_1017 = arith.subi %convert_element_type3A_1007, %convert_element_type3A_1016 : vector<16xi32>
          %convert_element_type3A_1018 = arith.sitofp %sub3A_1017 : vector<16xi32> to vector<16xf32>
          %mul3A_1019 = arith.constant 2.000000e+00 : f32
          %mul3A_1020 = vector.broadcast %mul3A_1019 : f32 to vector<16xf32>
          %mul3A_1021 = arith.mulf %mul3A_1020, %convert_element_type3A_1018 : vector<16xf32>
          %add3A_1022 = arith.constant 1.000000e+00 : f32
          %add3A_1023 = vector.broadcast %add3A_1022 : f32 to vector<16xf32>
          %add3A_1024 = arith.addf %mul3A_1021, %add3A_1023 : vector<16xf32>
          %gt3A_1025 = arith.cmpf ogt, %add3A_1024, %mul3A_975 : vector<16xf32>
          %convert_element_type3A_1026 = arith.extui %gt3A_1025 : vector<16xi1> to vector<16xi32>
          %sub3A_1027 = arith.subi %sub3A_1017, %convert_element_type3A_1026 : vector<16xi32>
          %add3A_1028 = arith.constant 1 : i32
          %add3A_1029 = vector.broadcast %add3A_1028 : i32 to vector<16xi32>
          %add3A_1030 = arith.addi %sub3A_1027, %add3A_1029 : vector<16xi32>
          %convert_element_type3A_1031 = arith.sitofp %add3A_1030 : vector<16xi32> to vector<16xf32>
          %mul3A_1032 = arith.constant 2.000000e+00 : f32
          %mul3A_1033 = vector.broadcast %mul3A_1032 : f32 to vector<16xf32>
          %mul3A_1034 = arith.mulf %mul3A_1033, %convert_element_type3A_1031 : vector<16xf32>
          %add3A_1035 = arith.constant 1.000000e+00 : f32
          %add3A_1036 = vector.broadcast %add3A_1035 : f32 to vector<16xf32>
          %add3A_1037 = arith.addf %mul3A_1034, %add3A_1036 : vector<16xf32>
          %le3A_1038 = arith.cmpf ole, %add3A_1037, %mul3A_975 : vector<16xf32>
          %convert_element_type3A_1039 = arith.extui %le3A_1038 : vector<16xi1> to vector<16xi32>
          %add3A_1040 = arith.addi %sub3A_1027, %convert_element_type3A_1039 : vector<16xi32>
          %add3A_1041 = arith.constant 1 : i32
          %add3A_1042 = vector.broadcast %add3A_1041 : i32 to vector<16xi32>
          %add3A_1043 = arith.addi %add3A_1040, %add3A_1042 : vector<16xi32>
          %convert_element_type3A_1044 = arith.sitofp %add3A_1043 : vector<16xi32> to vector<16xf32>
          %mul3A_1045 = arith.constant 2.000000e+00 : f32
          %mul3A_1046 = vector.broadcast %mul3A_1045 : f32 to vector<16xf32>
          %mul3A_1047 = arith.mulf %mul3A_1046, %convert_element_type3A_1044 : vector<16xf32>
          %add3A_1048 = arith.constant 1.000000e+00 : f32
          %add3A_1049 = vector.broadcast %add3A_1048 : f32 to vector<16xf32>
          %add3A_1050 = arith.addf %mul3A_1047, %add3A_1049 : vector<16xf32>
          %le3A_1051 = arith.cmpf ole, %add3A_1050, %mul3A_975 : vector<16xf32>
          %convert_element_type3A_1052 = arith.extui %le3A_1051 : vector<16xi1> to vector<16xi32>
          %add3A_1053 = arith.addi %add3A_1040, %convert_element_type3A_1052 : vector<16xi32>
          %add3A_1054 = arith.constant 1 : i32
          %add3A_1055 = vector.broadcast %add3A_1054 : i32 to vector<16xi32>
          %add3A_1056 = arith.addi %add3A_1053, %add3A_1055 : vector<16xi32>
          %jit3A_1057 = arith.constant 0 : i32
          %jit3A_1058 = arith.constant 4096 : i32
          %max3A_1059 = vector.broadcast %jit3A_1057 : i32 to vector<16xi32>
          %max3A_1060 = arith.maxsi %max3A_1059, %add3A_1056 : vector<16xi32>
          %min3A_1061 = vector.broadcast %jit3A_1058 : i32 to vector<16xi32>
          %min3A_1062 = arith.minsi %min3A_1061, %max3A_1060 : vector<16xi32>
          %sub3A_1063 = arith.constant 1.000000e+00 : f32
          %sub3A_1064 = vector.broadcast %sub3A_1063 : f32 to vector<16xf32>
          %sub3A_1065 = arith.subf %select_n3A_1000, %sub3A_1064 : vector<16xf32>
          %mul3A_1066 = arith.constant 5.000000e-01 : f32
          %mul3A_1067 = vector.broadcast %mul3A_1066 : f32 to vector<16xf32>
          %mul3A_1068 = arith.mulf %sub3A_1065, %mul3A_1067 : vector<16xf32>
          %convert_element_type3A_1069 = arith.fptosi %mul3A_1068 : vector<16xf32> to vector<16xi32>
          %convert_element_type3A_1070 = arith.sitofp %convert_element_type3A_1069 : vector<16xi32> to vector<16xf32>
          %mul3A_1071 = arith.constant 2.000000e+00 : f32
          %mul3A_1072 = vector.broadcast %mul3A_1071 : f32 to vector<16xf32>
          %mul3A_1073 = arith.mulf %mul3A_1072, %convert_element_type3A_1070 : vector<16xf32>
          %add3A_1074 = arith.constant 1.000000e+00 : f32
          %add3A_1075 = vector.broadcast %add3A_1074 : f32 to vector<16xf32>
          %add3A_1076 = arith.addf %mul3A_1073, %add3A_1075 : vector<16xf32>
          %gt3A_1077 = arith.cmpf ogt, %add3A_1076, %select_n3A_1000 : vector<16xf32>
          %convert_element_type3A_1078 = arith.extui %gt3A_1077 : vector<16xi1> to vector<16xi32>
          %sub3A_1079 = arith.subi %convert_element_type3A_1069, %convert_element_type3A_1078 : vector<16xi32>
          %convert_element_type3A_1080 = arith.sitofp %sub3A_1079 : vector<16xi32> to vector<16xf32>
          %mul3A_1081 = arith.constant 2.000000e+00 : f32
          %mul3A_1082 = vector.broadcast %mul3A_1081 : f32 to vector<16xf32>
          %mul3A_1083 = arith.mulf %mul3A_1082, %convert_element_type3A_1080 : vector<16xf32>
          %add3A_1084 = arith.constant 1.000000e+00 : f32
          %add3A_1085 = vector.broadcast %add3A_1084 : f32 to vector<16xf32>
          %add3A_1086 = arith.addf %mul3A_1083, %add3A_1085 : vector<16xf32>
          %gt3A_1087 = arith.cmpf ogt, %add3A_1086, %select_n3A_1000 : vector<16xf32>
          %convert_element_type3A_1088 = arith.extui %gt3A_1087 : vector<16xi1> to vector<16xi32>
          %sub3A_1089 = arith.subi %sub3A_1079, %convert_element_type3A_1088 : vector<16xi32>
          %add3A_1090 = arith.constant 1 : i32
          %add3A_1091 = vector.broadcast %add3A_1090 : i32 to vector<16xi32>
          %add3A_1092 = arith.addi %sub3A_1089, %add3A_1091 : vector<16xi32>
          %convert_element_type3A_1093 = arith.sitofp %add3A_1092 : vector<16xi32> to vector<16xf32>
          %mul3A_1094 = arith.constant 2.000000e+00 : f32
          %mul3A_1095 = vector.broadcast %mul3A_1094 : f32 to vector<16xf32>
          %mul3A_1096 = arith.mulf %mul3A_1095, %convert_element_type3A_1093 : vector<16xf32>
          %add3A_1097 = arith.constant 1.000000e+00 : f32
          %add3A_1098 = vector.broadcast %add3A_1097 : f32 to vector<16xf32>
          %add3A_1099 = arith.addf %mul3A_1096, %add3A_1098 : vector<16xf32>
          %le3A_1100 = arith.cmpf ole, %add3A_1099, %select_n3A_1000 : vector<16xf32>
          %convert_element_type3A_1101 = arith.extui %le3A_1100 : vector<16xi1> to vector<16xi32>
          %add3A_1102 = arith.addi %sub3A_1089, %convert_element_type3A_1101 : vector<16xi32>
          %add3A_1103 = arith.constant 1 : i32
          %add3A_1104 = vector.broadcast %add3A_1103 : i32 to vector<16xi32>
          %add3A_1105 = arith.addi %add3A_1102, %add3A_1104 : vector<16xi32>
          %convert_element_type3A_1106 = arith.sitofp %add3A_1105 : vector<16xi32> to vector<16xf32>
          %mul3A_1107 = arith.constant 2.000000e+00 : f32
          %mul3A_1108 = vector.broadcast %mul3A_1107 : f32 to vector<16xf32>
          %mul3A_1109 = arith.mulf %mul3A_1108, %convert_element_type3A_1106 : vector<16xf32>
          %add3A_1110 = arith.constant 1.000000e+00 : f32
          %add3A_1111 = vector.broadcast %add3A_1110 : f32 to vector<16xf32>
          %add3A_1112 = arith.addf %mul3A_1109, %add3A_1111 : vector<16xf32>
          %le3A_1113 = arith.cmpf ole, %add3A_1112, %select_n3A_1000 : vector<16xf32>
          %convert_element_type3A_1114 = arith.extui %le3A_1113 : vector<16xi1> to vector<16xi32>
          %add3A_1115 = arith.addi %add3A_1102, %convert_element_type3A_1114 : vector<16xi32>
          %add3A_1116 = arith.constant 1 : i32
          %add3A_1117 = vector.broadcast %add3A_1116 : i32 to vector<16xi32>
          %add3A_1118 = arith.addi %add3A_1115, %add3A_1117 : vector<16xi32>
          %jit3A_1119 = arith.constant 0 : i32
          %jit3A_1120 = arith.constant 4096 : i32
          %max3A_1121 = vector.broadcast %jit3A_1119 : i32 to vector<16xi32>
          %max3A_1122 = arith.maxsi %max3A_1121, %add3A_1118 : vector<16xi32>
          %min3A_1123 = vector.broadcast %jit3A_1120 : i32 to vector<16xi32>
          %min3A_1124 = arith.minsi %min3A_1123, %max3A_1122 : vector<16xi32>
          %mul3A_1125 = arith.constant 4096 : i32
          %mul3A_1126 = arith.muli %add3A_68, %mul3A_1125 : i32
          %mul3A_1127 = arith.constant 16 : i32
          %mul3A_1128 = arith.muli %scan3A_927, %mul3A_1127 : i32
          %add3A_1129 = arith.addi %mul3A_1126, %mul3A_1128 : i32
          %broadcast_in_dim3A_1130 = vector.broadcast %add3A_1129 : i32 to vector<16xi32>
          %add3A_1131 = arith.addi %broadcast_in_dim3A_1130, %iota3A : vector<16xi32>
          %min3A_1132 = arith.constant 4095 : i32
          %min3A_1133 = vector.broadcast %min3A_1132 : i32 to vector<16xi32>
          %min3A_1134 = arith.minsi %min3A_1124, %min3A_1133 : vector<16xi32>
          %shift_right_arithmetic3A_1135 = arith.constant 7 : i32
          %shift_right_arithmetic3A_1136 = vector.broadcast %shift_right_arithmetic3A_1135 : i32 to vector<16xi32>
          %shift_right_arithmetic3A_1137 = arith.shrsi %min3A_1134, %shift_right_arithmetic3A_1136 : vector<16xi32>
          %and3A_1138 = arith.constant 127 : i32
          %and3A_1139 = vector.broadcast %and3A_1138 : i32 to vector<16xi32>
          %and3A_1140 = arith.andi %min3A_1134, %and3A_1139 : vector<16xi32>
          %gt3A_1141 = arith.cmpi sgt, %min3A_1062, %min3A_1124 : vector<16xi32>
          tpu.vector_store_idx %arg9[%shift_right_arithmetic3A_1137, %and3A_1140], %add3A_1131 masked %gt3A_1141 : memref<32x128xi32, #tpu.memory_space<vmem>>[vector<16xi32>, vector<16xi32>], vector<16xi32>, vector<16xi1>
        }
        %scan3A_277 = arith.constant 256 : i32
        %scan3A_278 = arith.constant 0 : i32
        %scan3A_279 = arith.constant 0 : i32
        %scan3A_280 = arith.constant 256 : i32
        %scan3A_281 = arith.addi %scan3A_279, %scan3A_280 : i32
        %scan3A_282 = arith.constant 1 : i32
        %scan3A_283 = scf.for %scan3A_285 = %scan3A_279 to %scan3A_281 step %scan3A_282 iter_args(%scan3A_286 = %scan3A_278) -> (i32)  : i32 {
          %jit3A_287 = arith.constant 8 : i32
          %div3A_288 = arith.divsi %scan3A_285, %jit3A_287 : i32
          %sign3A_289 = arith.constant 0 : i32
          %sign3A_290 = arith.cmpi sgt, %scan3A_285, %sign3A_289 : i32
          %sign3A_291 = arith.extui %sign3A_290 : i1 to i32
          %sign3A_292 = arith.constant 0 : i32
          %sign3A_293 = arith.cmpi slt, %scan3A_285, %sign3A_292 : i32
          %sign3A_294 = arith.extui %sign3A_293 : i1 to i32
          %sign3A_295 = arith.subi %sign3A_291, %sign3A_294 : i32
          %sign3A_296 = arith.constant 0 : i32
          %sign3A_297 = arith.cmpi sgt, %jit3A_287, %sign3A_296 : i32
          %sign3A_298 = arith.extui %sign3A_297 : i1 to i32
          %sign3A_299 = arith.constant 0 : i32
          %sign3A_300 = arith.cmpi slt, %jit3A_287, %sign3A_299 : i32
          %sign3A_301 = arith.extui %sign3A_300 : i1 to i32
          %sign3A_302 = arith.subi %sign3A_298, %sign3A_301 : i32
          %ne3A_303 = arith.cmpi ne, %sign3A_295, %sign3A_302 : i32
          %rem3A_304 = arith.remsi %scan3A_285, %jit3A_287 : i32
          %ne3A_305 = arith.constant 0 : i32
          %ne3A_306 = arith.cmpi ne, %rem3A_304, %ne3A_305 : i32
          %and3A_307 = arith.andi %ne3A_303, %ne3A_306 : i1
          %sub3A_308 = arith.constant 1 : i32
          %sub3A_309 = arith.subi %div3A_288, %sub3A_308 : i32
          %select_n3A_310 = arith.select %and3A_307, %sub3A_309, %div3A_288 : i32
          %jit3A_311 = arith.constant 8 : i32
          %eq3A_312 = arith.constant 0 : i32
          %eq3A_313 = arith.cmpi eq, %jit3A_311, %eq3A_312 : i32
          %jit3A_314 = arith.constant 1 : i32
          %select_n3A_315 = arith.select %eq3A_313, %jit3A_314, %jit3A_311 : i32
          %rem3A_316 = arith.remsi %scan3A_285, %select_n3A_315 : i32
          %ne3A_317 = arith.constant 0 : i32
          %ne3A_318 = arith.cmpi ne, %rem3A_316, %ne3A_317 : i32
          %lt3A_319 = arith.constant 0 : i32
          %lt3A_320 = arith.cmpi slt, %rem3A_316, %lt3A_319 : i32
          %lt3A_321 = arith.constant 0 : i32
          %lt3A_322 = arith.cmpi slt, %select_n3A_315, %lt3A_321 : i32
          %ne3A_323 = arith.xori %lt3A_320, %lt3A_322 : i1
          %and3A_324 = arith.andi %ne3A_323, %ne3A_318 : i1
          %add3A_325 = arith.addi %rem3A_316, %select_n3A_315 : i32
          %select_n3A_326 = arith.select %and3A_324, %add3A_325, %rem3A_316 : i32
          %mul3A_327 = arith.constant 16 : i32
          %mul3A_328 = arith.muli %select_n3A_326, %mul3A_327 : i32
          %get3A = arith.index_cast %select_n3A_310 : i32 to index
          %get3A_329 = arith.index_cast %mul3A_328 : i32 to index
          %get3A_330 = tpu.vector_load %arg9[%get3A, %get3A_329] {strides = array<i32>} : memref<32x128xi32, #tpu.memory_space<vmem>>, vector<16xi32>,
          %broadcast_in_dim3A_331 = arith.constant true
          %broadcast_in_dim3A_332 = vector.broadcast %broadcast_in_dim3A_331 : i1 to vector<16xi1>
          %masked_cummax3A = arith.constant -2147483648 : i32
          %masked_cummax3A_333 = vector.broadcast %masked_cummax3A : i32 to vector<16xi32>
          %masked_cummax3A_334 = arith.xori %get3A_330, %masked_cummax3A_333 : vector<16xi32>
          %masked_cummax3A_335 = tpu.scan <max>, %masked_cummax3A_334 masked %broadcast_in_dim3A_332 : vector<16xi32>, vector<16xi1> -> vector<16xi32>
          %masked_cummax3A_336 = arith.xori %masked_cummax3A_335, %masked_cummax3A_333 : vector<16xi32>
          %broadcast_in_dim3A_337 = vector.broadcast %scan3A_286 : i32 to vector<16xi32>
          %max3A = arith.maxsi %masked_cummax3A_336, %broadcast_in_dim3A_337 : vector<16xi32>
          %jit3A_338 = arith.constant 8 : i32
          %div3A_339 = arith.divsi %scan3A_285, %jit3A_338 : i32
          %sign3A_340 = arith.constant 0 : i32
          %sign3A_341 = arith.cmpi sgt, %scan3A_285, %sign3A_340 : i32
          %sign3A_342 = arith.extui %sign3A_341 : i1 to i32
          %sign3A_343 = arith.constant 0 : i32
          %sign3A_344 = arith.cmpi slt, %scan3A_285, %sign3A_343 : i32
          %sign3A_345 = arith.extui %sign3A_344 : i1 to i32
          %sign3A_346 = arith.subi %sign3A_342, %sign3A_345 : i32
          %sign3A_347 = arith.constant 0 : i32
          %sign3A_348 = arith.cmpi sgt, %jit3A_338, %sign3A_347 : i32
          %sign3A_349 = arith.extui %sign3A_348 : i1 to i32
          %sign3A_350 = arith.constant 0 : i32
          %sign3A_351 = arith.cmpi slt, %jit3A_338, %sign3A_350 : i32
          %sign3A_352 = arith.extui %sign3A_351 : i1 to i32
          %sign3A_353 = arith.subi %sign3A_349, %sign3A_352 : i32
          %ne3A_354 = arith.cmpi ne, %sign3A_346, %sign3A_353 : i32
          %rem3A_355 = arith.remsi %scan3A_285, %jit3A_338 : i32
          %ne3A_356 = arith.constant 0 : i32
          %ne3A_357 = arith.cmpi ne, %rem3A_355, %ne3A_356 : i32
          %and3A_358 = arith.andi %ne3A_354, %ne3A_357 : i1
          %sub3A_359 = arith.constant 1 : i32
          %sub3A_360 = arith.subi %div3A_339, %sub3A_359 : i32
          %select_n3A_361 = arith.select %and3A_358, %sub3A_360, %div3A_339 : i32
          %jit3A_362 = arith.constant 8 : i32
          %eq3A_363 = arith.constant 0 : i32
          %eq3A_364 = arith.cmpi eq, %jit3A_362, %eq3A_363 : i32
          %jit3A_365 = arith.constant 1 : i32
          %select_n3A_366 = arith.select %eq3A_364, %jit3A_365, %jit3A_362 : i32
          %rem3A_367 = arith.remsi %scan3A_285, %select_n3A_366 : i32
          %ne3A_368 = arith.constant 0 : i32
          %ne3A_369 = arith.cmpi ne, %rem3A_367, %ne3A_368 : i32
          %lt3A_370 = arith.constant 0 : i32
          %lt3A_371 = arith.cmpi slt, %rem3A_367, %lt3A_370 : i32
          %lt3A_372 = arith.constant 0 : i32
          %lt3A_373 = arith.cmpi slt, %select_n3A_366, %lt3A_372 : i32
          %ne3A_374 = arith.xori %lt3A_371, %lt3A_373 : i1
          %and3A_375 = arith.andi %ne3A_374, %ne3A_369 : i1
          %add3A_376 = arith.addi %rem3A_367, %select_n3A_366 : i32
          %select_n3A_377 = arith.select %and3A_375, %add3A_376, %rem3A_367 : i32
          %mul3A_378 = arith.constant 16 : i32
          %mul3A_379 = arith.muli %select_n3A_377, %mul3A_378 : i32
          %swap3A = arith.index_cast %select_n3A_361 : i32 to index
          %swap3A_380 = arith.index_cast %mul3A_379 : i32 to index
          %swap3A_381 = tpu.vector_load %arg9[%swap3A, %swap3A_380] {strides = array<i32>} : memref<32x128xi32, #tpu.memory_space<vmem>>, vector<16xi32>,
          tpu.vector_store %arg9[%swap3A, %swap3A_380], %max3A {strides = array<i32>} : memref<32x128xi32, #tpu.memory_space<vmem>>, vector<16xi32>,
          %reduce_max3A_382 = arith.constant true
          %reduce_max3A_383 = vector.broadcast %reduce_max3A_382 : i1 to vector<16xi1>
          %reduce_max3A_384 = arith.constant -2147483648 : i32
          %reduce_max3A_385 = vector.broadcast %reduce_max3A_384 : i32 to vector<16xi32>
          %reduce_max3A_386 = arith.xori %max3A, %reduce_max3A_385 : vector<16xi32>
          %reduce_max3A_387 = tpu.scan <max>, %reduce_max3A_386 masked %reduce_max3A_383 : vector<16xi32>, vector<16xi1> -> vector<16xi32>
          %reduce_max3A_388 = arith.xori %reduce_max3A_387, %reduce_max3A_385 : vector<16xi32>
          %reduce_max3A_389 = vector.extract %reduce_max3A_388[15] : i32 from vector<16xi32>
          scf.yield %reduce_max3A_389 : i32
        }
        %scan3A_284 = arith.constant 256 : i32
      } else {
      }
      %convert_element_type3A_99 = arith.extui %ne3A_92 : i1 to i32
      %cond3A_100 = arith.constant 0 : i32
      %cond3A_101 = arith.cmpi ne, %convert_element_type3A_99, %cond3A_100 : i32
      scf.if %cond3A_101 {
        %scan3A_266 = arith.constant 0 : i32
        %scan3A_267 = arith.constant 0 : i32
        %scan3A_268 = arith.constant 8 : i32
        %scan3A_269 = arith.addi %scan3A_267, %scan3A_268 : i32
        %scan3A_270 = arith.constant 1 : i32
        scf.for %scan3A_272 = %scan3A_267 to %scan3A_269 step %scan3A_270  : i32 {
          %mul3A_273 = arith.constant 8 : i32
          %mul3A_274 = arith.muli %select_n3A_82, %mul3A_273 : i32
          %add3A_275 = arith.addi %mul3A_274, %scan3A_272 : i32
          %mul3A_276 = arith.constant 128 : i32
          %mul3A_277 = arith.muli %scan3A_272, %mul3A_276 : i32
          %dma_start3A_278 = arith.constant 0 : i32
          %dma_start3A_279 = tpu.memref_slice %arg13[%mul3A_277, %dma_start3A_278] : memref<1024x32xf32, #tpu.memory_space<vmem>> -> memref<128x32xf32, #tpu.memory_space<vmem>>
          %dma_start3A_280 = arith.constant 0 : i32
          %dma_start3A_281 = tpu.memref_slice %arg9[%add3A_275, %dma_start3A_280] : memref<32x128xi32, #tpu.memory_space<vmem>> -> memref<1x128xi32, #tpu.memory_space<vmem>>
          %dma_start3A_282 = tpu.memref_squeeze %dma_start3A_281 : memref<1x128xi32, #tpu.memory_space<vmem>> -> memref<128xi32, #tpu.memory_space<vmem>>
          %dma_start3A_283 = arith.constant 0 : i32
          %dma_start3A_284 = arith.constant 0 : i32
          %dma_start3A_285 = tpu.memref_slice %arg2[%dma_start3A_283, %dma_start3A_284] : memref<1048576x32xf32, #tpu.memory_space<hbm>> -> memref<1048576x32xf32, #tpu.memory_space<hbm>>
          tpu.enqueue_indirect_dma source(%dma_start3A_285 : memref<1048576x32xf32, #tpu.memory_space<hbm>>) target(%dma_start3A_279 : memref<128x32xf32, #tpu.memory_space<vmem>>) offsets(%dma_start3A_282 : memref<128xi32, #tpu.memory_space<vmem>>) semaphore(%arg15 : memref<!tpu.dma_semaphore, #tpu.memory_space<semaphore_mem>>)
        }
        %scan3A_271 = arith.constant 8 : i32
      } else {
      }
      %not3A = arith.constant true
      %not3A_102 = arith.xori %ne3A_92, %not3A : i1
      %convert_element_type3A_103 = arith.extui %not3A_102 : i1 to i32
      %cond3A_104 = arith.constant 0 : i32
      %cond3A_105 = arith.cmpi ne, %convert_element_type3A_103, %cond3A_104 : i32
      scf.if %cond3A_105 {
        %mul3A_266 = arith.constant 4096 : i32
        %mul3A_267 = arith.muli %add3A_68, %mul3A_266 : i32
        %mul3A_268 = arith.constant 1024 : i32
        %mul3A_269 = arith.muli %select_n3A_82, %mul3A_268 : i32
        %add3A_270 = arith.addi %mul3A_267, %mul3A_269 : i32
        %dma_start3A_271 = arith.constant 0 : i32
        %dma_start3A_272 = tpu.memref_slice %arg2[%add3A_270, %dma_start3A_271] : memref<1048576x32xf32, #tpu.memory_space<hbm>> -> memref<1024x32xf32, #tpu.memory_space<hbm>>
        %dma_start3A_273 = arith.constant 0 : i32
        %dma_start3A_274 = tpu.memref_slice %arg2[%add3A_270, %dma_start3A_273] : memref<1048576x32xf32, #tpu.memory_space<hbm>> -> memref<1024x32xf32, #tpu.memory_space<hbm>>
        tpu.enqueue_dma source(%dma_start3A_274 : memref<1024x32xf32, #tpu.memory_space<hbm>>) target(%arg13 : memref<1024x32xf32, #tpu.memory_space<vmem>>) target_semaphore(%arg15 : memref<!tpu.dma_semaphore, #tpu.memory_space<semaphore_mem>>)
      } else {
      }
      %eq3A_106 = arith.constant 3 : i32
      %eq3A_107 = arith.cmpi eq, %select_n3A_82, %eq3A_106 : i32
      %and3A_108 = arith.andi %ne3A_92, %eq3A_107 : i1
      %convert_element_type3A_109 = arith.extui %and3A_108 : i1 to i32
      %cond3A_110 = arith.constant 0 : i32
      %cond3A_111 = arith.cmpi ne, %convert_element_type3A_109, %cond3A_110 : i32
      scf.if %cond3A_111 {
        "tpu.region"() ({
          %run_scoped3A = tpu.sem_alloc : memref<!tpu.dma_semaphore, #tpu.memory_space<semaphore_mem>>
          %dma_start3A_266 = arith.constant 0 : i32
          %dma_start3A_267 = arith.constant 0 : i32
          %dma_start3A_268 = tpu.memref_slice %arg7[%add3A_68, %dma_start3A_266, %dma_start3A_267] : memref<256x32x128xf32, #tpu.memory_space<hbm>> -> memref<1x32x128xf32, #tpu.memory_space<hbm>>
          %dma_start3A_269 = tpu.memref_squeeze %dma_start3A_268 : memref<1x32x128xf32, #tpu.memory_space<hbm>> -> memref<32x128xf32, #tpu.memory_space<hbm>>
          %dma_start3A_270 = arith.constant 0 : i32
          %dma_start3A_271 = arith.constant 0 : i32
          %dma_start3A_272 = tpu.memref_slice %arg7[%add3A_68, %dma_start3A_270, %dma_start3A_271] : memref<256x32x128xf32, #tpu.memory_space<hbm>> -> memref<1x32x128xf32, #tpu.memory_space<hbm>>
          %dma_start3A_273 = tpu.memref_squeeze %dma_start3A_272 : memref<1x32x128xf32, #tpu.memory_space<hbm>> -> memref<32x128xf32, #tpu.memory_space<hbm>>
          tpu.enqueue_dma source(%arg10 : memref<32x128xf32, #tpu.memory_space<vmem>>) target(%dma_start3A_273 : memref<32x128xf32, #tpu.memory_space<hbm>>) target_semaphore(%run_scoped3A : memref<!tpu.dma_semaphore, #tpu.memory_space<semaphore_mem>>)
          %dma_wait3A_274 = arith.constant 0 : i32
          %dma_wait3A_275 = arith.constant 0 : i32
          %dma_wait3A_276 = tpu.memref_slice %arg7[%add3A_68, %dma_wait3A_274, %dma_wait3A_275] : memref<256x32x128xf32, #tpu.memory_space<hbm>> -> memref<1x32x128xf32, #tpu.memory_space<hbm>>
          %dma_wait3A_277 = tpu.memref_squeeze %dma_wait3A_276 : memref<1x32x128xf32, #tpu.memory_space<hbm>> -> memref<32x128xf32, #tpu.memory_space<hbm>>
          %dma_wait3A_278 = arith.constant 0 : i32
          %dma_wait3A_279 = arith.constant 0 : i32
          %dma_wait3A_280 = tpu.memref_slice %arg7[%add3A_68, %dma_wait3A_278, %dma_wait3A_279] : memref<256x32x128xf32, #tpu.memory_space<hbm>> -> memref<1x32x128xf32, #tpu.memory_space<hbm>>
          %dma_wait3A_281 = tpu.memref_squeeze %dma_wait3A_280 : memref<1x32x128xf32, #tpu.memory_space<hbm>> -> memref<32x128xf32, #tpu.memory_space<hbm>>
          tpu.wait_dma2 semaphore(%run_scoped3A : memref<!tpu.dma_semaphore, #tpu.memory_space<semaphore_mem>>) src(%arg10 : memref<32x128xf32, #tpu.memory_space<vmem>>) dst(%dma_wait3A_281 : memref<32x128xf32, #tpu.memory_space<hbm>>)
          tpu.yield
        }) : () -> ()
      } else {
      }
      %not3A_112 = arith.constant true
      %not3A_113 = arith.xori %ne3A_92, %not3A_112 : i1
      %eq3A_114 = arith.constant 3 : i32
      %eq3A_115 = arith.cmpi eq, %select_n3A_82, %eq3A_114 : i32
      %and3A_116 = arith.andi %not3A_113, %eq3A_115 : i1
      %convert_element_type3A_117 = arith.extui %and3A_116 : i1 to i32
      %cond3A_118 = arith.constant 0 : i32
      %cond3A_119 = arith.cmpi ne, %convert_element_type3A_117, %cond3A_118 : i32
      scf.if %cond3A_119 {
        "tpu.region"() ({
          %run_scoped3A = tpu.sem_alloc : memref<!tpu.dma_semaphore, #tpu.memory_space<semaphore_mem>>
          %dma_start3A_266 = arith.constant 0 : i32
          %dma_start3A_267 = arith.constant 0 : i32
          %dma_start3A_268 = tpu.memref_slice %arg4[%add3A_68, %dma_start3A_266, %dma_start3A_267] : memref<256x32x128xf32, #tpu.memory_space<hbm>> -> memref<1x32x128xf32, #tpu.memory_space<hbm>>
          %dma_start3A_269 = tpu.memref_squeeze %dma_start3A_268 : memref<1x32x128xf32, #tpu.memory_space<hbm>> -> memref<32x128xf32, #tpu.memory_space<hbm>>
          %dma_start3A_270 = arith.constant 0 : i32
          %dma_start3A_271 = arith.constant 0 : i32
          %dma_start3A_272 = tpu.memref_slice %arg4[%add3A_68, %dma_start3A_270, %dma_start3A_271] : memref<256x32x128xf32, #tpu.memory_space<hbm>> -> memref<1x32x128xf32, #tpu.memory_space<hbm>>
          %dma_start3A_273 = tpu.memref_squeeze %dma_start3A_272 : memref<1x32x128xf32, #tpu.memory_space<hbm>> -> memref<32x128xf32, #tpu.memory_space<hbm>>
          tpu.enqueue_dma source(%dma_start3A_273 : memref<32x128xf32, #tpu.memory_space<hbm>>) target(%arg11 : memref<32x128xf32, #tpu.memory_space<vmem>>) target_semaphore(%run_scoped3A : memref<!tpu.dma_semaphore, #tpu.memory_space<semaphore_mem>>)
          %dma_wait3A_274 = arith.constant 0 : i32
          %dma_wait3A_275 = arith.constant 0 : i32
          %dma_wait3A_276 = tpu.memref_slice %arg4[%add3A_68, %dma_wait3A_274, %dma_wait3A_275] : memref<256x32x128xf32, #tpu.memory_space<hbm>> -> memref<1x32x128xf32, #tpu.memory_space<hbm>>
          %dma_wait3A_277 = tpu.memref_squeeze %dma_wait3A_276 : memref<1x32x128xf32, #tpu.memory_space<hbm>> -> memref<32x128xf32, #tpu.memory_space<hbm>>
          %dma_wait3A_278 = arith.constant 0 : i32
          %dma_wait3A_279 = arith.constant 0 : i32
          %dma_wait3A_280 = tpu.memref_slice %arg4[%add3A_68, %dma_wait3A_278, %dma_wait3A_279] : memref<256x32x128xf32, #tpu.memory_space<hbm>> -> memref<1x32x128xf32, #tpu.memory_space<hbm>>
          %dma_wait3A_281 = tpu.memref_squeeze %dma_wait3A_280 : memref<1x32x128xf32, #tpu.memory_space<hbm>> -> memref<32x128xf32, #tpu.memory_space<hbm>>
          tpu.wait_dma2 semaphore(%run_scoped3A : memref<!tpu.dma_semaphore, #tpu.memory_space<semaphore_mem>>) src(%dma_wait3A_281 : memref<32x128xf32, #tpu.memory_space<hbm>>) dst(%arg11 : memref<32x128xf32, #tpu.memory_space<vmem>>)
          tpu.yield
        }) : () -> ()
        "tpu.region"() ({
          %run_scoped3A = tpu.sem_alloc : memref<!tpu.dma_semaphore, #tpu.memory_space<semaphore_mem>>
          %dma_start3A_266 = arith.constant 0 : i32
          %dma_start3A_267 = arith.constant 0 : i32
          %dma_start3A_268 = tpu.memref_slice %arg7[%add3A_68, %dma_start3A_266, %dma_start3A_267] : memref<256x32x128xf32, #tpu.memory_space<hbm>> -> memref<1x32x128xf32, #tpu.memory_space<hbm>>
          %dma_start3A_269 = tpu.memref_squeeze %dma_start3A_268 : memref<1x32x128xf32, #tpu.memory_space<hbm>> -> memref<32x128xf32, #tpu.memory_space<hbm>>
          %dma_start3A_270 = arith.constant 0 : i32
          %dma_start3A_271 = arith.constant 0 : i32
          %dma_start3A_272 = tpu.memref_slice %arg7[%add3A_68, %dma_start3A_270, %dma_start3A_271] : memref<256x32x128xf32, #tpu.memory_space<hbm>> -> memref<1x32x128xf32, #tpu.memory_space<hbm>>
          %dma_start3A_273 = tpu.memref_squeeze %dma_start3A_272 : memref<1x32x128xf32, #tpu.memory_space<hbm>> -> memref<32x128xf32, #tpu.memory_space<hbm>>
          tpu.enqueue_dma source(%arg11 : memref<32x128xf32, #tpu.memory_space<vmem>>) target(%dma_start3A_273 : memref<32x128xf32, #tpu.memory_space<hbm>>) target_semaphore(%run_scoped3A : memref<!tpu.dma_semaphore, #tpu.memory_space<semaphore_mem>>)
          %dma_wait3A_274 = arith.constant 0 : i32
          %dma_wait3A_275 = arith.constant 0 : i32
          %dma_wait3A_276 = tpu.memref_slice %arg7[%add3A_68, %dma_wait3A_274, %dma_wait3A_275] : memref<256x32x128xf32, #tpu.memory_space<hbm>> -> memref<1x32x128xf32, #tpu.memory_space<hbm>>
          %dma_wait3A_277 = tpu.memref_squeeze %dma_wait3A_276 : memref<1x32x128xf32, #tpu.memory_space<hbm>> -> memref<32x128xf32, #tpu.memory_space<hbm>>
          %dma_wait3A_278 = arith.constant 0 : i32
          %dma_wait3A_279 = arith.constant 0 : i32
          %dma_wait3A_280 = tpu.memref_slice %arg7[%add3A_68, %dma_wait3A_278, %dma_wait3A_279] : memref<256x32x128xf32, #tpu.memory_space<hbm>> -> memref<1x32x128xf32, #tpu.memory_space<hbm>>
          %dma_wait3A_281 = tpu.memref_squeeze %dma_wait3A_280 : memref<1x32x128xf32, #tpu.memory_space<hbm>> -> memref<32x128xf32, #tpu.memory_space<hbm>>
          tpu.wait_dma2 semaphore(%run_scoped3A : memref<!tpu.dma_semaphore, #tpu.memory_space<semaphore_mem>>) src(%arg11 : memref<32x128xf32, #tpu.memory_space<vmem>>) dst(%dma_wait3A_281 : memref<32x128xf32, #tpu.memory_space<hbm>>)
          tpu.yield
        }) : () -> ()
      } else {
      }
      %gt3A_120 = arith.constant 0 : i32
      %gt3A_121 = arith.cmpi sgt, %scan3A_41, %gt3A_120 : i32
      %convert_element_type3A_122 = arith.extui %gt3A_121 : i1 to i32
      %cond3A_123 = arith.constant 0 : i32
      %cond3A_124 = arith.cmpi ne, %convert_element_type3A_122, %cond3A_123 : i32
      scf.if %cond3A_124 {
        %dma_wait3A_266 = arith.constant 0 : i32
        %dma_wait3A_267 = arith.constant 0 : i32
        %dma_wait3A_268 = tpu.memref_slice %arg2[%dma_wait3A_266, %dma_wait3A_267] : memref<1048576x32xf32, #tpu.memory_space<hbm>> -> memref<1024x32xf32, #tpu.memory_space<hbm>>
        %dma_wait3A_269 = arith.constant 0 : i32
        %dma_wait3A_270 = arith.constant 0 : i32
        %dma_wait3A_271 = tpu.memref_slice %arg2[%dma_wait3A_269, %dma_wait3A_270] : memref<1048576x32xf32, #tpu.memory_space<hbm>> -> memref<1024x32xf32, #tpu.memory_space<hbm>>
        tpu.wait_dma2 semaphore(%arg18 : memref<!tpu.dma_semaphore, #tpu.memory_space<semaphore_mem>>) src(%dma_wait3A_271 : memref<1024x32xf32, #tpu.memory_space<hbm>>) dst(%arg14 : memref<1024x32xf32, #tpu.memory_space<vmem>>)
      } else {
      }
      %mul3A_125 = arith.constant 8 : i32
      %mul3A_126 = arith.muli %add3A, %mul3A_125 : i32
      %jit3A_127 = arith.constant 4 : i32
      %div3A_128 = arith.divsi %add3A_47, %jit3A_127 : i32
      %sign3A_129 = arith.constant 0 : i32
      %sign3A_130 = arith.cmpi sgt, %add3A_47, %sign3A_129 : i32
      %sign3A_131 = arith.extui %sign3A_130 : i1 to i32
      %sign3A_132 = arith.constant 0 : i32
      %sign3A_133 = arith.cmpi slt, %add3A_47, %sign3A_132 : i32
      %sign3A_134 = arith.extui %sign3A_133 : i1 to i32
      %sign3A_135 = arith.subi %sign3A_131, %sign3A_134 : i32
      %sign3A_136 = arith.constant 0 : i32
      %sign3A_137 = arith.cmpi sgt, %jit3A_127, %sign3A_136 : i32
      %sign3A_138 = arith.extui %sign3A_137 : i1 to i32
      %sign3A_139 = arith.constant 0 : i32
      %sign3A_140 = arith.cmpi slt, %jit3A_127, %sign3A_139 : i32
      %sign3A_141 = arith.extui %sign3A_140 : i1 to i32
      %sign3A_142 = arith.subi %sign3A_138, %sign3A_141 : i32
      %ne3A_143 = arith.cmpi ne, %sign3A_135, %sign3A_142 : i32
      %rem3A_144 = arith.remsi %add3A_47, %jit3A_127 : i32
      %ne3A_145 = arith.constant 0 : i32
      %ne3A_146 = arith.cmpi ne, %rem3A_144, %ne3A_145 : i32
      %and3A_147 = arith.andi %ne3A_143, %ne3A_146 : i1
      %sub3A_148 = arith.constant 1 : i32
      %sub3A_149 = arith.subi %div3A_128, %sub3A_148 : i32
      %select_n3A_150 = arith.select %and3A_147, %sub3A_149, %div3A_128 : i32
      %add3A_151 = arith.addi %mul3A_126, %select_n3A_150 : i32
      %jit3A_152 = arith.constant 4 : i32
      %eq3A_153 = arith.constant 0 : i32
      %eq3A_154 = arith.cmpi eq, %jit3A_152, %eq3A_153 : i32
      %jit3A_155 = arith.constant 1 : i32
      %select_n3A_156 = arith.select %eq3A_154, %jit3A_155, %jit3A_152 : i32
      %rem3A_157 = arith.remsi %add3A_47, %select_n3A_156 : i32
      %ne3A_158 = arith.constant 0 : i32
      %ne3A_159 = arith.cmpi ne, %rem3A_157, %ne3A_158 : i32
      %lt3A_160 = arith.constant 0 : i32
      %lt3A_161 = arith.cmpi slt, %rem3A_157, %lt3A_160 : i32
      %lt3A_162 = arith.constant 0 : i32
      %lt3A_163 = arith.cmpi slt, %select_n3A_156, %lt3A_162 : i32
      %ne3A_164 = arith.xori %lt3A_161, %lt3A_163 : i1
      %and3A_165 = arith.andi %ne3A_164, %ne3A_159 : i1
      %add3A_166 = arith.addi %rem3A_157, %select_n3A_156 : i32
      %select_n3A_167 = arith.select %and3A_165, %add3A_166, %rem3A_157 : i32
      %broadcast_in_dim3A_168 = vector.broadcast %add3A_151 : i32 to vector<16xi32>
      %gather3A_169 = tpu.vector_load_idx %arg12[%broadcast_in_dim3A_168] : memref<256xi32, #tpu.memory_space<vmem>>[vector<16xi32>], vector<16xi32>,
      %reduce_max3A_170 = arith.constant true
      %reduce_max3A_171 = vector.broadcast %reduce_max3A_170 : i1 to vector<16xi1>
      %reduce_max3A_172 = arith.constant -2147483648 : i32
      %reduce_max3A_173 = vector.broadcast %reduce_max3A_172 : i32 to vector<16xi32>
      %reduce_max3A_174 = arith.xori %gather3A_169, %reduce_max3A_173 : vector<16xi32>
      %reduce_max3A_175 = tpu.scan <max>, %reduce_max3A_174 masked %reduce_max3A_171 : vector<16xi32>, vector<16xi1> -> vector<16xi32>
      %reduce_max3A_176 = arith.xori %reduce_max3A_175, %reduce_max3A_173 : vector<16xi32>
      %reduce_max3A_177 = vector.extract %reduce_max3A_176[15] : i32 from vector<16xi32>
      %ne3A_178 = arith.constant 0 : i32
      %ne3A_179 = arith.cmpi ne, %reduce_max3A_177, %ne3A_178 : i32
      %eq3A_180 = arith.constant 0 : i32
      %eq3A_181 = arith.cmpi eq, %select_n3A_167, %eq3A_180 : i32
      %and3A_182 = arith.andi %ne3A_179, %eq3A_181 : i1
      %convert_element_type3A_183 = arith.extui %and3A_182 : i1 to i32
      %cond3A_184 = arith.constant 0 : i32
      %cond3A_185 = arith.cmpi ne, %convert_element_type3A_183, %cond3A_184 : i32
      scf.if %cond3A_185 {
        "tpu.region"() ({
          %run_scoped3A = tpu.sem_alloc : memref<!tpu.dma_semaphore, #tpu.memory_space<semaphore_mem>>
          %dma_start3A_285 = arith.constant 0 : i32
          %dma_start3A_286 = arith.constant 0 : i32
          %dma_start3A_287 = tpu.memref_slice %arg3[%add3A_151, %dma_start3A_285, %dma_start3A_286] : memref<256x32x128xf32, #tpu.memory_space<hbm>> -> memref<1x32x128xf32, #tpu.memory_space<hbm>>
          %dma_start3A_288 = tpu.memref_squeeze %dma_start3A_287 : memref<1x32x128xf32, #tpu.memory_space<hbm>> -> memref<32x128xf32, #tpu.memory_space<hbm>>
          %dma_start3A_289 = arith.constant 0 : i32
          %dma_start3A_290 = arith.constant 0 : i32
          %dma_start3A_291 = tpu.memref_slice %arg3[%add3A_151, %dma_start3A_289, %dma_start3A_290] : memref<256x32x128xf32, #tpu.memory_space<hbm>> -> memref<1x32x128xf32, #tpu.memory_space<hbm>>
          %dma_start3A_292 = tpu.memref_squeeze %dma_start3A_291 : memref<1x32x128xf32, #tpu.memory_space<hbm>> -> memref<32x128xf32, #tpu.memory_space<hbm>>
          tpu.enqueue_dma source(%dma_start3A_292 : memref<32x128xf32, #tpu.memory_space<hbm>>) target(%arg8 : memref<32x128xf32, #tpu.memory_space<vmem>>) target_semaphore(%run_scoped3A : memref<!tpu.dma_semaphore, #tpu.memory_space<semaphore_mem>>)
          %dma_wait3A_293 = arith.constant 0 : i32
          %dma_wait3A_294 = arith.constant 0 : i32
          %dma_wait3A_295 = tpu.memref_slice %arg3[%add3A_151, %dma_wait3A_293, %dma_wait3A_294] : memref<256x32x128xf32, #tpu.memory_space<hbm>> -> memref<1x32x128xf32, #tpu.memory_space<hbm>>
          %dma_wait3A_296 = tpu.memref_squeeze %dma_wait3A_295 : memref<1x32x128xf32, #tpu.memory_space<hbm>> -> memref<32x128xf32, #tpu.memory_space<hbm>>
          %dma_wait3A_297 = arith.constant 0 : i32
          %dma_wait3A_298 = arith.constant 0 : i32
          %dma_wait3A_299 = tpu.memref_slice %arg3[%add3A_151, %dma_wait3A_297, %dma_wait3A_298] : memref<256x32x128xf32, #tpu.memory_space<hbm>> -> memref<1x32x128xf32, #tpu.memory_space<hbm>>
          %dma_wait3A_300 = tpu.memref_squeeze %dma_wait3A_299 : memref<1x32x128xf32, #tpu.memory_space<hbm>> -> memref<32x128xf32, #tpu.memory_space<hbm>>
          tpu.wait_dma2 semaphore(%run_scoped3A : memref<!tpu.dma_semaphore, #tpu.memory_space<semaphore_mem>>) src(%dma_wait3A_300 : memref<32x128xf32, #tpu.memory_space<hbm>>) dst(%arg8 : memref<32x128xf32, #tpu.memory_space<vmem>>)
          tpu.yield
        }) : () -> ()
        %scan3A_266 = arith.constant 0 : i32
        %scan3A_267 = arith.constant 0 : i32
        %scan3A_268 = arith.constant 256 : i32
        %scan3A_269 = arith.addi %scan3A_267, %scan3A_268 : i32
        %scan3A_270 = arith.constant 8 : i32
        scf.for %scan3A_285 = %scan3A_267 to %scan3A_269 step %scan3A_270  : i32 {
          %broadcast_in_dim3A_286 = arith.constant 0 : i32
          %broadcast_in_dim3A_287 = vector.broadcast %broadcast_in_dim3A_286 : i32 to vector<16xi32>
          %jit3A_288 = arith.constant 8 : i32
          %div3A_289 = arith.divsi %scan3A_285, %jit3A_288 : i32
          %sign3A_290 = arith.constant 0 : i32
          %sign3A_291 = arith.cmpi sgt, %scan3A_285, %sign3A_290 : i32
          %sign3A_292 = arith.extui %sign3A_291 : i1 to i32
          %sign3A_293 = arith.constant 0 : i32
          %sign3A_294 = arith.cmpi slt, %scan3A_285, %sign3A_293 : i32
          %sign3A_295 = arith.extui %sign3A_294 : i1 to i32
          %sign3A_296 = arith.subi %sign3A_292, %sign3A_295 : i32
          %sign3A_297 = arith.constant 0 : i32
          %sign3A_298 = arith.cmpi sgt, %jit3A_288, %sign3A_297 : i32
          %sign3A_299 = arith.extui %sign3A_298 : i1 to i32
          %sign3A_300 = arith.constant 0 : i32
          %sign3A_301 = arith.cmpi slt, %jit3A_288, %sign3A_300 : i32
          %sign3A_302 = arith.extui %sign3A_301 : i1 to i32
          %sign3A_303 = arith.subi %sign3A_299, %sign3A_302 : i32
          %ne3A_304 = arith.cmpi ne, %sign3A_296, %sign3A_303 : i32
          %rem3A_305 = arith.remsi %scan3A_285, %jit3A_288 : i32
          %ne3A_306 = arith.constant 0 : i32
          %ne3A_307 = arith.cmpi ne, %rem3A_305, %ne3A_306 : i32
          %and3A_308 = arith.andi %ne3A_304, %ne3A_307 : i1
          %sub3A_309 = arith.constant 1 : i32
          %sub3A_310 = arith.subi %div3A_289, %sub3A_309 : i32
          %select_n3A_311 = arith.select %and3A_308, %sub3A_310, %div3A_289 : i32
          %jit3A_312 = arith.constant 8 : i32
          %eq3A_313 = arith.constant 0 : i32
          %eq3A_314 = arith.cmpi eq, %jit3A_312, %eq3A_313 : i32
          %jit3A_315 = arith.constant 1 : i32
          %select_n3A_316 = arith.select %eq3A_314, %jit3A_315, %jit3A_312 : i32
          %rem3A_317 = arith.remsi %scan3A_285, %select_n3A_316 : i32
          %ne3A_318 = arith.constant 0 : i32
          %ne3A_319 = arith.cmpi ne, %rem3A_317, %ne3A_318 : i32
          %lt3A_320 = arith.constant 0 : i32
          %lt3A_321 = arith.cmpi slt, %rem3A_317, %lt3A_320 : i32
          %lt3A_322 = arith.constant 0 : i32
          %lt3A_323 = arith.cmpi slt, %select_n3A_316, %lt3A_322 : i32
          %ne3A_324 = arith.xori %lt3A_321, %lt3A_323 : i1
          %and3A_325 = arith.andi %ne3A_324, %ne3A_319 : i1
          %add3A_326 = arith.addi %rem3A_317, %select_n3A_316 : i32
          %select_n3A_327 = arith.select %and3A_325, %add3A_326, %rem3A_317 : i32
          %mul3A_328 = arith.constant 16 : i32
          %mul3A_329 = arith.muli %select_n3A_327, %mul3A_328 : i32
          %swap3A = arith.index_cast %select_n3A_311 : i32 to index
          %swap3A_330 = arith.index_cast %mul3A_329 : i32 to index
          %swap3A_331 = tpu.vector_load %arg9[%swap3A, %swap3A_330] {strides = array<i32>} : memref<32x128xi32, #tpu.memory_space<vmem>>, vector<16xi32>,
          tpu.vector_store %arg9[%swap3A, %swap3A_330], %broadcast_in_dim3A_287 {strides = array<i32>} : memref<32x128xi32, #tpu.memory_space<vmem>>, vector<16xi32>,
          %scan3A_332 = arith.constant 1 : i32
          %scan3A_333 = arith.addi %scan3A_285, %scan3A_332 : i32
          %broadcast_in_dim3A_334 = arith.constant 0 : i32
          %broadcast_in_dim3A_335 = vector.broadcast %broadcast_in_dim3A_334 : i32 to vector<16xi32>
          %jit3A_336 = arith.constant 8 : i32
          %div3A_337 = arith.divsi %scan3A_333, %jit3A_336 : i32
          %sign3A_338 = arith.constant 0 : i32
          %sign3A_339 = arith.cmpi sgt, %scan3A_333, %sign3A_338 : i32
          %sign3A_340 = arith.extui %sign3A_339 : i1 to i32
          %sign3A_341 = arith.constant 0 : i32
          %sign3A_342 = arith.cmpi slt, %scan3A_333, %sign3A_341 : i32
          %sign3A_343 = arith.extui %sign3A_342 : i1 to i32
          %sign3A_344 = arith.subi %sign3A_340, %sign3A_343 : i32
          %sign3A_345 = arith.constant 0 : i32
          %sign3A_346 = arith.cmpi sgt, %jit3A_336, %sign3A_345 : i32
          %sign3A_347 = arith.extui %sign3A_346 : i1 to i32
          %sign3A_348 = arith.constant 0 : i32
          %sign3A_349 = arith.cmpi slt, %jit3A_336, %sign3A_348 : i32
          %sign3A_350 = arith.extui %sign3A_349 : i1 to i32
          %sign3A_351 = arith.subi %sign3A_347, %sign3A_350 : i32
          %ne3A_352 = arith.cmpi ne, %sign3A_344, %sign3A_351 : i32
          %rem3A_353 = arith.remsi %scan3A_333, %jit3A_336 : i32
          %ne3A_354 = arith.constant 0 : i32
          %ne3A_355 = arith.cmpi ne, %rem3A_353, %ne3A_354 : i32
          %and3A_356 = arith.andi %ne3A_352, %ne3A_355 : i1
          %sub3A_357 = arith.constant 1 : i32
          %sub3A_358 = arith.subi %div3A_337, %sub3A_357 : i32
          %select_n3A_359 = arith.select %and3A_356, %sub3A_358, %div3A_337 : i32
          %jit3A_360 = arith.constant 8 : i32
          %eq3A_361 = arith.constant 0 : i32
          %eq3A_362 = arith.cmpi eq, %jit3A_360, %eq3A_361 : i32
          %jit3A_363 = arith.constant 1 : i32
          %select_n3A_364 = arith.select %eq3A_362, %jit3A_363, %jit3A_360 : i32
          %rem3A_365 = arith.remsi %scan3A_333, %select_n3A_364 : i32
          %ne3A_366 = arith.constant 0 : i32
          %ne3A_367 = arith.cmpi ne, %rem3A_365, %ne3A_366 : i32
          %lt3A_368 = arith.constant 0 : i32
          %lt3A_369 = arith.cmpi slt, %rem3A_365, %lt3A_368 : i32
          %lt3A_370 = arith.constant 0 : i32
          %lt3A_371 = arith.cmpi slt, %select_n3A_364, %lt3A_370 : i32
          %ne3A_372 = arith.xori %lt3A_369, %lt3A_371 : i1
          %and3A_373 = arith.andi %ne3A_372, %ne3A_367 : i1
          %add3A_374 = arith.addi %rem3A_365, %select_n3A_364 : i32
          %select_n3A_375 = arith.select %and3A_373, %add3A_374, %rem3A_365 : i32
          %mul3A_376 = arith.constant 16 : i32
          %mul3A_377 = arith.muli %select_n3A_375, %mul3A_376 : i32
          %swap3A_378 = arith.index_cast %select_n3A_359 : i32 to index
          %swap3A_379 = arith.index_cast %mul3A_377 : i32 to index
          %swap3A_380 = tpu.vector_load %arg9[%swap3A_378, %swap3A_379] {strides = array<i32>} : memref<32x128xi32, #tpu.memory_space<vmem>>, vector<16xi32>,
          tpu.vector_store %arg9[%swap3A_378, %swap3A_379], %broadcast_in_dim3A_335 {strides = array<i32>} : memref<32x128xi32, #tpu.memory_space<vmem>>, vector<16xi32>,
          %scan3A_381 = arith.constant 2 : i32
          %scan3A_382 = arith.addi %scan3A_285, %scan3A_381 : i32
          %broadcast_in_dim3A_383 = arith.constant 0 : i32
          %broadcast_in_dim3A_384 = vector.broadcast %broadcast_in_dim3A_383 : i32 to vector<16xi32>
          %jit3A_385 = arith.constant 8 : i32
          %div3A_386 = arith.divsi %scan3A_382, %jit3A_385 : i32
          %sign3A_387 = arith.constant 0 : i32
          %sign3A_388 = arith.cmpi sgt, %scan3A_382, %sign3A_387 : i32
          %sign3A_389 = arith.extui %sign3A_388 : i1 to i32
          %sign3A_390 = arith.constant 0 : i32
          %sign3A_391 = arith.cmpi slt, %scan3A_382, %sign3A_390 : i32
          %sign3A_392 = arith.extui %sign3A_391 : i1 to i32
          %sign3A_393 = arith.subi %sign3A_389, %sign3A_392 : i32
          %sign3A_394 = arith.constant 0 : i32
          %sign3A_395 = arith.cmpi sgt, %jit3A_385, %sign3A_394 : i32
          %sign3A_396 = arith.extui %sign3A_395 : i1 to i32
          %sign3A_397 = arith.constant 0 : i32
          %sign3A_398 = arith.cmpi slt, %jit3A_385, %sign3A_397 : i32
          %sign3A_399 = arith.extui %sign3A_398 : i1 to i32
          %sign3A_400 = arith.subi %sign3A_396, %sign3A_399 : i32
          %ne3A_401 = arith.cmpi ne, %sign3A_393, %sign3A_400 : i32
          %rem3A_402 = arith.remsi %scan3A_382, %jit3A_385 : i32
          %ne3A_403 = arith.constant 0 : i32
          %ne3A_404 = arith.cmpi ne, %rem3A_402, %ne3A_403 : i32
          %and3A_405 = arith.andi %ne3A_401, %ne3A_404 : i1
          %sub3A_406 = arith.constant 1 : i32
          %sub3A_407 = arith.subi %div3A_386, %sub3A_406 : i32
          %select_n3A_408 = arith.select %and3A_405, %sub3A_407, %div3A_386 : i32
          %jit3A_409 = arith.constant 8 : i32
          %eq3A_410 = arith.constant 0 : i32
          %eq3A_411 = arith.cmpi eq, %jit3A_409, %eq3A_410 : i32
          %jit3A_412 = arith.constant 1 : i32
          %select_n3A_413 = arith.select %eq3A_411, %jit3A_412, %jit3A_409 : i32
          %rem3A_414 = arith.remsi %scan3A_382, %select_n3A_413 : i32
          %ne3A_415 = arith.constant 0 : i32
          %ne3A_416 = arith.cmpi ne, %rem3A_414, %ne3A_415 : i32
          %lt3A_417 = arith.constant 0 : i32
          %lt3A_418 = arith.cmpi slt, %rem3A_414, %lt3A_417 : i32
          %lt3A_419 = arith.constant 0 : i32
          %lt3A_420 = arith.cmpi slt, %select_n3A_413, %lt3A_419 : i32
          %ne3A_421 = arith.xori %lt3A_418, %lt3A_420 : i1
          %and3A_422 = arith.andi %ne3A_421, %ne3A_416 : i1
          %add3A_423 = arith.addi %rem3A_414, %select_n3A_413 : i32
          %select_n3A_424 = arith.select %and3A_422, %add3A_423, %rem3A_414 : i32
          %mul3A_425 = arith.constant 16 : i32
          %mul3A_426 = arith.muli %select_n3A_424, %mul3A_425 : i32
          %swap3A_427 = arith.index_cast %select_n3A_408 : i32 to index
          %swap3A_428 = arith.index_cast %mul3A_426 : i32 to index
          %swap3A_429 = tpu.vector_load %arg9[%swap3A_427, %swap3A_428] {strides = array<i32>} : memref<32x128xi32, #tpu.memory_space<vmem>>, vector<16xi32>,
          tpu.vector_store %arg9[%swap3A_427, %swap3A_428], %broadcast_in_dim3A_384 {strides = array<i32>} : memref<32x128xi32, #tpu.memory_space<vmem>>, vector<16xi32>,
          %scan3A_430 = arith.constant 3 : i32
          %scan3A_431 = arith.addi %scan3A_285, %scan3A_430 : i32
          %broadcast_in_dim3A_432 = arith.constant 0 : i32
          %broadcast_in_dim3A_433 = vector.broadcast %broadcast_in_dim3A_432 : i32 to vector<16xi32>
          %jit3A_434 = arith.constant 8 : i32
          %div3A_435 = arith.divsi %scan3A_431, %jit3A_434 : i32
          %sign3A_436 = arith.constant 0 : i32
          %sign3A_437 = arith.cmpi sgt, %scan3A_431, %sign3A_436 : i32
          %sign3A_438 = arith.extui %sign3A_437 : i1 to i32
          %sign3A_439 = arith.constant 0 : i32
          %sign3A_440 = arith.cmpi slt, %scan3A_431, %sign3A_439 : i32
          %sign3A_441 = arith.extui %sign3A_440 : i1 to i32
          %sign3A_442 = arith.subi %sign3A_438, %sign3A_441 : i32
          %sign3A_443 = arith.constant 0 : i32
          %sign3A_444 = arith.cmpi sgt, %jit3A_434, %sign3A_443 : i32
          %sign3A_445 = arith.extui %sign3A_444 : i1 to i32
          %sign3A_446 = arith.constant 0 : i32
          %sign3A_447 = arith.cmpi slt, %jit3A_434, %sign3A_446 : i32
          %sign3A_448 = arith.extui %sign3A_447 : i1 to i32
          %sign3A_449 = arith.subi %sign3A_445, %sign3A_448 : i32
          %ne3A_450 = arith.cmpi ne, %sign3A_442, %sign3A_449 : i32
          %rem3A_451 = arith.remsi %scan3A_431, %jit3A_434 : i32
          %ne3A_452 = arith.constant 0 : i32
          %ne3A_453 = arith.cmpi ne, %rem3A_451, %ne3A_452 : i32
          %and3A_454 = arith.andi %ne3A_450, %ne3A_453 : i1
          %sub3A_455 = arith.constant 1 : i32
          %sub3A_456 = arith.subi %div3A_435, %sub3A_455 : i32
          %select_n3A_457 = arith.select %and3A_454, %sub3A_456, %div3A_435 : i32
          %jit3A_458 = arith.constant 8 : i32
          %eq3A_459 = arith.constant 0 : i32
          %eq3A_460 = arith.cmpi eq, %jit3A_458, %eq3A_459 : i32
          %jit3A_461 = arith.constant 1 : i32
          %select_n3A_462 = arith.select %eq3A_460, %jit3A_461, %jit3A_458 : i32
          %rem3A_463 = arith.remsi %scan3A_431, %select_n3A_462 : i32
          %ne3A_464 = arith.constant 0 : i32
          %ne3A_465 = arith.cmpi ne, %rem3A_463, %ne3A_464 : i32
          %lt3A_466 = arith.constant 0 : i32
          %lt3A_467 = arith.cmpi slt, %rem3A_463, %lt3A_466 : i32
          %lt3A_468 = arith.constant 0 : i32
          %lt3A_469 = arith.cmpi slt, %select_n3A_462, %lt3A_468 : i32
          %ne3A_470 = arith.xori %lt3A_467, %lt3A_469 : i1
          %and3A_471 = arith.andi %ne3A_470, %ne3A_465 : i1
          %add3A_472 = arith.addi %rem3A_463, %select_n3A_462 : i32
          %select_n3A_473 = arith.select %and3A_471, %add3A_472, %rem3A_463 : i32
          %mul3A_474 = arith.constant 16 : i32
          %mul3A_475 = arith.muli %select_n3A_473, %mul3A_474 : i32
          %swap3A_476 = arith.index_cast %select_n3A_457 : i32 to index
          %swap3A_477 = arith.index_cast %mul3A_475 : i32 to index
          %swap3A_478 = tpu.vector_load %arg9[%swap3A_476, %swap3A_477] {strides = array<i32>} : memref<32x128xi32, #tpu.memory_space<vmem>>, vector<16xi32>,
          tpu.vector_store %arg9[%swap3A_476, %swap3A_477], %broadcast_in_dim3A_433 {strides = array<i32>} : memref<32x128xi32, #tpu.memory_space<vmem>>, vector<16xi32>,
          %scan3A_479 = arith.constant 4 : i32
          %scan3A_480 = arith.addi %scan3A_285, %scan3A_479 : i32
          %broadcast_in_dim3A_481 = arith.constant 0 : i32
          %broadcast_in_dim3A_482 = vector.broadcast %broadcast_in_dim3A_481 : i32 to vector<16xi32>
          %jit3A_483 = arith.constant 8 : i32
          %div3A_484 = arith.divsi %scan3A_480, %jit3A_483 : i32
          %sign3A_485 = arith.constant 0 : i32
          %sign3A_486 = arith.cmpi sgt, %scan3A_480, %sign3A_485 : i32
          %sign3A_487 = arith.extui %sign3A_486 : i1 to i32
          %sign3A_488 = arith.constant 0 : i32
          %sign3A_489 = arith.cmpi slt, %scan3A_480, %sign3A_488 : i32
          %sign3A_490 = arith.extui %sign3A_489 : i1 to i32
          %sign3A_491 = arith.subi %sign3A_487, %sign3A_490 : i32
          %sign3A_492 = arith.constant 0 : i32
          %sign3A_493 = arith.cmpi sgt, %jit3A_483, %sign3A_492 : i32
          %sign3A_494 = arith.extui %sign3A_493 : i1 to i32
          %sign3A_495 = arith.constant 0 : i32
          %sign3A_496 = arith.cmpi slt, %jit3A_483, %sign3A_495 : i32
          %sign3A_497 = arith.extui %sign3A_496 : i1 to i32
          %sign3A_498 = arith.subi %sign3A_494, %sign3A_497 : i32
          %ne3A_499 = arith.cmpi ne, %sign3A_491, %sign3A_498 : i32
          %rem3A_500 = arith.remsi %scan3A_480, %jit3A_483 : i32
          %ne3A_501 = arith.constant 0 : i32
          %ne3A_502 = arith.cmpi ne, %rem3A_500, %ne3A_501 : i32
          %and3A_503 = arith.andi %ne3A_499, %ne3A_502 : i1
          %sub3A_504 = arith.constant 1 : i32
          %sub3A_505 = arith.subi %div3A_484, %sub3A_504 : i32
          %select_n3A_506 = arith.select %and3A_503, %sub3A_505, %div3A_484 : i32
          %jit3A_507 = arith.constant 8 : i32
          %eq3A_508 = arith.constant 0 : i32
          %eq3A_509 = arith.cmpi eq, %jit3A_507, %eq3A_508 : i32
          %jit3A_510 = arith.constant 1 : i32
          %select_n3A_511 = arith.select %eq3A_509, %jit3A_510, %jit3A_507 : i32
          %rem3A_512 = arith.remsi %scan3A_480, %select_n3A_511 : i32
          %ne3A_513 = arith.constant 0 : i32
          %ne3A_514 = arith.cmpi ne, %rem3A_512, %ne3A_513 : i32
          %lt3A_515 = arith.constant 0 : i32
          %lt3A_516 = arith.cmpi slt, %rem3A_512, %lt3A_515 : i32
          %lt3A_517 = arith.constant 0 : i32
          %lt3A_518 = arith.cmpi slt, %select_n3A_511, %lt3A_517 : i32
          %ne3A_519 = arith.xori %lt3A_516, %lt3A_518 : i1
          %and3A_520 = arith.andi %ne3A_519, %ne3A_514 : i1
          %add3A_521 = arith.addi %rem3A_512, %select_n3A_511 : i32
          %select_n3A_522 = arith.select %and3A_520, %add3A_521, %rem3A_512 : i32
          %mul3A_523 = arith.constant 16 : i32
          %mul3A_524 = arith.muli %select_n3A_522, %mul3A_523 : i32
          %swap3A_525 = arith.index_cast %select_n3A_506 : i32 to index
          %swap3A_526 = arith.index_cast %mul3A_524 : i32 to index
          %swap3A_527 = tpu.vector_load %arg9[%swap3A_525, %swap3A_526] {strides = array<i32>} : memref<32x128xi32, #tpu.memory_space<vmem>>, vector<16xi32>,
          tpu.vector_store %arg9[%swap3A_525, %swap3A_526], %broadcast_in_dim3A_482 {strides = array<i32>} : memref<32x128xi32, #tpu.memory_space<vmem>>, vector<16xi32>,
          %scan3A_528 = arith.constant 5 : i32
          %scan3A_529 = arith.addi %scan3A_285, %scan3A_528 : i32
          %broadcast_in_dim3A_530 = arith.constant 0 : i32
          %broadcast_in_dim3A_531 = vector.broadcast %broadcast_in_dim3A_530 : i32 to vector<16xi32>
          %jit3A_532 = arith.constant 8 : i32
          %div3A_533 = arith.divsi %scan3A_529, %jit3A_532 : i32
          %sign3A_534 = arith.constant 0 : i32
          %sign3A_535 = arith.cmpi sgt, %scan3A_529, %sign3A_534 : i32
          %sign3A_536 = arith.extui %sign3A_535 : i1 to i32
          %sign3A_537 = arith.constant 0 : i32
          %sign3A_538 = arith.cmpi slt, %scan3A_529, %sign3A_537 : i32
          %sign3A_539 = arith.extui %sign3A_538 : i1 to i32
          %sign3A_540 = arith.subi %sign3A_536, %sign3A_539 : i32
          %sign3A_541 = arith.constant 0 : i32
          %sign3A_542 = arith.cmpi sgt, %jit3A_532, %sign3A_541 : i32
          %sign3A_543 = arith.extui %sign3A_542 : i1 to i32
          %sign3A_544 = arith.constant 0 : i32
          %sign3A_545 = arith.cmpi slt, %jit3A_532, %sign3A_544 : i32
          %sign3A_546 = arith.extui %sign3A_545 : i1 to i32
          %sign3A_547 = arith.subi %sign3A_543, %sign3A_546 : i32
          %ne3A_548 = arith.cmpi ne, %sign3A_540, %sign3A_547 : i32
          %rem3A_549 = arith.remsi %scan3A_529, %jit3A_532 : i32
          %ne3A_550 = arith.constant 0 : i32
          %ne3A_551 = arith.cmpi ne, %rem3A_549, %ne3A_550 : i32
          %and3A_552 = arith.andi %ne3A_548, %ne3A_551 : i1
          %sub3A_553 = arith.constant 1 : i32
          %sub3A_554 = arith.subi %div3A_533, %sub3A_553 : i32
          %select_n3A_555 = arith.select %and3A_552, %sub3A_554, %div3A_533 : i32
          %jit3A_556 = arith.constant 8 : i32
          %eq3A_557 = arith.constant 0 : i32
          %eq3A_558 = arith.cmpi eq, %jit3A_556, %eq3A_557 : i32
          %jit3A_559 = arith.constant 1 : i32
          %select_n3A_560 = arith.select %eq3A_558, %jit3A_559, %jit3A_556 : i32
          %rem3A_561 = arith.remsi %scan3A_529, %select_n3A_560 : i32
          %ne3A_562 = arith.constant 0 : i32
          %ne3A_563 = arith.cmpi ne, %rem3A_561, %ne3A_562 : i32
          %lt3A_564 = arith.constant 0 : i32
          %lt3A_565 = arith.cmpi slt, %rem3A_561, %lt3A_564 : i32
          %lt3A_566 = arith.constant 0 : i32
          %lt3A_567 = arith.cmpi slt, %select_n3A_560, %lt3A_566 : i32
          %ne3A_568 = arith.xori %lt3A_565, %lt3A_567 : i1
          %and3A_569 = arith.andi %ne3A_568, %ne3A_563 : i1
          %add3A_570 = arith.addi %rem3A_561, %select_n3A_560 : i32
          %select_n3A_571 = arith.select %and3A_569, %add3A_570, %rem3A_561 : i32
          %mul3A_572 = arith.constant 16 : i32
          %mul3A_573 = arith.muli %select_n3A_571, %mul3A_572 : i32
          %swap3A_574 = arith.index_cast %select_n3A_555 : i32 to index
          %swap3A_575 = arith.index_cast %mul3A_573 : i32 to index
          %swap3A_576 = tpu.vector_load %arg9[%swap3A_574, %swap3A_575] {strides = array<i32>} : memref<32x128xi32, #tpu.memory_space<vmem>>, vector<16xi32>,
          tpu.vector_store %arg9[%swap3A_574, %swap3A_575], %broadcast_in_dim3A_531 {strides = array<i32>} : memref<32x128xi32, #tpu.memory_space<vmem>>, vector<16xi32>,
          %scan3A_577 = arith.constant 6 : i32
          %scan3A_578 = arith.addi %scan3A_285, %scan3A_577 : i32
          %broadcast_in_dim3A_579 = arith.constant 0 : i32
          %broadcast_in_dim3A_580 = vector.broadcast %broadcast_in_dim3A_579 : i32 to vector<16xi32>
          %jit3A_581 = arith.constant 8 : i32
          %div3A_582 = arith.divsi %scan3A_578, %jit3A_581 : i32
          %sign3A_583 = arith.constant 0 : i32
          %sign3A_584 = arith.cmpi sgt, %scan3A_578, %sign3A_583 : i32
          %sign3A_585 = arith.extui %sign3A_584 : i1 to i32
          %sign3A_586 = arith.constant 0 : i32
          %sign3A_587 = arith.cmpi slt, %scan3A_578, %sign3A_586 : i32
          %sign3A_588 = arith.extui %sign3A_587 : i1 to i32
          %sign3A_589 = arith.subi %sign3A_585, %sign3A_588 : i32
          %sign3A_590 = arith.constant 0 : i32
          %sign3A_591 = arith.cmpi sgt, %jit3A_581, %sign3A_590 : i32
          %sign3A_592 = arith.extui %sign3A_591 : i1 to i32
          %sign3A_593 = arith.constant 0 : i32
          %sign3A_594 = arith.cmpi slt, %jit3A_581, %sign3A_593 : i32
          %sign3A_595 = arith.extui %sign3A_594 : i1 to i32
          %sign3A_596 = arith.subi %sign3A_592, %sign3A_595 : i32
          %ne3A_597 = arith.cmpi ne, %sign3A_589, %sign3A_596 : i32
          %rem3A_598 = arith.remsi %scan3A_578, %jit3A_581 : i32
          %ne3A_599 = arith.constant 0 : i32
          %ne3A_600 = arith.cmpi ne, %rem3A_598, %ne3A_599 : i32
          %and3A_601 = arith.andi %ne3A_597, %ne3A_600 : i1
          %sub3A_602 = arith.constant 1 : i32
          %sub3A_603 = arith.subi %div3A_582, %sub3A_602 : i32
          %select_n3A_604 = arith.select %and3A_601, %sub3A_603, %div3A_582 : i32
          %jit3A_605 = arith.constant 8 : i32
          %eq3A_606 = arith.constant 0 : i32
          %eq3A_607 = arith.cmpi eq, %jit3A_605, %eq3A_606 : i32
          %jit3A_608 = arith.constant 1 : i32
          %select_n3A_609 = arith.select %eq3A_607, %jit3A_608, %jit3A_605 : i32
          %rem3A_610 = arith.remsi %scan3A_578, %select_n3A_609 : i32
          %ne3A_611 = arith.constant 0 : i32
          %ne3A_612 = arith.cmpi ne, %rem3A_610, %ne3A_611 : i32
          %lt3A_613 = arith.constant 0 : i32
          %lt3A_614 = arith.cmpi slt, %rem3A_610, %lt3A_613 : i32
          %lt3A_615 = arith.constant 0 : i32
          %lt3A_616 = arith.cmpi slt, %select_n3A_609, %lt3A_615 : i32
          %ne3A_617 = arith.xori %lt3A_614, %lt3A_616 : i1
          %and3A_618 = arith.andi %ne3A_617, %ne3A_612 : i1
          %add3A_619 = arith.addi %rem3A_610, %select_n3A_609 : i32
          %select_n3A_620 = arith.select %and3A_618, %add3A_619, %rem3A_610 : i32
          %mul3A_621 = arith.constant 16 : i32
          %mul3A_622 = arith.muli %select_n3A_620, %mul3A_621 : i32
          %swap3A_623 = arith.index_cast %select_n3A_604 : i32 to index
          %swap3A_624 = arith.index_cast %mul3A_622 : i32 to index
          %swap3A_625 = tpu.vector_load %arg9[%swap3A_623, %swap3A_624] {strides = array<i32>} : memref<32x128xi32, #tpu.memory_space<vmem>>, vector<16xi32>,
          tpu.vector_store %arg9[%swap3A_623, %swap3A_624], %broadcast_in_dim3A_580 {strides = array<i32>} : memref<32x128xi32, #tpu.memory_space<vmem>>, vector<16xi32>,
          %scan3A_626 = arith.constant 7 : i32
          %scan3A_627 = arith.addi %scan3A_285, %scan3A_626 : i32
          %broadcast_in_dim3A_628 = arith.constant 0 : i32
          %broadcast_in_dim3A_629 = vector.broadcast %broadcast_in_dim3A_628 : i32 to vector<16xi32>
          %jit3A_630 = arith.constant 8 : i32
          %div3A_631 = arith.divsi %scan3A_627, %jit3A_630 : i32
          %sign3A_632 = arith.constant 0 : i32
          %sign3A_633 = arith.cmpi sgt, %scan3A_627, %sign3A_632 : i32
          %sign3A_634 = arith.extui %sign3A_633 : i1 to i32
          %sign3A_635 = arith.constant 0 : i32
          %sign3A_636 = arith.cmpi slt, %scan3A_627, %sign3A_635 : i32
          %sign3A_637 = arith.extui %sign3A_636 : i1 to i32
          %sign3A_638 = arith.subi %sign3A_634, %sign3A_637 : i32
          %sign3A_639 = arith.constant 0 : i32
          %sign3A_640 = arith.cmpi sgt, %jit3A_630, %sign3A_639 : i32
          %sign3A_641 = arith.extui %sign3A_640 : i1 to i32
          %sign3A_642 = arith.constant 0 : i32
          %sign3A_643 = arith.cmpi slt, %jit3A_630, %sign3A_642 : i32
          %sign3A_644 = arith.extui %sign3A_643 : i1 to i32
          %sign3A_645 = arith.subi %sign3A_641, %sign3A_644 : i32
          %ne3A_646 = arith.cmpi ne, %sign3A_638, %sign3A_645 : i32
          %rem3A_647 = arith.remsi %scan3A_627, %jit3A_630 : i32
          %ne3A_648 = arith.constant 0 : i32
          %ne3A_649 = arith.cmpi ne, %rem3A_647, %ne3A_648 : i32
          %and3A_650 = arith.andi %ne3A_646, %ne3A_649 : i1
          %sub3A_651 = arith.constant 1 : i32
          %sub3A_652 = arith.subi %div3A_631, %sub3A_651 : i32
          %select_n3A_653 = arith.select %and3A_650, %sub3A_652, %div3A_631 : i32
          %jit3A_654 = arith.constant 8 : i32
          %eq3A_655 = arith.constant 0 : i32
          %eq3A_656 = arith.cmpi eq, %jit3A_654, %eq3A_655 : i32
          %jit3A_657 = arith.constant 1 : i32
          %select_n3A_658 = arith.select %eq3A_656, %jit3A_657, %jit3A_654 : i32
          %rem3A_659 = arith.remsi %scan3A_627, %select_n3A_658 : i32
          %ne3A_660 = arith.constant 0 : i32
          %ne3A_661 = arith.cmpi ne, %rem3A_659, %ne3A_660 : i32
          %lt3A_662 = arith.constant 0 : i32
          %lt3A_663 = arith.cmpi slt, %rem3A_659, %lt3A_662 : i32
          %lt3A_664 = arith.constant 0 : i32
          %lt3A_665 = arith.cmpi slt, %select_n3A_658, %lt3A_664 : i32
          %ne3A_666 = arith.xori %lt3A_663, %lt3A_665 : i1
          %and3A_667 = arith.andi %ne3A_666, %ne3A_661 : i1
          %add3A_668 = arith.addi %rem3A_659, %select_n3A_658 : i32
          %select_n3A_669 = arith.select %and3A_667, %add3A_668, %rem3A_659 : i32
          %mul3A_670 = arith.constant 16 : i32
          %mul3A_671 = arith.muli %select_n3A_669, %mul3A_670 : i32
          %swap3A_672 = arith.index_cast %select_n3A_653 : i32 to index
          %swap3A_673 = arith.index_cast %mul3A_671 : i32 to index
          %swap3A_674 = tpu.vector_load %arg9[%swap3A_672, %swap3A_673] {strides = array<i32>} : memref<32x128xi32, #tpu.memory_space<vmem>>, vector<16xi32>,
          tpu.vector_store %arg9[%swap3A_672, %swap3A_673], %broadcast_in_dim3A_629 {strides = array<i32>} : memref<32x128xi32, #tpu.memory_space<vmem>>, vector<16xi32>,
        }
        %scan3A_271 = arith.constant 256 : i32
        %scan3A_272 = arith.constant 0 : i32
        %scan3A_273 = arith.constant 0 : i32
        %scan3A_274 = arith.constant 256 : i32
        %scan3A_275 = arith.addi %scan3A_273, %scan3A_274 : i32
        %scan3A_276 = arith.constant 4 : i32
        scf.for %scan3A_285 = %scan3A_273 to %scan3A_275 step %scan3A_276  : i32 {
          %jit3A_286 = arith.constant 8 : i32
          %div3A_287 = arith.divsi %scan3A_285, %jit3A_286 : i32
          %sign3A_288 = arith.constant 0 : i32
          %sign3A_289 = arith.cmpi sgt, %scan3A_285, %sign3A_288 : i32
          %sign3A_290 = arith.extui %sign3A_289 : i1 to i32
          %sign3A_291 = arith.constant 0 : i32
          %sign3A_292 = arith.cmpi slt, %scan3A_285, %sign3A_291 : i32
          %sign3A_293 = arith.extui %sign3A_292 : i1 to i32
          %sign3A_294 = arith.subi %sign3A_290, %sign3A_293 : i32
          %sign3A_295 = arith.constant 0 : i32
          %sign3A_296 = arith.cmpi sgt, %jit3A_286, %sign3A_295 : i32
          %sign3A_297 = arith.extui %sign3A_296 : i1 to i32
          %sign3A_298 = arith.constant 0 : i32
          %sign3A_299 = arith.cmpi slt, %jit3A_286, %sign3A_298 : i32
          %sign3A_300 = arith.extui %sign3A_299 : i1 to i32
          %sign3A_301 = arith.subi %sign3A_297, %sign3A_300 : i32
          %ne3A_302 = arith.cmpi ne, %sign3A_294, %sign3A_301 : i32
          %rem3A_303 = arith.remsi %scan3A_285, %jit3A_286 : i32
          %ne3A_304 = arith.constant 0 : i32
          %ne3A_305 = arith.cmpi ne, %rem3A_303, %ne3A_304 : i32
          %and3A_306 = arith.andi %ne3A_302, %ne3A_305 : i1
          %sub3A_307 = arith.constant 1 : i32
          %sub3A_308 = arith.subi %div3A_287, %sub3A_307 : i32
          %select_n3A_309 = arith.select %and3A_306, %sub3A_308, %div3A_287 : i32
          %jit3A_310 = arith.constant 8 : i32
          %eq3A_311 = arith.constant 0 : i32
          %eq3A_312 = arith.cmpi eq, %jit3A_310, %eq3A_311 : i32
          %jit3A_313 = arith.constant 1 : i32
          %select_n3A_314 = arith.select %eq3A_312, %jit3A_313, %jit3A_310 : i32
          %rem3A_315 = arith.remsi %scan3A_285, %select_n3A_314 : i32
          %ne3A_316 = arith.constant 0 : i32
          %ne3A_317 = arith.cmpi ne, %rem3A_315, %ne3A_316 : i32
          %lt3A_318 = arith.constant 0 : i32
          %lt3A_319 = arith.cmpi slt, %rem3A_315, %lt3A_318 : i32
          %lt3A_320 = arith.constant 0 : i32
          %lt3A_321 = arith.cmpi slt, %select_n3A_314, %lt3A_320 : i32
          %ne3A_322 = arith.xori %lt3A_319, %lt3A_321 : i1
          %and3A_323 = arith.andi %ne3A_322, %ne3A_317 : i1
          %add3A_324 = arith.addi %rem3A_315, %select_n3A_314 : i32
          %select_n3A_325 = arith.select %and3A_323, %add3A_324, %rem3A_315 : i32
          %mul3A_326 = arith.constant 16 : i32
          %mul3A_327 = arith.muli %select_n3A_325, %mul3A_326 : i32
          %get3A = arith.index_cast %select_n3A_309 : i32 to index
          %get3A_328 = arith.index_cast %mul3A_327 : i32 to index
          %get3A_329 = tpu.vector_load %arg8[%get3A, %get3A_328] {strides = array<i32>} : memref<32x128xf32, #tpu.memory_space<vmem>>, vector<16xf32>,
          %mul3A_330 = arith.constant 8.192000e+03 : f32
          %mul3A_331 = vector.broadcast %mul3A_330 : f32 to vector<16xf32>
          %mul3A_332 = arith.mulf %get3A_329, %mul3A_331 : vector<16xf32>
          %mul3A_333 = arith.constant 16 : i32
          %mul3A_334 = arith.muli %scan3A_285, %mul3A_333 : i32
          %sub3A_335 = arith.constant 1 : i32
          %sub3A_336 = arith.subi %mul3A_334, %sub3A_335 : i32
          %broadcast_in_dim3A_337 = vector.broadcast %sub3A_336 : i32 to vector<16xi32>
          %add3A_338 = arith.addi %broadcast_in_dim3A_337, %iota3A : vector<16xi32>
          %ge3A = arith.constant 0 : i32
          %ge3A_339 = vector.broadcast %ge3A : i32 to vector<16xi32>
          %ge3A_340 = arith.cmpi sge, %add3A_338, %ge3A_339 : vector<16xi32>
          %max3A = arith.constant 0 : i32
          %max3A_341 = vector.broadcast %max3A : i32 to vector<16xi32>
          %max3A_342 = arith.maxsi %add3A_338, %max3A_341 : vector<16xi32>
          %shift_right_arithmetic3A = arith.constant 7 : i32
          %shift_right_arithmetic3A_343 = vector.broadcast %shift_right_arithmetic3A : i32 to vector<16xi32>
          %shift_right_arithmetic3A_344 = arith.shrsi %max3A_342, %shift_right_arithmetic3A_343 : vector<16xi32>
          %and3A_345 = arith.constant 127 : i32
          %and3A_346 = vector.broadcast %and3A_345 : i32 to vector<16xi32>
          %and3A_347 = arith.andi %max3A_342, %and3A_346 : vector<16xi32>
          %gather3A_348 = tpu.vector_load_idx %arg8[%shift_right_arithmetic3A_344, %and3A_347] : memref<32x128xf32, #tpu.memory_space<vmem>>[vector<16xi32>, vector<16xi32>], vector<16xf32>,
          %mul3A_349 = arith.constant 8.192000e+03 : f32
          %mul3A_350 = vector.broadcast %mul3A_349 : f32 to vector<16xf32>
          %mul3A_351 = arith.mulf %gather3A_348, %mul3A_350 : vector<16xf32>
          %jit3A_352 = arith.constant 0.000000e+00 : f32
          %broadcast_in_dim3A_353 = vector.broadcast %jit3A_352 : f32 to vector<16xf32>
          %select_n3A_354 = arith.select %ge3A_340, %mul3A_351, %broadcast_in_dim3A_353 : vector<16xi1>, vector<16xf32>
          %sub3A_355 = arith.constant 1.000000e+00 : f32
          %sub3A_356 = vector.broadcast %sub3A_355 : f32 to vector<16xf32>
          %sub3A_357 = arith.subf %mul3A_332, %sub3A_356 : vector<16xf32>
          %mul3A_358 = arith.constant 5.000000e-01 : f32
          %mul3A_359 = vector.broadcast %mul3A_358 : f32 to vector<16xf32>
          %mul3A_360 = arith.mulf %sub3A_357, %mul3A_359 : vector<16xf32>
          %convert_element_type3A_361 = arith.fptosi %mul3A_360 : vector<16xf32> to vector<16xi32>
          %convert_element_type3A_362 = arith.sitofp %convert_element_type3A_361 : vector<16xi32> to vector<16xf32>
          %mul3A_363 = arith.constant 2.000000e+00 : f32
          %mul3A_364 = vector.broadcast %mul3A_363 : f32 to vector<16xf32>
          %mul3A_365 = arith.mulf %mul3A_364, %convert_element_type3A_362 : vector<16xf32>
          %add3A_366 = arith.constant 1.000000e+00 : f32
          %add3A_367 = vector.broadcast %add3A_366 : f32 to vector<16xf32>
          %add3A_368 = arith.addf %mul3A_365, %add3A_367 : vector<16xf32>
          %gt3A_369 = arith.cmpf ogt, %add3A_368, %mul3A_332 : vector<16xf32>
          %convert_element_type3A_370 = arith.extui %gt3A_369 : vector<16xi1> to vector<16xi32>
          %sub3A_371 = arith.subi %convert_element_type3A_361, %convert_element_type3A_370 : vector<16xi32>
          %convert_element_type3A_372 = arith.sitofp %sub3A_371 : vector<16xi32> to vector<16xf32>
          %mul3A_373 = arith.constant 2.000000e+00 : f32
          %mul3A_374 = vector.broadcast %mul3A_373 : f32 to vector<16xf32>
          %mul3A_375 = arith.mulf %mul3A_374, %convert_element_type3A_372 : vector<16xf32>
          %add3A_376 = arith.constant 1.000000e+00 : f32
          %add3A_377 = vector.broadcast %add3A_376 : f32 to vector<16xf32>
          %add3A_378 = arith.addf %mul3A_375, %add3A_377 : vector<16xf32>
          %gt3A_379 = arith.cmpf ogt, %add3A_378, %mul3A_332 : vector<16xf32>
          %convert_element_type3A_380 = arith.extui %gt3A_379 : vector<16xi1> to vector<16xi32>
          %sub3A_381 = arith.subi %sub3A_371, %convert_element_type3A_380 : vector<16xi32>
          %add3A_382 = arith.constant 1 : i32
          %add3A_383 = vector.broadcast %add3A_382 : i32 to vector<16xi32>
          %add3A_384 = arith.addi %sub3A_381, %add3A_383 : vector<16xi32>
          %convert_element_type3A_385 = arith.sitofp %add3A_384 : vector<16xi32> to vector<16xf32>
          %mul3A_386 = arith.constant 2.000000e+00 : f32
          %mul3A_387 = vector.broadcast %mul3A_386 : f32 to vector<16xf32>
          %mul3A_388 = arith.mulf %mul3A_387, %convert_element_type3A_385 : vector<16xf32>
          %add3A_389 = arith.constant 1.000000e+00 : f32
          %add3A_390 = vector.broadcast %add3A_389 : f32 to vector<16xf32>
          %add3A_391 = arith.addf %mul3A_388, %add3A_390 : vector<16xf32>
          %le3A = arith.cmpf ole, %add3A_391, %mul3A_332 : vector<16xf32>
          %convert_element_type3A_392 = arith.extui %le3A : vector<16xi1> to vector<16xi32>
          %add3A_393 = arith.addi %sub3A_381, %convert_element_type3A_392 : vector<16xi32>
          %add3A_394 = arith.constant 1 : i32
          %add3A_395 = vector.broadcast %add3A_394 : i32 to vector<16xi32>
          %add3A_396 = arith.addi %add3A_393, %add3A_395 : vector<16xi32>
          %convert_element_type3A_397 = arith.sitofp %add3A_396 : vector<16xi32> to vector<16xf32>
          %mul3A_398 = arith.constant 2.000000e+00 : f32
          %mul3A_399 = vector.broadcast %mul3A_398 : f32 to vector<16xf32>
          %mul3A_400 = arith.mulf %mul3A_399, %convert_element_type3A_397 : vector<16xf32>
          %add3A_401 = arith.constant 1.000000e+00 : f32
          %add3A_402 = vector.broadcast %add3A_401 : f32 to vector<16xf32>
          %add3A_403 = arith.addf %mul3A_400, %add3A_402 : vector<16xf32>
          %le3A_404 = arith.cmpf ole, %add3A_403, %mul3A_332 : vector<16xf32>
          %convert_element_type3A_405 = arith.extui %le3A_404 : vector<16xi1> to vector<16xi32>
          %add3A_406 = arith.addi %add3A_393, %convert_element_type3A_405 : vector<16xi32>
          %add3A_407 = arith.constant 1 : i32
          %add3A_408 = vector.broadcast %add3A_407 : i32 to vector<16xi32>
          %add3A_409 = arith.addi %add3A_406, %add3A_408 : vector<16xi32>
          %jit3A_410 = arith.constant 0 : i32
          %jit3A_411 = arith.constant 4096 : i32
          %max3A_412 = vector.broadcast %jit3A_410 : i32 to vector<16xi32>
          %max3A_413 = arith.maxsi %max3A_412, %add3A_409 : vector<16xi32>
          %min3A = vector.broadcast %jit3A_411 : i32 to vector<16xi32>
          %min3A_414 = arith.minsi %min3A, %max3A_413 : vector<16xi32>
          %sub3A_415 = arith.constant 1.000000e+00 : f32
          %sub3A_416 = vector.broadcast %sub3A_415 : f32 to vector<16xf32>
          %sub3A_417 = arith.subf %select_n3A_354, %sub3A_416 : vector<16xf32>
          %mul3A_418 = arith.constant 5.000000e-01 : f32
          %mul3A_419 = vector.broadcast %mul3A_418 : f32 to vector<16xf32>
          %mul3A_420 = arith.mulf %sub3A_417, %mul3A_419 : vector<16xf32>
          %convert_element_type3A_421 = arith.fptosi %mul3A_420 : vector<16xf32> to vector<16xi32>
          %convert_element_type3A_422 = arith.sitofp %convert_element_type3A_421 : vector<16xi32> to vector<16xf32>
          %mul3A_423 = arith.constant 2.000000e+00 : f32
          %mul3A_424 = vector.broadcast %mul3A_423 : f32 to vector<16xf32>
          %mul3A_425 = arith.mulf %mul3A_424, %convert_element_type3A_422 : vector<16xf32>
          %add3A_426 = arith.constant 1.000000e+00 : f32
          %add3A_427 = vector.broadcast %add3A_426 : f32 to vector<16xf32>
          %add3A_428 = arith.addf %mul3A_425, %add3A_427 : vector<16xf32>
          %gt3A_429 = arith.cmpf ogt, %add3A_428, %select_n3A_354 : vector<16xf32>
          %convert_element_type3A_430 = arith.extui %gt3A_429 : vector<16xi1> to vector<16xi32>
          %sub3A_431 = arith.subi %convert_element_type3A_421, %convert_element_type3A_430 : vector<16xi32>
          %convert_element_type3A_432 = arith.sitofp %sub3A_431 : vector<16xi32> to vector<16xf32>
          %mul3A_433 = arith.constant 2.000000e+00 : f32
          %mul3A_434 = vector.broadcast %mul3A_433 : f32 to vector<16xf32>
          %mul3A_435 = arith.mulf %mul3A_434, %convert_element_type3A_432 : vector<16xf32>
          %add3A_436 = arith.constant 1.000000e+00 : f32
          %add3A_437 = vector.broadcast %add3A_436 : f32 to vector<16xf32>
          %add3A_438 = arith.addf %mul3A_435, %add3A_437 : vector<16xf32>
          %gt3A_439 = arith.cmpf ogt, %add3A_438, %select_n3A_354 : vector<16xf32>
          %convert_element_type3A_440 = arith.extui %gt3A_439 : vector<16xi1> to vector<16xi32>
          %sub3A_441 = arith.subi %sub3A_431, %convert_element_type3A_440 : vector<16xi32>
          %add3A_442 = arith.constant 1 : i32
          %add3A_443 = vector.broadcast %add3A_442 : i32 to vector<16xi32>
          %add3A_444 = arith.addi %sub3A_441, %add3A_443 : vector<16xi32>
          %convert_element_type3A_445 = arith.sitofp %add3A_444 : vector<16xi32> to vector<16xf32>
          %mul3A_446 = arith.constant 2.000000e+00 : f32
          %mul3A_447 = vector.broadcast %mul3A_446 : f32 to vector<16xf32>
          %mul3A_448 = arith.mulf %mul3A_447, %convert_element_type3A_445 : vector<16xf32>
          %add3A_449 = arith.constant 1.000000e+00 : f32
          %add3A_450 = vector.broadcast %add3A_449 : f32 to vector<16xf32>
          %add3A_451 = arith.addf %mul3A_448, %add3A_450 : vector<16xf32>
          %le3A_452 = arith.cmpf ole, %add3A_451, %select_n3A_354 : vector<16xf32>
          %convert_element_type3A_453 = arith.extui %le3A_452 : vector<16xi1> to vector<16xi32>
          %add3A_454 = arith.addi %sub3A_441, %convert_element_type3A_453 : vector<16xi32>
          %add3A_455 = arith.constant 1 : i32
          %add3A_456 = vector.broadcast %add3A_455 : i32 to vector<16xi32>
          %add3A_457 = arith.addi %add3A_454, %add3A_456 : vector<16xi32>
          %convert_element_type3A_458 = arith.sitofp %add3A_457 : vector<16xi32> to vector<16xf32>
          %mul3A_459 = arith.constant 2.000000e+00 : f32
          %mul3A_460 = vector.broadcast %mul3A_459 : f32 to vector<16xf32>
          %mul3A_461 = arith.mulf %mul3A_460, %convert_element_type3A_458 : vector<16xf32>
          %add3A_462 = arith.constant 1.000000e+00 : f32
          %add3A_463 = vector.broadcast %add3A_462 : f32 to vector<16xf32>
          %add3A_464 = arith.addf %mul3A_461, %add3A_463 : vector<16xf32>
          %le3A_465 = arith.cmpf ole, %add3A_464, %select_n3A_354 : vector<16xf32>
          %convert_element_type3A_466 = arith.extui %le3A_465 : vector<16xi1> to vector<16xi32>
          %add3A_467 = arith.addi %add3A_454, %convert_element_type3A_466 : vector<16xi32>
          %add3A_468 = arith.constant 1 : i32
          %add3A_469 = vector.broadcast %add3A_468 : i32 to vector<16xi32>
          %add3A_470 = arith.addi %add3A_467, %add3A_469 : vector<16xi32>
          %jit3A_471 = arith.constant 0 : i32
          %jit3A_472 = arith.constant 4096 : i32
          %max3A_473 = vector.broadcast %jit3A_471 : i32 to vector<16xi32>
          %max3A_474 = arith.maxsi %max3A_473, %add3A_470 : vector<16xi32>
          %min3A_475 = vector.broadcast %jit3A_472 : i32 to vector<16xi32>
          %min3A_476 = arith.minsi %min3A_475, %max3A_474 : vector<16xi32>
          %mul3A_477 = arith.constant 4096 : i32
          %mul3A_478 = arith.muli %add3A_151, %mul3A_477 : i32
          %mul3A_479 = arith.constant 16 : i32
          %mul3A_480 = arith.muli %scan3A_285, %mul3A_479 : i32
          %add3A_481 = arith.addi %mul3A_478, %mul3A_480 : i32
          %broadcast_in_dim3A_482 = vector.broadcast %add3A_481 : i32 to vector<16xi32>
          %add3A_483 = arith.addi %broadcast_in_dim3A_482, %iota3A : vector<16xi32>
          %min3A_484 = arith.constant 4095 : i32
          %min3A_485 = vector.broadcast %min3A_484 : i32 to vector<16xi32>
          %min3A_486 = arith.minsi %min3A_476, %min3A_485 : vector<16xi32>
          %shift_right_arithmetic3A_487 = arith.constant 7 : i32
          %shift_right_arithmetic3A_488 = vector.broadcast %shift_right_arithmetic3A_487 : i32 to vector<16xi32>
          %shift_right_arithmetic3A_489 = arith.shrsi %min3A_486, %shift_right_arithmetic3A_488 : vector<16xi32>
          %and3A_490 = arith.constant 127 : i32
          %and3A_491 = vector.broadcast %and3A_490 : i32 to vector<16xi32>
          %and3A_492 = arith.andi %min3A_486, %and3A_491 : vector<16xi32>
          %gt3A_493 = arith.cmpi sgt, %min3A_414, %min3A_476 : vector<16xi32>
          tpu.vector_store_idx %arg9[%shift_right_arithmetic3A_489, %and3A_492], %add3A_483 masked %gt3A_493 : memref<32x128xi32, #tpu.memory_space<vmem>>[vector<16xi32>, vector<16xi32>], vector<16xi32>, vector<16xi1>
          %scan3A_494 = arith.constant 1 : i32
          %scan3A_495 = arith.addi %scan3A_285, %scan3A_494 : i32
          %jit3A_496 = arith.constant 8 : i32
          %div3A_497 = arith.divsi %scan3A_495, %jit3A_496 : i32
          %sign3A_498 = arith.constant 0 : i32
          %sign3A_499 = arith.cmpi sgt, %scan3A_495, %sign3A_498 : i32
          %sign3A_500 = arith.extui %sign3A_499 : i1 to i32
          %sign3A_501 = arith.constant 0 : i32
          %sign3A_502 = arith.cmpi slt, %scan3A_495, %sign3A_501 : i32
          %sign3A_503 = arith.extui %sign3A_502 : i1 to i32
          %sign3A_504 = arith.subi %sign3A_500, %sign3A_503 : i32
          %sign3A_505 = arith.constant 0 : i32
          %sign3A_506 = arith.cmpi sgt, %jit3A_496, %sign3A_505 : i32
          %sign3A_507 = arith.extui %sign3A_506 : i1 to i32
          %sign3A_508 = arith.constant 0 : i32
          %sign3A_509 = arith.cmpi slt, %jit3A_496, %sign3A_508 : i32
          %sign3A_510 = arith.extui %sign3A_509 : i1 to i32
          %sign3A_511 = arith.subi %sign3A_507, %sign3A_510 : i32
          %ne3A_512 = arith.cmpi ne, %sign3A_504, %sign3A_511 : i32
          %rem3A_513 = arith.remsi %scan3A_495, %jit3A_496 : i32
          %ne3A_514 = arith.constant 0 : i32
          %ne3A_515 = arith.cmpi ne, %rem3A_513, %ne3A_514 : i32
          %and3A_516 = arith.andi %ne3A_512, %ne3A_515 : i1
          %sub3A_517 = arith.constant 1 : i32
          %sub3A_518 = arith.subi %div3A_497, %sub3A_517 : i32
          %select_n3A_519 = arith.select %and3A_516, %sub3A_518, %div3A_497 : i32
          %jit3A_520 = arith.constant 8 : i32
          %eq3A_521 = arith.constant 0 : i32
          %eq3A_522 = arith.cmpi eq, %jit3A_520, %eq3A_521 : i32
          %jit3A_523 = arith.constant 1 : i32
          %select_n3A_524 = arith.select %eq3A_522, %jit3A_523, %jit3A_520 : i32
          %rem3A_525 = arith.remsi %scan3A_495, %select_n3A_524 : i32
          %ne3A_526 = arith.constant 0 : i32
          %ne3A_527 = arith.cmpi ne, %rem3A_525, %ne3A_526 : i32
          %lt3A_528 = arith.constant 0 : i32
          %lt3A_529 = arith.cmpi slt, %rem3A_525, %lt3A_528 : i32
          %lt3A_530 = arith.constant 0 : i32
          %lt3A_531 = arith.cmpi slt, %select_n3A_524, %lt3A_530 : i32
          %ne3A_532 = arith.xori %lt3A_529, %lt3A_531 : i1
          %and3A_533 = arith.andi %ne3A_532, %ne3A_527 : i1
          %add3A_534 = arith.addi %rem3A_525, %select_n3A_524 : i32
          %select_n3A_535 = arith.select %and3A_533, %add3A_534, %rem3A_525 : i32
          %mul3A_536 = arith.constant 16 : i32
          %mul3A_537 = arith.muli %select_n3A_535, %mul3A_536 : i32
          %get3A_538 = arith.index_cast %select_n3A_519 : i32 to index
          %get3A_539 = arith.index_cast %mul3A_537 : i32 to index
          %get3A_540 = tpu.vector_load %arg8[%get3A_538, %get3A_539] {strides = array<i32>} : memref<32x128xf32, #tpu.memory_space<vmem>>, vector<16xf32>,
          %mul3A_541 = arith.constant 8.192000e+03 : f32
          %mul3A_542 = vector.broadcast %mul3A_541 : f32 to vector<16xf32>
          %mul3A_543 = arith.mulf %get3A_540, %mul3A_542 : vector<16xf32>
          %mul3A_544 = arith.constant 16 : i32
          %mul3A_545 = arith.muli %scan3A_495, %mul3A_544 : i32
          %sub3A_546 = arith.constant 1 : i32
          %sub3A_547 = arith.subi %mul3A_545, %sub3A_546 : i32
          %broadcast_in_dim3A_548 = vector.broadcast %sub3A_547 : i32 to vector<16xi32>
          %add3A_549 = arith.addi %broadcast_in_dim3A_548, %iota3A : vector<16xi32>
          %ge3A_550 = arith.constant 0 : i32
          %ge3A_551 = vector.broadcast %ge3A_550 : i32 to vector<16xi32>
          %ge3A_552 = arith.cmpi sge, %add3A_549, %ge3A_551 : vector<16xi32>
          %max3A_553 = arith.constant 0 : i32
          %max3A_554 = vector.broadcast %max3A_553 : i32 to vector<16xi32>
          %max3A_555 = arith.maxsi %add3A_549, %max3A_554 : vector<16xi32>
          %shift_right_arithmetic3A_556 = arith.constant 7 : i32
          %shift_right_arithmetic3A_557 = vector.broadcast %shift_right_arithmetic3A_556 : i32 to vector<16xi32>
          %shift_right_arithmetic3A_558 = arith.shrsi %max3A_555, %shift_right_arithmetic3A_557 : vector<16xi32>
          %and3A_559 = arith.constant 127 : i32
          %and3A_560 = vector.broadcast %and3A_559 : i32 to vector<16xi32>
          %and3A_561 = arith.andi %max3A_555, %and3A_560 : vector<16xi32>
          %gather3A_562 = tpu.vector_load_idx %arg8[%shift_right_arithmetic3A_558, %and3A_561] : memref<32x128xf32, #tpu.memory_space<vmem>>[vector<16xi32>, vector<16xi32>], vector<16xf32>,
          %mul3A_563 = arith.constant 8.192000e+03 : f32
          %mul3A_564 = vector.broadcast %mul3A_563 : f32 to vector<16xf32>
          %mul3A_565 = arith.mulf %gather3A_562, %mul3A_564 : vector<16xf32>
          %jit3A_566 = arith.constant 0.000000e+00 : f32
          %broadcast_in_dim3A_567 = vector.broadcast %jit3A_566 : f32 to vector<16xf32>
          %select_n3A_568 = arith.select %ge3A_552, %mul3A_565, %broadcast_in_dim3A_567 : vector<16xi1>, vector<16xf32>
          %sub3A_569 = arith.constant 1.000000e+00 : f32
          %sub3A_570 = vector.broadcast %sub3A_569 : f32 to vector<16xf32>
          %sub3A_571 = arith.subf %mul3A_543, %sub3A_570 : vector<16xf32>
          %mul3A_572 = arith.constant 5.000000e-01 : f32
          %mul3A_573 = vector.broadcast %mul3A_572 : f32 to vector<16xf32>
          %mul3A_574 = arith.mulf %sub3A_571, %mul3A_573 : vector<16xf32>
          %convert_element_type3A_575 = arith.fptosi %mul3A_574 : vector<16xf32> to vector<16xi32>
          %convert_element_type3A_576 = arith.sitofp %convert_element_type3A_575 : vector<16xi32> to vector<16xf32>
          %mul3A_577 = arith.constant 2.000000e+00 : f32
          %mul3A_578 = vector.broadcast %mul3A_577 : f32 to vector<16xf32>
          %mul3A_579 = arith.mulf %mul3A_578, %convert_element_type3A_576 : vector<16xf32>
          %add3A_580 = arith.constant 1.000000e+00 : f32
          %add3A_581 = vector.broadcast %add3A_580 : f32 to vector<16xf32>
          %add3A_582 = arith.addf %mul3A_579, %add3A_581 : vector<16xf32>
          %gt3A_583 = arith.cmpf ogt, %add3A_582, %mul3A_543 : vector<16xf32>
          %convert_element_type3A_584 = arith.extui %gt3A_583 : vector<16xi1> to vector<16xi32>
          %sub3A_585 = arith.subi %convert_element_type3A_575, %convert_element_type3A_584 : vector<16xi32>
          %convert_element_type3A_586 = arith.sitofp %sub3A_585 : vector<16xi32> to vector<16xf32>
          %mul3A_587 = arith.constant 2.000000e+00 : f32
          %mul3A_588 = vector.broadcast %mul3A_587 : f32 to vector<16xf32>
          %mul3A_589 = arith.mulf %mul3A_588, %convert_element_type3A_586 : vector<16xf32>
          %add3A_590 = arith.constant 1.000000e+00 : f32
          %add3A_591 = vector.broadcast %add3A_590 : f32 to vector<16xf32>
          %add3A_592 = arith.addf %mul3A_589, %add3A_591 : vector<16xf32>
          %gt3A_593 = arith.cmpf ogt, %add3A_592, %mul3A_543 : vector<16xf32>
          %convert_element_type3A_594 = arith.extui %gt3A_593 : vector<16xi1> to vector<16xi32>
          %sub3A_595 = arith.subi %sub3A_585, %convert_element_type3A_594 : vector<16xi32>
          %add3A_596 = arith.constant 1 : i32
          %add3A_597 = vector.broadcast %add3A_596 : i32 to vector<16xi32>
          %add3A_598 = arith.addi %sub3A_595, %add3A_597 : vector<16xi32>
          %convert_element_type3A_599 = arith.sitofp %add3A_598 : vector<16xi32> to vector<16xf32>
          %mul3A_600 = arith.constant 2.000000e+00 : f32
          %mul3A_601 = vector.broadcast %mul3A_600 : f32 to vector<16xf32>
          %mul3A_602 = arith.mulf %mul3A_601, %convert_element_type3A_599 : vector<16xf32>
          %add3A_603 = arith.constant 1.000000e+00 : f32
          %add3A_604 = vector.broadcast %add3A_603 : f32 to vector<16xf32>
          %add3A_605 = arith.addf %mul3A_602, %add3A_604 : vector<16xf32>
          %le3A_606 = arith.cmpf ole, %add3A_605, %mul3A_543 : vector<16xf32>
          %convert_element_type3A_607 = arith.extui %le3A_606 : vector<16xi1> to vector<16xi32>
          %add3A_608 = arith.addi %sub3A_595, %convert_element_type3A_607 : vector<16xi32>
          %add3A_609 = arith.constant 1 : i32
          %add3A_610 = vector.broadcast %add3A_609 : i32 to vector<16xi32>
          %add3A_611 = arith.addi %add3A_608, %add3A_610 : vector<16xi32>
          %convert_element_type3A_612 = arith.sitofp %add3A_611 : vector<16xi32> to vector<16xf32>
          %mul3A_613 = arith.constant 2.000000e+00 : f32
          %mul3A_614 = vector.broadcast %mul3A_613 : f32 to vector<16xf32>
          %mul3A_615 = arith.mulf %mul3A_614, %convert_element_type3A_612 : vector<16xf32>
          %add3A_616 = arith.constant 1.000000e+00 : f32
          %add3A_617 = vector.broadcast %add3A_616 : f32 to vector<16xf32>
          %add3A_618 = arith.addf %mul3A_615, %add3A_617 : vector<16xf32>
          %le3A_619 = arith.cmpf ole, %add3A_618, %mul3A_543 : vector<16xf32>
          %convert_element_type3A_620 = arith.extui %le3A_619 : vector<16xi1> to vector<16xi32>
          %add3A_621 = arith.addi %add3A_608, %convert_element_type3A_620 : vector<16xi32>
          %add3A_622 = arith.constant 1 : i32
          %add3A_623 = vector.broadcast %add3A_622 : i32 to vector<16xi32>
          %add3A_624 = arith.addi %add3A_621, %add3A_623 : vector<16xi32>
          %jit3A_625 = arith.constant 0 : i32
          %jit3A_626 = arith.constant 4096 : i32
          %max3A_627 = vector.broadcast %jit3A_625 : i32 to vector<16xi32>
          %max3A_628 = arith.maxsi %max3A_627, %add3A_624 : vector<16xi32>
          %min3A_629 = vector.broadcast %jit3A_626 : i32 to vector<16xi32>
          %min3A_630 = arith.minsi %min3A_629, %max3A_628 : vector<16xi32>
          %sub3A_631 = arith.constant 1.000000e+00 : f32
          %sub3A_632 = vector.broadcast %sub3A_631 : f32 to vector<16xf32>
          %sub3A_633 = arith.subf %select_n3A_568, %sub3A_632 : vector<16xf32>
          %mul3A_634 = arith.constant 5.000000e-01 : f32
          %mul3A_635 = vector.broadcast %mul3A_634 : f32 to vector<16xf32>
          %mul3A_636 = arith.mulf %sub3A_633, %mul3A_635 : vector<16xf32>
          %convert_element_type3A_637 = arith.fptosi %mul3A_636 : vector<16xf32> to vector<16xi32>
          %convert_element_type3A_638 = arith.sitofp %convert_element_type3A_637 : vector<16xi32> to vector<16xf32>
          %mul3A_639 = arith.constant 2.000000e+00 : f32
          %mul3A_640 = vector.broadcast %mul3A_639 : f32 to vector<16xf32>
          %mul3A_641 = arith.mulf %mul3A_640, %convert_element_type3A_638 : vector<16xf32>
          %add3A_642 = arith.constant 1.000000e+00 : f32
          %add3A_643 = vector.broadcast %add3A_642 : f32 to vector<16xf32>
          %add3A_644 = arith.addf %mul3A_641, %add3A_643 : vector<16xf32>
          %gt3A_645 = arith.cmpf ogt, %add3A_644, %select_n3A_568 : vector<16xf32>
          %convert_element_type3A_646 = arith.extui %gt3A_645 : vector<16xi1> to vector<16xi32>
          %sub3A_647 = arith.subi %convert_element_type3A_637, %convert_element_type3A_646 : vector<16xi32>
          %convert_element_type3A_648 = arith.sitofp %sub3A_647 : vector<16xi32> to vector<16xf32>
          %mul3A_649 = arith.constant 2.000000e+00 : f32
          %mul3A_650 = vector.broadcast %mul3A_649 : f32 to vector<16xf32>
          %mul3A_651 = arith.mulf %mul3A_650, %convert_element_type3A_648 : vector<16xf32>
          %add3A_652 = arith.constant 1.000000e+00 : f32
          %add3A_653 = vector.broadcast %add3A_652 : f32 to vector<16xf32>
          %add3A_654 = arith.addf %mul3A_651, %add3A_653 : vector<16xf32>
          %gt3A_655 = arith.cmpf ogt, %add3A_654, %select_n3A_568 : vector<16xf32>
          %convert_element_type3A_656 = arith.extui %gt3A_655 : vector<16xi1> to vector<16xi32>
          %sub3A_657 = arith.subi %sub3A_647, %convert_element_type3A_656 : vector<16xi32>
          %add3A_658 = arith.constant 1 : i32
          %add3A_659 = vector.broadcast %add3A_658 : i32 to vector<16xi32>
          %add3A_660 = arith.addi %sub3A_657, %add3A_659 : vector<16xi32>
          %convert_element_type3A_661 = arith.sitofp %add3A_660 : vector<16xi32> to vector<16xf32>
          %mul3A_662 = arith.constant 2.000000e+00 : f32
          %mul3A_663 = vector.broadcast %mul3A_662 : f32 to vector<16xf32>
          %mul3A_664 = arith.mulf %mul3A_663, %convert_element_type3A_661 : vector<16xf32>
          %add3A_665 = arith.constant 1.000000e+00 : f32
          %add3A_666 = vector.broadcast %add3A_665 : f32 to vector<16xf32>
          %add3A_667 = arith.addf %mul3A_664, %add3A_666 : vector<16xf32>
          %le3A_668 = arith.cmpf ole, %add3A_667, %select_n3A_568 : vector<16xf32>
          %convert_element_type3A_669 = arith.extui %le3A_668 : vector<16xi1> to vector<16xi32>
          %add3A_670 = arith.addi %sub3A_657, %convert_element_type3A_669 : vector<16xi32>
          %add3A_671 = arith.constant 1 : i32
          %add3A_672 = vector.broadcast %add3A_671 : i32 to vector<16xi32>
          %add3A_673 = arith.addi %add3A_670, %add3A_672 : vector<16xi32>
          %convert_element_type3A_674 = arith.sitofp %add3A_673 : vector<16xi32> to vector<16xf32>
          %mul3A_675 = arith.constant 2.000000e+00 : f32
          %mul3A_676 = vector.broadcast %mul3A_675 : f32 to vector<16xf32>
          %mul3A_677 = arith.mulf %mul3A_676, %convert_element_type3A_674 : vector<16xf32>
          %add3A_678 = arith.constant 1.000000e+00 : f32
          %add3A_679 = vector.broadcast %add3A_678 : f32 to vector<16xf32>
          %add3A_680 = arith.addf %mul3A_677, %add3A_679 : vector<16xf32>
          %le3A_681 = arith.cmpf ole, %add3A_680, %select_n3A_568 : vector<16xf32>
          %convert_element_type3A_682 = arith.extui %le3A_681 : vector<16xi1> to vector<16xi32>
          %add3A_683 = arith.addi %add3A_670, %convert_element_type3A_682 : vector<16xi32>
          %add3A_684 = arith.constant 1 : i32
          %add3A_685 = vector.broadcast %add3A_684 : i32 to vector<16xi32>
          %add3A_686 = arith.addi %add3A_683, %add3A_685 : vector<16xi32>
          %jit3A_687 = arith.constant 0 : i32
          %jit3A_688 = arith.constant 4096 : i32
          %max3A_689 = vector.broadcast %jit3A_687 : i32 to vector<16xi32>
          %max3A_690 = arith.maxsi %max3A_689, %add3A_686 : vector<16xi32>
          %min3A_691 = vector.broadcast %jit3A_688 : i32 to vector<16xi32>
          %min3A_692 = arith.minsi %min3A_691, %max3A_690 : vector<16xi32>
          %mul3A_693 = arith.constant 4096 : i32
          %mul3A_694 = arith.muli %add3A_151, %mul3A_693 : i32
          %mul3A_695 = arith.constant 16 : i32
          %mul3A_696 = arith.muli %scan3A_495, %mul3A_695 : i32
          %add3A_697 = arith.addi %mul3A_694, %mul3A_696 : i32
          %broadcast_in_dim3A_698 = vector.broadcast %add3A_697 : i32 to vector<16xi32>
          %add3A_699 = arith.addi %broadcast_in_dim3A_698, %iota3A : vector<16xi32>
          %min3A_700 = arith.constant 4095 : i32
          %min3A_701 = vector.broadcast %min3A_700 : i32 to vector<16xi32>
          %min3A_702 = arith.minsi %min3A_692, %min3A_701 : vector<16xi32>
          %shift_right_arithmetic3A_703 = arith.constant 7 : i32
          %shift_right_arithmetic3A_704 = vector.broadcast %shift_right_arithmetic3A_703 : i32 to vector<16xi32>
          %shift_right_arithmetic3A_705 = arith.shrsi %min3A_702, %shift_right_arithmetic3A_704 : vector<16xi32>
          %and3A_706 = arith.constant 127 : i32
          %and3A_707 = vector.broadcast %and3A_706 : i32 to vector<16xi32>
          %and3A_708 = arith.andi %min3A_702, %and3A_707 : vector<16xi32>
          %gt3A_709 = arith.cmpi sgt, %min3A_630, %min3A_692 : vector<16xi32>
          tpu.vector_store_idx %arg9[%shift_right_arithmetic3A_705, %and3A_708], %add3A_699 masked %gt3A_709 : memref<32x128xi32, #tpu.memory_space<vmem>>[vector<16xi32>, vector<16xi32>], vector<16xi32>, vector<16xi1>
          %scan3A_710 = arith.constant 2 : i32
          %scan3A_711 = arith.addi %scan3A_285, %scan3A_710 : i32
          %jit3A_712 = arith.constant 8 : i32
          %div3A_713 = arith.divsi %scan3A_711, %jit3A_712 : i32
          %sign3A_714 = arith.constant 0 : i32
          %sign3A_715 = arith.cmpi sgt, %scan3A_711, %sign3A_714 : i32
          %sign3A_716 = arith.extui %sign3A_715 : i1 to i32
          %sign3A_717 = arith.constant 0 : i32
          %sign3A_718 = arith.cmpi slt, %scan3A_711, %sign3A_717 : i32
          %sign3A_719 = arith.extui %sign3A_718 : i1 to i32
          %sign3A_720 = arith.subi %sign3A_716, %sign3A_719 : i32
          %sign3A_721 = arith.constant 0 : i32
          %sign3A_722 = arith.cmpi sgt, %jit3A_712, %sign3A_721 : i32
          %sign3A_723 = arith.extui %sign3A_722 : i1 to i32
          %sign3A_724 = arith.constant 0 : i32
          %sign3A_725 = arith.cmpi slt, %jit3A_712, %sign3A_724 : i32
          %sign3A_726 = arith.extui %sign3A_725 : i1 to i32
          %sign3A_727 = arith.subi %sign3A_723, %sign3A_726 : i32
          %ne3A_728 = arith.cmpi ne, %sign3A_720, %sign3A_727 : i32
          %rem3A_729 = arith.remsi %scan3A_711, %jit3A_712 : i32
          %ne3A_730 = arith.constant 0 : i32
          %ne3A_731 = arith.cmpi ne, %rem3A_729, %ne3A_730 : i32
          %and3A_732 = arith.andi %ne3A_728, %ne3A_731 : i1
          %sub3A_733 = arith.constant 1 : i32
          %sub3A_734 = arith.subi %div3A_713, %sub3A_733 : i32
          %select_n3A_735 = arith.select %and3A_732, %sub3A_734, %div3A_713 : i32
          %jit3A_736 = arith.constant 8 : i32
          %eq3A_737 = arith.constant 0 : i32
          %eq3A_738 = arith.cmpi eq, %jit3A_736, %eq3A_737 : i32
          %jit3A_739 = arith.constant 1 : i32
          %select_n3A_740 = arith.select %eq3A_738, %jit3A_739, %jit3A_736 : i32
          %rem3A_741 = arith.remsi %scan3A_711, %select_n3A_740 : i32
          %ne3A_742 = arith.constant 0 : i32
          %ne3A_743 = arith.cmpi ne, %rem3A_741, %ne3A_742 : i32
          %lt3A_744 = arith.constant 0 : i32
          %lt3A_745 = arith.cmpi slt, %rem3A_741, %lt3A_744 : i32
          %lt3A_746 = arith.constant 0 : i32
          %lt3A_747 = arith.cmpi slt, %select_n3A_740, %lt3A_746 : i32
          %ne3A_748 = arith.xori %lt3A_745, %lt3A_747 : i1
          %and3A_749 = arith.andi %ne3A_748, %ne3A_743 : i1
          %add3A_750 = arith.addi %rem3A_741, %select_n3A_740 : i32
          %select_n3A_751 = arith.select %and3A_749, %add3A_750, %rem3A_741 : i32
          %mul3A_752 = arith.constant 16 : i32
          %mul3A_753 = arith.muli %select_n3A_751, %mul3A_752 : i32
          %get3A_754 = arith.index_cast %select_n3A_735 : i32 to index
          %get3A_755 = arith.index_cast %mul3A_753 : i32 to index
          %get3A_756 = tpu.vector_load %arg8[%get3A_754, %get3A_755] {strides = array<i32>} : memref<32x128xf32, #tpu.memory_space<vmem>>, vector<16xf32>,
          %mul3A_757 = arith.constant 8.192000e+03 : f32
          %mul3A_758 = vector.broadcast %mul3A_757 : f32 to vector<16xf32>
          %mul3A_759 = arith.mulf %get3A_756, %mul3A_758 : vector<16xf32>
          %mul3A_760 = arith.constant 16 : i32
          %mul3A_761 = arith.muli %scan3A_711, %mul3A_760 : i32
          %sub3A_762 = arith.constant 1 : i32
          %sub3A_763 = arith.subi %mul3A_761, %sub3A_762 : i32
          %broadcast_in_dim3A_764 = vector.broadcast %sub3A_763 : i32 to vector<16xi32>
          %add3A_765 = arith.addi %broadcast_in_dim3A_764, %iota3A : vector<16xi32>
          %ge3A_766 = arith.constant 0 : i32
          %ge3A_767 = vector.broadcast %ge3A_766 : i32 to vector<16xi32>
          %ge3A_768 = arith.cmpi sge, %add3A_765, %ge3A_767 : vector<16xi32>
          %max3A_769 = arith.constant 0 : i32
          %max3A_770 = vector.broadcast %max3A_769 : i32 to vector<16xi32>
          %max3A_771 = arith.maxsi %add3A_765, %max3A_770 : vector<16xi32>
          %shift_right_arithmetic3A_772 = arith.constant 7 : i32
          %shift_right_arithmetic3A_773 = vector.broadcast %shift_right_arithmetic3A_772 : i32 to vector<16xi32>
          %shift_right_arithmetic3A_774 = arith.shrsi %max3A_771, %shift_right_arithmetic3A_773 : vector<16xi32>
          %and3A_775 = arith.constant 127 : i32
          %and3A_776 = vector.broadcast %and3A_775 : i32 to vector<16xi32>
          %and3A_777 = arith.andi %max3A_771, %and3A_776 : vector<16xi32>
          %gather3A_778 = tpu.vector_load_idx %arg8[%shift_right_arithmetic3A_774, %and3A_777] : memref<32x128xf32, #tpu.memory_space<vmem>>[vector<16xi32>, vector<16xi32>], vector<16xf32>,
          %mul3A_779 = arith.constant 8.192000e+03 : f32
          %mul3A_780 = vector.broadcast %mul3A_779 : f32 to vector<16xf32>
          %mul3A_781 = arith.mulf %gather3A_778, %mul3A_780 : vector<16xf32>
          %jit3A_782 = arith.constant 0.000000e+00 : f32
          %broadcast_in_dim3A_783 = vector.broadcast %jit3A_782 : f32 to vector<16xf32>
          %select_n3A_784 = arith.select %ge3A_768, %mul3A_781, %broadcast_in_dim3A_783 : vector<16xi1>, vector<16xf32>
          %sub3A_785 = arith.constant 1.000000e+00 : f32
          %sub3A_786 = vector.broadcast %sub3A_785 : f32 to vector<16xf32>
          %sub3A_787 = arith.subf %mul3A_759, %sub3A_786 : vector<16xf32>
          %mul3A_788 = arith.constant 5.000000e-01 : f32
          %mul3A_789 = vector.broadcast %mul3A_788 : f32 to vector<16xf32>
          %mul3A_790 = arith.mulf %sub3A_787, %mul3A_789 : vector<16xf32>
          %convert_element_type3A_791 = arith.fptosi %mul3A_790 : vector<16xf32> to vector<16xi32>
          %convert_element_type3A_792 = arith.sitofp %convert_element_type3A_791 : vector<16xi32> to vector<16xf32>
          %mul3A_793 = arith.constant 2.000000e+00 : f32
          %mul3A_794 = vector.broadcast %mul3A_793 : f32 to vector<16xf32>
          %mul3A_795 = arith.mulf %mul3A_794, %convert_element_type3A_792 : vector<16xf32>
          %add3A_796 = arith.constant 1.000000e+00 : f32
          %add3A_797 = vector.broadcast %add3A_796 : f32 to vector<16xf32>
          %add3A_798 = arith.addf %mul3A_795, %add3A_797 : vector<16xf32>
          %gt3A_799 = arith.cmpf ogt, %add3A_798, %mul3A_759 : vector<16xf32>
          %convert_element_type3A_800 = arith.extui %gt3A_799 : vector<16xi1> to vector<16xi32>
          %sub3A_801 = arith.subi %convert_element_type3A_791, %convert_element_type3A_800 : vector<16xi32>
          %convert_element_type3A_802 = arith.sitofp %sub3A_801 : vector<16xi32> to vector<16xf32>
          %mul3A_803 = arith.constant 2.000000e+00 : f32
          %mul3A_804 = vector.broadcast %mul3A_803 : f32 to vector<16xf32>
          %mul3A_805 = arith.mulf %mul3A_804, %convert_element_type3A_802 : vector<16xf32>
          %add3A_806 = arith.constant 1.000000e+00 : f32
          %add3A_807 = vector.broadcast %add3A_806 : f32 to vector<16xf32>
          %add3A_808 = arith.addf %mul3A_805, %add3A_807 : vector<16xf32>
          %gt3A_809 = arith.cmpf ogt, %add3A_808, %mul3A_759 : vector<16xf32>
          %convert_element_type3A_810 = arith.extui %gt3A_809 : vector<16xi1> to vector<16xi32>
          %sub3A_811 = arith.subi %sub3A_801, %convert_element_type3A_810 : vector<16xi32>
          %add3A_812 = arith.constant 1 : i32
          %add3A_813 = vector.broadcast %add3A_812 : i32 to vector<16xi32>
          %add3A_814 = arith.addi %sub3A_811, %add3A_813 : vector<16xi32>
          %convert_element_type3A_815 = arith.sitofp %add3A_814 : vector<16xi32> to vector<16xf32>
          %mul3A_816 = arith.constant 2.000000e+00 : f32
          %mul3A_817 = vector.broadcast %mul3A_816 : f32 to vector<16xf32>
          %mul3A_818 = arith.mulf %mul3A_817, %convert_element_type3A_815 : vector<16xf32>
          %add3A_819 = arith.constant 1.000000e+00 : f32
          %add3A_820 = vector.broadcast %add3A_819 : f32 to vector<16xf32>
          %add3A_821 = arith.addf %mul3A_818, %add3A_820 : vector<16xf32>
          %le3A_822 = arith.cmpf ole, %add3A_821, %mul3A_759 : vector<16xf32>
          %convert_element_type3A_823 = arith.extui %le3A_822 : vector<16xi1> to vector<16xi32>
          %add3A_824 = arith.addi %sub3A_811, %convert_element_type3A_823 : vector<16xi32>
          %add3A_825 = arith.constant 1 : i32
          %add3A_826 = vector.broadcast %add3A_825 : i32 to vector<16xi32>
          %add3A_827 = arith.addi %add3A_824, %add3A_826 : vector<16xi32>
          %convert_element_type3A_828 = arith.sitofp %add3A_827 : vector<16xi32> to vector<16xf32>
          %mul3A_829 = arith.constant 2.000000e+00 : f32
          %mul3A_830 = vector.broadcast %mul3A_829 : f32 to vector<16xf32>
          %mul3A_831 = arith.mulf %mul3A_830, %convert_element_type3A_828 : vector<16xf32>
          %add3A_832 = arith.constant 1.000000e+00 : f32
          %add3A_833 = vector.broadcast %add3A_832 : f32 to vector<16xf32>
          %add3A_834 = arith.addf %mul3A_831, %add3A_833 : vector<16xf32>
          %le3A_835 = arith.cmpf ole, %add3A_834, %mul3A_759 : vector<16xf32>
          %convert_element_type3A_836 = arith.extui %le3A_835 : vector<16xi1> to vector<16xi32>
          %add3A_837 = arith.addi %add3A_824, %convert_element_type3A_836 : vector<16xi32>
          %add3A_838 = arith.constant 1 : i32
          %add3A_839 = vector.broadcast %add3A_838 : i32 to vector<16xi32>
          %add3A_840 = arith.addi %add3A_837, %add3A_839 : vector<16xi32>
          %jit3A_841 = arith.constant 0 : i32
          %jit3A_842 = arith.constant 4096 : i32
          %max3A_843 = vector.broadcast %jit3A_841 : i32 to vector<16xi32>
          %max3A_844 = arith.maxsi %max3A_843, %add3A_840 : vector<16xi32>
          %min3A_845 = vector.broadcast %jit3A_842 : i32 to vector<16xi32>
          %min3A_846 = arith.minsi %min3A_845, %max3A_844 : vector<16xi32>
          %sub3A_847 = arith.constant 1.000000e+00 : f32
          %sub3A_848 = vector.broadcast %sub3A_847 : f32 to vector<16xf32>
          %sub3A_849 = arith.subf %select_n3A_784, %sub3A_848 : vector<16xf32>
          %mul3A_850 = arith.constant 5.000000e-01 : f32
          %mul3A_851 = vector.broadcast %mul3A_850 : f32 to vector<16xf32>
          %mul3A_852 = arith.mulf %sub3A_849, %mul3A_851 : vector<16xf32>
          %convert_element_type3A_853 = arith.fptosi %mul3A_852 : vector<16xf32> to vector<16xi32>
          %convert_element_type3A_854 = arith.sitofp %convert_element_type3A_853 : vector<16xi32> to vector<16xf32>
          %mul3A_855 = arith.constant 2.000000e+00 : f32
          %mul3A_856 = vector.broadcast %mul3A_855 : f32 to vector<16xf32>
          %mul3A_857 = arith.mulf %mul3A_856, %convert_element_type3A_854 : vector<16xf32>
          %add3A_858 = arith.constant 1.000000e+00 : f32
          %add3A_859 = vector.broadcast %add3A_858 : f32 to vector<16xf32>
          %add3A_860 = arith.addf %mul3A_857, %add3A_859 : vector<16xf32>
          %gt3A_861 = arith.cmpf ogt, %add3A_860, %select_n3A_784 : vector<16xf32>
          %convert_element_type3A_862 = arith.extui %gt3A_861 : vector<16xi1> to vector<16xi32>
          %sub3A_863 = arith.subi %convert_element_type3A_853, %convert_element_type3A_862 : vector<16xi32>
          %convert_element_type3A_864 = arith.sitofp %sub3A_863 : vector<16xi32> to vector<16xf32>
          %mul3A_865 = arith.constant 2.000000e+00 : f32
          %mul3A_866 = vector.broadcast %mul3A_865 : f32 to vector<16xf32>
          %mul3A_867 = arith.mulf %mul3A_866, %convert_element_type3A_864 : vector<16xf32>
          %add3A_868 = arith.constant 1.000000e+00 : f32
          %add3A_869 = vector.broadcast %add3A_868 : f32 to vector<16xf32>
          %add3A_870 = arith.addf %mul3A_867, %add3A_869 : vector<16xf32>
          %gt3A_871 = arith.cmpf ogt, %add3A_870, %select_n3A_784 : vector<16xf32>
          %convert_element_type3A_872 = arith.extui %gt3A_871 : vector<16xi1> to vector<16xi32>
          %sub3A_873 = arith.subi %sub3A_863, %convert_element_type3A_872 : vector<16xi32>
          %add3A_874 = arith.constant 1 : i32
          %add3A_875 = vector.broadcast %add3A_874 : i32 to vector<16xi32>
          %add3A_876 = arith.addi %sub3A_873, %add3A_875 : vector<16xi32>
          %convert_element_type3A_877 = arith.sitofp %add3A_876 : vector<16xi32> to vector<16xf32>
          %mul3A_878 = arith.constant 2.000000e+00 : f32
          %mul3A_879 = vector.broadcast %mul3A_878 : f32 to vector<16xf32>
          %mul3A_880 = arith.mulf %mul3A_879, %convert_element_type3A_877 : vector<16xf32>
          %add3A_881 = arith.constant 1.000000e+00 : f32
          %add3A_882 = vector.broadcast %add3A_881 : f32 to vector<16xf32>
          %add3A_883 = arith.addf %mul3A_880, %add3A_882 : vector<16xf32>
          %le3A_884 = arith.cmpf ole, %add3A_883, %select_n3A_784 : vector<16xf32>
          %convert_element_type3A_885 = arith.extui %le3A_884 : vector<16xi1> to vector<16xi32>
          %add3A_886 = arith.addi %sub3A_873, %convert_element_type3A_885 : vector<16xi32>
          %add3A_887 = arith.constant 1 : i32
          %add3A_888 = vector.broadcast %add3A_887 : i32 to vector<16xi32>
          %add3A_889 = arith.addi %add3A_886, %add3A_888 : vector<16xi32>
          %convert_element_type3A_890 = arith.sitofp %add3A_889 : vector<16xi32> to vector<16xf32>
          %mul3A_891 = arith.constant 2.000000e+00 : f32
          %mul3A_892 = vector.broadcast %mul3A_891 : f32 to vector<16xf32>
          %mul3A_893 = arith.mulf %mul3A_892, %convert_element_type3A_890 : vector<16xf32>
          %add3A_894 = arith.constant 1.000000e+00 : f32
          %add3A_895 = vector.broadcast %add3A_894 : f32 to vector<16xf32>
          %add3A_896 = arith.addf %mul3A_893, %add3A_895 : vector<16xf32>
          %le3A_897 = arith.cmpf ole, %add3A_896, %select_n3A_784 : vector<16xf32>
          %convert_element_type3A_898 = arith.extui %le3A_897 : vector<16xi1> to vector<16xi32>
          %add3A_899 = arith.addi %add3A_886, %convert_element_type3A_898 : vector<16xi32>
          %add3A_900 = arith.constant 1 : i32
          %add3A_901 = vector.broadcast %add3A_900 : i32 to vector<16xi32>
          %add3A_902 = arith.addi %add3A_899, %add3A_901 : vector<16xi32>
          %jit3A_903 = arith.constant 0 : i32
          %jit3A_904 = arith.constant 4096 : i32
          %max3A_905 = vector.broadcast %jit3A_903 : i32 to vector<16xi32>
          %max3A_906 = arith.maxsi %max3A_905, %add3A_902 : vector<16xi32>
          %min3A_907 = vector.broadcast %jit3A_904 : i32 to vector<16xi32>
          %min3A_908 = arith.minsi %min3A_907, %max3A_906 : vector<16xi32>
          %mul3A_909 = arith.constant 4096 : i32
          %mul3A_910 = arith.muli %add3A_151, %mul3A_909 : i32
          %mul3A_911 = arith.constant 16 : i32
          %mul3A_912 = arith.muli %scan3A_711, %mul3A_911 : i32
          %add3A_913 = arith.addi %mul3A_910, %mul3A_912 : i32
          %broadcast_in_dim3A_914 = vector.broadcast %add3A_913 : i32 to vector<16xi32>
          %add3A_915 = arith.addi %broadcast_in_dim3A_914, %iota3A : vector<16xi32>
          %min3A_916 = arith.constant 4095 : i32
          %min3A_917 = vector.broadcast %min3A_916 : i32 to vector<16xi32>
          %min3A_918 = arith.minsi %min3A_908, %min3A_917 : vector<16xi32>
          %shift_right_arithmetic3A_919 = arith.constant 7 : i32
          %shift_right_arithmetic3A_920 = vector.broadcast %shift_right_arithmetic3A_919 : i32 to vector<16xi32>
          %shift_right_arithmetic3A_921 = arith.shrsi %min3A_918, %shift_right_arithmetic3A_920 : vector<16xi32>
          %and3A_922 = arith.constant 127 : i32
          %and3A_923 = vector.broadcast %and3A_922 : i32 to vector<16xi32>
          %and3A_924 = arith.andi %min3A_918, %and3A_923 : vector<16xi32>
          %gt3A_925 = arith.cmpi sgt, %min3A_846, %min3A_908 : vector<16xi32>
          tpu.vector_store_idx %arg9[%shift_right_arithmetic3A_921, %and3A_924], %add3A_915 masked %gt3A_925 : memref<32x128xi32, #tpu.memory_space<vmem>>[vector<16xi32>, vector<16xi32>], vector<16xi32>, vector<16xi1>
          %scan3A_926 = arith.constant 3 : i32
          %scan3A_927 = arith.addi %scan3A_285, %scan3A_926 : i32
          %jit3A_928 = arith.constant 8 : i32
          %div3A_929 = arith.divsi %scan3A_927, %jit3A_928 : i32
          %sign3A_930 = arith.constant 0 : i32
          %sign3A_931 = arith.cmpi sgt, %scan3A_927, %sign3A_930 : i32
          %sign3A_932 = arith.extui %sign3A_931 : i1 to i32
          %sign3A_933 = arith.constant 0 : i32
          %sign3A_934 = arith.cmpi slt, %scan3A_927, %sign3A_933 : i32
          %sign3A_935 = arith.extui %sign3A_934 : i1 to i32
          %sign3A_936 = arith.subi %sign3A_932, %sign3A_935 : i32
          %sign3A_937 = arith.constant 0 : i32
          %sign3A_938 = arith.cmpi sgt, %jit3A_928, %sign3A_937 : i32
          %sign3A_939 = arith.extui %sign3A_938 : i1 to i32
          %sign3A_940 = arith.constant 0 : i32
          %sign3A_941 = arith.cmpi slt, %jit3A_928, %sign3A_940 : i32
          %sign3A_942 = arith.extui %sign3A_941 : i1 to i32
          %sign3A_943 = arith.subi %sign3A_939, %sign3A_942 : i32
          %ne3A_944 = arith.cmpi ne, %sign3A_936, %sign3A_943 : i32
          %rem3A_945 = arith.remsi %scan3A_927, %jit3A_928 : i32
          %ne3A_946 = arith.constant 0 : i32
          %ne3A_947 = arith.cmpi ne, %rem3A_945, %ne3A_946 : i32
          %and3A_948 = arith.andi %ne3A_944, %ne3A_947 : i1
          %sub3A_949 = arith.constant 1 : i32
          %sub3A_950 = arith.subi %div3A_929, %sub3A_949 : i32
          %select_n3A_951 = arith.select %and3A_948, %sub3A_950, %div3A_929 : i32
          %jit3A_952 = arith.constant 8 : i32
          %eq3A_953 = arith.constant 0 : i32
          %eq3A_954 = arith.cmpi eq, %jit3A_952, %eq3A_953 : i32
          %jit3A_955 = arith.constant 1 : i32
          %select_n3A_956 = arith.select %eq3A_954, %jit3A_955, %jit3A_952 : i32
          %rem3A_957 = arith.remsi %scan3A_927, %select_n3A_956 : i32
          %ne3A_958 = arith.constant 0 : i32
          %ne3A_959 = arith.cmpi ne, %rem3A_957, %ne3A_958 : i32
          %lt3A_960 = arith.constant 0 : i32
          %lt3A_961 = arith.cmpi slt, %rem3A_957, %lt3A_960 : i32
          %lt3A_962 = arith.constant 0 : i32
          %lt3A_963 = arith.cmpi slt, %select_n3A_956, %lt3A_962 : i32
          %ne3A_964 = arith.xori %lt3A_961, %lt3A_963 : i1
          %and3A_965 = arith.andi %ne3A_964, %ne3A_959 : i1
          %add3A_966 = arith.addi %rem3A_957, %select_n3A_956 : i32
          %select_n3A_967 = arith.select %and3A_965, %add3A_966, %rem3A_957 : i32
          %mul3A_968 = arith.constant 16 : i32
          %mul3A_969 = arith.muli %select_n3A_967, %mul3A_968 : i32
          %get3A_970 = arith.index_cast %select_n3A_951 : i32 to index
          %get3A_971 = arith.index_cast %mul3A_969 : i32 to index
          %get3A_972 = tpu.vector_load %arg8[%get3A_970, %get3A_971] {strides = array<i32>} : memref<32x128xf32, #tpu.memory_space<vmem>>, vector<16xf32>,
          %mul3A_973 = arith.constant 8.192000e+03 : f32
          %mul3A_974 = vector.broadcast %mul3A_973 : f32 to vector<16xf32>
          %mul3A_975 = arith.mulf %get3A_972, %mul3A_974 : vector<16xf32>
          %mul3A_976 = arith.constant 16 : i32
          %mul3A_977 = arith.muli %scan3A_927, %mul3A_976 : i32
          %sub3A_978 = arith.constant 1 : i32
          %sub3A_979 = arith.subi %mul3A_977, %sub3A_978 : i32
          %broadcast_in_dim3A_980 = vector.broadcast %sub3A_979 : i32 to vector<16xi32>
          %add3A_981 = arith.addi %broadcast_in_dim3A_980, %iota3A : vector<16xi32>
          %ge3A_982 = arith.constant 0 : i32
          %ge3A_983 = vector.broadcast %ge3A_982 : i32 to vector<16xi32>
          %ge3A_984 = arith.cmpi sge, %add3A_981, %ge3A_983 : vector<16xi32>
          %max3A_985 = arith.constant 0 : i32
          %max3A_986 = vector.broadcast %max3A_985 : i32 to vector<16xi32>
          %max3A_987 = arith.maxsi %add3A_981, %max3A_986 : vector<16xi32>
          %shift_right_arithmetic3A_988 = arith.constant 7 : i32
          %shift_right_arithmetic3A_989 = vector.broadcast %shift_right_arithmetic3A_988 : i32 to vector<16xi32>
          %shift_right_arithmetic3A_990 = arith.shrsi %max3A_987, %shift_right_arithmetic3A_989 : vector<16xi32>
          %and3A_991 = arith.constant 127 : i32
          %and3A_992 = vector.broadcast %and3A_991 : i32 to vector<16xi32>
          %and3A_993 = arith.andi %max3A_987, %and3A_992 : vector<16xi32>
          %gather3A_994 = tpu.vector_load_idx %arg8[%shift_right_arithmetic3A_990, %and3A_993] : memref<32x128xf32, #tpu.memory_space<vmem>>[vector<16xi32>, vector<16xi32>], vector<16xf32>,
          %mul3A_995 = arith.constant 8.192000e+03 : f32
          %mul3A_996 = vector.broadcast %mul3A_995 : f32 to vector<16xf32>
          %mul3A_997 = arith.mulf %gather3A_994, %mul3A_996 : vector<16xf32>
          %jit3A_998 = arith.constant 0.000000e+00 : f32
          %broadcast_in_dim3A_999 = vector.broadcast %jit3A_998 : f32 to vector<16xf32>
          %select_n3A_1000 = arith.select %ge3A_984, %mul3A_997, %broadcast_in_dim3A_999 : vector<16xi1>, vector<16xf32>
          %sub3A_1001 = arith.constant 1.000000e+00 : f32
          %sub3A_1002 = vector.broadcast %sub3A_1001 : f32 to vector<16xf32>
          %sub3A_1003 = arith.subf %mul3A_975, %sub3A_1002 : vector<16xf32>
          %mul3A_1004 = arith.constant 5.000000e-01 : f32
          %mul3A_1005 = vector.broadcast %mul3A_1004 : f32 to vector<16xf32>
          %mul3A_1006 = arith.mulf %sub3A_1003, %mul3A_1005 : vector<16xf32>
          %convert_element_type3A_1007 = arith.fptosi %mul3A_1006 : vector<16xf32> to vector<16xi32>
          %convert_element_type3A_1008 = arith.sitofp %convert_element_type3A_1007 : vector<16xi32> to vector<16xf32>
          %mul3A_1009 = arith.constant 2.000000e+00 : f32
          %mul3A_1010 = vector.broadcast %mul3A_1009 : f32 to vector<16xf32>
          %mul3A_1011 = arith.mulf %mul3A_1010, %convert_element_type3A_1008 : vector<16xf32>
          %add3A_1012 = arith.constant 1.000000e+00 : f32
          %add3A_1013 = vector.broadcast %add3A_1012 : f32 to vector<16xf32>
          %add3A_1014 = arith.addf %mul3A_1011, %add3A_1013 : vector<16xf32>
          %gt3A_1015 = arith.cmpf ogt, %add3A_1014, %mul3A_975 : vector<16xf32>
          %convert_element_type3A_1016 = arith.extui %gt3A_1015 : vector<16xi1> to vector<16xi32>
          %sub3A_1017 = arith.subi %convert_element_type3A_1007, %convert_element_type3A_1016 : vector<16xi32>
          %convert_element_type3A_1018 = arith.sitofp %sub3A_1017 : vector<16xi32> to vector<16xf32>
          %mul3A_1019 = arith.constant 2.000000e+00 : f32
          %mul3A_1020 = vector.broadcast %mul3A_1019 : f32 to vector<16xf32>
          %mul3A_1021 = arith.mulf %mul3A_1020, %convert_element_type3A_1018 : vector<16xf32>
          %add3A_1022 = arith.constant 1.000000e+00 : f32
          %add3A_1023 = vector.broadcast %add3A_1022 : f32 to vector<16xf32>
          %add3A_1024 = arith.addf %mul3A_1021, %add3A_1023 : vector<16xf32>
          %gt3A_1025 = arith.cmpf ogt, %add3A_1024, %mul3A_975 : vector<16xf32>
          %convert_element_type3A_1026 = arith.extui %gt3A_1025 : vector<16xi1> to vector<16xi32>
          %sub3A_1027 = arith.subi %sub3A_1017, %convert_element_type3A_1026 : vector<16xi32>
          %add3A_1028 = arith.constant 1 : i32
          %add3A_1029 = vector.broadcast %add3A_1028 : i32 to vector<16xi32>
          %add3A_1030 = arith.addi %sub3A_1027, %add3A_1029 : vector<16xi32>
          %convert_element_type3A_1031 = arith.sitofp %add3A_1030 : vector<16xi32> to vector<16xf32>
          %mul3A_1032 = arith.constant 2.000000e+00 : f32
          %mul3A_1033 = vector.broadcast %mul3A_1032 : f32 to vector<16xf32>
          %mul3A_1034 = arith.mulf %mul3A_1033, %convert_element_type3A_1031 : vector<16xf32>
          %add3A_1035 = arith.constant 1.000000e+00 : f32
          %add3A_1036 = vector.broadcast %add3A_1035 : f32 to vector<16xf32>
          %add3A_1037 = arith.addf %mul3A_1034, %add3A_1036 : vector<16xf32>
          %le3A_1038 = arith.cmpf ole, %add3A_1037, %mul3A_975 : vector<16xf32>
          %convert_element_type3A_1039 = arith.extui %le3A_1038 : vector<16xi1> to vector<16xi32>
          %add3A_1040 = arith.addi %sub3A_1027, %convert_element_type3A_1039 : vector<16xi32>
          %add3A_1041 = arith.constant 1 : i32
          %add3A_1042 = vector.broadcast %add3A_1041 : i32 to vector<16xi32>
          %add3A_1043 = arith.addi %add3A_1040, %add3A_1042 : vector<16xi32>
          %convert_element_type3A_1044 = arith.sitofp %add3A_1043 : vector<16xi32> to vector<16xf32>
          %mul3A_1045 = arith.constant 2.000000e+00 : f32
          %mul3A_1046 = vector.broadcast %mul3A_1045 : f32 to vector<16xf32>
          %mul3A_1047 = arith.mulf %mul3A_1046, %convert_element_type3A_1044 : vector<16xf32>
          %add3A_1048 = arith.constant 1.000000e+00 : f32
          %add3A_1049 = vector.broadcast %add3A_1048 : f32 to vector<16xf32>
          %add3A_1050 = arith.addf %mul3A_1047, %add3A_1049 : vector<16xf32>
          %le3A_1051 = arith.cmpf ole, %add3A_1050, %mul3A_975 : vector<16xf32>
          %convert_element_type3A_1052 = arith.extui %le3A_1051 : vector<16xi1> to vector<16xi32>
          %add3A_1053 = arith.addi %add3A_1040, %convert_element_type3A_1052 : vector<16xi32>
          %add3A_1054 = arith.constant 1 : i32
          %add3A_1055 = vector.broadcast %add3A_1054 : i32 to vector<16xi32>
          %add3A_1056 = arith.addi %add3A_1053, %add3A_1055 : vector<16xi32>
          %jit3A_1057 = arith.constant 0 : i32
          %jit3A_1058 = arith.constant 4096 : i32
          %max3A_1059 = vector.broadcast %jit3A_1057 : i32 to vector<16xi32>
          %max3A_1060 = arith.maxsi %max3A_1059, %add3A_1056 : vector<16xi32>
          %min3A_1061 = vector.broadcast %jit3A_1058 : i32 to vector<16xi32>
          %min3A_1062 = arith.minsi %min3A_1061, %max3A_1060 : vector<16xi32>
          %sub3A_1063 = arith.constant 1.000000e+00 : f32
          %sub3A_1064 = vector.broadcast %sub3A_1063 : f32 to vector<16xf32>
          %sub3A_1065 = arith.subf %select_n3A_1000, %sub3A_1064 : vector<16xf32>
          %mul3A_1066 = arith.constant 5.000000e-01 : f32
          %mul3A_1067 = vector.broadcast %mul3A_1066 : f32 to vector<16xf32>
          %mul3A_1068 = arith.mulf %sub3A_1065, %mul3A_1067 : vector<16xf32>
          %convert_element_type3A_1069 = arith.fptosi %mul3A_1068 : vector<16xf32> to vector<16xi32>
          %convert_element_type3A_1070 = arith.sitofp %convert_element_type3A_1069 : vector<16xi32> to vector<16xf32>
          %mul3A_1071 = arith.constant 2.000000e+00 : f32
          %mul3A_1072 = vector.broadcast %mul3A_1071 : f32 to vector<16xf32>
          %mul3A_1073 = arith.mulf %mul3A_1072, %convert_element_type3A_1070 : vector<16xf32>
          %add3A_1074 = arith.constant 1.000000e+00 : f32
          %add3A_1075 = vector.broadcast %add3A_1074 : f32 to vector<16xf32>
          %add3A_1076 = arith.addf %mul3A_1073, %add3A_1075 : vector<16xf32>
          %gt3A_1077 = arith.cmpf ogt, %add3A_1076, %select_n3A_1000 : vector<16xf32>
          %convert_element_type3A_1078 = arith.extui %gt3A_1077 : vector<16xi1> to vector<16xi32>
          %sub3A_1079 = arith.subi %convert_element_type3A_1069, %convert_element_type3A_1078 : vector<16xi32>
          %convert_element_type3A_1080 = arith.sitofp %sub3A_1079 : vector<16xi32> to vector<16xf32>
          %mul3A_1081 = arith.constant 2.000000e+00 : f32
          %mul3A_1082 = vector.broadcast %mul3A_1081 : f32 to vector<16xf32>
          %mul3A_1083 = arith.mulf %mul3A_1082, %convert_element_type3A_1080 : vector<16xf32>
          %add3A_1084 = arith.constant 1.000000e+00 : f32
          %add3A_1085 = vector.broadcast %add3A_1084 : f32 to vector<16xf32>
          %add3A_1086 = arith.addf %mul3A_1083, %add3A_1085 : vector<16xf32>
          %gt3A_1087 = arith.cmpf ogt, %add3A_1086, %select_n3A_1000 : vector<16xf32>
          %convert_element_type3A_1088 = arith.extui %gt3A_1087 : vector<16xi1> to vector<16xi32>
          %sub3A_1089 = arith.subi %sub3A_1079, %convert_element_type3A_1088 : vector<16xi32>
          %add3A_1090 = arith.constant 1 : i32
          %add3A_1091 = vector.broadcast %add3A_1090 : i32 to vector<16xi32>
          %add3A_1092 = arith.addi %sub3A_1089, %add3A_1091 : vector<16xi32>
          %convert_element_type3A_1093 = arith.sitofp %add3A_1092 : vector<16xi32> to vector<16xf32>
          %mul3A_1094 = arith.constant 2.000000e+00 : f32
          %mul3A_1095 = vector.broadcast %mul3A_1094 : f32 to vector<16xf32>
          %mul3A_1096 = arith.mulf %mul3A_1095, %convert_element_type3A_1093 : vector<16xf32>
          %add3A_1097 = arith.constant 1.000000e+00 : f32
          %add3A_1098 = vector.broadcast %add3A_1097 : f32 to vector<16xf32>
          %add3A_1099 = arith.addf %mul3A_1096, %add3A_1098 : vector<16xf32>
          %le3A_1100 = arith.cmpf ole, %add3A_1099, %select_n3A_1000 : vector<16xf32>
          %convert_element_type3A_1101 = arith.extui %le3A_1100 : vector<16xi1> to vector<16xi32>
          %add3A_1102 = arith.addi %sub3A_1089, %convert_element_type3A_1101 : vector<16xi32>
          %add3A_1103 = arith.constant 1 : i32
          %add3A_1104 = vector.broadcast %add3A_1103 : i32 to vector<16xi32>
          %add3A_1105 = arith.addi %add3A_1102, %add3A_1104 : vector<16xi32>
          %convert_element_type3A_1106 = arith.sitofp %add3A_1105 : vector<16xi32> to vector<16xf32>
          %mul3A_1107 = arith.constant 2.000000e+00 : f32
          %mul3A_1108 = vector.broadcast %mul3A_1107 : f32 to vector<16xf32>
          %mul3A_1109 = arith.mulf %mul3A_1108, %convert_element_type3A_1106 : vector<16xf32>
          %add3A_1110 = arith.constant 1.000000e+00 : f32
          %add3A_1111 = vector.broadcast %add3A_1110 : f32 to vector<16xf32>
          %add3A_1112 = arith.addf %mul3A_1109, %add3A_1111 : vector<16xf32>
          %le3A_1113 = arith.cmpf ole, %add3A_1112, %select_n3A_1000 : vector<16xf32>
          %convert_element_type3A_1114 = arith.extui %le3A_1113 : vector<16xi1> to vector<16xi32>
          %add3A_1115 = arith.addi %add3A_1102, %convert_element_type3A_1114 : vector<16xi32>
          %add3A_1116 = arith.constant 1 : i32
          %add3A_1117 = vector.broadcast %add3A_1116 : i32 to vector<16xi32>
          %add3A_1118 = arith.addi %add3A_1115, %add3A_1117 : vector<16xi32>
          %jit3A_1119 = arith.constant 0 : i32
          %jit3A_1120 = arith.constant 4096 : i32
          %max3A_1121 = vector.broadcast %jit3A_1119 : i32 to vector<16xi32>
          %max3A_1122 = arith.maxsi %max3A_1121, %add3A_1118 : vector<16xi32>
          %min3A_1123 = vector.broadcast %jit3A_1120 : i32 to vector<16xi32>
          %min3A_1124 = arith.minsi %min3A_1123, %max3A_1122 : vector<16xi32>
          %mul3A_1125 = arith.constant 4096 : i32
          %mul3A_1126 = arith.muli %add3A_151, %mul3A_1125 : i32
          %mul3A_1127 = arith.constant 16 : i32
          %mul3A_1128 = arith.muli %scan3A_927, %mul3A_1127 : i32
          %add3A_1129 = arith.addi %mul3A_1126, %mul3A_1128 : i32
          %broadcast_in_dim3A_1130 = vector.broadcast %add3A_1129 : i32 to vector<16xi32>
          %add3A_1131 = arith.addi %broadcast_in_dim3A_1130, %iota3A : vector<16xi32>
          %min3A_1132 = arith.constant 4095 : i32
          %min3A_1133 = vector.broadcast %min3A_1132 : i32 to vector<16xi32>
          %min3A_1134 = arith.minsi %min3A_1124, %min3A_1133 : vector<16xi32>
          %shift_right_arithmetic3A_1135 = arith.constant 7 : i32
          %shift_right_arithmetic3A_1136 = vector.broadcast %shift_right_arithmetic3A_1135 : i32 to vector<16xi32>
          %shift_right_arithmetic3A_1137 = arith.shrsi %min3A_1134, %shift_right_arithmetic3A_1136 : vector<16xi32>
          %and3A_1138 = arith.constant 127 : i32
          %and3A_1139 = vector.broadcast %and3A_1138 : i32 to vector<16xi32>
          %and3A_1140 = arith.andi %min3A_1134, %and3A_1139 : vector<16xi32>
          %gt3A_1141 = arith.cmpi sgt, %min3A_1062, %min3A_1124 : vector<16xi32>
          tpu.vector_store_idx %arg9[%shift_right_arithmetic3A_1137, %and3A_1140], %add3A_1131 masked %gt3A_1141 : memref<32x128xi32, #tpu.memory_space<vmem>>[vector<16xi32>, vector<16xi32>], vector<16xi32>, vector<16xi1>
        }
        %scan3A_277 = arith.constant 256 : i32
        %scan3A_278 = arith.constant 0 : i32
        %scan3A_279 = arith.constant 0 : i32
        %scan3A_280 = arith.constant 256 : i32
        %scan3A_281 = arith.addi %scan3A_279, %scan3A_280 : i32
        %scan3A_282 = arith.constant 1 : i32
        %scan3A_283 = scf.for %scan3A_285 = %scan3A_279 to %scan3A_281 step %scan3A_282 iter_args(%scan3A_286 = %scan3A_278) -> (i32)  : i32 {
          %jit3A_287 = arith.constant 8 : i32
          %div3A_288 = arith.divsi %scan3A_285, %jit3A_287 : i32
          %sign3A_289 = arith.constant 0 : i32
          %sign3A_290 = arith.cmpi sgt, %scan3A_285, %sign3A_289 : i32
          %sign3A_291 = arith.extui %sign3A_290 : i1 to i32
          %sign3A_292 = arith.constant 0 : i32
          %sign3A_293 = arith.cmpi slt, %scan3A_285, %sign3A_292 : i32
          %sign3A_294 = arith.extui %sign3A_293 : i1 to i32
          %sign3A_295 = arith.subi %sign3A_291, %sign3A_294 : i32
          %sign3A_296 = arith.constant 0 : i32
          %sign3A_297 = arith.cmpi sgt, %jit3A_287, %sign3A_296 : i32
          %sign3A_298 = arith.extui %sign3A_297 : i1 to i32
          %sign3A_299 = arith.constant 0 : i32
          %sign3A_300 = arith.cmpi slt, %jit3A_287, %sign3A_299 : i32
          %sign3A_301 = arith.extui %sign3A_300 : i1 to i32
          %sign3A_302 = arith.subi %sign3A_298, %sign3A_301 : i32
          %ne3A_303 = arith.cmpi ne, %sign3A_295, %sign3A_302 : i32
          %rem3A_304 = arith.remsi %scan3A_285, %jit3A_287 : i32
          %ne3A_305 = arith.constant 0 : i32
          %ne3A_306 = arith.cmpi ne, %rem3A_304, %ne3A_305 : i32
          %and3A_307 = arith.andi %ne3A_303, %ne3A_306 : i1
          %sub3A_308 = arith.constant 1 : i32
          %sub3A_309 = arith.subi %div3A_288, %sub3A_308 : i32
          %select_n3A_310 = arith.select %and3A_307, %sub3A_309, %div3A_288 : i32
          %jit3A_311 = arith.constant 8 : i32
          %eq3A_312 = arith.constant 0 : i32
          %eq3A_313 = arith.cmpi eq, %jit3A_311, %eq3A_312 : i32
          %jit3A_314 = arith.constant 1 : i32
          %select_n3A_315 = arith.select %eq3A_313, %jit3A_314, %jit3A_311 : i32
          %rem3A_316 = arith.remsi %scan3A_285, %select_n3A_315 : i32
          %ne3A_317 = arith.constant 0 : i32
          %ne3A_318 = arith.cmpi ne, %rem3A_316, %ne3A_317 : i32
          %lt3A_319 = arith.constant 0 : i32
          %lt3A_320 = arith.cmpi slt, %rem3A_316, %lt3A_319 : i32
          %lt3A_321 = arith.constant 0 : i32
          %lt3A_322 = arith.cmpi slt, %select_n3A_315, %lt3A_321 : i32
          %ne3A_323 = arith.xori %lt3A_320, %lt3A_322 : i1
          %and3A_324 = arith.andi %ne3A_323, %ne3A_318 : i1
          %add3A_325 = arith.addi %rem3A_316, %select_n3A_315 : i32
          %select_n3A_326 = arith.select %and3A_324, %add3A_325, %rem3A_316 : i32
          %mul3A_327 = arith.constant 16 : i32
          %mul3A_328 = arith.muli %select_n3A_326, %mul3A_327 : i32
          %get3A = arith.index_cast %select_n3A_310 : i32 to index
          %get3A_329 = arith.index_cast %mul3A_328 : i32 to index
          %get3A_330 = tpu.vector_load %arg9[%get3A, %get3A_329] {strides = array<i32>} : memref<32x128xi32, #tpu.memory_space<vmem>>, vector<16xi32>,
          %broadcast_in_dim3A_331 = arith.constant true
          %broadcast_in_dim3A_332 = vector.broadcast %broadcast_in_dim3A_331 : i1 to vector<16xi1>
          %masked_cummax3A = arith.constant -2147483648 : i32
          %masked_cummax3A_333 = vector.broadcast %masked_cummax3A : i32 to vector<16xi32>
          %masked_cummax3A_334 = arith.xori %get3A_330, %masked_cummax3A_333 : vector<16xi32>
          %masked_cummax3A_335 = tpu.scan <max>, %masked_cummax3A_334 masked %broadcast_in_dim3A_332 : vector<16xi32>, vector<16xi1> -> vector<16xi32>
          %masked_cummax3A_336 = arith.xori %masked_cummax3A_335, %masked_cummax3A_333 : vector<16xi32>
          %broadcast_in_dim3A_337 = vector.broadcast %scan3A_286 : i32 to vector<16xi32>
          %max3A = arith.maxsi %masked_cummax3A_336, %broadcast_in_dim3A_337 : vector<16xi32>
          %jit3A_338 = arith.constant 8 : i32
          %div3A_339 = arith.divsi %scan3A_285, %jit3A_338 : i32
          %sign3A_340 = arith.constant 0 : i32
          %sign3A_341 = arith.cmpi sgt, %scan3A_285, %sign3A_340 : i32
          %sign3A_342 = arith.extui %sign3A_341 : i1 to i32
          %sign3A_343 = arith.constant 0 : i32
          %sign3A_344 = arith.cmpi slt, %scan3A_285, %sign3A_343 : i32
          %sign3A_345 = arith.extui %sign3A_344 : i1 to i32
          %sign3A_346 = arith.subi %sign3A_342, %sign3A_345 : i32
          %sign3A_347 = arith.constant 0 : i32
          %sign3A_348 = arith.cmpi sgt, %jit3A_338, %sign3A_347 : i32
          %sign3A_349 = arith.extui %sign3A_348 : i1 to i32
          %sign3A_350 = arith.constant 0 : i32
          %sign3A_351 = arith.cmpi slt, %jit3A_338, %sign3A_350 : i32
          %sign3A_352 = arith.extui %sign3A_351 : i1 to i32
          %sign3A_353 = arith.subi %sign3A_349, %sign3A_352 : i32
          %ne3A_354 = arith.cmpi ne, %sign3A_346, %sign3A_353 : i32
          %rem3A_355 = arith.remsi %scan3A_285, %jit3A_338 : i32
          %ne3A_356 = arith.constant 0 : i32
          %ne3A_357 = arith.cmpi ne, %rem3A_355, %ne3A_356 : i32
          %and3A_358 = arith.andi %ne3A_354, %ne3A_357 : i1
          %sub3A_359 = arith.constant 1 : i32
          %sub3A_360 = arith.subi %div3A_339, %sub3A_359 : i32
          %select_n3A_361 = arith.select %and3A_358, %sub3A_360, %div3A_339 : i32
          %jit3A_362 = arith.constant 8 : i32
          %eq3A_363 = arith.constant 0 : i32
          %eq3A_364 = arith.cmpi eq, %jit3A_362, %eq3A_363 : i32
          %jit3A_365 = arith.constant 1 : i32
          %select_n3A_366 = arith.select %eq3A_364, %jit3A_365, %jit3A_362 : i32
          %rem3A_367 = arith.remsi %scan3A_285, %select_n3A_366 : i32
          %ne3A_368 = arith.constant 0 : i32
          %ne3A_369 = arith.cmpi ne, %rem3A_367, %ne3A_368 : i32
          %lt3A_370 = arith.constant 0 : i32
          %lt3A_371 = arith.cmpi slt, %rem3A_367, %lt3A_370 : i32
          %lt3A_372 = arith.constant 0 : i32
          %lt3A_373 = arith.cmpi slt, %select_n3A_366, %lt3A_372 : i32
          %ne3A_374 = arith.xori %lt3A_371, %lt3A_373 : i1
          %and3A_375 = arith.andi %ne3A_374, %ne3A_369 : i1
          %add3A_376 = arith.addi %rem3A_367, %select_n3A_366 : i32
          %select_n3A_377 = arith.select %and3A_375, %add3A_376, %rem3A_367 : i32
          %mul3A_378 = arith.constant 16 : i32
          %mul3A_379 = arith.muli %select_n3A_377, %mul3A_378 : i32
          %swap3A = arith.index_cast %select_n3A_361 : i32 to index
          %swap3A_380 = arith.index_cast %mul3A_379 : i32 to index
          %swap3A_381 = tpu.vector_load %arg9[%swap3A, %swap3A_380] {strides = array<i32>} : memref<32x128xi32, #tpu.memory_space<vmem>>, vector<16xi32>,
          tpu.vector_store %arg9[%swap3A, %swap3A_380], %max3A {strides = array<i32>} : memref<32x128xi32, #tpu.memory_space<vmem>>, vector<16xi32>,
          %reduce_max3A_382 = arith.constant true
          %reduce_max3A_383 = vector.broadcast %reduce_max3A_382 : i1 to vector<16xi1>
          %reduce_max3A_384 = arith.constant -2147483648 : i32
          %reduce_max3A_385 = vector.broadcast %reduce_max3A_384 : i32 to vector<16xi32>
          %reduce_max3A_386 = arith.xori %max3A, %reduce_max3A_385 : vector<16xi32>
          %reduce_max3A_387 = tpu.scan <max>, %reduce_max3A_386 masked %reduce_max3A_383 : vector<16xi32>, vector<16xi1> -> vector<16xi32>
          %reduce_max3A_388 = arith.xori %reduce_max3A_387, %reduce_max3A_385 : vector<16xi32>
          %reduce_max3A_389 = vector.extract %reduce_max3A_388[15] : i32 from vector<16xi32>
          scf.yield %reduce_max3A_389 : i32
        }
        %scan3A_284 = arith.constant 256 : i32
      } else {
      }
      %convert_element_type3A_186 = arith.extui %ne3A_179 : i1 to i32
      %cond3A_187 = arith.constant 0 : i32
      %cond3A_188 = arith.cmpi ne, %convert_element_type3A_186, %cond3A_187 : i32
      scf.if %cond3A_188 {
        %scan3A_266 = arith.constant 0 : i32
        %scan3A_267 = arith.constant 0 : i32
        %scan3A_268 = arith.constant 8 : i32
        %scan3A_269 = arith.addi %scan3A_267, %scan3A_268 : i32
        %scan3A_270 = arith.constant 1 : i32
        scf.for %scan3A_272 = %scan3A_267 to %scan3A_269 step %scan3A_270  : i32 {
          %mul3A_273 = arith.constant 8 : i32
          %mul3A_274 = arith.muli %select_n3A_167, %mul3A_273 : i32
          %add3A_275 = arith.addi %mul3A_274, %scan3A_272 : i32
          %mul3A_276 = arith.constant 128 : i32
          %mul3A_277 = arith.muli %scan3A_272, %mul3A_276 : i32
          %dma_start3A_278 = arith.constant 0 : i32
          %dma_start3A_279 = tpu.memref_slice %arg14[%mul3A_277, %dma_start3A_278] : memref<1024x32xf32, #tpu.memory_space<vmem>> -> memref<128x32xf32, #tpu.memory_space<vmem>>
          %dma_start3A_280 = arith.constant 0 : i32
          %dma_start3A_281 = tpu.memref_slice %arg9[%add3A_275, %dma_start3A_280] : memref<32x128xi32, #tpu.memory_space<vmem>> -> memref<1x128xi32, #tpu.memory_space<vmem>>
          %dma_start3A_282 = tpu.memref_squeeze %dma_start3A_281 : memref<1x128xi32, #tpu.memory_space<vmem>> -> memref<128xi32, #tpu.memory_space<vmem>>
          %dma_start3A_283 = arith.constant 0 : i32
          %dma_start3A_284 = arith.constant 0 : i32
          %dma_start3A_285 = tpu.memref_slice %arg2[%dma_start3A_283, %dma_start3A_284] : memref<1048576x32xf32, #tpu.memory_space<hbm>> -> memref<1048576x32xf32, #tpu.memory_space<hbm>>
          tpu.enqueue_indirect_dma source(%dma_start3A_285 : memref<1048576x32xf32, #tpu.memory_space<hbm>>) target(%dma_start3A_279 : memref<128x32xf32, #tpu.memory_space<vmem>>) offsets(%dma_start3A_282 : memref<128xi32, #tpu.memory_space<vmem>>) semaphore(%arg16 : memref<!tpu.dma_semaphore, #tpu.memory_space<semaphore_mem>>)
        }
        %scan3A_271 = arith.constant 8 : i32
      } else {
      }
      %not3A_189 = arith.constant true
      %not3A_190 = arith.xori %ne3A_179, %not3A_189 : i1
      %convert_element_type3A_191 = arith.extui %not3A_190 : i1 to i32
      %cond3A_192 = arith.constant 0 : i32
      %cond3A_193 = arith.cmpi ne, %convert_element_type3A_191, %cond3A_192 : i32
      scf.if %cond3A_193 {
        %mul3A_266 = arith.constant 4096 : i32
        %mul3A_267 = arith.muli %add3A_151, %mul3A_266 : i32
        %mul3A_268 = arith.constant 1024 : i32
        %mul3A_269 = arith.muli %select_n3A_167, %mul3A_268 : i32
        %add3A_270 = arith.addi %mul3A_267, %mul3A_269 : i32
        %dma_start3A_271 = arith.constant 0 : i32
        %dma_start3A_272 = tpu.memref_slice %arg2[%add3A_270, %dma_start3A_271] : memref<1048576x32xf32, #tpu.memory_space<hbm>> -> memref<1024x32xf32, #tpu.memory_space<hbm>>
        %dma_start3A_273 = arith.constant 0 : i32
        %dma_start3A_274 = tpu.memref_slice %arg2[%add3A_270, %dma_start3A_273] : memref<1048576x32xf32, #tpu.memory_space<hbm>> -> memref<1024x32xf32, #tpu.memory_space<hbm>>
        tpu.enqueue_dma source(%dma_start3A_274 : memref<1024x32xf32, #tpu.memory_space<hbm>>) target(%arg14 : memref<1024x32xf32, #tpu.memory_space<vmem>>) target_semaphore(%arg16 : memref<!tpu.dma_semaphore, #tpu.memory_space<semaphore_mem>>)
      } else {
      }
      %eq3A_194 = arith.constant 3 : i32
      %eq3A_195 = arith.cmpi eq, %select_n3A_167, %eq3A_194 : i32
      %and3A_196 = arith.andi %ne3A_179, %eq3A_195 : i1
      %convert_element_type3A_197 = arith.extui %and3A_196 : i1 to i32
      %cond3A_198 = arith.constant 0 : i32
      %cond3A_199 = arith.cmpi ne, %convert_element_type3A_197, %cond3A_198 : i32
      scf.if %cond3A_199 {
        "tpu.region"() ({
          %run_scoped3A = tpu.sem_alloc : memref<!tpu.dma_semaphore, #tpu.memory_space<semaphore_mem>>
          %dma_start3A_266 = arith.constant 0 : i32
          %dma_start3A_267 = arith.constant 0 : i32
          %dma_start3A_268 = tpu.memref_slice %arg7[%add3A_151, %dma_start3A_266, %dma_start3A_267] : memref<256x32x128xf32, #tpu.memory_space<hbm>> -> memref<1x32x128xf32, #tpu.memory_space<hbm>>
          %dma_start3A_269 = tpu.memref_squeeze %dma_start3A_268 : memref<1x32x128xf32, #tpu.memory_space<hbm>> -> memref<32x128xf32, #tpu.memory_space<hbm>>
          %dma_start3A_270 = arith.constant 0 : i32
          %dma_start3A_271 = arith.constant 0 : i32
          %dma_start3A_272 = tpu.memref_slice %arg7[%add3A_151, %dma_start3A_270, %dma_start3A_271] : memref<256x32x128xf32, #tpu.memory_space<hbm>> -> memref<1x32x128xf32, #tpu.memory_space<hbm>>
          %dma_start3A_273 = tpu.memref_squeeze %dma_start3A_272 : memref<1x32x128xf32, #tpu.memory_space<hbm>> -> memref<32x128xf32, #tpu.memory_space<hbm>>
          tpu.enqueue_dma source(%arg10 : memref<32x128xf32, #tpu.memory_space<vmem>>) target(%dma_start3A_273 : memref<32x128xf32, #tpu.memory_space<hbm>>) target_semaphore(%run_scoped3A : memref<!tpu.dma_semaphore, #tpu.memory_space<semaphore_mem>>)
          %dma_wait3A_274 = arith.constant 0 : i32
          %dma_wait3A_275 = arith.constant 0 : i32
          %dma_wait3A_276 = tpu.memref_slice %arg7[%add3A_151, %dma_wait3A_274, %dma_wait3A_275] : memref<256x32x128xf32, #tpu.memory_space<hbm>> -> memref<1x32x128xf32, #tpu.memory_space<hbm>>
          %dma_wait3A_277 = tpu.memref_squeeze %dma_wait3A_276 : memref<1x32x128xf32, #tpu.memory_space<hbm>> -> memref<32x128xf32, #tpu.memory_space<hbm>>
          %dma_wait3A_278 = arith.constant 0 : i32
          %dma_wait3A_279 = arith.constant 0 : i32
          %dma_wait3A_280 = tpu.memref_slice %arg7[%add3A_151, %dma_wait3A_278, %dma_wait3A_279] : memref<256x32x128xf32, #tpu.memory_space<hbm>> -> memref<1x32x128xf32, #tpu.memory_space<hbm>>
          %dma_wait3A_281 = tpu.memref_squeeze %dma_wait3A_280 : memref<1x32x128xf32, #tpu.memory_space<hbm>> -> memref<32x128xf32, #tpu.memory_space<hbm>>
          tpu.wait_dma2 semaphore(%run_scoped3A : memref<!tpu.dma_semaphore, #tpu.memory_space<semaphore_mem>>) src(%arg10 : memref<32x128xf32, #tpu.memory_space<vmem>>) dst(%dma_wait3A_281 : memref<32x128xf32, #tpu.memory_space<hbm>>)
          tpu.yield
        }) : () -> ()
      } else {
      }
      %not3A_200 = arith.constant true
      %not3A_201 = arith.xori %ne3A_179, %not3A_200 : i1
      %eq3A_202 = arith.constant 3 : i32
      %eq3A_203 = arith.cmpi eq, %select_n3A_167, %eq3A_202 : i32
      %and3A_204 = arith.andi %not3A_201, %eq3A_203 : i1
      %convert_element_type3A_205 = arith.extui %and3A_204 : i1 to i32
      %cond3A_206 = arith.constant 0 : i32
      %cond3A_207 = arith.cmpi ne, %convert_element_type3A_205, %cond3A_206 : i32
      scf.if %cond3A_207 {
        "tpu.region"() ({
          %run_scoped3A = tpu.sem_alloc : memref<!tpu.dma_semaphore, #tpu.memory_space<semaphore_mem>>
          %dma_start3A_266 = arith.constant 0 : i32
          %dma_start3A_267 = arith.constant 0 : i32
          %dma_start3A_268 = tpu.memref_slice %arg4[%add3A_151, %dma_start3A_266, %dma_start3A_267] : memref<256x32x128xf32, #tpu.memory_space<hbm>> -> memref<1x32x128xf32, #tpu.memory_space<hbm>>
          %dma_start3A_269 = tpu.memref_squeeze %dma_start3A_268 : memref<1x32x128xf32, #tpu.memory_space<hbm>> -> memref<32x128xf32, #tpu.memory_space<hbm>>
          %dma_start3A_270 = arith.constant 0 : i32
          %dma_start3A_271 = arith.constant 0 : i32
          %dma_start3A_272 = tpu.memref_slice %arg4[%add3A_151, %dma_start3A_270, %dma_start3A_271] : memref<256x32x128xf32, #tpu.memory_space<hbm>> -> memref<1x32x128xf32, #tpu.memory_space<hbm>>
          %dma_start3A_273 = tpu.memref_squeeze %dma_start3A_272 : memref<1x32x128xf32, #tpu.memory_space<hbm>> -> memref<32x128xf32, #tpu.memory_space<hbm>>
          tpu.enqueue_dma source(%dma_start3A_273 : memref<32x128xf32, #tpu.memory_space<hbm>>) target(%arg11 : memref<32x128xf32, #tpu.memory_space<vmem>>) target_semaphore(%run_scoped3A : memref<!tpu.dma_semaphore, #tpu.memory_space<semaphore_mem>>)
          %dma_wait3A_274 = arith.constant 0 : i32
          %dma_wait3A_275 = arith.constant 0 : i32
          %dma_wait3A_276 = tpu.memref_slice %arg4[%add3A_151, %dma_wait3A_274, %dma_wait3A_275] : memref<256x32x128xf32, #tpu.memory_space<hbm>> -> memref<1x32x128xf32, #tpu.memory_space<hbm>>
          %dma_wait3A_277 = tpu.memref_squeeze %dma_wait3A_276 : memref<1x32x128xf32, #tpu.memory_space<hbm>> -> memref<32x128xf32, #tpu.memory_space<hbm>>
          %dma_wait3A_278 = arith.constant 0 : i32
          %dma_wait3A_279 = arith.constant 0 : i32
          %dma_wait3A_280 = tpu.memref_slice %arg4[%add3A_151, %dma_wait3A_278, %dma_wait3A_279] : memref<256x32x128xf32, #tpu.memory_space<hbm>> -> memref<1x32x128xf32, #tpu.memory_space<hbm>>
          %dma_wait3A_281 = tpu.memref_squeeze %dma_wait3A_280 : memref<1x32x128xf32, #tpu.memory_space<hbm>> -> memref<32x128xf32, #tpu.memory_space<hbm>>
          tpu.wait_dma2 semaphore(%run_scoped3A : memref<!tpu.dma_semaphore, #tpu.memory_space<semaphore_mem>>) src(%dma_wait3A_281 : memref<32x128xf32, #tpu.memory_space<hbm>>) dst(%arg11 : memref<32x128xf32, #tpu.memory_space<vmem>>)
          tpu.yield
        }) : () -> ()
        "tpu.region"() ({
          %run_scoped3A = tpu.sem_alloc : memref<!tpu.dma_semaphore, #tpu.memory_space<semaphore_mem>>
          %dma_start3A_266 = arith.constant 0 : i32
          %dma_start3A_267 = arith.constant 0 : i32
          %dma_start3A_268 = tpu.memref_slice %arg7[%add3A_151, %dma_start3A_266, %dma_start3A_267] : memref<256x32x128xf32, #tpu.memory_space<hbm>> -> memref<1x32x128xf32, #tpu.memory_space<hbm>>
          %dma_start3A_269 = tpu.memref_squeeze %dma_start3A_268 : memref<1x32x128xf32, #tpu.memory_space<hbm>> -> memref<32x128xf32, #tpu.memory_space<hbm>>
          %dma_start3A_270 = arith.constant 0 : i32
          %dma_start3A_271 = arith.constant 0 : i32
          %dma_start3A_272 = tpu.memref_slice %arg7[%add3A_151, %dma_start3A_270, %dma_start3A_271] : memref<256x32x128xf32, #tpu.memory_space<hbm>> -> memref<1x32x128xf32, #tpu.memory_space<hbm>>
          %dma_start3A_273 = tpu.memref_squeeze %dma_start3A_272 : memref<1x32x128xf32, #tpu.memory_space<hbm>> -> memref<32x128xf32, #tpu.memory_space<hbm>>
          tpu.enqueue_dma source(%arg11 : memref<32x128xf32, #tpu.memory_space<vmem>>) target(%dma_start3A_273 : memref<32x128xf32, #tpu.memory_space<hbm>>) target_semaphore(%run_scoped3A : memref<!tpu.dma_semaphore, #tpu.memory_space<semaphore_mem>>)
          %dma_wait3A_274 = arith.constant 0 : i32
          %dma_wait3A_275 = arith.constant 0 : i32
          %dma_wait3A_276 = tpu.memref_slice %arg7[%add3A_151, %dma_wait3A_274, %dma_wait3A_275] : memref<256x32x128xf32, #tpu.memory_space<hbm>> -> memref<1x32x128xf32, #tpu.memory_space<hbm>>
          %dma_wait3A_277 = tpu.memref_squeeze %dma_wait3A_276 : memref<1x32x128xf32, #tpu.memory_space<hbm>> -> memref<32x128xf32, #tpu.memory_space<hbm>>
          %dma_wait3A_278 = arith.constant 0 : i32
          %dma_wait3A_279 = arith.constant 0 : i32
          %dma_wait3A_280 = tpu.memref_slice %arg7[%add3A_151, %dma_wait3A_278, %dma_wait3A_279] : memref<256x32x128xf32, #tpu.memory_space<hbm>> -> memref<1x32x128xf32, #tpu.memory_space<hbm>>
          %dma_wait3A_281 = tpu.memref_squeeze %dma_wait3A_280 : memref<1x32x128xf32, #tpu.memory_space<hbm>> -> memref<32x128xf32, #tpu.memory_space<hbm>>
          tpu.wait_dma2 semaphore(%run_scoped3A : memref<!tpu.dma_semaphore, #tpu.memory_space<semaphore_mem>>) src(%arg11 : memref<32x128xf32, #tpu.memory_space<vmem>>) dst(%dma_wait3A_281 : memref<32x128xf32, #tpu.memory_space<hbm>>)
          tpu.yield
        }) : () -> ()
      } else {
      }
      %dma_wait3A_208 = arith.constant 0 : i32
      %dma_wait3A_209 = arith.constant 0 : i32
      %dma_wait3A_210 = tpu.memref_slice %arg2[%dma_wait3A_208, %dma_wait3A_209] : memref<1048576x32xf32, #tpu.memory_space<hbm>> -> memref<1024x32xf32, #tpu.memory_space<hbm>>
      %dma_wait3A_211 = arith.constant 0 : i32
      %dma_wait3A_212 = arith.constant 0 : i32
      %dma_wait3A_213 = tpu.memref_slice %arg2[%dma_wait3A_211, %dma_wait3A_212] : memref<1048576x32xf32, #tpu.memory_space<hbm>> -> memref<1024x32xf32, #tpu.memory_space<hbm>>
      tpu.wait_dma2 semaphore(%arg15 : memref<!tpu.dma_semaphore, #tpu.memory_space<semaphore_mem>>) src(%dma_wait3A_213 : memref<1024x32xf32, #tpu.memory_space<hbm>>) dst(%arg13 : memref<1024x32xf32, #tpu.memory_space<vmem>>)
      %mul3A_214 = arith.constant 8 : i32
      %mul3A_215 = arith.muli %add3A, %mul3A_214 : i32
      %jit3A_216 = arith.constant 4 : i32
      %div3A_217 = arith.divsi %mul3A_43, %jit3A_216 : i32
      %sign3A_218 = arith.constant 0 : i32
      %sign3A_219 = arith.cmpi sgt, %mul3A_43, %sign3A_218 : i32
      %sign3A_220 = arith.extui %sign3A_219 : i1 to i32
      %sign3A_221 = arith.constant 0 : i32
      %sign3A_222 = arith.cmpi slt, %mul3A_43, %sign3A_221 : i32
      %sign3A_223 = arith.extui %sign3A_222 : i1 to i32
      %sign3A_224 = arith.subi %sign3A_220, %sign3A_223 : i32
      %sign3A_225 = arith.constant 0 : i32
      %sign3A_226 = arith.cmpi sgt, %jit3A_216, %sign3A_225 : i32
      %sign3A_227 = arith.extui %sign3A_226 : i1 to i32
      %sign3A_228 = arith.constant 0 : i32
      %sign3A_229 = arith.cmpi slt, %jit3A_216, %sign3A_228 : i32
      %sign3A_230 = arith.extui %sign3A_229 : i1 to i32
      %sign3A_231 = arith.subi %sign3A_227, %sign3A_230 : i32
      %ne3A_232 = arith.cmpi ne, %sign3A_224, %sign3A_231 : i32
      %rem3A_233 = arith.remsi %mul3A_43, %jit3A_216 : i32
      %ne3A_234 = arith.constant 0 : i32
      %ne3A_235 = arith.cmpi ne, %rem3A_233, %ne3A_234 : i32
      %and3A_236 = arith.andi %ne3A_232, %ne3A_235 : i1
      %sub3A_237 = arith.constant 1 : i32
      %sub3A_238 = arith.subi %div3A_217, %sub3A_237 : i32
      %select_n3A_239 = arith.select %and3A_236, %sub3A_238, %div3A_217 : i32
      %add3A_240 = arith.addi %mul3A_215, %select_n3A_239 : i32
      %jit3A_241 = arith.constant 4 : i32
      %eq3A_242 = arith.constant 0 : i32
      %eq3A_243 = arith.cmpi eq, %jit3A_241, %eq3A_242 : i32
      %jit3A_244 = arith.constant 1 : i32
      %select_n3A_245 = arith.select %eq3A_243, %jit3A_244, %jit3A_241 : i32
      %rem3A_246 = arith.remsi %mul3A_43, %select_n3A_245 : i32
      %ne3A_247 = arith.constant 0 : i32
      %ne3A_248 = arith.cmpi ne, %rem3A_246, %ne3A_247 : i32
      %lt3A_249 = arith.constant 0 : i32
      %lt3A_250 = arith.cmpi slt, %rem3A_246, %lt3A_249 : i32
      %lt3A_251 = arith.constant 0 : i32
      %lt3A_252 = arith.cmpi slt, %select_n3A_245, %lt3A_251 : i32
      %ne3A_253 = arith.xori %lt3A_250, %lt3A_252 : i1
      %and3A_254 = arith.andi %ne3A_253, %ne3A_248 : i1
      %add3A_255 = arith.addi %rem3A_246, %select_n3A_245 : i32
      %select_n3A_256 = arith.select %and3A_254, %add3A_255, %rem3A_246 : i32
      %mul3A_257 = arith.constant 4096 : i32
      %mul3A_258 = arith.muli %add3A_240, %mul3A_257 : i32
      %mul3A_259 = arith.constant 1024 : i32
      %mul3A_260 = arith.muli %select_n3A_256, %mul3A_259 : i32
      %add3A_261 = arith.addi %mul3A_258, %mul3A_260 : i32
      %dma_start3A_262 = arith.constant 0 : i32
      %dma_start3A_263 = tpu.memref_slice %arg6[%add3A_261, %dma_start3A_262] : memref<1048576x32xf32, #tpu.memory_space<hbm>> -> memref<1024x32xf32, #tpu.memory_space<hbm>>
      %dma_start3A_264 = arith.constant 0 : i32
      %dma_start3A_265 = tpu.memref_slice %arg6[%add3A_261, %dma_start3A_264] : memref<1048576x32xf32, #tpu.memory_space<hbm>> -> memref<1024x32xf32, #tpu.memory_space<hbm>>
      tpu.enqueue_dma source(%arg13 : memref<1024x32xf32, #tpu.memory_space<vmem>>) target(%dma_start3A_265 : memref<1024x32xf32, #tpu.memory_space<hbm>>) target_semaphore(%arg17 : memref<!tpu.dma_semaphore, #tpu.memory_space<semaphore_mem>>)
    }
    %scan3A_12 = arith.constant 16 : i32
    %dma_wait3A = arith.constant 0 : i32
    %dma_wait3A_13 = arith.constant 0 : i32
    %dma_wait3A_14 = tpu.memref_slice %arg2[%dma_wait3A, %dma_wait3A_13] : memref<1048576x32xf32, #tpu.memory_space<hbm>> -> memref<1024x32xf32, #tpu.memory_space<hbm>>
    %dma_wait3A_15 = arith.constant 0 : i32
    %dma_wait3A_16 = arith.constant 0 : i32
    %dma_wait3A_17 = tpu.memref_slice %arg2[%dma_wait3A_15, %dma_wait3A_16] : memref<1048576x32xf32, #tpu.memory_space<hbm>> -> memref<1024x32xf32, #tpu.memory_space<hbm>>
    tpu.wait_dma2 semaphore(%arg16 : memref<!tpu.dma_semaphore, #tpu.memory_space<semaphore_mem>>) src(%dma_wait3A_17 : memref<1024x32xf32, #tpu.memory_space<hbm>>) dst(%arg14 : memref<1024x32xf32, #tpu.memory_space<vmem>>)
    %mul3A_18 = arith.constant 8 : i32
    %mul3A_19 = arith.muli %add3A, %mul3A_18 : i32
    %add3A_20 = arith.constant 7 : i32
    %add3A_21 = arith.addi %mul3A_19, %add3A_20 : i32
    %mul3A_22 = arith.constant 4096 : i32
    %mul3A_23 = arith.muli %add3A_21, %mul3A_22 : i32
    %add3A_24 = arith.constant 3072 : i32
    %add3A_25 = arith.addi %mul3A_23, %add3A_24 : i32
    %dma_start3A = arith.constant 0 : i32
    %dma_start3A_26 = tpu.memref_slice %arg6[%add3A_25, %dma_start3A] : memref<1048576x32xf32, #tpu.memory_space<hbm>> -> memref<1024x32xf32, #tpu.memory_space<hbm>>
    %dma_start3A_27 = arith.constant 0 : i32
    %dma_start3A_28 = tpu.memref_slice %arg6[%add3A_25, %dma_start3A_27] : memref<1048576x32xf32, #tpu.memory_space<hbm>> -> memref<1024x32xf32, #tpu.memory_space<hbm>>
    tpu.enqueue_dma source(%arg14 : memref<1024x32xf32, #tpu.memory_space<vmem>>) target(%dma_start3A_28 : memref<1024x32xf32, #tpu.memory_space<hbm>>) target_semaphore(%arg18 : memref<!tpu.dma_semaphore, #tpu.memory_space<semaphore_mem>>)
    %dma_wait3A_29 = arith.constant 0 : i32
    %dma_wait3A_30 = arith.constant 0 : i32
    %dma_wait3A_31 = tpu.memref_slice %arg2[%dma_wait3A_29, %dma_wait3A_30] : memref<1048576x32xf32, #tpu.memory_space<hbm>> -> memref<1024x32xf32, #tpu.memory_space<hbm>>
    %dma_wait3A_32 = arith.constant 0 : i32
    %dma_wait3A_33 = arith.constant 0 : i32
    %dma_wait3A_34 = tpu.memref_slice %arg2[%dma_wait3A_32, %dma_wait3A_33] : memref<1048576x32xf32, #tpu.memory_space<hbm>> -> memref<1024x32xf32, #tpu.memory_space<hbm>>
    tpu.wait_dma2 semaphore(%arg17 : memref<!tpu.dma_semaphore, #tpu.memory_space<semaphore_mem>>) src(%dma_wait3A_34 : memref<1024x32xf32, #tpu.memory_space<hbm>>) dst(%arg13 : memref<1024x32xf32, #tpu.memory_space<vmem>>)
    %dma_wait3A_35 = arith.constant 0 : i32
    %dma_wait3A_36 = arith.constant 0 : i32
    %dma_wait3A_37 = tpu.memref_slice %arg2[%dma_wait3A_35, %dma_wait3A_36] : memref<1048576x32xf32, #tpu.memory_space<hbm>> -> memref<1024x32xf32, #tpu.memory_space<hbm>>
    %dma_wait3A_38 = arith.constant 0 : i32
    %dma_wait3A_39 = arith.constant 0 : i32
    %dma_wait3A_40 = tpu.memref_slice %arg2[%dma_wait3A_38, %dma_wait3A_39] : memref<1048576x32xf32, #tpu.memory_space<hbm>> -> memref<1024x32xf32, #tpu.memory_space<hbm>>
    tpu.wait_dma2 semaphore(%arg18 : memref<!tpu.dma_semaphore, #tpu.memory_space<semaphore_mem>>) src(%dma_wait3A_40 : memref<1024x32xf32, #tpu.memory_space<hbm>>) dst(%arg14 : memref<1024x32xf32, #tpu.memory_space<vmem>>)
    return
  }
}

</mosaic_0001>

<sc_bundles>
// kernel: kernel.3.cloned.1.call-start
scs
__scs_entry_jumppad:
0x0: {  	(pc) =	sbr.rel $0x88, $3  }
0x1: {  	(tag) =	ssettag $0x0;
	lr =	simm.s32 $0x1  }
0x2: {  	[smem:$0x3F9F] =	sst lr;
	_ =	strace $0xD0000000  }
0x3: {  	_ = 	snop  }
0x4: {  	_ = 	snop  }
0x5: {  	_ = 	snop  }
0x6: {  	_ = 	snop  }
0x7: {  	_ = 	snop  }
__scs_overlays_trampoline_lowered:
0x8: {  	[smem:$0x3FAE] =	sst s0  }
0x9: {  	[smem:$0x3FAF] =	sst s1  }
0xa: {  	[smem:$0x3FB0] =	sst s2  }
0xb: {  	[smem:$0x3FB1] =	sst s3  }
0xc: {  	[smem:$0x3FB2] =	sst s4  }
0xd: {  	[smem:$0x3FB3] =	sst s5  }
0xe: {  	[smem:$0x3FB4] =	sst s6  }
0xf: {  	[smem:$0x3FB5] =	sst s7  }
0x10: {  	[smem:$0x3FB6] =	sst s8  }
0x11: {  	[smem:$0x3FB7] =	sst s9;
	s0 =	simm.s32 @!p0 $0x0  }
0x12: {  	s1 =	sld [smem:$0x3F9D];
	s0 =	simm.s32 @p0 $0x1  }
0x13: {  	[smem:$0x3FB8] =	sst s0;
	s0 =	simm.s32 @!p1 $0x0  }
0x14: {  	s2 =	sld [smem:$0x3F9C];
	s0 =	simm.s32 @p1 $0x1  }
0x15: {  	[smem:$0x3FB9] =	sst s0;
	s0 =	simm.s32 @!p2 $0x0  }
0x16: {  	s3 =	sld [smem:$0x3FDB];
	s0 =	simm.s32 @p2 $0x1  }
0x17: {  	s4 =	simm.s32 $0x1BF5;
	[smem:$0x3FBB] =	sst s0  }
0x18: {  	s0 =	sld [smem:$0x3F9E];
	_ =	swait.ge [sflag:s4], $0x0  }
0x19: {  	s7 =	sld [smem:$0x3F9F]  }
0x1a: {  	s8 =	sadd.s32 $0xFFFFE003, lr  }
0x1b: {  	s9 =	sadd.s32 $0xFFFFFEF7, lr;
	s5 =	simm.s32 $0xFFFFFFFF;
	p2 =	slt.u32 s8, $0xFFFFF086  }
0x1c: {  	p1 =	slt.u32 s9, $0xF7A;
	s5 =	simm.s32 @!p2 $0x0  }
0x1d: {  	s5 =	simm.s32 @p1 $0x1;
	p0 =	seq.s32 s7, s2  }
0x1e: {  	s7 =	smul.u32 @!p0 $0xF7A, s2;
	p2 =	seq.s32 @!p0 s5, $0x0  }
0x1f: {  	s9 =	smul.u32 $0xF7A, s1;
	s8 =	simm.s32 @!p0 $0x1BF5;
	p2 =	por !p2, p0  }
0x20: {  	[sflag:s8] =	ssyncset.s32 @!p0 $0xFFFFF086;
	s6 =	sadd.s32 @!p0 s3, s7;
	s7 =	simm.s32 @!p0 $0x108  }
0x21: {  	s3 =	sadd.s32 s3, s9;
	s6 =	sadd.s32 @!p0 $0x88, s6;
	s7 =	simm.s32 @p2 $0x1082  }
0x22: {  	[simem:s7], [sflag:s8] =	dma.local @!p0 [hbm:s6], $0xF7A  }
0x23: {  	s9 =	sor.u32 $0xD0000000, s2;
	s6 =	simm.s32 $0x108;
	_ =	swait.ge @!p0 [sflag:s8], $0x0  }
0x24: {  	s3 =	sadd.s32 $0x88, s3;
	s6 =	simm.s32 @!p1 $0x1082;
	[sflag:s4] =	ssyncset.s32 $0xFFFFF086  }
0x25: {  	[simem:s6], [sflag:s4] =	dma.local [hbm:s3], $0xF7A  }
0x26: {  	[smem:$0x3F9F] =	sst s1;
	(tag) =	ssettag s2;
	_ =	strace s9  }
0x27: {  	s1 =	sld [smem:$0x3FAF]  }
0x28: {  	s2 =	sld [smem:$0x3FB0]  }
0x29: {  	s4 =	sld [smem:$0x3FB2]  }
0x2a: {  	p0 =	seq.s32 s5, $0x0;
	s5 =	sld [smem:$0x3FB3]  }
0x2b: {  	s6 =	sld [smem:$0x3FB4]  }
0x2c: {  	s7 =	sld [smem:$0x3FB5]  }
0x2d: {  	s3 =	simm.s32 $0x108;
	s8 =	sld [smem:$0x3FB6]  }
0x2e: {  	s3 =	simm.s32 @!p0 $0x1082;
	s9 =	sld [smem:$0x3FB7]  }
0x2f: {  	lr =	sadd.s32 s0, s3;
	s0 =	sld [smem:$0x3FAE]  }
0x30: {  	s3 =	sld [smem:$0x3FB1]  }
0x31: {  	[smem:$0x3FBA] =	sst s10  }
0x32: {  	s10 =	sld [smem:$0x3FB8];
	_ =	sdelay $0x3  }
0x33: {  	p0 =	seq.s32 s10, $0x1;
	s10 =	sld [smem:$0x3FBA];
	_ =	sdelay $0x3  }
0x34: {  	[smem:$0x3FBA] =	sst s10  }
0x35: {  	s10 =	sld [smem:$0x3FB9];
	_ =	sdelay $0x3  }
0x36: {  	p1 =	seq.s32 s10, $0x1;
	s10 =	sld [smem:$0x3FBA];
	_ =	sdelay $0x3  }
0x37: {  	[smem:$0x3FBA] =	sst s10  }
0x38: {  	s10 =	sld [smem:$0x3FBB]  }
0x39: {  	_ = 	snop;
	(pc) =	sbr.ind lr, $3  }
0x3a: {  	_ = 	snop  }
0x3b: {  	_ = 	snop  }
0x3c: {  	p2 =	seq.s32 s10, $0x1;
	s10 =	sld [smem:$0x3FBA]  }
0x3d: {  	_ =	shalt  }
0x3e: {  	_ =	shalt  }
0x3f: {  	_ =	shalt  }
0x40: {  	_ =	shalt  }
0x41: {  	_ =	shalt  }
0x42: {  	_ =	shalt  }
0x43: {  	_ =	shalt  }
0x44: {  	_ =	shalt  }
0x45: {  	_ =	shalt  }
0x46: {  	_ =	shalt  }
0x47: {  	_ =	shalt  }
0x48: {  	_ =	shalt  }
0x49: {  	_ =	shalt  }
0x4a: {  	_ =	shalt  }
0x4b: {  	_ =	shalt  }
0x4c: {  	_ =	shalt  }
0x4d: {  	_ =	shalt  }
0x4e: {  	_ =	shalt  }
0x4f: {  	_ =	shalt  }
0x50: {  	_ =	shalt  }
0x51: {  	_ =	shalt  }
0x52: {  	_ =	shalt  }
0x53: {  	_ =	shalt  }
0x54: {  	_ =	shalt  }
0x55: {  	_ =	shalt  }
0x56: {  	_ =	shalt  }
0x57: {  	_ =	shalt  }
0x58: {  	_ =	shalt  }
0x59: {  	_ =	shalt  }
0x5a: {  	_ =	shalt  }
0x5b: {  	_ =	shalt  }
0x5c: {  	_ =	shalt  }
0x5d: {  	_ =	shalt  }
0x5e: {  	_ =	shalt  }
0x5f: {  	_ =	shalt  }
0x60: {  	_ =	shalt  }
0x61: {  	_ =	shalt  }
0x62: {  	_ =	shalt  }
0x63: {  	_ =	shalt  }
0x64: {  	_ =	shalt  }
0x65: {  	_ =	shalt  }
0x66: {  	_ =	shalt  }
0x67: {  	_ =	shalt  }
0x68: {  	_ =	shalt  }
0x69: {  	_ =	shalt  }
0x6a: {  	_ =	shalt  }
0x6b: {  	_ =	shalt  }
0x6c: {  	_ =	shalt  }
0x6d: {  	_ =	shalt  }
0x6e: {  	_ =	shalt  }
0x6f: {  	_ =	shalt  }
0x70: {  	_ =	shalt  }
0x71: {  	_ =	shalt  }
0x72: {  	_ =	shalt  }
0x73: {  	_ =	shalt  }
0x74: {  	_ =	shalt  }
0x75: {  	_ =	shalt  }
0x76: {  	_ =	shalt  }
0x77: {  	_ =	shalt  }
0x78: {  	_ =	shalt  }
0x79: {  	_ =	shalt  }
0x7a: {  	_ =	shalt  }
0x7b: {  	_ =	shalt  }
0x7c: {  	_ =	shalt  }
0x7d: {  	_ =	shalt  }
0x7e: {  	_ =	shalt  }
0x7f: {  	_ =	shalt  }
0x80: {  	_ =	shalt  }
0x81: {  	_ =	shalt  }
0x82: {  	_ =	shalt  }
0x83: {  	_ =	shalt  }
0x84: {  	_ =	shalt  }
0x85: {  	_ =	shalt  }
0x86: {  	_ =	shalt  }
0x87: {  	_ =	shalt  }
.Lfunc_end0:
.L_simem_size_0:
called_computation.1_lowered:
.L_overlay_start_0:
0x88: {  	s2 =	sld [smem:$0x3FD9]  }
0x89: {  	s3 =	sld [smem:$0x3FFE];
	_ =	sdelay $0x1  }
0x8a: {  	s1 =	srdreg.scid  }
0x8b: {  	s0 =	sand.u32 $0x1, s1  }
0x8c: {  	s14 =	sshll.u32 s0, $0xA;
	s2 =	sadd.s32 s3, s2  }
0x8d: {  	s2 =	sadd.s32 s2, s14  }
0x8e: {  	[smem:$0x3FC6] =	sst s2  }
0x8f: {  	_ = 	snop  }
0x90: {  	s2 =	sld [smem:$0x3FD0];
	_ =	sdelay $0x2  }
0x91: {  	s15 =	simm.s32 $0xA;
	s4 =	simm.s32 $0x10  }
0x92: {  	[smem:s4], [sflag:s15] =	dma.local [hbm:s2], $0x1  }
0x93: {  	_ =	swait.eq [sflag:s15], $0x1  }
0x94: {  	[sflag:s15] =	ssyncset.done $0x0  }
0x95: {  	s16 =	sld [smem:$0x10];
	[sflag:s15] =	ssyncadd.s32 $0xFFFFFFFF  }
0x96: {  	s17 =	sld [smem:$0x11];
	(tm) =	ssettm $0x1  }
0x97: {  	s18 =	sld [smem:$0x3FFB];
	_ =	sdelay $0x3  }
0x98: {  	_ =	strace s18  }
0x99: {  	s4 =	sld [smem:$0x3FFC];
	_ =	sdelay $0x3  }
0x9a: {  	_ =	strace s4  }
0x9b: {  	s4 =	sld [smem:$0x3FFD];
	_ =	sdelay $0x3  }
0x9c: {  	_ =	strace s4  }
0x9d: {  	_ =	strace $0x8FFFFFFF  }
0x9e: {  	s19 =	sld [smem:$0x3FDB];
	_ =	sdelay $0x1  }
0x9f: {  	s5 =	simm.s32 $_scs_section_size  }
0xa0: {  	s6 =	simm.s32 $_size__tile_overlayer_lowered;
	s7 =	simm.s32 $_tile_overlayer_lowered  }
0xa1: {  	s22 =	simm.s32 $0x1BFF;
	s21 =	sshll.u32 s7, $0x1;
	s4 =	sadd.s32 s5, s19  }
0xa2: {  	s8 =	simm.s32 $0x0;
	s20 =	sshll.u32 s6, $0x1;
	s6 =	sadd.s32 s21, s4  }
0xa3: {  	[timem:s8], [sflag:s22] =	dma.local [hbm:s6], s20  }
0xa4: {  	_ =	swait.ge [sflag:s22], s20  }
0xa5: {  	s5 =	ssub.s32 $0x0, s20;
	[sflag:s22] =	ssyncset.done $0x0  }
0xa6: {  	[sflag:s22] =	ssyncadd.s32 s5;
	_ =	sdelay $0x1  }
0xa7: {  	s23 =	simm.s32 $0x1B8B  }
0xa8: {  	_ =	swait.ge [sflag:s23], $0x1  }
0xa9: {  	[sflag:s23] =	ssyncset.done $0x0  }
0xaa: {  	s25 =	simm.s32 $0x1B8E;
	s24 =	sld [smem:$0x3FFE];
	[sflag:s23] =	ssyncadd.s32 $0xFFFFFFFF  }
0xab: {  	s26 =	simm.s32 $execute0_lowered;
	[smem:$0x3FD2] =	sst s25  }
0xac: {  	s6 =	sshll.u32 s26, $0x1;
	_ =	strace $0x80000046;
	[dreg:$0x1] =	wrdreg $0xFFFFFFFF  }
0xad: {  	s28 =	simm.s32 $_size_execute0_lowered;
	s4 =	sadd.s32 s4, s6;
	[dreg:$0x0] =	wrdreg $0x0  }
0xae: {  	s6 =	sshll.u32 s28, $0x1;
	[dreg:$0x2] =	wrdreg s4  }
0xaf: {  	[dreg:$0x3] =	wrdreg s6  }
0xb0: {  	[dreg:$0x4] =	wrdreg $0xC0  }
0xb1: {  	_ =	task [dreg:s8], $0x5FFFF  }
0xb2: {  	[dreg:$0x1] =	wrdreg $0xFFFFFFFF  }
0xb3: {  	[dreg:$0x0] =	wrdreg $0x60  }
0xb4: {  	[dreg:$0x2] =	wrdreg s16  }
0xb5: {  	[dreg:$0x3] =	wrdreg s17  }
0xb6: {  	[dreg:$0x4] =	wrdreg s24  }
0xb7: {  	[dreg:$0x5] =	wrdreg $0x9  }
0xb8: {  	_ =	task.clear_ibuf [dreg:s8], $0x6FFFF;
	_ =	strace $0x90000046  }
0xb9: {  	s29 =	simm.s32 $0x9;
	_ =	strace $0x80000048  }
0xba: {  	_ =	swait.ge [sflag:s29], $0x1  }
0xbb: {  	[sflag:s29] =	ssyncadd.s32 $0xFFFFFFFF  }
0xbc: {  	_ =	strace $0x90000048  }
0xbd: {  	_ =	sfence  }
0xbe: {  	s30 =	sld [smem:$0x0];
	_ =	sdelay $0x2  }
0xbf: {  	s31 =	sshll.u32 s1, $0xD;
	s1 =	sshrl.u32 s1, $0x2  }
0xc0: {  	s3 =	sand.u32 $0x4000, s31;
	s1 =	sadd.s32 s1, s30  }
0xc1: {  	s0 =	sor.u32 s3, s0;
	s1 =	sshll.u32 s1, $0x11  }
0xc2: {  	s0 =	sor.u32 s1, s0  }
0xc3: {  	s0 =	sadd.s32 $0x8F2B, s0  }
0xc4: {  	[sflag:s0] =	ssyncadd.remote.s32 $0x1  }
0xc5: {  	_ =	sfence.sel $0xFFFF  }
0xc6: {  	[dreg:$0x0] =	wrdreg $0xFFFFFFFF;
	(pc) =	sbr.abs _section_cstart, $3  }
0xc7: {  	[dreg:$0x1] =	wrdreg $0xFFFFFFFF  }
0xc8: {  	_ =	task.clear_ibuf [dreg:s8], $0x2FFFF;
	_ =	strace $0x9FFFFFFF  }
0xc9: {  	(tm) =	ssettm $0x7FFFFFFF  }
tec
execute0_lowered:
.L_overlay_start_1:
0x0: {  	(tag) =	ssettag $0x1  }
0x1: {  	s1 =	rddreg [dreg:$0x0]  }
0x2: {  	s0 =	rddreg [dreg:$0x2]  }
0x3: {  	s3 =	simm.s32 $0x0;
	s2 =	srdreg.scid;
	s11 =	stileid.u32  }
0x4: {  	s14 =	simm.s32 $0x4000;
	s15 =	simm.s32 $0x5;
	s16 =	simm.s32 $0x1000  }
0x5: {  	s17 =	simm.s32 $0x80;
	s18 =	simm.s32 $0x4100;
	s21 =	simm.s32 $0x7100  }
0x6: {  	s22 =	simm.s32 $0x8100;
	s23 =	simm.s32 $0x9100;
	s24 =	simm.s32 $0xA100  }
0x7: {  	s28 =	simm.s32 $0x1;
	[smem:$0x7FF] =	sst s3;
	s4 =	sadd.s32 $0x600, s0  }
0x8: {  	s2 =	sand.u32 $0x1, s2;
	s25 =	sadd.s32 $0x400, s0;
	s5 =	sshll.u32 s11, $0x1  }
0x9: {  	s7 =	sadd.s32 $0x20600, s0;
	_ =	strace $0x80000047;
	[dreg:$0x4] =	wrdreg s4  }
0xa: {  	s8 =	sadd.s32 $0x420600, s0;
	s31 =	sshll.u32 s11, $0x10;
	[dreg:$0x5] =	wrdreg s25  }
0xb: {  	s26 =	ssub.s32 $0x2, s2;
	s5 =	sor.u32 s2, s5;
	s2 =	sshll.u32 s2, $0xF  }
.Ltmp0:
0xc: {  	s25 =	simm.s32 $0xB100;
	s30 =	sshll.u32 s5, $0x11;
	(pc) =	sbr.rel .LBB2_1-.Ltmp0, $4  }
0xd: {  	s6 =	sshrl.u32 s26, $0x1;
	s9 =	sshll.u32 s5, $0x14;
	s4 =	sadd.s32 s30, s7  }
0xe: {  	s10 =	sshll.u32 s5, $0x3;
	s29 =	ssub.s32 s26, s6;
	s4 =	sadd.s32 $0x1F000, s4  }
0xf: {  	s13 =	sor.u32 s2, s31;
	s0 =	smax.u32 s29, $0x1;
	[dreg:$0x6] =	wrdreg s4  }
0x10: {  	v0 =	vimm.f32 $2.441406250e-04;
	v1 =	vimm.s32 $0x0;
	v2 =	vlaneseq.u32;
	s26 =	simm.s32 $0xC100;
	[dreg:$0x7] =	wrdreg s0;
	s4 =	simm.s32 $0x0  }
.LBB2_22:
0x11: {  	s0 =	simm.s32 $0x2  }
0x12: {  	_ =	swait.ge [sflag:s0], $0x8000  }
0x13: {  	[sflag:s0] =	ssyncset.done $0x0  }
0x14: {  	s30 =	simm.s32 $0x3;
	s29 =	rddreg [dreg:$0x6];
	[sflag:s0] =	ssyncadd.s32 $0xFFFF8000  }
0x15: {  	[hbm4b:s29+s3] =	stream.linear.scatter [tilespmem:s26], [sflag:$0x4], $0x8000, $0x38;
	[tilespmem:$0x14100] =	vst v63  }
0x16: {  	_ =	swait.ge [sflag:s30], $0x8000  }
0x17: {  	[sflag:s30] =	ssyncset.done $0x0  }
0x18: {  	s2 =	simm.s32 $0x4;
	[sflag:s30] =	ssyncadd.s32 $0xFFFF8000  }
0x19: {  	_ =	swait.ge [sflag:s2], $0x8000  }
0x1a: {  	s4 =	rddreg [dreg:$0x8]  }
0x1b: {  	s31 =	rddreg [dreg:$0x7];
	s4 =	sadd.s32 $0x1, s4  }
0x1c: {  	p0 =	sne.s32 s4, s31  }
.Ltmp1:
0x1d: {  	_ = 	snop;
	(pc) =	sbr.rel @!p0 .LBB2_23-.Ltmp1, $3  }
0x1e: {  	_ =	sdelay $0x1  }
0x1f: {  	[sflag:s2] =	ssyncset.done $0x0  }
0x20: {  	[sflag:s2] =	ssyncadd.s32 $0xFFFF8000  }
.LBB2_1:
0x21: {  	[dreg:$0x8] =	wrdreg s4  }
0x22: {  	s0 =	rddreg [dreg:$0x5]  }
0x23: {  	[tilespmem:s14], [sflag:$0x5] =	stream.linear.gather [hbm4b:s0+s3], $0x100, $0x38;
	[tilespmem:$0x14100] =	vst v63  }
0x24: {  	_ =	swait.ge [sflag:s15], $0x100  }
0x25: {  	[sflag:s15] =	ssyncset.done $0x0  }
0x26: {  	s0 =	simm.s32 $0x2040;
	[sflag:s15] =	ssyncadd.s32 $0xFFFFFF00  }
0x27: {  	[tilespmem:s0+$0xFFFFFFC0] =	vst v0  }
0x28: {  	[tilespmem:s0+$0x30] =	vst v0  }
0x29: {  	[tilespmem:s0+$0x20] =	vst v0  }
0x2a: {  	[tilespmem:s0+$0x10] =	vst v0  }
0x2b: {  	[tilespmem:s0+$0x0] =	vst v0  }
0x2c: {  	[tilespmem:s0+$0xFFFFFFF0] =	vst v0  }
0x2d: {  	s2 =	simm.s32 $0x0;
	[tilespmem:s0+$0xFFFFFFE0] =	vst v0  }
.LBB2_2:
0x2e: {  	s2 =	sadd.s32 $0x8, s2;
	[tilespmem:s0+$0xFFFFFFD0] =	vst v0;
	s0 =	sadd.s32 $0x80, s0  }
0x2f: {  	[tilespmem:s0+$0xFFFFFFC0] =	vst v0;
	p0 =	slt.u32 s2, $0xF8  }
0x30: {  	[tilespmem:s0+$0x30] =	vst v0  }
.Ltmp2:
0x31: {  	[tilespmem:s0+$0x20] =	vst v0;
	(pc) =	sbr.rel @p0 .LBB2_2-.Ltmp2, $4  }
0x32: {  	[tilespmem:s0+$0x10] =	vst v0  }
0x33: {  	[tilespmem:s0+$0x0] =	vst v0  }
0x34: {  	[tilespmem:s0+$0xFFFFFFF0] =	vst v0  }
0x35: {  	[tilespmem:s0+$0xFFFFFFE0] =	vst v0  }
.Ltmp3:
0x36: {  	(pc) =	sbr.rel .LBB2_4-.Ltmp3, $2  }
0x37: {  	_ =	sdelay $0x2  }
0x38: {  	[tilespmem:s0+$0xFFFFFFD0] =	vst v0;
	s31 =	simm.s32 $0x0  }
.LBB2_20:
0x39: {  	s2 =	sadd.s32 s8, s2  }
0x3a: {  	[hbm4b:s2+s3] =	stream.linear.scatter [tilespmem:s4], [sflag:$0x5], $0x1000, $0x38;
	[tilespmem:$0x14100] =	vst v63  }
0x3b: {  	_ =	swait.ge [sflag:s15], $0x1000  }
0x3c: {  	[sflag:s15] =	ssyncset.done $0x0  }
0x3d: {  	[sflag:s15] =	ssyncadd.s32 $0xFFFFF000  }
.LBB2_21:
0x3e: {  	s31 =	sadd.s32 $0x1, s31  }
0x3f: {  	p0 =	sne.s32 s31, $0x10  }
.Ltmp4:
0x40: {  	_ = 	snop;
	(pc) =	sbr.rel @!p0 .LBB2_22-.Ltmp4, $4  }
0x41: {  	_ =	swait.ge [sflag:s28], $0x8000;
	s0 =	sshll.u32 s0, $0xC  }
0x42: {  	s2 =	sshll.u32 s5, $0xE;
	[sflag:s28] =	ssyncset.done $0x0;
	s0 =	sadd.s32 s7, s0  }
0x43: {  	[sflag:s28] =	ssyncadd.s32 $0xFFFF8000;
	s0 =	sadd.s32 s2, s0  }
0x44: {  	[hbm4b:s0+s3] =	stream.linear.scatter [tilespmem:s18], [sflag:$0x3], $0x8000, $0x38;
	[tilespmem:$0x14100] =	vst v63  }
.LBB2_4:
0x45: {  	s0 =	sshll.u32 s31, $0x1;
	p0 =	seq.s32 s31, $0x0  }
0x46: {  	s2 =	sadd.s32 @!p0 $0xFFFFFFFF, s0  }
0x47: {  	s4 =	sshll.u32 @!p0 s2, $0x18  }
0x48: {  	s4 =	sshra.s32 @!p0 s4, $0x1F  }
0x49: {  	s5 =	simm.s32 @!p0 $0x3;
	s4 =	sand.u32 @!p0 $0x3, s4  }
0x4a: {  	_ =	swait.ge @!p0 [sflag:s5], $0x8000;
	s4 =	sadd.s32 @!p0 s4, s2  }
0x4b: {  	[sflag:s5] =	ssyncset.done @!p0 $0x0;
	s4 =	sshll.u32 @!p0 s4, $0x18  }
0x4c: {  	[sflag:s5] =	ssyncadd.s32 @!p0 $0xFFFF8000;
	s5 =	sshra.s32 @!p0 s2, $0x1F;
	s4 =	sshra.s32 @!p0 s4, $0x1A  }
0x4d: {  	s30 =	sshrl.u32 s31, $0x1;
	s6 =	simm.s32 @!p0 $0x2;
	s4 =	sadd.s32 @!p0 s4, s5  }
0x4e: {  	s2 =	sshll.u32 @!p0 s2, $0xF;
	s5 =	sadd.s32 s10, s30;
	s4 =	sshll.u32 @!p0 s4, $0x11  }
0x4f: {  	_ =	swait.ge @!p0 [sflag:s6], $0x8000;
	s2 =	sand.u32 @!p0 $0x18000, s2;
	v3 =	vmov s5;
	s4 =	sadd.s32 @!p0 s9, s4  }
0x50: {  	[sflag:s6] =	ssyncset.done @!p0 $0x0;
	s2 =	sor.u32 @!p0 s2, s4  }
0x51: {  	[sflag:s6] =	ssyncadd.s32 @!p0 $0xFFFF8000;
	s2 =	sshrl.u32 @!p0 s2, $0x3  }
0x52: {  	s6 =	simm.s32 @!p0 $0xC100;
	s4 =	simm.s32 @!p0 $0x0;
	s2 =	sadd.s32 @!p0 s7, s2  }
0x53: {  	[hbm4b:s2+s4] =	stream.linear.scatter @!p0 [tilespmem:s6], [sflag:$0x4], $0x8000, $0x38;
	[tilespmem:$0x14100] =	vst v63  }
0x54: {  	v4 =	vld.idx.msk [tilespmem:v3+s14+$0x0], $0xffff;
	_ =	sdelay $0x4  }
0x55: {  	v4 =	vxor.u32 $0x80000000, v4  }
0x56: {  	(xrf0) =	vmax.scan.msk.u32 $0xffff, v4;
	_ =	sdelay $0x5  }
0x57: {  	v4, _, _ =	vpop (xrf0)  }
0x58: {  	(v2sf) =	vpush v4, $0xF;
	_ =	sdelay $0xd  }
0x59: {  	s0 =	sand.u32 $0x2, s0  }
0x5a: {  	p1 =	sne.s32 s0, $0x0;
	s2 =	spop (v2sf)  }
0x5b: {  	p2 =	seq.s32 @!p1 s2, $0x80000000  }
0x5c: {  	p1 =	por p1, p2  }
.Ltmp5:
0x5d: {  	_ = 	snop;
	(pc) =	sbr.rel @p1 .LBB2_12-.Ltmp5, $1  }
0x5e: {  	_ =	sdelay $0x3  }
0x5f: {  	s2 =	sshll.u32 s5, $0x9;
	s4 =	rddreg [dreg:$0x1]  }
0x60: {  	s2 =	sadd.s32 s4, s2  }
0x61: {  	[tilespmem:s3], [sflag:$0x5] =	stream.linear.gather [hbm4b:s2+s3], $0x1000, $0x38;
	[tilespmem:$0x14100] =	vst v63  }
0x62: {  	_ =	swait.ge [sflag:s15], $0x1000  }
0x63: {  	[sflag:s15] =	ssyncset.done $0x0  }
0x64: {  	s2 =	simm.s32 $0x1040;
	[sflag:s15] =	ssyncadd.s32 $0xFFFFF000  }
0x65: {  	[tilespmem:s2+$0xFFFFFFC0] =	vst v1  }
0x66: {  	[tilespmem:s2+$0x30] =	vst v1  }
0x67: {  	[tilespmem:s2+$0x20] =	vst v1  }
0x68: {  	[tilespmem:s2+$0x10] =	vst v1  }
0x69: {  	s30 =	sshll.u32 s31, $0xB;
	[tilespmem:s2+$0x0] =	vst v1  }
0x6a: {  	s4 =	sand.u32 $0xFFFFF000, s30;
	[tilespmem:s2+$0xFFFFFFF0] =	vst v1  }
0x6b: {  	s29 =	simm.s32 $0x0;
	s6 =	simm.s32 $0x30;
	s4 =	sadd.s32 s4, s13;
	[tilespmem:s2+$0xFFFFFFE0] =	vst v1  }
.LBB2_6:
0x6c: {  	s29 =	sadd.s32 $0x8, s29;
	[tilespmem:s2+$0xFFFFFFD0] =	vst v1;
	s2 =	sadd.s32 $0x80, s2;
	s11 =	simm.s32 $0xFFFFFFFC  }
0x6d: {  	[tilespmem:s2+$0xFFFFFFC0] =	vst v1;
	p1 =	slt.u32 s29, $0xF8  }
0x6e: {  	[tilespmem:s2+$0x30] =	vst v1  }
.Ltmp6:
0x6f: {  	[tilespmem:s2+$0x20] =	vst v1;
	(pc) =	sbr.rel @p1 .LBB2_6-.Ltmp6, $4  }
0x70: {  	[tilespmem:s2+$0x10] =	vst v1  }
0x71: {  	[tilespmem:s2+$0x0] =	vst v1  }
0x72: {  	[tilespmem:s2+$0xFFFFFFF0] =	vst v1  }
0x73: {  	s12 =	simm.s32 $0x0;
	[tilespmem:s2+$0xFFFFFFE0] =	vst v1  }
0x74: {  	[tilespmem:s2+$0xFFFFFFD0] =	vst v1;
	s29 =	simm.s32 $0x0  }
.LBB2_8:
0x75: {  	s2 =	sadd.s32 $0xFFFFFFCF, s6  }
0x76: {  	v4 =	vadd.s32 s2, v2  }
0x77: {  	vm0 =	vgt.s32 v4, $0x0  }
0x78: {  	v5 =	vnsel vm0, $0x0, v4  }
0x79: {  	s19 =	sadd.s32 $0xFFFFFFD0, s6;
	s30 =	sshrl.u32 s29, $0x2  }
0x7a: {  	s2 =	sand.u32 $0x40, s19;
	s30 =	sand.u32 $0xF80, s30  }
0x7b: {  	s2 =	sor.u32 s2, s30  }
0x7c: {  	v6 =	vld [tilespmem:s2+$0x0]  }
0x7d: {  	v5 =	vld.idx.msk [tilespmem:v5+s12+$0x0], $0xffff;
	_ =	sdelay $0x4  }
0x7e: {  	v6 =	vmul.f32 $8.192000000e+03, v6;
	v5 =	vmul.f32 $8.192000000e+03, v5  }
0x7f: {  	vm12 =	vgt.s32 v4, $0xFFFFFFFF  }
0x80: {  	v4 =	vnsel vm12, $0x0, v5;
	v5 =	vadd.f32 $-1.000000000e+00, v6  }
0x81: {  	v7 =	vadd.f32 $-1.000000000e+00, v4  }
0x82: {  	v5 =	vmul.f32 $5.000000000e-01, v5  }
0x83: {  	v7 =	vmul.f32 $5.000000000e-01, v7  }
0x84: {  	v5 =	vtrunc.f32 v5  }
0x85: {  	v5 =	vcvt.f32.s32 v5;
	v7 =	vtrunc.f32 v7  }
0x86: {  	v7 =	vcvt.f32.s32 v7  }
0x87: {  	v8 =	vcvt.s32.f32 v5  }
0x88: {  	v9 =	vcvt.s32.f32 v7  }
0x89: {  	v8 =	vadd.f32 v8, v8  }
0x8a: {  	v9 =	vadd.f32 v9, v9  }
0x8b: {  	v8 =	vadd.f32 $1.000000000e+00, v8  }
0x8c: {  	v9 =	vadd.f32 $1.000000000e+00, v9  }
0x8d: {  	vm13 =	vgt.f32 v8, v6  }
0x8e: {  	v8 =	vsel vm13, $0xFFFFFFFF, v1;
	vm14 =	vgt.f32 v9, v4  }
0x8f: {  	v5 =	vadd.s32 v5, v8;
	v25 =	vsel vm14, $0xFFFFFFFF, v1  }
0x90: {  	v26 =	vcvt.s32.f32 v5;
	v7 =	vadd.s32 v7, v25  }
0x91: {  	v8 =	vcvt.s32.f32 v7  }
0x92: {  	v9 =	vadd.f32 v26, v26  }
0x93: {  	v8 =	vadd.f32 v8, v8  }
0x94: {  	v9 =	vadd.f32 $1.000000000e+00, v9  }
0x95: {  	v8 =	vadd.f32 $1.000000000e+00, v8  }
0x96: {  	vm15 =	vgt.f32 v9, v6  }
0x97: {  	v9 =	vsel vm15, $0xFFFFFFFF, v1;
	vm4 =	vgt.f32 v8, v4  }
0x98: {  	v5 =	vadd.s32 v9, v5;
	v8 =	vsel vm4, $0xFFFFFFFF, v1  }
0x99: {  	v5 =	vadd.s32 $0x1, v5;
	v7 =	vadd.s32 v8, v7  }
0x9a: {  	v27 =	vcvt.s32.f32 v5;
	v7 =	vadd.s32 $0x1, v7  }
0x9b: {  	v28 =	vcvt.s32.f32 v7  }
0x9c: {  	v8 =	vadd.f32 v27, v27  }
0x9d: {  	v9 =	vadd.f32 v28, v28  }
0x9e: {  	v8 =	vadd.f32 $1.000000000e+00, v8  }
0x9f: {  	v9 =	vadd.f32 $1.000000000e+00, v9  }
0xa0: {  	vm5 =	vle.f32 v8, v6  }
0xa1: {  	v8 =	vsel vm5, $0x1, v1;
	vm6 =	vle.f32 v9, v4  }
0xa2: {  	v5 =	vadd.s32 v8, v5;
	v29 =	vsel vm6, $0x1, v1  }
0xa3: {  	v30 =	vcvt.s32.f32 v5;
	v7 =	vadd.s32 v29, v7  }
0xa4: {  	v8 =	vcvt.s32.f32 v7  }
0xa5: {  	v9 =	vadd.f32 v30, v30  }
0xa6: {  	v8 =	vadd.f32 v8, v8  }
0xa7: {  	v9 =	vadd.f32 $1.000000000e+00, v9  }
0xa8: {  	v8 =	vadd.f32 $1.000000000e+00, v8  }
0xa9: {  	vm7 =	vle.f32 v9, v6  }
0xaa: {  	v6 =	vsel vm7, $0x1, v1;
	vm8 =	vle.f32 v8, v4  }
0xab: {  	v4 =	vadd.s32 v6, v5;
	v5 =	vsel vm8, $0x1, v1  }
0xac: {  	vm9 =	vgt.s32 v4, $0x0;
	v5 =	vadd.s32 v5, v7  }
0xad: {  	v4 =	vnsel vm9, $0x0, v4;
	vm10 =	vgt.s32 v5, $0x0  }
0xae: {  	v4 =	vmin.u32 v4, $0x1000;
	v5 =	vnsel vm10, $0x0, v5  }
0xaf: {  	vm0 =	vlt.u32 v5, v4  }
0xb0: {  	v4 =	vmin.u32 v5, $0xFFF  }
0xb1: {  	s19 =	sadd.s32 $0xFFFFFFDF, s6  }
0xb2: {  	s2 =	sadd.s32 s6, s4;
	v5 =	vadd.s32 s19, v2  }
0xb3: {  	s20 =	sadd.s32 $0xFFFFFFE0, s6;
	s19 =	sadd.s32 $0xFFFFFFD0, s2  }
0xb4: {  	s20 =	sand.u32 $0x50, s20;
	v31 =	vor.u32 s19, v2  }
0xb5: {  	s19 =	sor.u32 s20, s30;
	[tilespmem:v4+s16+$0x0] =	vst.idx.msk vm0, v31  }
0xb6: {  	v4 =	vld [tilespmem:s19+$0x0]  }
0xb7: {  	v5 =	vld.idx.msk [tilespmem:v5+s12+$0x0], $0xffff;
	_ =	sdelay $0x3  }
0xb8: {  	v4 =	vmul.f32 $8.192000000e+03, v4  }
0xb9: {  	v5 =	vmul.f32 $8.192000000e+03, v5  }
0xba: {  	v32 =	vadd.f32 $-1.000000000e+00, v4  }
0xbb: {  	v33 =	vadd.f32 $-1.000000000e+00, v5  }
0xbc: {  	v6 =	vmul.f32 $5.000000000e-01, v32  }
0xbd: {  	v7 =	vmul.f32 $5.000000000e-01, v33  }
0xbe: {  	v6 =	vtrunc.f32 v6  }
0xbf: {  	v7 =	vtrunc.f32 v7;
	v6 =	vcvt.f32.s32 v6  }
0xc0: {  	v7 =	vcvt.f32.s32 v7  }
0xc1: {  	v34 =	vcvt.s32.f32 v6  }
0xc2: {  	v35 =	vcvt.s32.f32 v7  }
0xc3: {  	v8 =	vadd.f32 v34, v34  }
0xc4: {  	v9 =	vadd.f32 v35, v35  }
0xc5: {  	v8 =	vadd.f32 $1.000000000e+00, v8  }
0xc6: {  	v9 =	vadd.f32 $1.000000000e+00, v9  }
0xc7: {  	vm11 =	vgt.f32 v8, v4  }
0xc8: {  	vm12 =	vgt.f32 v9, v5;
	v8 =	vsel vm11, $0xFFFFFFFF, v1  }
0xc9: {  	v36 =	vsel vm12, $0xFFFFFFFF, v1;
	v6 =	vadd.s32 v6, v8  }
0xca: {  	v7 =	vadd.s32 v7, v36;
	v37 =	vcvt.s32.f32 v6  }
0xcb: {  	v8 =	vcvt.s32.f32 v7  }
0xcc: {  	v9 =	vadd.f32 v37, v37  }
0xcd: {  	v8 =	vadd.f32 v8, v8  }
0xce: {  	v9 =	vadd.f32 $1.000000000e+00, v9  }
0xcf: {  	v8 =	vadd.f32 $1.000000000e+00, v8  }
0xd0: {  	vm13 =	vgt.f32 v9, v4  }
0xd1: {  	vm14 =	vgt.f32 v8, v5;
	v9 =	vsel vm13, $0xFFFFFFFF, v1  }
0xd2: {  	v8 =	vsel vm14, $0xFFFFFFFF, v1;
	v6 =	vadd.s32 v9, v6  }
0xd3: {  	v7 =	vadd.s32 v8, v7;
	v6 =	vadd.s32 $0x1, v6  }
0xd4: {  	v7 =	vadd.s32 $0x1, v7;
	v38 =	vcvt.s32.f32 v6  }
0xd5: {  	v39 =	vcvt.s32.f32 v7  }
0xd6: {  	v8 =	vadd.f32 v38, v38  }
0xd7: {  	v9 =	vadd.f32 v39, v39  }
0xd8: {  	v8 =	vadd.f32 $1.000000000e+00, v8  }
0xd9: {  	v9 =	vadd.f32 $1.000000000e+00, v9  }
0xda: {  	vm15 =	vle.f32 v8, v4  }
0xdb: {  	vm4 =	vle.f32 v9, v5;
	v8 =	vsel vm15, $0x1, v1  }
0xdc: {  	v40 =	vsel vm4, $0x1, v1;
	v6 =	vadd.s32 v8, v6  }
0xdd: {  	v7 =	vadd.s32 v40, v7;
	v41 =	vcvt.s32.f32 v6  }
0xde: {  	v8 =	vcvt.s32.f32 v7  }
0xdf: {  	v9 =	vadd.f32 v41, v41  }
0xe0: {  	v8 =	vadd.f32 v8, v8  }
0xe1: {  	v9 =	vadd.f32 $1.000000000e+00, v9  }
0xe2: {  	v8 =	vadd.f32 $1.000000000e+00, v8  }
0xe3: {  	vm5 =	vle.f32 v9, v4  }
0xe4: {  	vm6 =	vle.f32 v8, v5;
	v4 =	vsel vm5, $0x1, v1  }
0xe5: {  	v5 =	vsel vm6, $0x1, v1;
	v4 =	vadd.s32 v4, v6  }
0xe6: {  	v5 =	vadd.s32 v5, v7;
	vm7 =	vgt.s32 v4, $0x0  }
0xe7: {  	vm8 =	vgt.s32 v5, $0x0;
	v4 =	vnsel vm7, $0x0, v4  }
0xe8: {  	v5 =	vnsel vm8, $0x0, v5;
	v4 =	vmin.u32 v4, $0x1000  }
0xe9: {  	vm0 =	vlt.u32 v5, v4  }
0xea: {  	v4 =	vmin.u32 v5, $0xFFF  }
0xeb: {  	s20 =	sadd.s32 $0xFFFFFFEF, s6  }
0xec: {  	v5 =	vadd.s32 s20, v2  }
0xed: {  	s19 =	sadd.s32 $0xFFFFFFE0, s2;
	s20 =	sadd.s32 $0xFFFFFFF0, s6  }
0xee: {  	v42 =	vor.u32 s19, v2;
	s20 =	sand.u32 $0x60, s20  }
0xef: {  	s19 =	sor.u32 s20, s30;
	[tilespmem:v4+s16+$0x0] =	vst.idx.msk vm0, v42  }
0xf0: {  	v4 =	vld [tilespmem:s19+$0x0]  }
0xf1: {  	v5 =	vld.idx.msk [tilespmem:v5+s12+$0x0], $0xffff;
	_ =	sdelay $0x3  }
0xf2: {  	v4 =	vmul.f32 $8.192000000e+03, v4  }
0xf3: {  	v5 =	vmul.f32 $8.192000000e+03, v5  }
0xf4: {  	v43 =	vadd.f32 $-1.000000000e+00, v4  }
0xf5: {  	v44 =	vadd.f32 $-1.000000000e+00, v5  }
0xf6: {  	v6 =	vmul.f32 $5.000000000e-01, v43  }
0xf7: {  	v7 =	vmul.f32 $5.000000000e-01, v44  }
0xf8: {  	v6 =	vtrunc.f32 v6  }
0xf9: {  	v7 =	vtrunc.f32 v7;
	v6 =	vcvt.f32.s32 v6  }
0xfa: {  	v7 =	vcvt.f32.s32 v7  }
0xfb: {  	v45 =	vcvt.s32.f32 v6  }
0xfc: {  	v46 =	vcvt.s32.f32 v7  }
0xfd: {  	v8 =	vadd.f32 v45, v45  }
0xfe: {  	v9 =	vadd.f32 v46, v46  }
0xff: {  	v8 =	vadd.f32 $1.000000000e+00, v8  }
0x100: {  	v9 =	vadd.f32 $1.000000000e+00, v9  }
0x101: {  	vm9 =	vgt.f32 v8, v4  }
0x102: {  	vm10 =	vgt.f32 v9, v5;
	v8 =	vsel vm9, $0xFFFFFFFF, v1  }
0x103: {  	v47 =	vsel vm10, $0xFFFFFFFF, v1;
	v6 =	vadd.s32 v6, v8  }
0x104: {  	v7 =	vadd.s32 v7, v47;
	v48 =	vcvt.s32.f32 v6  }
0x105: {  	v8 =	vcvt.s32.f32 v7  }
0x106: {  	v9 =	vadd.f32 v48, v48  }
0x107: {  	v8 =	vadd.f32 v8, v8  }
0x108: {  	v9 =	vadd.f32 $1.000000000e+00, v9  }
0x109: {  	v8 =	vadd.f32 $1.000000000e+00, v8  }
0x10a: {  	vm11 =	vgt.f32 v9, v4  }
0x10b: {  	vm12 =	vgt.f32 v8, v5;
	v9 =	vsel vm11, $0xFFFFFFFF, v1  }
0x10c: {  	v8 =	vsel vm12, $0xFFFFFFFF, v1;
	v6 =	vadd.s32 v9, v6  }
0x10d: {  	v7 =	vadd.s32 v8, v7;
	v6 =	vadd.s32 $0x1, v6  }
0x10e: {  	v7 =	vadd.s32 $0x1, v7;
	v49 =	vcvt.s32.f32 v6  }
0x10f: {  	v50 =	vcvt.s32.f32 v7  }
0x110: {  	v8 =	vadd.f32 v49, v49  }
0x111: {  	v9 =	vadd.f32 v50, v50  }
0x112: {  	v8 =	vadd.f32 $1.000000000e+00, v8  }
0x113: {  	v9 =	vadd.f32 $1.000000000e+00, v9  }
0x114: {  	vm13 =	vle.f32 v8, v4  }
0x115: {  	vm14 =	vle.f32 v9, v5;
	v8 =	vsel vm13, $0x1, v1  }
0x116: {  	v51 =	vsel vm14, $0x1, v1;
	v6 =	vadd.s32 v8, v6  }
0x117: {  	v7 =	vadd.s32 v51, v7;
	v52 =	vcvt.s32.f32 v6  }
0x118: {  	v8 =	vcvt.s32.f32 v7  }
0x119: {  	v9 =	vadd.f32 v52, v52  }
0x11a: {  	v8 =	vadd.f32 v8, v8  }
0x11b: {  	v9 =	vadd.f32 $1.000000000e+00, v9  }
0x11c: {  	v8 =	vadd.f32 $1.000000000e+00, v8  }
0x11d: {  	vm15 =	vle.f32 v9, v4  }
0x11e: {  	vm4 =	vle.f32 v8, v5;
	v4 =	vsel vm15, $0x1, v1  }
0x11f: {  	v5 =	vsel vm4, $0x1, v1;
	v4 =	vadd.s32 v4, v6  }
0x120: {  	v5 =	vadd.s32 v5, v7;
	vm5 =	vgt.s32 v4, $0x0  }
0x121: {  	vm6 =	vgt.s32 v5, $0x0;
	v4 =	vnsel vm5, $0x0, v4  }
0x122: {  	v5 =	vnsel vm6, $0x0, v5;
	v4 =	vmin.u32 v4, $0x1000  }
0x123: {  	vm0 =	vlt.u32 v5, v4  }
0x124: {  	v4 =	vmin.u32 v5, $0xFFF  }
0x125: {  	s20 =	sadd.s32 $0xFFFFFFFF, s6  }
0x126: {  	v5 =	vadd.s32 s20, v2  }
0x127: {  	s20 =	sadd.s32 $0xFFFFFFF0, s2  }
0x128: {  	v53 =	vor.u32 s20, v2;
	s20 =	sand.u32 $0x70, s6  }
0x129: {  	s19 =	sor.u32 s20, s30;
	[tilespmem:v4+s16+$0x0] =	vst.idx.msk vm0, v53  }
0x12a: {  	v4 =	vld [tilespmem:s19+$0x0]  }
0x12b: {  	v5 =	vld.idx.msk [tilespmem:v5+s12+$0x0], $0xffff;
	_ =	sdelay $0x3  }
0x12c: {  	v4 =	vmul.f32 $8.192000000e+03, v4  }
0x12d: {  	v5 =	vmul.f32 $8.192000000e+03, v5  }
0x12e: {  	v54 =	vadd.f32 $-1.000000000e+00, v4  }
0x12f: {  	v55 =	vadd.f32 $-1.000000000e+00, v5  }
0x130: {  	v6 =	vmul.f32 $5.000000000e-01, v54  }
0x131: {  	v7 =	vmul.f32 $5.000000000e-01, v55  }
0x132: {  	v6 =	vtrunc.f32 v6  }
0x133: {  	v7 =	vtrunc.f32 v7;
	v6 =	vcvt.f32.s32 v6  }
0x134: {  	v7 =	vcvt.f32.s32 v7  }
0x135: {  	v56 =	vcvt.s32.f32 v6  }
0x136: {  	v57 =	vcvt.s32.f32 v7  }
0x137: {  	v8 =	vadd.f32 v56, v56  }
0x138: {  	v9 =	vadd.f32 v57, v57  }
0x139: {  	v8 =	vadd.f32 $1.000000000e+00, v8  }
0x13a: {  	v9 =	vadd.f32 $1.000000000e+00, v9  }
0x13b: {  	vm7 =	vgt.f32 v8, v4  }
0x13c: {  	vm8 =	vgt.f32 v9, v5;
	v8 =	vsel vm7, $0xFFFFFFFF, v1  }
0x13d: {  	v58 =	vsel vm8, $0xFFFFFFFF, v1;
	v6 =	vadd.s32 v6, v8  }
0x13e: {  	v7 =	vadd.s32 v7, v58;
	v59 =	vcvt.s32.f32 v6  }
0x13f: {  	v8 =	vcvt.s32.f32 v7  }
0x140: {  	v9 =	vadd.f32 v59, v59  }
0x141: {  	v8 =	vadd.f32 v8, v8  }
0x142: {  	v9 =	vadd.f32 $1.000000000e+00, v9  }
0x143: {  	v8 =	vadd.f32 $1.000000000e+00, v8  }
0x144: {  	vm9 =	vgt.f32 v9, v4  }
0x145: {  	vm10 =	vgt.f32 v8, v5;
	v9 =	vsel vm9, $0xFFFFFFFF, v1  }
0x146: {  	v8 =	vsel vm10, $0xFFFFFFFF, v1;
	v6 =	vadd.s32 v9, v6  }
0x147: {  	v7 =	vadd.s32 v8, v7;
	v6 =	vadd.s32 $0x1, v6  }
0x148: {  	v7 =	vadd.s32 $0x1, v7;
	v60 =	vcvt.s32.f32 v6  }
0x149: {  	v61 =	vcvt.s32.f32 v7  }
0x14a: {  	v8 =	vadd.f32 v60, v60  }
0x14b: {  	v9 =	vadd.f32 v61, v61  }
0x14c: {  	v8 =	vadd.f32 $1.000000000e+00, v8  }
0x14d: {  	v9 =	vadd.f32 $1.000000000e+00, v9  }
0x14e: {  	vm11 =	vle.f32 v8, v4  }
0x14f: {  	vm12 =	vle.f32 v9, v5;
	v8 =	vsel vm11, $0x1, v1  }
0x150: {  	v62 =	vsel vm12, $0x1, v1;
	v6 =	vadd.s32 v8, v6  }
0x151: {  	v7 =	vadd.s32 v62, v7;
	v63 =	vcvt.s32.f32 v6  }
0x152: {  	v8 =	vcvt.s32.f32 v7  }
0x153: {  	v9 =	vadd.f32 v63, v63  }
0x154: {  	v8 =	vadd.f32 v8, v8  }
0x155: {  	v9 =	vadd.f32 $1.000000000e+00, v9  }
0x156: {  	v8 =	vadd.f32 $1.000000000e+00, v8  }
0x157: {  	vm13 =	vle.f32 v9, v4  }
0x158: {  	vm1 =	vle.f32 v8, v5;
	v4 =	vsel vm13, $0x1, v1  }
0x159: {  	v5 =	vsel vm1, $0x1, v1;
	v4 =	vadd.s32 v4, v6  }
0x15a: {  	v5 =	vadd.s32 v5, v7;
	vm14 =	vgt.s32 v4, $0x0  }
0x15b: {  	vm15 =	vgt.s32 v5, $0x0;
	v4 =	vnsel vm14, $0x0, v4  }
0x15c: {  	v5 =	vnsel vm15, $0x0, v5;
	v4 =	vmin.u32 v4, $0x1000  }
0x15d: {  	s11 =	sadd.s32 $0x4, s11;
	vm0 =	vlt.u32 v5, v4  }
0x15e: {  	p1 =	slt.u32 s11, $0xFC;
	v4 =	vmin.u32 v5, $0xFFF  }
.Ltmp7:
0x15f: {  	_ = 	snop;
	(pc) =	sbr.rel @p1 .LBB2_8-.Ltmp7, $3  }
0x160: {  	_ =	sdelay $0x1  }
0x161: {  	v5 =	vor.u32 s2, v2  }
0x162: {  	s29 =	sadd.s32 $0x100, s29;
	s6 =	sadd.s32 $0x40, s6;
	[tilespmem:v4+s16+$0x0] =	vst.idx.msk vm0, v5  }
0x163: {  	s2 =	sand.u32 $0x3E00, s12  }
0x164: {  	s4 =	sand.u32 $0x70, s12;
	s2 =	sshrl.u32 s2, $0x2  }
0x165: {  	s4 =	sor.u32 s4, s2  }
0x166: {  	v4 =	vld [tilespmem:s4+$0x1000];
	_ =	sdelay $0x4  }
0x167: {  	v4 =	vxor.u32 $0x80000000, v4  }
0x168: {  	(xrf0) =	vmax.scan.msk.u32 $0xffff, v4;
	_ =	sdelay $0x5  }
0x169: {  	v4, _, _ =	vpop (xrf0)  }
0x16a: {  	v4 =	vxor.u32 $0x80000000, v4  }
0x16b: {  	vm0 =	vgt.s32 v4, s12  }
0x16c: {  	v4 =	vnsel vm0, s12, v4  }
0x16d: {  	v5 =	vxor.u32 $0x80000000, v4  }
0x16e: {  	(xrf0) =	vmax.scan.msk.u32 $0xffff, v5;
	_ =	sdelay $0x5  }
0x16f: {  	s30 =	simm.s32 $0x40;
	[tilespmem:s4+$0x1000] =	vst v4;
	v4, _, _ =	vpop (xrf0)  }
0x170: {  	s6 =	sand.u32 $0x3E00, s30;
	s2 =	simm.s32 $0x10;
	(v2sf) =	vpush v4, $0xF  }
0x171: {  	s6 =	sshrl.u32 s6, $0x2;
	s11 =	sand.u32 $0x70, s2  }
0x172: {  	s6 =	sor.u32 s11, s6  }
0x173: {  	s11 =	simm.s32 $0xC0;
	s4 =	simm.s32 $0x80;
	v4 =	vld [tilespmem:s6+$0x1000]  }
.LBB2_10:
0x174: {  	p1 =	seq.s32 s11, $0x3FC0;
	_ =	sdelay $0x3  }
0x175: {  	v4 =	vxor.u32 $0x80000000, v4  }
0x176: {  	(xrf0) =	vmax.scan.msk.u32 $0xffff, v4;
	_ =	sdelay $0x5  }
0x177: {  	v4, _, _ =	vpop (xrf0);
	s12 =	spop (v2sf)  }
0x178: {  	v4 =	vxor.u32 $0x80000000, v4;
	s12 =	sxor.u32 $0x80000000, s12  }
0x179: {  	vm0 =	vgt.s32 v4, s12  }
0x17a: {  	v4 =	vnsel vm0, s12, v4  }
0x17b: {  	[tilespmem:s6+$0x1000] =	vst v4;
	v4 =	vxor.u32 $0x80000000, v4  }
0x17c: {  	(xrf0) =	vmax.scan.msk.u32 $0xffff, v4;
	_ =	sdelay $0x5  }
.Ltmp8:
0x17d: {  	v4, _, _ =	vpop (xrf0);
	(pc) =	sbr.rel @!p1 .LBB2_10-.Ltmp8, $4  }
0x17e: {  	s2 =	sadd.s32 $0x10, s2;
	s6 =	sand.u32 $0x3E00, s4;
	s4 =	smov.u32 s11;
	(v2sf) =	vpush v4, $0xF  }
0x17f: {  	s12 =	sand.u32 $0x70, s2;
	s6 =	sshrl.u32 s6, $0x2  }
0x180: {  	s6 =	sor.u32 s12, s6  }
0x181: {  	s11 =	sadd.s32 $0x40, s11;
	v4 =	vld [tilespmem:s6+$0x1000]  }
0x182: {  	_ =	sdelay $0x3  }
0x183: {  	v4 =	vxor.u32 $0x80000000, v4  }
0x184: {  	(xrf0) =	vmax.scan.msk.u32 $0xffff, v4;
	_ =	sdelay $0x5  }
0x185: {  	v4, _, _ =	vpop (xrf0);
	s11 =	spop (v2sf)  }
0x186: {  	v4 =	vxor.u32 $0x80000000, v4;
	s11 =	sxor.u32 $0x80000000, s11  }
0x187: {  	vm0 =	vgt.s32 v4, s11  }
0x188: {  	v4 =	vnsel vm0, s11, v4  }
0x189: {  	v5 =	vxor.u32 $0x80000000, v4  }
0x18a: {  	(xrf0) =	vmax.scan.msk.u32 $0xffff, v5;
	_ =	sdelay $0x5  }
0x18b: {  	v5, _, _ =	vpop (xrf0)  }
0x18c: {  	s4 =	sand.u32 $0x3E00, s4;
	s2 =	sadd.s32 $0x10, s2;
	(v2sf) =	vpush v5, $0xF  }
0x18d: {  	s2 =	sand.u32 $0x70, s2;
	s4 =	sshrl.u32 s4, $0x2  }
0x18e: {  	s2 =	sor.u32 s2, s4;
	[tilespmem:s6+$0x1000] =	vst v4  }
0x18f: {  	v4 =	vld [tilespmem:s2+$0x1000];
	_ =	sdelay $0x4  }
0x190: {  	v4 =	vxor.u32 $0x80000000, v4  }
0x191: {  	(xrf0) =	vmax.scan.msk.u32 $0xffff, v4;
	_ =	sdelay $0x5  }
0x192: {  	v4, _, _ =	vpop (xrf0);
	s29 =	spop (v2sf)  }
0x193: {  	v4 =	vxor.u32 $0x80000000, v4;
	s4 =	sxor.u32 $0x80000000, s29  }
0x194: {  	vm15 =	vgt.s32 v4, s4  }
0x195: {  	v4 =	vnsel vm15, s4, v4  }
0x196: {  	v5 =	vxor.u32 $0x80000000, v4  }
0x197: {  	(xrf0) =	vmax.scan.msk.u32 $0xffff, v5;
	_ =	sdelay $0x5  }
0x198: {  	v5, _, _ =	vpop (xrf0)  }
0x199: {  	(v2sf) =	vpush v5, $0xF;
	_ =	sdelay $0xe  }
0x19a: {  	[tilespmem:s2+$0x1000] =	vst v4;
	s30 =	spop (v2sf)  }
.LBB2_13:
0x19b: {  	s2 =	sshll.u32 s0, $0xA  }
0x19c: {  	s4 =	sor.u32 $0x1000, s2  }
0x19d: {  	[tilespmem:s18], [sflag:$0x1] =	stream.indirect.gather [hbm4b:s1+s17], $0x20, s4, s17, $0xb8;
	[tilespmem:$0x14100] =	vst v63  }
0x19e: {  	s6 =	simm.s32 $0x5100;
	s30 =	sor.u32 $0x1080, s2  }
0x19f: {  	[tilespmem:s6], [sflag:$0x1] =	stream.indirect.gather [hbm4b:s1+s17], $0x20, s30, s17, $0xb8;
	[tilespmem:$0x14100] =	vst v63  }
0x1a0: {  	s12 =	simm.s32 $0x6100;
	s11 =	sor.u32 $0x1100, s2  }
0x1a1: {  	[tilespmem:s12], [sflag:$0x1] =	stream.indirect.gather [hbm4b:s1+s17], $0x20, s11, s17, $0xb8;
	[tilespmem:$0x14100] =	vst v63  }
0x1a2: {  	s19 =	sor.u32 $0x1180, s2  }
0x1a3: {  	[tilespmem:s21], [sflag:$0x1] =	stream.indirect.gather [hbm4b:s1+s17], $0x20, s19, s17, $0xb8;
	[tilespmem:$0x14100] =	vst v63  }
0x1a4: {  	s20 =	sor.u32 $0x1200, s2  }
0x1a5: {  	[tilespmem:s22], [sflag:$0x1] =	stream.indirect.gather [hbm4b:s1+s17], $0x20, s20, s17, $0xb8;
	[tilespmem:$0x14100] =	vst v63  }
0x1a6: {  	s29 =	sor.u32 $0x1280, s2  }
0x1a7: {  	[tilespmem:s23], [sflag:$0x1] =	stream.indirect.gather [hbm4b:s1+s17], $0x20, s29, s17, $0xb8;
	[tilespmem:$0x14100] =	vst v63  }
0x1a8: {  	s30 =	sor.u32 $0x1300, s2  }
0x1a9: {  	[tilespmem:s24], [sflag:$0x1] =	stream.indirect.gather [hbm4b:s1+s17], $0x20, s30, s17, $0xb8;
	[tilespmem:$0x14100] =	vst v63  }
0x1aa: {  	s2 =	sor.u32 $0x1380, s2  }
0x1ab: {  	[tilespmem:s25], [sflag:$0x1] =	stream.indirect.gather [hbm4b:s1+s17], $0x20, s2, s17, $0xb8;
	[tilespmem:$0x14100] =	vst v63  }
.LBB2_15:
0x1ac: {  	s2 =	simm.s32 @!p0 $0x4  }
0x1ad: {  	_ =	swait.ge @!p0 [sflag:s2], $0x8000  }
0x1ae: {  	[sflag:s2] =	ssyncset.done @!p0 $0x0  }
0x1af: {  	[sflag:s2] =	ssyncadd.s32 @!p0 $0xFFFF8000  }
0x1b0: {  	v3 =	vld.idx.msk [tilespmem:v3+s14+$0x0], $0xffff;
	_ =	sdelay $0x4  }
0x1b1: {  	v3 =	vxor.u32 $0x80000000, v3  }
0x1b2: {  	(xrf0) =	vmax.scan.msk.u32 $0xffff, v3;
	_ =	sdelay $0x5  }
0x1b3: {  	v3, _, _ =	vpop (xrf0)  }
0x1b4: {  	(v2sf) =	vpush v3, $0xF;
	_ =	sdelay $0xe  }
0x1b5: {  	s30 =	spop (v2sf)  }
0x1b6: {  	p1 =	seq.s32 s30, $0x80000000  }
.Ltmp9:
0x1b7: {  	_ = 	snop;
	(pc) =	sbr.rel @!p1 .LBB2_16-.Ltmp9, $2  }
0x1b8: {  	_ =	sdelay $0x2  }
0x1b9: {  	s2 =	sor.u32 $0x1, s0;
	p0 =	seq.s32 s0, $0x0  }
.Ltmp10:
0x1ba: {  	(pc) =	sbr.rel @p0 .LBB2_21-.Ltmp10, $4  }
0x1bb: {  	s4 =	sshll.u32 s5, $0xE  }
0x1bc: {  	s2 =	sshll.u32 s2, $0xC;
	s4 =	sadd.s32 s1, s4  }
0x1bd: {  	s2 =	sadd.s32 s2, s4  }
0x1be: {  	[tilespmem:s26], [sflag:$0x2] =	stream.linear.gather [hbm4b:s2+s3], $0x8000, $0x38;
	[tilespmem:$0x14100] =	vst v63  }
0x1bf: {  	s2 =	sshll.u32 s5, $0x9  }
0x1c0: {  	s4 =	rddreg [dreg:$0x4];
	s2 =	sand.u32 $0x1FFFFE00, s2  }
.Ltmp11:
0x1c1: {  	s6 =	sadd.s32 s4, s2;
	s4 =	simm.s32 $0x3000;
	(pc) =	sbr.rel .LBB2_20-.Ltmp11, $4  }
0x1c2: {  	[tilespmem:s4], [sflag:$0x5] =	stream.linear.gather [hbm4b:s6+s3], $0x1000, $0x38;
	[tilespmem:$0x14100] =	vst v63  }
0x1c3: {  	_ =	swait.ge [sflag:s15], $0x1000  }
0x1c4: {  	[sflag:s15] =	ssyncset.done $0x0  }
0x1c5: {  	[sflag:s15] =	ssyncadd.s32 $0xFFFFF000  }
.LBB2_16:
0x1c6: {  	s2 =	sshll.u32 s2, $0xA  }
0x1c7: {  	s4 =	sor.u32 $0x1000, s2  }
0x1c8: {  	[tilespmem:s26], [sflag:$0x2] =	stream.indirect.gather [hbm4b:s1+s17], $0x20, s4, s17, $0xb8;
	[tilespmem:$0x14100] =	vst v63  }
0x1c9: {  	s6 =	simm.s32 $0xD100;
	s12 =	sor.u32 $0x1080, s2  }
0x1ca: {  	[tilespmem:s6], [sflag:$0x2] =	stream.indirect.gather [hbm4b:s1+s17], $0x20, s12, s17, $0xb8;
	[tilespmem:$0x14100] =	vst v63  }
0x1cb: {  	s20 =	simm.s32 $0xE100;
	s19 =	sor.u32 $0x1100, s2  }
0x1cc: {  	[tilespmem:s20], [sflag:$0x2] =	stream.indirect.gather [hbm4b:s1+s17], $0x20, s19, s17, $0xb8;
	[tilespmem:$0x14100] =	vst v63  }
0x1cd: {  	s30 =	simm.s32 $0xF100;
	s29 =	sor.u32 $0x1180, s2  }
0x1ce: {  	[tilespmem:s30], [sflag:$0x2] =	stream.indirect.gather [hbm4b:s1+s17], $0x20, s29, s17, $0xb8;
	[tilespmem:$0x14100] =	vst v63  }
0x1cf: {  	s11 =	simm.s32 $0x10100;
	s6 =	sor.u32 $0x1200, s2  }
0x1d0: {  	[tilespmem:s11], [sflag:$0x2] =	stream.indirect.gather [hbm4b:s1+s17], $0x20, s6, s17, $0xb8;
	[tilespmem:$0x14100] =	vst v63  }
0x1d1: {  	s12 =	sor.u32 $0x1280, s2;
	s19 =	simm.s32 $0x11100  }
0x1d2: {  	[tilespmem:s19], [sflag:$0x2] =	stream.indirect.gather [hbm4b:s1+s17], $0x20, s12, s17, $0xb8;
	[tilespmem:$0x14100] =	vst v63  }
.Ltmp12:
0x1d3: {  	_ = 	snop;
	(pc) =	sbr.rel @p0 .LBB2_21-.Ltmp12, $4  }
0x1d4: {  	s20 =	sor.u32 $0x1300, s2;
	s29 =	simm.s32 $0x12100  }
0x1d5: {  	[tilespmem:s29], [sflag:$0x2] =	stream.indirect.gather [hbm4b:s1+s17], $0x20, s20, s17, $0xb8;
	[tilespmem:$0x14100] =	vst v63  }
0x1d6: {  	s2 =	sor.u32 $0x1380, s2;
	s30 =	simm.s32 $0x13100  }
0x1d7: {  	[tilespmem:s30], [sflag:$0x2] =	stream.indirect.gather [hbm4b:s1+s17], $0x20, s2, s17, $0xb8;
	[tilespmem:$0x14100] =	vst v63  }
.Ltmp13:
0x1d8: {  	(pc) =	sbr.rel .LBB2_20-.Ltmp13, $3  }
0x1d9: {  	_ =	sdelay $0x1  }
0x1da: {  	s2 =	sshll.u32 s5, $0x9  }
0x1db: {  	s4 =	simm.s32 $0x2000;
	s2 =	sand.u32 $0x1FFFFE00, s2  }
.LBB2_12:
0x1dc: {  	p1 =	seq.s32 s2, $0x80000000  }
.Ltmp14:
0x1dd: {  	_ = 	snop;
	(pc) =	sbr.rel @!p1 .LBB2_13-.Ltmp14, $1  }
0x1de: {  	_ =	sdelay $0x3  }
.Ltmp15:
0x1df: {  	(pc) =	sbr.rel .LBB2_15-.Ltmp15, $4  }
0x1e0: {  	s2 =	sshll.u32 s0, $0xC  }
0x1e1: {  	s4 =	sshll.u32 s5, $0xE;
	s2 =	sadd.s32 s1, s2  }
0x1e2: {  	s2 =	sadd.s32 s4, s2  }
0x1e3: {  	[tilespmem:s18], [sflag:$0x1] =	stream.linear.gather [hbm4b:s2+s3], $0x8000, $0x38;
	[tilespmem:$0x14100] =	vst v63  }
.LBB2_23:
0x1e4: {  	_ =	sfence.sel $0x180000  }
0x1e5: {  	[bflag:$0x0] =	sbarrier.arrive $0xFFFF  }
0x1e6: {  	_ =	strace $0x90000047  }
0x1e7: {  	s0 =	stileid.u32;
	[bflag:$0x2] =	sbarrier.arrive $0xFFFF  }
0x1e8: {  	p0 =	sne.s32 s0, $0x0;
	s0 =	rddreg [dreg:$0x3]  }
0x1e9: {  	s0 =	sadd.s32 @!p0 $0x100000, s0  }
0x1ea: {  	[sflag:s0] =	ssyncadd.tile.s32 @!p0 $0x1;
	_ =	shalt  }
.Lfunc_end2:
_tile_overlayer_lowered:
.L_overlay_start_2:
0x1eb: {  	(tag) =	ssettag $0x2  }
0x1ec: {  	s0 =	rddreg [dreg:$0x0];
	s2 =	stileid.u32  }
0x1ed: {  	s1 =	rddreg [dreg:$0x1];
	p0 =	sne.s32 s2, $0x0  }
0x1ee: {  	s3 =	rddreg [dreg:$0x2];
	[bflag:$0x3] =	sbarrier.arrive $0xFFFF;
	s2 =	simm.s32 @!p0 $0x1C05  }
0x1ef: {  	[timem:s3], [sflag:s2] =	dma.local @!p0 [hbm:s0], s1  }
0x1f0: {  	s0 =	simm.s32 @!p0 $0x5  }
0x1f1: {  	_ =	swait.ge @!p0 [sflag:s0], s1  }
0x1f2: {  	s1 =	ssub.s32 @!p0 $0x0, s1;
	[sflag:s0] =	ssyncset.done @!p0 $0x0  }
0x1f3: {  	[sflag:s0] =	ssyncadd.s32 @!p0 s1  }
0x1f4: {  	[bflag:$0x3] =	sbarrier.arrive $0xFFFF  }
0x1f5: {  	_ =	shalt  }

// kernel: sparse-core-data-format-call.cloned.1.call-start
scs
called_computation_lowered:
.L_overlay_start_0:
0x0: {  	s2 =	sld [smem:$0x3FD9]  }
0x1: {  	s3 =	sld [smem:$0x3FFE];
	_ =	sdelay $0x1  }
0x2: {  	s1 =	srdreg.scid  }
0x3: {  	s0 =	sand.u32 $0x1, s1  }
0x4: {  	s15 =	sshll.u32 s0, $0xA;
	s2 =	sadd.s32 s3, s2  }
0x5: {  	s2 =	sadd.s32 s2, s15  }
0x6: {  	[smem:$0x3FC6] =	sst s2  }
0x7: {  	_ = 	snop  }
0x8: {  	s2 =	sld [smem:$0x3FD0];
	_ =	sdelay $0x2  }
0x9: {  	s16 =	simm.s32 $0xA;
	s4 =	simm.s32 $0x10  }
0xa: {  	[smem:s4], [sflag:s16] =	dma.local [hbm:s2], $0x1  }
0xb: {  	_ =	swait.eq [sflag:s16], $0x1  }
0xc: {  	[sflag:s16] =	ssyncset.done $0x0  }
0xd: {  	[sflag:s16] =	ssyncadd.s32 $0xFFFFFFFF  }
0xe: {  	s17 =	sld [smem:$0x10];
	(tm) =	ssettm $0x1  }
0xf: {  	s18 =	sld [smem:$0x3FFB];
	_ =	sdelay $0x3  }
0x10: {  	_ =	strace s18  }
0x11: {  	s3 =	sld [smem:$0x3FFC];
	_ =	sdelay $0x3  }
0x12: {  	_ =	strace s3  }
0x13: {  	s3 =	sld [smem:$0x3FFD];
	_ =	sdelay $0x3  }
0x14: {  	_ =	strace s3  }
0x15: {  	_ =	strace $0x8FFFFFFF  }
0x16: {  	s19 =	sld [smem:$0x3FDB];
	_ =	sdelay $0x1  }
0x17: {  	s20 =	simm.s32 $_scs_section_size  }
0x18: {  	s5 =	simm.s32 $_size__tile_overlayer_lowered;
	s6 =	simm.s32 $_tile_overlayer_lowered  }
0x19: {  	s23 =	simm.s32 $0x1BFF;
	s22 =	sshll.u32 s6, $0x1;
	s3 =	sadd.s32 s20, s19  }
0x1a: {  	s7 =	simm.s32 $0x0;
	s21 =	sshll.u32 s5, $0x1;
	s5 =	sadd.s32 s22, s3  }
0x1b: {  	[timem:s7], [sflag:s23] =	dma.local [hbm:s5], s21  }
0x1c: {  	_ =	swait.ge [sflag:s23], s21  }
0x1d: {  	s4 =	ssub.s32 $0x0, s21;
	[sflag:s23] =	ssyncset.done $0x0  }
0x1e: {  	[sflag:s23] =	ssyncadd.s32 s4;
	_ =	sdelay $0x1  }
0x1f: {  	s24 =	simm.s32 $0x1B8B  }
0x20: {  	_ =	swait.ge [sflag:s24], $0x1  }
0x21: {  	[sflag:s24] =	ssyncset.done $0x0  }
0x22: {  	s26 =	simm.s32 $0x1B8E;
	s25 =	sld [smem:$0x3FFE];
	[sflag:s24] =	ssyncadd.s32 $0xFFFFFFFF  }
0x23: {  	s27 =	simm.s32 $execute0_lowered;
	[smem:$0x3FD2] =	sst s26  }
0x24: {  	s5 =	sshll.u32 s27, $0x1;
	_ =	strace $0x80000049;
	[dreg:$0x1] =	wrdreg $0xFFFFFFFF  }
0x25: {  	s28 =	simm.s32 $_size_execute0_lowered;
	s3 =	sadd.s32 s3, s5;
	[dreg:$0x0] =	wrdreg $0x0  }
0x26: {  	s5 =	sshll.u32 s28, $0x1;
	[dreg:$0x2] =	wrdreg s3  }
0x27: {  	[dreg:$0x3] =	wrdreg s5  }
0x28: {  	[dreg:$0x4] =	wrdreg $0xC0  }
0x29: {  	_ =	task [dreg:s7], $0x5FFFF  }
0x2a: {  	[dreg:$0x1] =	wrdreg $0xFFFFFFFF  }
0x2b: {  	[dreg:$0x0] =	wrdreg $0x60  }
0x2c: {  	[dreg:$0x2] =	wrdreg s25  }
0x2d: {  	[dreg:$0x3] =	wrdreg s17  }
0x2e: {  	[dreg:$0x4] =	wrdreg $0x9  }
0x2f: {  	_ =	task.clear_ibuf [dreg:s7], $0x5FFFF;
	_ =	strace $0x90000049  }
0x30: {  	s29 =	simm.s32 $0x9;
	_ =	strace $0x8000004B  }
0x31: {  	_ =	swait.ge [sflag:s29], $0x1  }
0x32: {  	[sflag:s29] =	ssyncadd.s32 $0xFFFFFFFF  }
0x33: {  	_ =	strace $0x9000004B  }
0x34: {  	_ =	sfence  }
0x35: {  	s30 =	sld [smem:$0x0];
	_ =	sdelay $0x2  }
0x36: {  	s31 =	sshll.u32 s1, $0xD;
	s1 =	sshrl.u32 s1, $0x2  }
0x37: {  	s3 =	sand.u32 $0x4000, s31;
	s1 =	sadd.s32 s1, s30  }
0x38: {  	s0 =	sor.u32 s3, s0;
	s1 =	sshll.u32 s1, $0x11  }
0x39: {  	s0 =	sor.u32 s1, s0  }
0x3a: {  	s0 =	sadd.s32 $0x8F2B, s0  }
0x3b: {  	[sflag:s0] =	ssyncadd.remote.s32 $0x1  }
0x3c: {  	_ =	sfence.sel $0xFFFF  }
0x3d: {  	[dreg:$0x0] =	wrdreg $0xFFFFFFFF;
	(pc) =	sbr.abs _section_cstart, $3  }
0x3e: {  	[dreg:$0x1] =	wrdreg $0xFFFFFFFF  }
0x3f: {  	_ =	task.clear_ibuf [dreg:s7], $0x2FFFF;
	_ =	strace $0x9FFFFFFF  }
0x40: {  	(tm) =	ssettm $0x7FFFFFFF  }
0x41: {  	_ =	shalt  }
tec
execute0_lowered:
.L_overlay_start_1:
0x0: {  	(tag) =	ssettag $0x1  }
0x1: {  	s0 =	srdreg.scid;
	s9 =	rddreg [dreg:$0x0]  }
0x2: {  	s2 =	rddreg [dreg:$0x1];
	s7 =	simm.s32 $0x1;
	s1 =	sshll.u32 s0, $0x4  }
0x3: {  	s8 =	simm.s32 $0x2;
	s0 =	stileid.u32;
	s1 =	sand.u32 $0x10, s1  }
0x4: {  	s15 =	simm.s32 $0x0;
	s11 =	simm.s32 $0x8000;
	s1 =	sor.u32 s0, s1  }
0x5: {  	s16 =	simm.s32 $0x0;
	s12 =	simm.s32 $0x0;
	s3 =	sshll.u32 s1, $0x2  }
0x6: {  	s14 =	simm.s32 $0x0;
	s4 =	sadd.s32 $0x440600, s9;
	s6 =	ssub.s32 $0x100, s3  }
0x7: {  	s1 =	rddreg [dreg:$0x2];
	_ =	strace $0x8000004A;
	s5 =	sand.u32 $0x7C, s6  }
.Ltmp0:
0x8: {  	s13 =	smov.u32 s3;
	p0 =	sne.s32 s5, $0x0;
	(pc) =	sbr.rel .LBB1_1-.Ltmp0, $4  }
0x9: {  	s6 =	sshrl.u32 s6, $0x7;
	s5 =	simm.s32 $0x1;
	s7 =	simm.s32 @!p0 $0x0  }
0xa: {  	[sflag:s5] =	ssyncpa.u1 $0x0;
	p0 =	por $0x0, $0x0;
	s6 =	sadd.s32 s7, s6  }
0xb: {  	[sflag:s8] =	ssyncpa.u1 $0x0;
	s7 =	sadd.s32 $0x450600, s9;
	s6 =	sshll.u32 s6, $0x5  }
0xc: {  	s8 =	sadd.s32 $0x460600, s9;
	s9 =	sadd.s32 $0x470600, s9;
	s10 =	sor.u32 $0x1, s6  }
.LBB1_7:
0xd: {  	s17 =	sadd.s32 $0x80, s12  }
0xe: {  	s15 =	sadd.s32 $0x80, s13;
	s19 =	smov.u32 s13;
	p2 =	sgt.s32 s17, $0xFFF  }
0xf: {  	s19 =	smov.u32 @p2 s15  }
0x10: {  	s17 =	simm.s32 @p2 $0x0;
	p2 =	sgt.s32 s19, $0xFF  }
0x11: {  	s19 =	smov.u32 @p2 s3;
	p2 =	sne.s32 s14, s10  }
.Ltmp1:
0x12: {  	p1 =	slt.u32 s14, $0x2;
	(pc) =	sbr.rel @!p2 .LBB1_8-.Ltmp1, $4  }
0x13: {  	s18 =	simm.s32 @!p1 $0x2  }
0x14: {  	s16 =	smov.u32 s13;
	p0 =	por !p0, !p0;
	_ =	swait.ge @!p1 [sflag:s18], $0x4000  }
0x15: {  	s15 =	smov.u32 s12;
	[sflag:s18] =	ssyncset.done @!p1 $0x0;
	s12 =	smov.u32 s17  }
0x16: {  	s14 =	sadd.s32 $0x1, s14;
	[sflag:s18] =	ssyncadd.s32 @!p1 $0xFFFFC000;
	s13 =	smov.u32 s19  }
.LBB1_1:
0x17: {  	p1 =	sge.u32 s14, s6  }
0x18: {  	s17 =	sxor.u32 @!p1 $0xFFFFFFFF, s14  }
0x19: {  	s18 =	sshll.u32 @!p1 s13, $0x10;
	s19 =	sshll.u32 @!p1 s12, $0x4;
	s21 =	simm.s32 @!p1 $0x20  }
0x1a: {  	s17 =	sshll.u32 @!p1 s17, $0xE;
	s19 =	sand.u32 @!p1 $0xFFF0, s19;
	s20 =	sadd.s32 @!p1 s4, s18  }
0x1b: {  	s22 =	simm.s32 @!p1 $0x80;
	s17 =	sand.u32 @!p1 $0x4000, s17;
	s20 =	sadd.s32 @!p1 s19, s20  }
0x1c: {  	[tilespmem:s17], [sflag:$0x1] =	stream.strided.gather @!p1 [hbm4b:s20+s21], $0x1000, s22, s21, $0x38;
	[tilespmem:$0x10100] =	vst v63  }
0x1d: {  	s20 =	sadd.s32 @!p1 s18, s7  }
0x1e: {  	s23 =	sor.u32 @!p1 $0x1000, s17;
	s20 =	sadd.s32 @!p1 s19, s20  }
0x1f: {  	[tilespmem:s23], [sflag:$0x1] =	stream.strided.gather @!p1 [hbm4b:s20+s21], $0x1000, s22, s21, $0x38;
	[tilespmem:$0x10100] =	vst v63  }
0x20: {  	s20 =	sadd.s32 @!p1 s18, s8  }
0x21: {  	s23 =	sor.u32 @!p1 $0x2000, s17;
	s18 =	sadd.s32 @!p1 s18, s9;
	s20 =	sadd.s32 @!p1 s19, s20  }
0x22: {  	[tilespmem:s23], [sflag:$0x1] =	stream.strided.gather @!p1 [hbm4b:s20+s21], $0x1000, s22, s21, $0x38;
	[tilespmem:$0x10100] =	vst v63  }
0x23: {  	s31 =	sadd.s32 $0xFFFFFFFF, s14;
	s17 =	sor.u32 @!p1 $0x3000, s17;
	s18 =	sadd.s32 @!p1 s19, s18  }
0x24: {  	[tilespmem:s17], [sflag:$0x1] =	stream.strided.gather @!p1 [hbm4b:s18+s21], $0x1000, s22, s21, $0x38;
	[tilespmem:$0x10100] =	vst v63  }
0x25: {  	p1 =	sge.u32 s31, s6  }
.Ltmp2:
0x26: {  	_ = 	snop;
	(pc) =	sbr.rel @p1 .LBB1_7-.Ltmp2, $1  }
0x27: {  	_ =	sdelay $0x3  }
0x28: {  	s17 =	simm.s32 $0x1;
	s19 =	sand.u32 $0x1, s14  }
0x29: {  	_ =	swait.ge [sflag:s5], $0x4000;
	s17 =	simm.s32 @!p0 $0x0;
	s20 =	smul.u32 $0x10200, s19  }
0x2a: {  	[sflag:s5] =	ssyncset.done $0x0;
	s18 =	smul.u32 $0x10200, s17  }
0x2b: {  	s17 =	sshll.u32 s17, $0xE;
	[sflag:s5] =	ssyncadd.s32 $0xFFFFC000  }
0x2c: {  	s19 =	sor.u32 $0x10, s17;
	s31 =	sshrl.u32 s20, $0x2;
	s18 =	sshrl.u32 s18, $0x2  }
0x2d: {  	s20 =	simm.s32 $0x0;
	s17 =	sor.u32 $0x8000, s31;
	s18 =	sor.u32 $0x8000, s18  }
.LBB1_3:
0x2e: {  	v1 =	vld [tilespmem:s19+$0x0]  }
0x2f: {  	v0 =	vld [tilespmem:s19+$0xFFFFFFF0];
	_ =	sdelay $0x2  }
0x30: {  	s23 =	sadd.s32 $0x0, s18  }
0x31: {  	s21 =	simm.s32 $0x4;
	s22 =	sadd.s32 $0x20, s19;
	[tilespmem:s23+$0x810 ss:$0x81] =	vst.msk $0xffff, v1  }
.LBB1_4:
0x32: {  	v1 =	vld [tilespmem:s22+$0x0];
	p1 =	sne.s32 s21, $0x1FC;
	[tilespmem:s23+$0x0 ss:$0x81] =	vst.msk $0xffff, v0;
	s23 =	smov.u32 s21;
	s21 =	sadd.s32 $0x4, s21  }
.Ltmp3:
0x33: {  	v0 =	vld [tilespmem:s22+$0xFFFFFFF0];
	(pc) =	sbr.rel @p1 .LBB1_4-.Ltmp3, $4  }
0x34: {  	_ = 	snop  }
0x35: {  	s23 =	sshra.s32 s23, $0x2  }
0x36: {  	s23 =	sadd.s32 s23, s18  }
0x37: {  	s22 =	sadd.s32 $0x20, s22;
	[tilespmem:s23+$0x810 ss:$0x81] =	vst.msk $0xffff, v1  }
0x38: {  	s20 =	sadd.s32 $0x1, s20  }
0x39: {  	p1 =	sne.s32 s20, $0x4  }
.Ltmp4:
0x3a: {  	_ = 	snop;
	(pc) =	sbr.rel @p1 .LBB1_3-.Ltmp4, $2  }
0x3b: {  	_ =	sdelay $0x2  }
0x3c: {  	[tilespmem:s23+$0x0 ss:$0x81] =	vst.msk $0xffff, v0;
	s18 =	sadd.s32 $0x1020, s18;
	s19 =	sadd.s32 $0x1000, s19  }
0x3d: {  	s18 =	sshll.u32 s15, $0x3;
	s19 =	sand.u32 $0x78, s15;
	s16 =	sshll.u32 s16, $0xE  }
.Ltmp5:
0x3e: {  	s30 =	sand.u32 $0x3E00, s15;
	s18 =	sand.u32 $0xC00, s18;
	(pc) =	sbr.rel .LBB1_7-.Ltmp5, $4  }
0x3f: {  	s31 =	sand.u32 $0x7, s15;
	s16 =	sadd.s32 s2, s16;
	s18 =	sor.u32 s19, s18  }
0x40: {  	s15 =	sshll.u32 s31, $0x12;
	s16 =	sadd.s32 s30, s16;
	s18 =	sshrl.u32 s18, $0x3  }
0x41: {  	s15 =	sor.u32 $0x400, s15;
	s16 =	sadd.s32 s18, s16  }
0x42: {  	[hbm4b:s16+s15] =	stream.strided.scatter [tilespmem:s17], [sflag:$0x2], $0x4000, s11, s15, $0x20;
	[tilespmem:$0x10100] =	vst v63  }
.LBB1_8:
0x43: {  	_ =	sfence.sel $0x180000  }
0x44: {  	s2 =	simm.s32 $0x1;
	[bflag:$0x0] =	sbarrier.arrive $0xFFFF  }
0x45: {  	s31 =	simm.s32 $0x2;
	[sflag:s2] =	ssyncpa.u1 $0x1  }
0x46: {  	[sflag:s31] =	ssyncpa.u1 $0x1  }
0x47: {  	p0 =	sne.s32 s0, $0x0;
	_ =	strace $0x9000004A  }
0x48: {  	s0 =	sadd.s32 @!p0 $0x100000, s1;
	[bflag:$0x2] =	sbarrier.arrive $0xFFFF  }
0x49: {  	[sflag:s0] =	ssyncadd.tile.s32 @!p0 $0x1;
	_ =	shalt  }
.Lfunc_end1:
_tile_overlayer_lowered:
.L_overlay_start_2:
0x4a: {  	(tag) =	ssettag $0x2  }
0x4b: {  	s0 =	rddreg [dreg:$0x0];
	s2 =	stileid.u32  }
0x4c: {  	s1 =	rddreg [dreg:$0x1];
	p0 =	sne.s32 s2, $0x0  }
0x4d: {  	s3 =	rddreg [dreg:$0x2];
	[bflag:$0x3] =	sbarrier.arrive $0xFFFF;
	s2 =	simm.s32 @!p0 $0x1C01  }
0x4e: {  	[timem:s3], [sflag:s2] =	dma.local @!p0 [hbm:s0], s1  }
0x4f: {  	s0 =	simm.s32 @!p0 $0x1  }
0x50: {  	_ =	swait.ge @!p0 [sflag:s0], s1  }
0x51: {  	s1 =	ssub.s32 @!p0 $0x0, s1;
	[sflag:s0] =	ssyncset.done @!p0 $0x0  }
0x52: {  	[sflag:s0] =	ssyncadd.s32 @!p0 s1  }
0x53: {  	[bflag:$0x3] =	sbarrier.arrive $0xFFFF  }
0x54: {  	_ =	shalt  }

</sc_bundles>
